<compile_context>
chip_gen: v7x
topology: tpu7x:2x2x1
jax: 0.10.2.dev20260603
libtpu: 0.0.44.dev20260713+nightly
codegen_flags: <defaults>
</compile_context>

<pallas_src>
import functools
import jax
import jax.numpy as jnp
from jax import lax
from jax.experimental import pallas as pl
from jax.experimental.pallas import tpu as pltpu
from jax.experimental.pallas import tpu_sc as plsc

NC, NS, LANES = 2, 16, 16

NNODE = 10000
NEDGE = 320000
FOUT = 128
DW = 16
CHUNK = 128
NLOC = NNODE // NC
NCATCH = 1024
ACC_ROWS = NLOC + NCATCH
SHIFT = 14
MASK = (1 << SHIFT) - 1
SENT = MASK

CHUNKS = -(-NEDGE // (NS * CHUNK))
CHUNKS += CHUNKS % 2
EPAD = NS * CHUNKS * CHUNK

RPT = 312
RPT_LAST = NLOC - 15 * RPT

_mesh = plsc.VectorSubcoreMesh(
    core_axis_name="c", subcore_axis_name="s", num_cores=NC, num_subcores=NS
)


def _zero_fill(buf, nrows, width):
  zf = jnp.zeros((LANES,), jnp.float32)

  def zbody(r, carry):
    for k in range(width // LANES):
      buf[r, pl.ds(k * LANES, LANES)] = zf
    return carry

  lax.fori_loop(0, nrows, zbody, 0)


GR = 8


def _init_acc(acc, zbuf, s):
  n8 = jnp.where(s == NS - 1, (RPT_LAST + GR) // GR, RPT // GR)
  base = s * RPT

  def fill(k, carry):
    pltpu.sync_copy(zbuf, acc.at[pl.ds(base + k * GR, GR)])
    return carry

  lax.fori_loop(0, n8, fill, 0)


def _writeback(acc, out_hbm, c, s):
  n8 = jnp.where(s == NS - 1, RPT_LAST // GR, RPT // GR)
  base = s * RPT

  def wb(k, carry):
    pltpu.sync_copy(acc.at[pl.ds(base + k * GR, GR)],
                    out_hbm.at[pl.ds(c * NLOC + base + k * GR, GR)])
    return carry

  lax.fori_loop(0, n8, wb, 0)


@functools.partial(
    pl.kernel,
    out_type=jax.ShapeDtypeStruct((NNODE, FOUT), jnp.float32),
    mesh=_mesh,
    scratch_types=[
        pltpu.VMEM((CHUNKS, CHUNK), jnp.int32),
        pltpu.VMEM((CHUNKS, CHUNK), jnp.int32),
        pltpu.VMEM((CHUNKS, CHUNK), jnp.int32),
        pltpu.VMEM((CHUNK, FOUT), jnp.float32),
        pltpu.VMEM((8, FOUT), jnp.float32),
        pltpu.VMEM_SHARED((ACC_ROWS, FOUT), jnp.float32),
        pltpu.SemaphoreType.DMA,
    ],
)
def _sc_propagate(ht_hbm, pk_hbm, out_hbm,
                  pk, idx_s, idx_d, rows0, zbuf, acc, sem0):
  c = lax.axis_index("c")
  s = lax.axis_index("s")
  pltpu.sync_copy(pk_hbm.at[s], pk)
  cbase = c * NLOC

  def ubody(j, carry):
    for k in range(CHUNK // LANES):
      sl = pl.ds(k * LANES, LANES)
      pw = pk[j, sl]
      idx_s[j, sl] = lax.shift_right_logical(pw, SHIFT)
      dst = lax.bitwise_and(pw, MASK)
      loc = dst - cbase
      ok = jnp.logical_and(loc >= 0, loc < NLOC)
      catch = NLOC + lax.bitwise_and(dst, NCATCH - 1)
      idx_d[j, sl] = jnp.where(ok, loc, catch)
    return carry

  lax.fori_loop(0, CHUNKS, ubody, 0)
  _zero_fill(zbuf, 8, FOUT)
  _init_acc(acc, zbuf, s)
  plsc.subcore_barrier()

  def body(j, carry):
    pltpu.async_copy(ht_hbm.at[idx_s.at[j]], rows0, sem0).wait()
    pltpu.sync_copy(rows0, acc.at[idx_d.at[j]], add=True)
    return carry

  lax.fori_loop(0, CHUNKS, body, 0)
  plsc.subcore_barrier()
  _writeback(acc, out_hbm, c, s)



BN = 1000
_GRID = NNODE // BN


def _dinv(deg_ref):
  d = deg_ref[:, 0:1] + 1.0
  return lax.rsqrt(jnp.maximum(d, 1.0))


def _b_rows(shape):
  return pl.BlockSpec((BN, shape), lambda i: (i, 0))


def _b_full(s0, s1):
  return pl.BlockSpec((s0, s1), lambda i: (0, 0))


def _tc_in_body(f_ref, c_ref, deg_ref, wa_ref, wb_ref, o_ref):
  dinv = _dinv(deg_ref)
  h = jnp.dot(f_ref[...], wa_ref[...], preferred_element_type=jnp.float32)
  h = h + jnp.dot(c_ref[...], wb_ref[...], preferred_element_type=jnp.float32)
  o_ref[...] = h * dinv


_tc_in = pl.pallas_call(
    _tc_in_body,
    grid=(_GRID,),
    in_specs=[_b_rows(128), _b_rows(16), _b_rows(FOUT),
              _b_full(128, 128), _b_full(16, 128)],
    out_specs=_b_rows(FOUT),
    out_shape=jax.ShapeDtypeStruct((NNODE, FOUT), jnp.float32),
)


def _tc_mid_body(p_ref, ht_ref, deg_ref, b_ref, w_ref, o_ref):
  dinv = _dinv(deg_ref)
  h = jnp.tanh((p_ref[...] + ht_ref[...]) * dinv + b_ref[...])
  o_ref[...] = jnp.dot(
      h, w_ref[...], preferred_element_type=jnp.float32) * dinv


_tc_mid = pl.pallas_call(
    _tc_mid_body,
    grid=(_GRID,),
    in_specs=[_b_rows(FOUT), _b_rows(FOUT), _b_rows(FOUT),
              _b_full(1, 128), _b_full(128, 128)],
    out_specs=_b_rows(FOUT),
    out_shape=jax.ShapeDtypeStruct((NNODE, FOUT), jnp.float32),
)


def _tc_z_body(p_ref, ht_ref, deg_ref, b_ref, n_ref, c_ref, wa_ref, wb_ref,
               mean_ref, logvar_ref, z_ref, o_ref):
  dinv = _dinv(deg_ref)
  ml = (p_ref[...] + ht_ref[...]) * dinv + b_ref[...]
  mean = ml[:, :64]
  logvar = ml[:, 64:]
  z = n_ref[...] * jnp.exp(0.5 * logvar) + mean
  mean_ref[...] = mean
  logvar_ref[...] = logvar
  z_ref[...] = z
  h = jnp.dot(z, wa_ref[...], preferred_element_type=jnp.float32)
  h = h + jnp.dot(c_ref[...], wb_ref[...], preferred_element_type=jnp.float32)
  o_ref[...] = h * dinv


_tc_z = pl.pallas_call(
    _tc_z_body,
    grid=(_GRID,),
    in_specs=[_b_rows(FOUT), _b_rows(FOUT), _b_rows(FOUT), _b_full(1, 128),
              _b_rows(64), _b_rows(16), _b_full(64, 128), _b_full(16, 128)],
    out_specs=[_b_rows(64), _b_rows(64), _b_rows(64), _b_rows(FOUT)],
    out_shape=[
        jax.ShapeDtypeStruct((NNODE, 64), jnp.float32),
        jax.ShapeDtypeStruct((NNODE, 64), jnp.float32),
        jax.ShapeDtypeStruct((NNODE, 64), jnp.float32),
        jax.ShapeDtypeStruct((NNODE, FOUT), jnp.float32),
    ],
)


def _tc_out_body(p_ref, ht_ref, deg_ref, b_ref, o_ref):
  dinv = _dinv(deg_ref)
  o_ref[...] = (p_ref[...] + ht_ref[...]) * dinv + b_ref[...]


_tc_out = pl.pallas_call(
    _tc_out_body,
    grid=(_GRID,),
    in_specs=[_b_rows(FOUT), _b_rows(FOUT), _b_rows(FOUT), _b_full(1, 128)],
    out_specs=_b_rows(FOUT),
    out_shape=jax.ShapeDtypeStruct((NNODE, FOUT), jnp.float32),
)


def kernel(feature, condition, edge_index, noise,
           W_enc1, b_enc1, W_mean, b_mean, W_logvar, b_logvar,
           W_dec1, b_dec1, W_dec2, b_dec2):
  ei = edge_index.astype(jnp.int32)
  pad = EPAD - NEDGE
  packed = jnp.concatenate(
      [lax.shift_left(ei[0], SHIFT) | ei[1],
       jnp.full((pad,), SENT, jnp.int32)]).reshape(NS, CHUNKS, CHUNK)

  ones = jnp.ones((NNODE, FOUT), jnp.float32)
  deg = _sc_propagate(ones, packed)

  ht1 = _tc_in(feature, condition, deg, W_enc1[:128], W_enc1[128:])
  p1 = _sc_propagate(ht1, packed)
  wml = jnp.concatenate([W_mean, W_logvar], axis=1)
  htm = _tc_mid(p1, ht1, deg, b_enc1.reshape(1, 128), wml)
  p2 = _sc_propagate(htm, packed)
  bml = jnp.concatenate([b_mean, b_logvar]).reshape(1, 128)
  mean, logvar, z, ht3 = _tc_z(p2, htm, deg, bml, noise, condition,
                               W_dec1[:64], W_dec1[64:])
  p3 = _sc_propagate(ht3, packed)
  ht4 = _tc_mid(p3, ht3, deg, b_dec1.reshape(1, 128), W_dec2)
  p4 = _sc_propagate(ht4, packed)
  out = _tc_out(p4, ht4, deg, b_dec2.reshape(1, 128))
  return z, mean, logvar, out

# --- scband reference (transcript-rebuilt; emitter-appended) ---
"""Pipeline reference for scband-combined-hidden-prada-369367188153 (READ-ONLY COPY).

The authoritative reference and input builder live on the scoring server;
editing this copy changes nothing except your own understanding.
"""

import jax, jax.numpy as jnp
import numpy as np

N = 10000
E = 320000
FEAT = 128
COND = 16
HID = 128
LAT = 64

def setup_inputs(seed: int = 0) -> dict:
    key = jax.random.key(seed)
    ks = jax.random.split(key, 16)
    inp = {}
    inp['feature'] = jax.random.normal(ks[0], (N, FEAT), dtype=jnp.float32)
    inp['condition'] = jax.random.normal(ks[1], (N, COND), dtype=jnp.float32)
    inp['edge_index'] = jax.random.randint(ks[2], (2, E), 0, N, dtype=jnp.int64)
    inp['noise'] = jax.random.normal(ks[3], (N, LAT), dtype=jnp.float32)
    s = 0.05
    # Encoder GCN params (in = FEAT + COND)
    inp['W_enc1'] = jax.random.normal(ks[4], (FEAT + COND, HID), dtype=jnp.float32) * s
    inp['b_enc1'] = jnp.zeros((HID,), dtype=jnp.float32)
    inp['W_mean'] = jax.random.normal(ks[5], (HID, LAT), dtype=jnp.float32) * s
    inp['b_mean'] = jnp.zeros((LAT,), dtype=jnp.float32)
    inp['W_logvar'] = jax.random.normal(ks[6], (HID, LAT), dtype=jnp.float32) * s
    inp['b_logvar'] = jnp.zeros((LAT,), dtype=jnp.float32)
    # Decoder GCN params (in = LAT + COND)
    inp['W_dec1'] = jax.random.normal(ks[7], (LAT + COND, HID), dtype=jnp.float32) * s
    inp['b_dec1'] = jnp.zeros((HID,), dtype=jnp.float32)
    inp['W_dec2'] = jax.random.normal(ks[8], (HID, FEAT), dtype=jnp.float32) * s
    inp['b_dec2'] = jnp.zeros((FEAT,), dtype=jnp.float32)
    return inp

def _gcn_norm(edge_index):
    # add self loops (GCNConv add_self_loops=True)
    sl = jnp.arange(N, dtype=edge_index.dtype)
    src = jnp.concatenate([edge_index[0], sl])
    dst = jnp.concatenate([edge_index[1], sl])
    deg = jnp.zeros((N,), dtype=jnp.float32).at[dst].add(1.0)
    dinv = 1.0 / jnp.sqrt(jnp.maximum(deg, 1.0))
    norm = dinv[src] * dinv[dst]
    return src, dst, norm

def _gcn_conv(x, src, dst, norm, W, b):
    h = x @ W
    msg = h[src] * norm[:, None]
    out = jnp.zeros((N, W.shape[1]), dtype=h.dtype).at[dst].add(msg)
    return out + b

def reference(feature, condition, edge_index, noise, W_enc1, b_enc1, W_mean, b_mean, W_logvar, b_logvar, W_dec1, b_dec1, W_dec2, b_dec2):
    src, dst, norm = _gcn_norm(edge_index)
    # Encoder
    x = jnp.concatenate([feature, condition], axis=1)
    h = jnp.tanh(_gcn_conv(x, src, dst, norm, W_enc1, b_enc1))
    mean = _gcn_conv(h, src, dst, norm, W_mean, b_mean)
    logvar = _gcn_conv(h, src, dst, norm, W_logvar, b_logvar)
    z = noise * jnp.exp(0.5 * logvar) + mean
    # Decoder
    x2 = jnp.concatenate([z, condition], axis=1)
    h2 = jnp.tanh(_gcn_conv(x2, src, dst, norm, W_dec1, b_dec1))
    out = _gcn_conv(h2, src, dst, norm, W_dec2, b_dec2)
    return (z, mean, logvar, out)

if __name__ == "__main__":
    import jax
    _d = setup_inputs()
    print(jax.jit(kernel)(*tuple(_d.values())))

</pallas_src>

<mosaic_0001>
#map = affine_map<(d0, d1) -> (0, 0)>
#map1 = affine_map<(d0, d1) -> (0, 0, 0)>
module attributes {stable_mosaic.version = 14 : i64} {
  func.func @_sc_propagate(%arg0: i32, %arg1: i32, %arg2: memref<10000x128xf32, #tpu.memory_space<hbm>>, %arg3: memref<16x158x128xi32, #tpu.memory_space<hbm>>, %arg4: memref<10000x128xf32, #tpu.memory_space<hbm>>, %arg5: memref<158x128xi32, #tpu.memory_space<vmem>>, %arg6: memref<158x128xi32, #tpu.memory_space<vmem>>, %arg7: memref<158x128xi32, #tpu.memory_space<vmem>>, %arg8: memref<128x128xf32, #tpu.memory_space<vmem>>, %arg9: memref<8x128xf32, #tpu.memory_space<vmem>>, %arg10: memref<6024x128xf32, #tpu.memory_space<vmem_shared>>, %arg11: memref<!tpu.dma_semaphore, #tpu.memory_space<semaphore_mem>>) attributes {dimension_semantics = [#tpu.dimension_semantics<core_parallel>, #tpu.dimension_semantics<subcore_parallel>], iteration_bounds = array<i64: 2, 16>, scalar_prefetch = 0 : i64, scratch_operands = 7 : i64, tpu.core_type = #tpu.core_type<sc_vector_subcore>, window_params = [{transform_indices = #map}, {transform_indices = #map1}, {transform_indices = #map}]} {
    "tpu.region"() ({
      %run_scoped3A = tpu.sem_alloc : memref<!tpu.dma_semaphore, #tpu.memory_space<semaphore_mem>>
      %dma_start3A = arith.constant 0 : i32
      %dma_start3A_50 = arith.constant 0 : i32
      %dma_start3A_51 = tpu.memref_slice %arg3[%arg1, %dma_start3A, %dma_start3A_50] : memref<16x158x128xi32, #tpu.memory_space<hbm>> -> memref<1x158x128xi32, #tpu.memory_space<hbm>>
      %dma_start3A_52 = tpu.memref_squeeze %dma_start3A_51 : memref<1x158x128xi32, #tpu.memory_space<hbm>> -> memref<158x128xi32, #tpu.memory_space<hbm>>
      %dma_start3A_53 = arith.constant 0 : i32
      %dma_start3A_54 = arith.constant 0 : i32
      %dma_start3A_55 = tpu.memref_slice %arg3[%arg1, %dma_start3A_53, %dma_start3A_54] : memref<16x158x128xi32, #tpu.memory_space<hbm>> -> memref<1x158x128xi32, #tpu.memory_space<hbm>>
      %dma_start3A_56 = tpu.memref_squeeze %dma_start3A_55 : memref<1x158x128xi32, #tpu.memory_space<hbm>> -> memref<158x128xi32, #tpu.memory_space<hbm>>
      tpu.enqueue_dma source(%dma_start3A_56 : memref<158x128xi32, #tpu.memory_space<hbm>>) target(%arg5 : memref<158x128xi32, #tpu.memory_space<vmem>>) target_semaphore(%run_scoped3A : memref<!tpu.dma_semaphore, #tpu.memory_space<semaphore_mem>>)
      %dma_wait3A = arith.constant 0 : i32
      %dma_wait3A_57 = arith.constant 0 : i32
      %dma_wait3A_58 = tpu.memref_slice %arg3[%arg1, %dma_wait3A, %dma_wait3A_57] : memref<16x158x128xi32, #tpu.memory_space<hbm>> -> memref<1x158x128xi32, #tpu.memory_space<hbm>>
      %dma_wait3A_59 = tpu.memref_squeeze %dma_wait3A_58 : memref<1x158x128xi32, #tpu.memory_space<hbm>> -> memref<158x128xi32, #tpu.memory_space<hbm>>
      %dma_wait3A_60 = arith.constant 0 : i32
      %dma_wait3A_61 = arith.constant 0 : i32
      %dma_wait3A_62 = tpu.memref_slice %arg3[%arg1, %dma_wait3A_60, %dma_wait3A_61] : memref<16x158x128xi32, #tpu.memory_space<hbm>> -> memref<1x158x128xi32, #tpu.memory_space<hbm>>
      %dma_wait3A_63 = tpu.memref_squeeze %dma_wait3A_62 : memref<1x158x128xi32, #tpu.memory_space<hbm>> -> memref<158x128xi32, #tpu.memory_space<hbm>>
      tpu.wait_dma2 semaphore(%run_scoped3A : memref<!tpu.dma_semaphore, #tpu.memory_space<semaphore_mem>>) src(%dma_wait3A_63 : memref<158x128xi32, #tpu.memory_space<hbm>>) dst(%arg5 : memref<158x128xi32, #tpu.memory_space<vmem>>)
      tpu.yield
    }) : () -> ()
    %mul3A = arith.constant 5000 : i32
    %mul3A_0 = arith.muli %arg0, %mul3A : i32
    %scan3A = arith.constant 0 : i32
    %scan3A_1 = arith.constant 0 : i32
    %scan3A_2 = arith.constant 158 : i32
    %scan3A_3 = arith.addi %scan3A_1, %scan3A_2 : i32
    %scan3A_4 = arith.constant 1 : i32
    scf.for %scan3A_50 = %scan3A_1 to %scan3A_3 step %scan3A_4  : i32 {
      %get3A = arith.index_cast %scan3A_50 : i32 to index
      %get3A_51 = arith.constant 0 : index
      %get3A_52 = tpu.vector_load %arg5[%get3A, %get3A_51] {strides = array<i32>} : memref<158x128xi32, #tpu.memory_space<vmem>>, vector<1x16xi32>,
      %get3A_53 = vector.shape_cast %get3A_52 : vector<1x16xi32> to vector<16xi32>
      %shift_right_logical3A = arith.constant 14 : i32
      %shift_right_logical3A_54 = vector.broadcast %shift_right_logical3A : i32 to vector<16xi32>
      %shift_right_logical3A_55 = arith.shrui %get3A_53, %shift_right_logical3A_54 : vector<16xi32>
      %swap3A = arith.index_cast %scan3A_50 : i32 to index
      %swap3A_56 = arith.constant 0 : index
      %swap3A_57 = tpu.vector_load %arg6[%swap3A, %swap3A_56] {strides = array<i32>} : memref<158x128xi32, #tpu.memory_space<vmem>>, vector<1x16xi32>,
      %swap3A_58 = vector.shape_cast %swap3A_57 : vector<1x16xi32> to vector<16xi32>
      %swap3A_59 = vector.shape_cast %shift_right_logical3A_55 : vector<16xi32> to vector<1x16xi32>
      tpu.vector_store %arg6[%swap3A, %swap3A_56], %swap3A_59 {strides = array<i32>} : memref<158x128xi32, #tpu.memory_space<vmem>>, vector<1x16xi32>,
      %and3A = arith.constant 16383 : i32
      %and3A_60 = vector.broadcast %and3A : i32 to vector<16xi32>
      %and3A_61 = arith.andi %get3A_53, %and3A_60 : vector<16xi32>
      %sub3A = vector.broadcast %mul3A_0 : i32 to vector<16xi32>
      %sub3A_62 = arith.subi %and3A_61, %sub3A : vector<16xi32>
      %ge3A = arith.constant 0 : i32
      %ge3A_63 = vector.broadcast %ge3A : i32 to vector<16xi32>
      %ge3A_64 = arith.cmpi sge, %sub3A_62, %ge3A_63 : vector<16xi32>
      %lt3A = arith.constant 5000 : i32
      %lt3A_65 = vector.broadcast %lt3A : i32 to vector<16xi32>
      %lt3A_66 = arith.cmpi slt, %sub3A_62, %lt3A_65 : vector<16xi32>
      %and3A_67 = arith.andi %ge3A_64, %lt3A_66 : vector<16xi1>
      %and3A_68 = arith.constant 1023 : i32
      %and3A_69 = vector.broadcast %and3A_68 : i32 to vector<16xi32>
      %and3A_70 = arith.andi %and3A_61, %and3A_69 : vector<16xi32>
      %add3A = arith.constant 5000 : i32
      %add3A_71 = vector.broadcast %add3A : i32 to vector<16xi32>
      %add3A_72 = arith.addi %add3A_71, %and3A_70 : vector<16xi32>
      %select_n3A_73 = arith.select %and3A_67, %sub3A_62, %add3A_72 : vector<16xi1>, vector<16xi32>
      %swap3A_74 = arith.index_cast %scan3A_50 : i32 to index
      %swap3A_75 = arith.constant 0 : index
      %swap3A_76 = tpu.vector_load %arg7[%swap3A_74, %swap3A_75] {strides = array<i32>} : memref<158x128xi32, #tpu.memory_space<vmem>>, vector<1x16xi32>,
      %swap3A_77 = vector.shape_cast %swap3A_76 : vector<1x16xi32> to vector<16xi32>
      %swap3A_78 = vector.shape_cast %select_n3A_73 : vector<16xi32> to vector<1x16xi32>
      tpu.vector_store %arg7[%swap3A_74, %swap3A_75], %swap3A_78 {strides = array<i32>} : memref<158x128xi32, #tpu.memory_space<vmem>>, vector<1x16xi32>,
      %get3A_79 = arith.index_cast %scan3A_50 : i32 to index
      %get3A_80 = arith.constant 16 : index
      %get3A_81 = tpu.vector_load %arg5[%get3A_79, %get3A_80] {strides = array<i32>} : memref<158x128xi32, #tpu.memory_space<vmem>>, vector<1x16xi32>,
      %get3A_82 = vector.shape_cast %get3A_81 : vector<1x16xi32> to vector<16xi32>
      %shift_right_logical3A_83 = arith.constant 14 : i32
      %shift_right_logical3A_84 = vector.broadcast %shift_right_logical3A_83 : i32 to vector<16xi32>
      %shift_right_logical3A_85 = arith.shrui %get3A_82, %shift_right_logical3A_84 : vector<16xi32>
      %swap3A_86 = arith.index_cast %scan3A_50 : i32 to index
      %swap3A_87 = arith.constant 16 : index
      %swap3A_88 = tpu.vector_load %arg6[%swap3A_86, %swap3A_87] {strides = array<i32>} : memref<158x128xi32, #tpu.memory_space<vmem>>, vector<1x16xi32>,
      %swap3A_89 = vector.shape_cast %swap3A_88 : vector<1x16xi32> to vector<16xi32>
      %swap3A_90 = vector.shape_cast %shift_right_logical3A_85 : vector<16xi32> to vector<1x16xi32>
      tpu.vector_store %arg6[%swap3A_86, %swap3A_87], %swap3A_90 {strides = array<i32>} : memref<158x128xi32, #tpu.memory_space<vmem>>, vector<1x16xi32>,
      %and3A_91 = arith.constant 16383 : i32
      %and3A_92 = vector.broadcast %and3A_91 : i32 to vector<16xi32>
      %and3A_93 = arith.andi %get3A_82, %and3A_92 : vector<16xi32>
      %sub3A_94 = vector.broadcast %mul3A_0 : i32 to vector<16xi32>
      %sub3A_95 = arith.subi %and3A_93, %sub3A_94 : vector<16xi32>
      %ge3A_96 = arith.constant 0 : i32
      %ge3A_97 = vector.broadcast %ge3A_96 : i32 to vector<16xi32>
      %ge3A_98 = arith.cmpi sge, %sub3A_95, %ge3A_97 : vector<16xi32>
      %lt3A_99 = arith.constant 5000 : i32
      %lt3A_100 = vector.broadcast %lt3A_99 : i32 to vector<16xi32>
      %lt3A_101 = arith.cmpi slt, %sub3A_95, %lt3A_100 : vector<16xi32>
      %and3A_102 = arith.andi %ge3A_98, %lt3A_101 : vector<16xi1>
      %and3A_103 = arith.constant 1023 : i32
      %and3A_104 = vector.broadcast %and3A_103 : i32 to vector<16xi32>
      %and3A_105 = arith.andi %and3A_93, %and3A_104 : vector<16xi32>
      %add3A_106 = arith.constant 5000 : i32
      %add3A_107 = vector.broadcast %add3A_106 : i32 to vector<16xi32>
      %add3A_108 = arith.addi %add3A_107, %and3A_105 : vector<16xi32>
      %select_n3A_109 = arith.select %and3A_102, %sub3A_95, %add3A_108 : vector<16xi1>, vector<16xi32>
      %swap3A_110 = arith.index_cast %scan3A_50 : i32 to index
      %swap3A_111 = arith.constant 16 : index
      %swap3A_112 = tpu.vector_load %arg7[%swap3A_110, %swap3A_111] {strides = array<i32>} : memref<158x128xi32, #tpu.memory_space<vmem>>, vector<1x16xi32>,
      %swap3A_113 = vector.shape_cast %swap3A_112 : vector<1x16xi32> to vector<16xi32>
      %swap3A_114 = vector.shape_cast %select_n3A_109 : vector<16xi32> to vector<1x16xi32>
      tpu.vector_store %arg7[%swap3A_110, %swap3A_111], %swap3A_114 {strides = array<i32>} : memref<158x128xi32, #tpu.memory_space<vmem>>, vector<1x16xi32>,
      %get3A_115 = arith.index_cast %scan3A_50 : i32 to index
      %get3A_116 = arith.constant 32 : index
      %get3A_117 = tpu.vector_load %arg5[%get3A_115, %get3A_116] {strides = array<i32>} : memref<158x128xi32, #tpu.memory_space<vmem>>, vector<1x16xi32>,
      %get3A_118 = vector.shape_cast %get3A_117 : vector<1x16xi32> to vector<16xi32>
      %shift_right_logical3A_119 = arith.constant 14 : i32
      %shift_right_logical3A_120 = vector.broadcast %shift_right_logical3A_119 : i32 to vector<16xi32>
      %shift_right_logical3A_121 = arith.shrui %get3A_118, %shift_right_logical3A_120 : vector<16xi32>
      %swap3A_122 = arith.index_cast %scan3A_50 : i32 to index
      %swap3A_123 = arith.constant 32 : index
      %swap3A_124 = tpu.vector_load %arg6[%swap3A_122, %swap3A_123] {strides = array<i32>} : memref<158x128xi32, #tpu.memory_space<vmem>>, vector<1x16xi32>,
      %swap3A_125 = vector.shape_cast %swap3A_124 : vector<1x16xi32> to vector<16xi32>
      %swap3A_126 = vector.shape_cast %shift_right_logical3A_121 : vector<16xi32> to vector<1x16xi32>
      tpu.vector_store %arg6[%swap3A_122, %swap3A_123], %swap3A_126 {strides = array<i32>} : memref<158x128xi32, #tpu.memory_space<vmem>>, vector<1x16xi32>,
      %and3A_127 = arith.constant 16383 : i32
      %and3A_128 = vector.broadcast %and3A_127 : i32 to vector<16xi32>
      %and3A_129 = arith.andi %get3A_118, %and3A_128 : vector<16xi32>
      %sub3A_130 = vector.broadcast %mul3A_0 : i32 to vector<16xi32>
      %sub3A_131 = arith.subi %and3A_129, %sub3A_130 : vector<16xi32>
      %ge3A_132 = arith.constant 0 : i32
      %ge3A_133 = vector.broadcast %ge3A_132 : i32 to vector<16xi32>
      %ge3A_134 = arith.cmpi sge, %sub3A_131, %ge3A_133 : vector<16xi32>
      %lt3A_135 = arith.constant 5000 : i32
      %lt3A_136 = vector.broadcast %lt3A_135 : i32 to vector<16xi32>
      %lt3A_137 = arith.cmpi slt, %sub3A_131, %lt3A_136 : vector<16xi32>
      %and3A_138 = arith.andi %ge3A_134, %lt3A_137 : vector<16xi1>
      %and3A_139 = arith.constant 1023 : i32
      %and3A_140 = vector.broadcast %and3A_139 : i32 to vector<16xi32>
      %and3A_141 = arith.andi %and3A_129, %and3A_140 : vector<16xi32>
      %add3A_142 = arith.constant 5000 : i32
      %add3A_143 = vector.broadcast %add3A_142 : i32 to vector<16xi32>
      %add3A_144 = arith.addi %add3A_143, %and3A_141 : vector<16xi32>
      %select_n3A_145 = arith.select %and3A_138, %sub3A_131, %add3A_144 : vector<16xi1>, vector<16xi32>
      %swap3A_146 = arith.index_cast %scan3A_50 : i32 to index
      %swap3A_147 = arith.constant 32 : index
      %swap3A_148 = tpu.vector_load %arg7[%swap3A_146, %swap3A_147] {strides = array<i32>} : memref<158x128xi32, #tpu.memory_space<vmem>>, vector<1x16xi32>,
      %swap3A_149 = vector.shape_cast %swap3A_148 : vector<1x16xi32> to vector<16xi32>
      %swap3A_150 = vector.shape_cast %select_n3A_145 : vector<16xi32> to vector<1x16xi32>
      tpu.vector_store %arg7[%swap3A_146, %swap3A_147], %swap3A_150 {strides = array<i32>} : memref<158x128xi32, #tpu.memory_space<vmem>>, vector<1x16xi32>,
      %get3A_151 = arith.index_cast %scan3A_50 : i32 to index
      %get3A_152 = arith.constant 48 : index
      %get3A_153 = tpu.vector_load %arg5[%get3A_151, %get3A_152] {strides = array<i32>} : memref<158x128xi32, #tpu.memory_space<vmem>>, vector<1x16xi32>,
      %get3A_154 = vector.shape_cast %get3A_153 : vector<1x16xi32> to vector<16xi32>
      %shift_right_logical3A_155 = arith.constant 14 : i32
      %shift_right_logical3A_156 = vector.broadcast %shift_right_logical3A_155 : i32 to vector<16xi32>
      %shift_right_logical3A_157 = arith.shrui %get3A_154, %shift_right_logical3A_156 : vector<16xi32>
      %swap3A_158 = arith.index_cast %scan3A_50 : i32 to index
      %swap3A_159 = arith.constant 48 : index
      %swap3A_160 = tpu.vector_load %arg6[%swap3A_158, %swap3A_159] {strides = array<i32>} : memref<158x128xi32, #tpu.memory_space<vmem>>, vector<1x16xi32>,
      %swap3A_161 = vector.shape_cast %swap3A_160 : vector<1x16xi32> to vector<16xi32>
      %swap3A_162 = vector.shape_cast %shift_right_logical3A_157 : vector<16xi32> to vector<1x16xi32>
      tpu.vector_store %arg6[%swap3A_158, %swap3A_159], %swap3A_162 {strides = array<i32>} : memref<158x128xi32, #tpu.memory_space<vmem>>, vector<1x16xi32>,
      %and3A_163 = arith.constant 16383 : i32
      %and3A_164 = vector.broadcast %and3A_163 : i32 to vector<16xi32>
      %and3A_165 = arith.andi %get3A_154, %and3A_164 : vector<16xi32>
      %sub3A_166 = vector.broadcast %mul3A_0 : i32 to vector<16xi32>
      %sub3A_167 = arith.subi %and3A_165, %sub3A_166 : vector<16xi32>
      %ge3A_168 = arith.constant 0 : i32
      %ge3A_169 = vector.broadcast %ge3A_168 : i32 to vector<16xi32>
      %ge3A_170 = arith.cmpi sge, %sub3A_167, %ge3A_169 : vector<16xi32>
      %lt3A_171 = arith.constant 5000 : i32
      %lt3A_172 = vector.broadcast %lt3A_171 : i32 to vector<16xi32>
      %lt3A_173 = arith.cmpi slt, %sub3A_167, %lt3A_172 : vector<16xi32>
      %and3A_174 = arith.andi %ge3A_170, %lt3A_173 : vector<16xi1>
      %and3A_175 = arith.constant 1023 : i32
      %and3A_176 = vector.broadcast %and3A_175 : i32 to vector<16xi32>
      %and3A_177 = arith.andi %and3A_165, %and3A_176 : vector<16xi32>
      %add3A_178 = arith.constant 5000 : i32
      %add3A_179 = vector.broadcast %add3A_178 : i32 to vector<16xi32>
      %add3A_180 = arith.addi %add3A_179, %and3A_177 : vector<16xi32>
      %select_n3A_181 = arith.select %and3A_174, %sub3A_167, %add3A_180 : vector<16xi1>, vector<16xi32>
      %swap3A_182 = arith.index_cast %scan3A_50 : i32 to index
      %swap3A_183 = arith.constant 48 : index
      %swap3A_184 = tpu.vector_load %arg7[%swap3A_182, %swap3A_183] {strides = array<i32>} : memref<158x128xi32, #tpu.memory_space<vmem>>, vector<1x16xi32>,
      %swap3A_185 = vector.shape_cast %swap3A_184 : vector<1x16xi32> to vector<16xi32>
      %swap3A_186 = vector.shape_cast %select_n3A_181 : vector<16xi32> to vector<1x16xi32>
      tpu.vector_store %arg7[%swap3A_182, %swap3A_183], %swap3A_186 {strides = array<i32>} : memref<158x128xi32, #tpu.memory_space<vmem>>, vector<1x16xi32>,
      %get3A_187 = arith.index_cast %scan3A_50 : i32 to index
      %get3A_188 = arith.constant 64 : index
      %get3A_189 = tpu.vector_load %arg5[%get3A_187, %get3A_188] {strides = array<i32>} : memref<158x128xi32, #tpu.memory_space<vmem>>, vector<1x16xi32>,
      %get3A_190 = vector.shape_cast %get3A_189 : vector<1x16xi32> to vector<16xi32>
      %shift_right_logical3A_191 = arith.constant 14 : i32
      %shift_right_logical3A_192 = vector.broadcast %shift_right_logical3A_191 : i32 to vector<16xi32>
      %shift_right_logical3A_193 = arith.shrui %get3A_190, %shift_right_logical3A_192 : vector<16xi32>
      %swap3A_194 = arith.index_cast %scan3A_50 : i32 to index
      %swap3A_195 = arith.constant 64 : index
      %swap3A_196 = tpu.vector_load %arg6[%swap3A_194, %swap3A_195] {strides = array<i32>} : memref<158x128xi32, #tpu.memory_space<vmem>>, vector<1x16xi32>,
      %swap3A_197 = vector.shape_cast %swap3A_196 : vector<1x16xi32> to vector<16xi32>
      %swap3A_198 = vector.shape_cast %shift_right_logical3A_193 : vector<16xi32> to vector<1x16xi32>
      tpu.vector_store %arg6[%swap3A_194, %swap3A_195], %swap3A_198 {strides = array<i32>} : memref<158x128xi32, #tpu.memory_space<vmem>>, vector<1x16xi32>,
      %and3A_199 = arith.constant 16383 : i32
      %and3A_200 = vector.broadcast %and3A_199 : i32 to vector<16xi32>
      %and3A_201 = arith.andi %get3A_190, %and3A_200 : vector<16xi32>
      %sub3A_202 = vector.broadcast %mul3A_0 : i32 to vector<16xi32>
      %sub3A_203 = arith.subi %and3A_201, %sub3A_202 : vector<16xi32>
      %ge3A_204 = arith.constant 0 : i32
      %ge3A_205 = vector.broadcast %ge3A_204 : i32 to vector<16xi32>
      %ge3A_206 = arith.cmpi sge, %sub3A_203, %ge3A_205 : vector<16xi32>
      %lt3A_207 = arith.constant 5000 : i32
      %lt3A_208 = vector.broadcast %lt3A_207 : i32 to vector<16xi32>
      %lt3A_209 = arith.cmpi slt, %sub3A_203, %lt3A_208 : vector<16xi32>
      %and3A_210 = arith.andi %ge3A_206, %lt3A_209 : vector<16xi1>
      %and3A_211 = arith.constant 1023 : i32
      %and3A_212 = vector.broadcast %and3A_211 : i32 to vector<16xi32>
      %and3A_213 = arith.andi %and3A_201, %and3A_212 : vector<16xi32>
      %add3A_214 = arith.constant 5000 : i32
      %add3A_215 = vector.broadcast %add3A_214 : i32 to vector<16xi32>
      %add3A_216 = arith.addi %add3A_215, %and3A_213 : vector<16xi32>
      %select_n3A_217 = arith.select %and3A_210, %sub3A_203, %add3A_216 : vector<16xi1>, vector<16xi32>
      %swap3A_218 = arith.index_cast %scan3A_50 : i32 to index
      %swap3A_219 = arith.constant 64 : index
      %swap3A_220 = tpu.vector_load %arg7[%swap3A_218, %swap3A_219] {strides = array<i32>} : memref<158x128xi32, #tpu.memory_space<vmem>>, vector<1x16xi32>,
      %swap3A_221 = vector.shape_cast %swap3A_220 : vector<1x16xi32> to vector<16xi32>
      %swap3A_222 = vector.shape_cast %select_n3A_217 : vector<16xi32> to vector<1x16xi32>
      tpu.vector_store %arg7[%swap3A_218, %swap3A_219], %swap3A_222 {strides = array<i32>} : memref<158x128xi32, #tpu.memory_space<vmem>>, vector<1x16xi32>,
      %get3A_223 = arith.index_cast %scan3A_50 : i32 to index
      %get3A_224 = arith.constant 80 : index
      %get3A_225 = tpu.vector_load %arg5[%get3A_223, %get3A_224] {strides = array<i32>} : memref<158x128xi32, #tpu.memory_space<vmem>>, vector<1x16xi32>,
      %get3A_226 = vector.shape_cast %get3A_225 : vector<1x16xi32> to vector<16xi32>
      %shift_right_logical3A_227 = arith.constant 14 : i32
      %shift_right_logical3A_228 = vector.broadcast %shift_right_logical3A_227 : i32 to vector<16xi32>
      %shift_right_logical3A_229 = arith.shrui %get3A_226, %shift_right_logical3A_228 : vector<16xi32>
      %swap3A_230 = arith.index_cast %scan3A_50 : i32 to index
      %swap3A_231 = arith.constant 80 : index
      %swap3A_232 = tpu.vector_load %arg6[%swap3A_230, %swap3A_231] {strides = array<i32>} : memref<158x128xi32, #tpu.memory_space<vmem>>, vector<1x16xi32>,
      %swap3A_233 = vector.shape_cast %swap3A_232 : vector<1x16xi32> to vector<16xi32>
      %swap3A_234 = vector.shape_cast %shift_right_logical3A_229 : vector<16xi32> to vector<1x16xi32>
      tpu.vector_store %arg6[%swap3A_230, %swap3A_231], %swap3A_234 {strides = array<i32>} : memref<158x128xi32, #tpu.memory_space<vmem>>, vector<1x16xi32>,
      %and3A_235 = arith.constant 16383 : i32
      %and3A_236 = vector.broadcast %and3A_235 : i32 to vector<16xi32>
      %and3A_237 = arith.andi %get3A_226, %and3A_236 : vector<16xi32>
      %sub3A_238 = vector.broadcast %mul3A_0 : i32 to vector<16xi32>
      %sub3A_239 = arith.subi %and3A_237, %sub3A_238 : vector<16xi32>
      %ge3A_240 = arith.constant 0 : i32
      %ge3A_241 = vector.broadcast %ge3A_240 : i32 to vector<16xi32>
      %ge3A_242 = arith.cmpi sge, %sub3A_239, %ge3A_241 : vector<16xi32>
      %lt3A_243 = arith.constant 5000 : i32
      %lt3A_244 = vector.broadcast %lt3A_243 : i32 to vector<16xi32>
      %lt3A_245 = arith.cmpi slt, %sub3A_239, %lt3A_244 : vector<16xi32>
      %and3A_246 = arith.andi %ge3A_242, %lt3A_245 : vector<16xi1>
      %and3A_247 = arith.constant 1023 : i32
      %and3A_248 = vector.broadcast %and3A_247 : i32 to vector<16xi32>
      %and3A_249 = arith.andi %and3A_237, %and3A_248 : vector<16xi32>
      %add3A_250 = arith.constant 5000 : i32
      %add3A_251 = vector.broadcast %add3A_250 : i32 to vector<16xi32>
      %add3A_252 = arith.addi %add3A_251, %and3A_249 : vector<16xi32>
      %select_n3A_253 = arith.select %and3A_246, %sub3A_239, %add3A_252 : vector<16xi1>, vector<16xi32>
      %swap3A_254 = arith.index_cast %scan3A_50 : i32 to index
      %swap3A_255 = arith.constant 80 : index
      %swap3A_256 = tpu.vector_load %arg7[%swap3A_254, %swap3A_255] {strides = array<i32>} : memref<158x128xi32, #tpu.memory_space<vmem>>, vector<1x16xi32>,
      %swap3A_257 = vector.shape_cast %swap3A_256 : vector<1x16xi32> to vector<16xi32>
      %swap3A_258 = vector.shape_cast %select_n3A_253 : vector<16xi32> to vector<1x16xi32>
      tpu.vector_store %arg7[%swap3A_254, %swap3A_255], %swap3A_258 {strides = array<i32>} : memref<158x128xi32, #tpu.memory_space<vmem>>, vector<1x16xi32>,
      %get3A_259 = arith.index_cast %scan3A_50 : i32 to index
      %get3A_260 = arith.constant 96 : index
      %get3A_261 = tpu.vector_load %arg5[%get3A_259, %get3A_260] {strides = array<i32>} : memref<158x128xi32, #tpu.memory_space<vmem>>, vector<1x16xi32>,
      %get3A_262 = vector.shape_cast %get3A_261 : vector<1x16xi32> to vector<16xi32>
      %shift_right_logical3A_263 = arith.constant 14 : i32
      %shift_right_logical3A_264 = vector.broadcast %shift_right_logical3A_263 : i32 to vector<16xi32>
      %shift_right_logical3A_265 = arith.shrui %get3A_262, %shift_right_logical3A_264 : vector<16xi32>
      %swap3A_266 = arith.index_cast %scan3A_50 : i32 to index
      %swap3A_267 = arith.constant 96 : index
      %swap3A_268 = tpu.vector_load %arg6[%swap3A_266, %swap3A_267] {strides = array<i32>} : memref<158x128xi32, #tpu.memory_space<vmem>>, vector<1x16xi32>,
      %swap3A_269 = vector.shape_cast %swap3A_268 : vector<1x16xi32> to vector<16xi32>
      %swap3A_270 = vector.shape_cast %shift_right_logical3A_265 : vector<16xi32> to vector<1x16xi32>
      tpu.vector_store %arg6[%swap3A_266, %swap3A_267], %swap3A_270 {strides = array<i32>} : memref<158x128xi32, #tpu.memory_space<vmem>>, vector<1x16xi32>,
      %and3A_271 = arith.constant 16383 : i32
      %and3A_272 = vector.broadcast %and3A_271 : i32 to vector<16xi32>
      %and3A_273 = arith.andi %get3A_262, %and3A_272 : vector<16xi32>
      %sub3A_274 = vector.broadcast %mul3A_0 : i32 to vector<16xi32>
      %sub3A_275 = arith.subi %and3A_273, %sub3A_274 : vector<16xi32>
      %ge3A_276 = arith.constant 0 : i32
      %ge3A_277 = vector.broadcast %ge3A_276 : i32 to vector<16xi32>
      %ge3A_278 = arith.cmpi sge, %sub3A_275, %ge3A_277 : vector<16xi32>
      %lt3A_279 = arith.constant 5000 : i32
      %lt3A_280 = vector.broadcast %lt3A_279 : i32 to vector<16xi32>
      %lt3A_281 = arith.cmpi slt, %sub3A_275, %lt3A_280 : vector<16xi32>
      %and3A_282 = arith.andi %ge3A_278, %lt3A_281 : vector<16xi1>
      %and3A_283 = arith.constant 1023 : i32
      %and3A_284 = vector.broadcast %and3A_283 : i32 to vector<16xi32>
      %and3A_285 = arith.andi %and3A_273, %and3A_284 : vector<16xi32>
      %add3A_286 = arith.constant 5000 : i32
      %add3A_287 = vector.broadcast %add3A_286 : i32 to vector<16xi32>
      %add3A_288 = arith.addi %add3A_287, %and3A_285 : vector<16xi32>
      %select_n3A_289 = arith.select %and3A_282, %sub3A_275, %add3A_288 : vector<16xi1>, vector<16xi32>
      %swap3A_290 = arith.index_cast %scan3A_50 : i32 to index
      %swap3A_291 = arith.constant 96 : index
      %swap3A_292 = tpu.vector_load %arg7[%swap3A_290, %swap3A_291] {strides = array<i32>} : memref<158x128xi32, #tpu.memory_space<vmem>>, vector<1x16xi32>,
      %swap3A_293 = vector.shape_cast %swap3A_292 : vector<1x16xi32> to vector<16xi32>
      %swap3A_294 = vector.shape_cast %select_n3A_289 : vector<16xi32> to vector<1x16xi32>
      tpu.vector_store %arg7[%swap3A_290, %swap3A_291], %swap3A_294 {strides = array<i32>} : memref<158x128xi32, #tpu.memory_space<vmem>>, vector<1x16xi32>,
      %get3A_295 = arith.index_cast %scan3A_50 : i32 to index
      %get3A_296 = arith.constant 112 : index
      %get3A_297 = tpu.vector_load %arg5[%get3A_295, %get3A_296] {strides = array<i32>} : memref<158x128xi32, #tpu.memory_space<vmem>>, vector<1x16xi32>,
      %get3A_298 = vector.shape_cast %get3A_297 : vector<1x16xi32> to vector<16xi32>
      %shift_right_logical3A_299 = arith.constant 14 : i32
      %shift_right_logical3A_300 = vector.broadcast %shift_right_logical3A_299 : i32 to vector<16xi32>
      %shift_right_logical3A_301 = arith.shrui %get3A_298, %shift_right_logical3A_300 : vector<16xi32>
      %swap3A_302 = arith.index_cast %scan3A_50 : i32 to index
      %swap3A_303 = arith.constant 112 : index
      %swap3A_304 = tpu.vector_load %arg6[%swap3A_302, %swap3A_303] {strides = array<i32>} : memref<158x128xi32, #tpu.memory_space<vmem>>, vector<1x16xi32>,
      %swap3A_305 = vector.shape_cast %swap3A_304 : vector<1x16xi32> to vector<16xi32>
      %swap3A_306 = vector.shape_cast %shift_right_logical3A_301 : vector<16xi32> to vector<1x16xi32>
      tpu.vector_store %arg6[%swap3A_302, %swap3A_303], %swap3A_306 {strides = array<i32>} : memref<158x128xi32, #tpu.memory_space<vmem>>, vector<1x16xi32>,
      %and3A_307 = arith.constant 16383 : i32
      %and3A_308 = vector.broadcast %and3A_307 : i32 to vector<16xi32>
      %and3A_309 = arith.andi %get3A_298, %and3A_308 : vector<16xi32>
      %sub3A_310 = vector.broadcast %mul3A_0 : i32 to vector<16xi32>
      %sub3A_311 = arith.subi %and3A_309, %sub3A_310 : vector<16xi32>
      %ge3A_312 = arith.constant 0 : i32
      %ge3A_313 = vector.broadcast %ge3A_312 : i32 to vector<16xi32>
      %ge3A_314 = arith.cmpi sge, %sub3A_311, %ge3A_313 : vector<16xi32>
      %lt3A_315 = arith.constant 5000 : i32
      %lt3A_316 = vector.broadcast %lt3A_315 : i32 to vector<16xi32>
      %lt3A_317 = arith.cmpi slt, %sub3A_311, %lt3A_316 : vector<16xi32>
      %and3A_318 = arith.andi %ge3A_314, %lt3A_317 : vector<16xi1>
      %and3A_319 = arith.constant 1023 : i32
      %and3A_320 = vector.broadcast %and3A_319 : i32 to vector<16xi32>
      %and3A_321 = arith.andi %and3A_309, %and3A_320 : vector<16xi32>
      %add3A_322 = arith.constant 5000 : i32
      %add3A_323 = vector.broadcast %add3A_322 : i32 to vector<16xi32>
      %add3A_324 = arith.addi %add3A_323, %and3A_321 : vector<16xi32>
      %select_n3A_325 = arith.select %and3A_318, %sub3A_311, %add3A_324 : vector<16xi1>, vector<16xi32>
      %swap3A_326 = arith.index_cast %scan3A_50 : i32 to index
      %swap3A_327 = arith.constant 112 : index
      %swap3A_328 = tpu.vector_load %arg7[%swap3A_326, %swap3A_327] {strides = array<i32>} : memref<158x128xi32, #tpu.memory_space<vmem>>, vector<1x16xi32>,
      %swap3A_329 = vector.shape_cast %swap3A_328 : vector<1x16xi32> to vector<16xi32>
      %swap3A_330 = vector.shape_cast %select_n3A_325 : vector<16xi32> to vector<1x16xi32>
      tpu.vector_store %arg7[%swap3A_326, %swap3A_327], %swap3A_330 {strides = array<i32>} : memref<158x128xi32, #tpu.memory_space<vmem>>, vector<1x16xi32>,
    }
    %scan3A_5 = arith.constant 158 : i32
    %broadcast_in_dim3A = arith.constant 0.000000e+00 : f32
    %broadcast_in_dim3A_6 = vector.broadcast %broadcast_in_dim3A : f32 to vector<16xf32>
    %scan3A_7 = arith.constant 0 : i32
    %scan3A_8 = arith.constant 0 : i32
    %scan3A_9 = arith.constant 8 : i32
    %scan3A_10 = arith.addi %scan3A_8, %scan3A_9 : i32
    %scan3A_11 = arith.constant 1 : i32
    scf.for %scan3A_50 = %scan3A_8 to %scan3A_10 step %scan3A_11  : i32 {
      %swap3A = arith.index_cast %scan3A_50 : i32 to index
      %swap3A_51 = arith.constant 0 : index
      %swap3A_52 = tpu.vector_load %arg9[%swap3A, %swap3A_51] {strides = array<i32>} : memref<8x128xf32, #tpu.memory_space<vmem>>, vector<1x16xf32>,
      %swap3A_53 = vector.shape_cast %swap3A_52 : vector<1x16xf32> to vector<16xf32>
      %swap3A_54 = vector.shape_cast %broadcast_in_dim3A_6 : vector<16xf32> to vector<1x16xf32>
      tpu.vector_store %arg9[%swap3A, %swap3A_51], %swap3A_54 {strides = array<i32>} : memref<8x128xf32, #tpu.memory_space<vmem>>, vector<1x16xf32>,
      %swap3A_55 = arith.index_cast %scan3A_50 : i32 to index
      %swap3A_56 = arith.constant 16 : index
      %swap3A_57 = tpu.vector_load %arg9[%swap3A_55, %swap3A_56] {strides = array<i32>} : memref<8x128xf32, #tpu.memory_space<vmem>>, vector<1x16xf32>,
      %swap3A_58 = vector.shape_cast %swap3A_57 : vector<1x16xf32> to vector<16xf32>
      %swap3A_59 = vector.shape_cast %broadcast_in_dim3A_6 : vector<16xf32> to vector<1x16xf32>
      tpu.vector_store %arg9[%swap3A_55, %swap3A_56], %swap3A_59 {strides = array<i32>} : memref<8x128xf32, #tpu.memory_space<vmem>>, vector<1x16xf32>,
      %swap3A_60 = arith.index_cast %scan3A_50 : i32 to index
      %swap3A_61 = arith.constant 32 : index
      %swap3A_62 = tpu.vector_load %arg9[%swap3A_60, %swap3A_61] {strides = array<i32>} : memref<8x128xf32, #tpu.memory_space<vmem>>, vector<1x16xf32>,
      %swap3A_63 = vector.shape_cast %swap3A_62 : vector<1x16xf32> to vector<16xf32>
      %swap3A_64 = vector.shape_cast %broadcast_in_dim3A_6 : vector<16xf32> to vector<1x16xf32>
      tpu.vector_store %arg9[%swap3A_60, %swap3A_61], %swap3A_64 {strides = array<i32>} : memref<8x128xf32, #tpu.memory_space<vmem>>, vector<1x16xf32>,
      %swap3A_65 = arith.index_cast %scan3A_50 : i32 to index
      %swap3A_66 = arith.constant 48 : index
      %swap3A_67 = tpu.vector_load %arg9[%swap3A_65, %swap3A_66] {strides = array<i32>} : memref<8x128xf32, #tpu.memory_space<vmem>>, vector<1x16xf32>,
      %swap3A_68 = vector.shape_cast %swap3A_67 : vector<1x16xf32> to vector<16xf32>
      %swap3A_69 = vector.shape_cast %broadcast_in_dim3A_6 : vector<16xf32> to vector<1x16xf32>
      tpu.vector_store %arg9[%swap3A_65, %swap3A_66], %swap3A_69 {strides = array<i32>} : memref<8x128xf32, #tpu.memory_space<vmem>>, vector<1x16xf32>,
      %swap3A_70 = arith.index_cast %scan3A_50 : i32 to index
      %swap3A_71 = arith.constant 64 : index
      %swap3A_72 = tpu.vector_load %arg9[%swap3A_70, %swap3A_71] {strides = array<i32>} : memref<8x128xf32, #tpu.memory_space<vmem>>, vector<1x16xf32>,
      %swap3A_73 = vector.shape_cast %swap3A_72 : vector<1x16xf32> to vector<16xf32>
      %swap3A_74 = vector.shape_cast %broadcast_in_dim3A_6 : vector<16xf32> to vector<1x16xf32>
      tpu.vector_store %arg9[%swap3A_70, %swap3A_71], %swap3A_74 {strides = array<i32>} : memref<8x128xf32, #tpu.memory_space<vmem>>, vector<1x16xf32>,
      %swap3A_75 = arith.index_cast %scan3A_50 : i32 to index
      %swap3A_76 = arith.constant 80 : index
      %swap3A_77 = tpu.vector_load %arg9[%swap3A_75, %swap3A_76] {strides = array<i32>} : memref<8x128xf32, #tpu.memory_space<vmem>>, vector<1x16xf32>,
      %swap3A_78 = vector.shape_cast %swap3A_77 : vector<1x16xf32> to vector<16xf32>
      %swap3A_79 = vector.shape_cast %broadcast_in_dim3A_6 : vector<16xf32> to vector<1x16xf32>
      tpu.vector_store %arg9[%swap3A_75, %swap3A_76], %swap3A_79 {strides = array<i32>} : memref<8x128xf32, #tpu.memory_space<vmem>>, vector<1x16xf32>,
      %swap3A_80 = arith.index_cast %scan3A_50 : i32 to index
      %swap3A_81 = arith.constant 96 : index
      %swap3A_82 = tpu.vector_load %arg9[%swap3A_80, %swap3A_81] {strides = array<i32>} : memref<8x128xf32, #tpu.memory_space<vmem>>, vector<1x16xf32>,
      %swap3A_83 = vector.shape_cast %swap3A_82 : vector<1x16xf32> to vector<16xf32>
      %swap3A_84 = vector.shape_cast %broadcast_in_dim3A_6 : vector<16xf32> to vector<1x16xf32>
      tpu.vector_store %arg9[%swap3A_80, %swap3A_81], %swap3A_84 {strides = array<i32>} : memref<8x128xf32, #tpu.memory_space<vmem>>, vector<1x16xf32>,
      %swap3A_85 = arith.index_cast %scan3A_50 : i32 to index
      %swap3A_86 = arith.constant 112 : index
      %swap3A_87 = tpu.vector_load %arg9[%swap3A_85, %swap3A_86] {strides = array<i32>} : memref<8x128xf32, #tpu.memory_space<vmem>>, vector<1x16xf32>,
      %swap3A_88 = vector.shape_cast %swap3A_87 : vector<1x16xf32> to vector<16xf32>
      %swap3A_89 = vector.shape_cast %broadcast_in_dim3A_6 : vector<16xf32> to vector<1x16xf32>
      tpu.vector_store %arg9[%swap3A_85, %swap3A_86], %swap3A_89 {strides = array<i32>} : memref<8x128xf32, #tpu.memory_space<vmem>>, vector<1x16xf32>,
    }
    %scan3A_12 = arith.constant 8 : i32
    %eq3A = arith.constant 15 : i32
    %eq3A_13 = arith.cmpi eq, %arg1, %eq3A : i32
    %jit3A = arith.constant 41 : i32
    %jit3A_14 = arith.constant 39 : i32
    %select_n3A = arith.select %eq3A_13, %jit3A, %jit3A_14 : i32
    %mul3A_15 = arith.constant 312 : i32
    %mul3A_16 = arith.muli %arg1, %mul3A_15 : i32
    %while3A = arith.constant 0 : i32
    %while3A_17 = arith.constant 0 : i32
    %while3A_18 = arith.subi %select_n3A, %while3A_17 : i32
    %while3A_19 = arith.addi %while3A_17, %while3A_18 : i32
    %while3A_20 = arith.constant 1 : i32
    %while3A_21 = arith.divsi %while3A_18, %while3A_20 : i32
    %while3A_22 = arith.muli %while3A_21, %while3A_20 : i32
    %while3A_23 = arith.addi %while3A_17, %while3A_22 : i32
    %while3A_24 = arith.constant 1 : i32
    scf.for %while3A_50 = %while3A_17 to %while3A_23 step %while3A_24  : i32 {
      %mul3A_51 = arith.constant 8 : i32
      %mul3A_52 = arith.muli %while3A_50, %mul3A_51 : i32
      %add3A = arith.addi %mul3A_16, %mul3A_52 : i32
      "tpu.region"() ({
        %run_scoped3A = tpu.sem_alloc : memref<!tpu.dma_semaphore, #tpu.memory_space<semaphore_mem>>
        %dma_start3A = arith.constant 0 : i32
        %dma_start3A_53 = tpu.memref_slice %arg10[%add3A, %dma_start3A] : memref<6024x128xf32, #tpu.memory_space<vmem_shared>> -> memref<8x128xf32, #tpu.memory_space<vmem_shared>>
        %dma_start3A_54 = arith.constant 0 : i32
        %dma_start3A_55 = tpu.memref_slice %arg10[%add3A, %dma_start3A_54] : memref<6024x128xf32, #tpu.memory_space<vmem_shared>> -> memref<8x128xf32, #tpu.memory_space<vmem_shared>>
        tpu.enqueue_dma source(%arg9 : memref<8x128xf32, #tpu.memory_space<vmem>>) target(%dma_start3A_55 : memref<8x128xf32, #tpu.memory_space<vmem_shared>>) target_semaphore(%run_scoped3A : memref<!tpu.dma_semaphore, #tpu.memory_space<semaphore_mem>>)
        %dma_wait3A = arith.constant 0 : i32
        %dma_wait3A_56 = tpu.memref_slice %arg10[%add3A, %dma_wait3A] : memref<6024x128xf32, #tpu.memory_space<vmem_shared>> -> memref<8x128xf32, #tpu.memory_space<vmem_shared>>
        %dma_wait3A_57 = arith.constant 0 : i32
        %dma_wait3A_58 = tpu.memref_slice %arg10[%add3A, %dma_wait3A_57] : memref<6024x128xf32, #tpu.memory_space<vmem_shared>> -> memref<8x128xf32, #tpu.memory_space<vmem_shared>>
        tpu.wait_dma2 semaphore(%run_scoped3A : memref<!tpu.dma_semaphore, #tpu.memory_space<semaphore_mem>>) src(%arg9 : memref<8x128xf32, #tpu.memory_space<vmem>>) dst(%dma_wait3A_58 : memref<8x128xf32, #tpu.memory_space<vmem_shared>>)
        tpu.yield
      }) : () -> ()
    }
    %while3A_25 = arith.constant 1 : i32
    scf.for %while3A_50 = %while3A_23 to %while3A_19 step %while3A_25  : i32 {
      %mul3A_51 = arith.constant 8 : i32
      %mul3A_52 = arith.muli %while3A_50, %mul3A_51 : i32
      %add3A = arith.addi %mul3A_16, %mul3A_52 : i32
      "tpu.region"() ({
        %run_scoped3A = tpu.sem_alloc : memref<!tpu.dma_semaphore, #tpu.memory_space<semaphore_mem>>
        %dma_start3A = arith.constant 0 : i32
        %dma_start3A_53 = tpu.memref_slice %arg10[%add3A, %dma_start3A] : memref<6024x128xf32, #tpu.memory_space<vmem_shared>> -> memref<8x128xf32, #tpu.memory_space<vmem_shared>>
        %dma_start3A_54 = arith.constant 0 : i32
        %dma_start3A_55 = tpu.memref_slice %arg10[%add3A, %dma_start3A_54] : memref<6024x128xf32, #tpu.memory_space<vmem_shared>> -> memref<8x128xf32, #tpu.memory_space<vmem_shared>>
        tpu.enqueue_dma source(%arg9 : memref<8x128xf32, #tpu.memory_space<vmem>>) target(%dma_start3A_55 : memref<8x128xf32, #tpu.memory_space<vmem_shared>>) target_semaphore(%run_scoped3A : memref<!tpu.dma_semaphore, #tpu.memory_space<semaphore_mem>>)
        %dma_wait3A = arith.constant 0 : i32
        %dma_wait3A_56 = tpu.memref_slice %arg10[%add3A, %dma_wait3A] : memref<6024x128xf32, #tpu.memory_space<vmem_shared>> -> memref<8x128xf32, #tpu.memory_space<vmem_shared>>
        %dma_wait3A_57 = arith.constant 0 : i32
        %dma_wait3A_58 = tpu.memref_slice %arg10[%add3A, %dma_wait3A_57] : memref<6024x128xf32, #tpu.memory_space<vmem_shared>> -> memref<8x128xf32, #tpu.memory_space<vmem_shared>>
        tpu.wait_dma2 semaphore(%run_scoped3A : memref<!tpu.dma_semaphore, #tpu.memory_space<semaphore_mem>>) src(%arg9 : memref<8x128xf32, #tpu.memory_space<vmem>>) dst(%dma_wait3A_58 : memref<8x128xf32, #tpu.memory_space<vmem_shared>>)
        tpu.yield
      }) : () -> ()
    }
    %barrier3A = arith.constant 0 : index
    tpu.barrier barrier_id(%barrier3A)
    %scan3A_26 = arith.constant 0 : i32
    %scan3A_27 = arith.constant 0 : i32
    %scan3A_28 = arith.constant 158 : i32
    %scan3A_29 = arith.addi %scan3A_27, %scan3A_28 : i32
    %scan3A_30 = arith.constant 1 : i32
    scf.for %scan3A_50 = %scan3A_27 to %scan3A_29 step %scan3A_30  : i32 {
      %dma_start3A = arith.constant 0 : i32
      %dma_start3A_51 = tpu.memref_slice %arg6[%scan3A_50, %dma_start3A] : memref<158x128xi32, #tpu.memory_space<vmem>> -> memref<1x128xi32, #tpu.memory_space<vmem>>
      %dma_start3A_52 = tpu.memref_squeeze %dma_start3A_51 : memref<1x128xi32, #tpu.memory_space<vmem>> -> memref<128xi32, #tpu.memory_space<vmem>>
      %dma_start3A_53 = arith.constant 0 : i32
      %dma_start3A_54 = arith.constant 0 : i32
      %dma_start3A_55 = tpu.memref_slice %arg2[%dma_start3A_53, %dma_start3A_54] : memref<10000x128xf32, #tpu.memory_space<hbm>> -> memref<10000x128xf32, #tpu.memory_space<hbm>>
      tpu.enqueue_indirect_dma source(%dma_start3A_55 : memref<10000x128xf32, #tpu.memory_space<hbm>>) target(%arg8 : memref<128x128xf32, #tpu.memory_space<vmem>>) offsets(%dma_start3A_52 : memref<128xi32, #tpu.memory_space<vmem>>) semaphore(%arg11 : memref<!tpu.dma_semaphore, #tpu.memory_space<semaphore_mem>>)
      %dma_wait3A = arith.constant 0 : i32
      %dma_wait3A_56 = tpu.memref_slice %arg6[%scan3A_50, %dma_wait3A] : memref<158x128xi32, #tpu.memory_space<vmem>> -> memref<1x128xi32, #tpu.memory_space<vmem>>
      %dma_wait3A_57 = tpu.memref_squeeze %dma_wait3A_56 : memref<1x128xi32, #tpu.memory_space<vmem>> -> memref<128xi32, #tpu.memory_space<vmem>>
      %dma_wait3A_58 = arith.constant 0 : i32
      %dma_wait3A_59 = arith.constant 0 : i32
      %dma_wait3A_60 = tpu.memref_slice %arg2[%dma_wait3A_58, %dma_wait3A_59] : memref<10000x128xf32, #tpu.memory_space<hbm>> -> memref<10000x128xf32, #tpu.memory_space<hbm>>
      tpu.wait_indirect_dma semaphore(%arg11 : memref<!tpu.dma_semaphore, #tpu.memory_space<semaphore_mem>>) src(%dma_wait3A_60 : memref<10000x128xf32, #tpu.memory_space<hbm>>) dst(%arg8 : memref<128x128xf32, #tpu.memory_space<vmem>>)
      "tpu.region"() ({
        %run_scoped3A = tpu.sem_alloc : memref<!tpu.dma_semaphore, #tpu.memory_space<semaphore_mem>>
        %dma_start3A_61 = arith.constant 0 : i32
        %dma_start3A_62 = tpu.memref_slice %arg7[%scan3A_50, %dma_start3A_61] : memref<158x128xi32, #tpu.memory_space<vmem>> -> memref<1x128xi32, #tpu.memory_space<vmem>>
        %dma_start3A_63 = tpu.memref_squeeze %dma_start3A_62 : memref<1x128xi32, #tpu.memory_space<vmem>> -> memref<128xi32, #tpu.memory_space<vmem>>
        %dma_start3A_64 = arith.constant 0 : i32
        %dma_start3A_65 = arith.constant 0 : i32
        %dma_start3A_66 = tpu.memref_slice %arg10[%dma_start3A_64, %dma_start3A_65] : memref<6024x128xf32, #tpu.memory_space<vmem_shared>> -> memref<6024x128xf32, #tpu.memory_space<vmem_shared>>
        tpu.enqueue_indirect_dma source(%arg8 : memref<128x128xf32, #tpu.memory_space<vmem>>) target(%dma_start3A_66 : memref<6024x128xf32, #tpu.memory_space<vmem_shared>>) offsets(%dma_start3A_63 : memref<128xi32, #tpu.memory_space<vmem>>) semaphore(%run_scoped3A : memref<!tpu.dma_semaphore, #tpu.memory_space<semaphore_mem>>) {add = true}
        %dma_wait3A_67 = arith.constant 0 : i32
        %dma_wait3A_68 = tpu.memref_slice %arg7[%scan3A_50, %dma_wait3A_67] : memref<158x128xi32, #tpu.memory_space<vmem>> -> memref<1x128xi32, #tpu.memory_space<vmem>>
        %dma_wait3A_69 = tpu.memref_squeeze %dma_wait3A_68 : memref<1x128xi32, #tpu.memory_space<vmem>> -> memref<128xi32, #tpu.memory_space<vmem>>
        %dma_wait3A_70 = arith.constant 0 : i32
        %dma_wait3A_71 = arith.constant 0 : i32
        %dma_wait3A_72 = tpu.memref_slice %arg10[%dma_wait3A_70, %dma_wait3A_71] : memref<6024x128xf32, #tpu.memory_space<vmem_shared>> -> memref<6024x128xf32, #tpu.memory_space<vmem_shared>>
        tpu.wait_indirect_dma semaphore(%run_scoped3A : memref<!tpu.dma_semaphore, #tpu.memory_space<semaphore_mem>>) src(%arg8 : memref<128x128xf32, #tpu.memory_space<vmem>>) dst(%dma_wait3A_72 : memref<6024x128xf32, #tpu.memory_space<vmem_shared>>)
        tpu.yield
      }) : () -> ()
    }
    %scan3A_31 = arith.constant 158 : i32
    %barrier3A_32 = arith.constant 0 : index
    tpu.barrier barrier_id(%barrier3A_32)
    %eq3A_33 = arith.constant 15 : i32
    %eq3A_34 = arith.cmpi eq, %arg1, %eq3A_33 : i32
    %jit3A_35 = arith.constant 40 : i32
    %jit3A_36 = arith.constant 39 : i32
    %select_n3A_37 = arith.select %eq3A_34, %jit3A_35, %jit3A_36 : i32
    %mul3A_38 = arith.constant 312 : i32
    %mul3A_39 = arith.muli %arg1, %mul3A_38 : i32
    %while3A_40 = arith.constant 0 : i32
    %while3A_41 = arith.constant 0 : i32
    %while3A_42 = arith.subi %select_n3A_37, %while3A_41 : i32
    %while3A_43 = arith.addi %while3A_41, %while3A_42 : i32
    %while3A_44 = arith.constant 1 : i32
    %while3A_45 = arith.divsi %while3A_42, %while3A_44 : i32
    %while3A_46 = arith.muli %while3A_45, %while3A_44 : i32
    %while3A_47 = arith.addi %while3A_41, %while3A_46 : i32
    %while3A_48 = arith.constant 1 : i32
    scf.for %while3A_50 = %while3A_41 to %while3A_47 step %while3A_48  : i32 {
      %mul3A_51 = arith.constant 8 : i32
      %mul3A_52 = arith.muli %while3A_50, %mul3A_51 : i32
      %add3A = arith.addi %mul3A_39, %mul3A_52 : i32
      %mul3A_53 = arith.constant 5000 : i32
      %mul3A_54 = arith.muli %arg0, %mul3A_53 : i32
      %add3A_55 = arith.addi %mul3A_54, %mul3A_39 : i32
      %mul3A_56 = arith.constant 8 : i32
      %mul3A_57 = arith.muli %while3A_50, %mul3A_56 : i32
      %add3A_58 = arith.addi %add3A_55, %mul3A_57 : i32
      "tpu.region"() ({
        %run_scoped3A = tpu.sem_alloc : memref<!tpu.dma_semaphore, #tpu.memory_space<semaphore_mem>>
        %dma_start3A = arith.constant 0 : i32
        %dma_start3A_59 = tpu.memref_slice %arg4[%add3A_58, %dma_start3A] : memref<10000x128xf32, #tpu.memory_space<hbm>> -> memref<8x128xf32, #tpu.memory_space<hbm>>
        %dma_start3A_60 = arith.constant 0 : i32
        %dma_start3A_61 = tpu.memref_slice %arg10[%add3A, %dma_start3A_60] : memref<6024x128xf32, #tpu.memory_space<vmem_shared>> -> memref<8x128xf32, #tpu.memory_space<vmem_shared>>
        tpu.enqueue_dma source(%dma_start3A_61 : memref<8x128xf32, #tpu.memory_space<vmem_shared>>) target(%dma_start3A_59 : memref<8x128xf32, #tpu.memory_space<hbm>>) target_semaphore(%run_scoped3A : memref<!tpu.dma_semaphore, #tpu.memory_space<semaphore_mem>>)
        %dma_wait3A = arith.constant 0 : i32
        %dma_wait3A_62 = tpu.memref_slice %arg4[%add3A_58, %dma_wait3A] : memref<10000x128xf32, #tpu.memory_space<hbm>> -> memref<8x128xf32, #tpu.memory_space<hbm>>
        %dma_wait3A_63 = arith.constant 0 : i32
        %dma_wait3A_64 = tpu.memref_slice %arg10[%add3A, %dma_wait3A_63] : memref<6024x128xf32, #tpu.memory_space<vmem_shared>> -> memref<8x128xf32, #tpu.memory_space<vmem_shared>>
        tpu.wait_dma2 semaphore(%run_scoped3A : memref<!tpu.dma_semaphore, #tpu.memory_space<semaphore_mem>>) src(%dma_wait3A_64 : memref<8x128xf32, #tpu.memory_space<vmem_shared>>) dst(%dma_wait3A_62 : memref<8x128xf32, #tpu.memory_space<hbm>>)
        tpu.yield
      }) : () -> ()
    }
    %while3A_49 = arith.constant 1 : i32
    scf.for %while3A_50 = %while3A_47 to %while3A_43 step %while3A_49  : i32 {
      %mul3A_51 = arith.constant 8 : i32
      %mul3A_52 = arith.muli %while3A_50, %mul3A_51 : i32
      %add3A = arith.addi %mul3A_39, %mul3A_52 : i32
      %mul3A_53 = arith.constant 5000 : i32
      %mul3A_54 = arith.muli %arg0, %mul3A_53 : i32
      %add3A_55 = arith.addi %mul3A_54, %mul3A_39 : i32
      %mul3A_56 = arith.constant 8 : i32
      %mul3A_57 = arith.muli %while3A_50, %mul3A_56 : i32
      %add3A_58 = arith.addi %add3A_55, %mul3A_57 : i32
      "tpu.region"() ({
        %run_scoped3A = tpu.sem_alloc : memref<!tpu.dma_semaphore, #tpu.memory_space<semaphore_mem>>
        %dma_start3A = arith.constant 0 : i32
        %dma_start3A_59 = tpu.memref_slice %arg4[%add3A_58, %dma_start3A] : memref<10000x128xf32, #tpu.memory_space<hbm>> -> memref<8x128xf32, #tpu.memory_space<hbm>>
        %dma_start3A_60 = arith.constant 0 : i32
        %dma_start3A_61 = tpu.memref_slice %arg10[%add3A, %dma_start3A_60] : memref<6024x128xf32, #tpu.memory_space<vmem_shared>> -> memref<8x128xf32, #tpu.memory_space<vmem_shared>>
        tpu.enqueue_dma source(%dma_start3A_61 : memref<8x128xf32, #tpu.memory_space<vmem_shared>>) target(%dma_start3A_59 : memref<8x128xf32, #tpu.memory_space<hbm>>) target_semaphore(%run_scoped3A : memref<!tpu.dma_semaphore, #tpu.memory_space<semaphore_mem>>)
        %dma_wait3A = arith.constant 0 : i32
        %dma_wait3A_62 = tpu.memref_slice %arg4[%add3A_58, %dma_wait3A] : memref<10000x128xf32, #tpu.memory_space<hbm>> -> memref<8x128xf32, #tpu.memory_space<hbm>>
        %dma_wait3A_63 = arith.constant 0 : i32
        %dma_wait3A_64 = tpu.memref_slice %arg10[%add3A, %dma_wait3A_63] : memref<6024x128xf32, #tpu.memory_space<vmem_shared>> -> memref<8x128xf32, #tpu.memory_space<vmem_shared>>
        tpu.wait_dma2 semaphore(%run_scoped3A : memref<!tpu.dma_semaphore, #tpu.memory_space<semaphore_mem>>) src(%dma_wait3A_64 : memref<8x128xf32, #tpu.memory_space<vmem_shared>>) dst(%dma_wait3A_62 : memref<8x128xf32, #tpu.memory_space<hbm>>)
        tpu.yield
      }) : () -> ()
    }
    return
  }
}

#map = affine_map<(d0, d1) -> (0, 0)>
#map1 = affine_map<(d0, d1) -> (0, 0, 0)>
module attributes {stable_mosaic.version = 14 : i64} {
  func.func @_sc_propagate(%arg0: i32, %arg1: i32, %arg2: memref<10000x128xf32, #tpu.memory_space<hbm>>, %arg3: memref<16x158x128xi32, #tpu.memory_space<hbm>>, %arg4: memref<10000x128xf32, #tpu.memory_space<hbm>>, %arg5: memref<158x128xi32, #tpu.memory_space<vmem>>, %arg6: memref<158x128xi32, #tpu.memory_space<vmem>>, %arg7: memref<158x128xi32, #tpu.memory_space<vmem>>, %arg8: memref<128x128xf32, #tpu.memory_space<vmem>>, %arg9: memref<8x128xf32, #tpu.memory_space<vmem>>, %arg10: memref<6024x128xf32, #tpu.memory_space<vmem_shared>>, %arg11: memref<!tpu.dma_semaphore, #tpu.memory_space<semaphore_mem>>) attributes {dimension_semantics = [#tpu.dimension_semantics<core_parallel>, #tpu.dimension_semantics<subcore_parallel>], iteration_bounds = array<i64: 2, 16>, scalar_prefetch = 0 : i64, scratch_operands = 7 : i64, tpu.core_type = #tpu.core_type<sc_vector_subcore>, window_params = [{transform_indices = #map}, {transform_indices = #map1}, {transform_indices = #map}]} {
    "tpu.region"() ({
      %run_scoped3A = tpu.sem_alloc : memref<!tpu.dma_semaphore, #tpu.memory_space<semaphore_mem>>
      %dma_start3A = arith.constant 0 : i32
      %dma_start3A_50 = arith.constant 0 : i32
      %dma_start3A_51 = tpu.memref_slice %arg3[%arg1, %dma_start3A, %dma_start3A_50] : memref<16x158x128xi32, #tpu.memory_space<hbm>> -> memref<1x158x128xi32, #tpu.memory_space<hbm>>
      %dma_start3A_52 = tpu.memref_squeeze %dma_start3A_51 : memref<1x158x128xi32, #tpu.memory_space<hbm>> -> memref<158x128xi32, #tpu.memory_space<hbm>>
      %dma_start3A_53 = arith.constant 0 : i32
      %dma_start3A_54 = arith.constant 0 : i32
      %dma_start3A_55 = tpu.memref_slice %arg3[%arg1, %dma_start3A_53, %dma_start3A_54] : memref<16x158x128xi32, #tpu.memory_space<hbm>> -> memref<1x158x128xi32, #tpu.memory_space<hbm>>
      %dma_start3A_56 = tpu.memref_squeeze %dma_start3A_55 : memref<1x158x128xi32, #tpu.memory_space<hbm>> -> memref<158x128xi32, #tpu.memory_space<hbm>>
      tpu.enqueue_dma source(%dma_start3A_56 : memref<158x128xi32, #tpu.memory_space<hbm>>) target(%arg5 : memref<158x128xi32, #tpu.memory_space<vmem>>) target_semaphore(%run_scoped3A : memref<!tpu.dma_semaphore, #tpu.memory_space<semaphore_mem>>)
      %dma_wait3A = arith.constant 0 : i32
      %dma_wait3A_57 = arith.constant 0 : i32
      %dma_wait3A_58 = tpu.memref_slice %arg3[%arg1, %dma_wait3A, %dma_wait3A_57] : memref<16x158x128xi32, #tpu.memory_space<hbm>> -> memref<1x158x128xi32, #tpu.memory_space<hbm>>
      %dma_wait3A_59 = tpu.memref_squeeze %dma_wait3A_58 : memref<1x158x128xi32, #tpu.memory_space<hbm>> -> memref<158x128xi32, #tpu.memory_space<hbm>>
      %dma_wait3A_60 = arith.constant 0 : i32
      %dma_wait3A_61 = arith.constant 0 : i32
      %dma_wait3A_62 = tpu.memref_slice %arg3[%arg1, %dma_wait3A_60, %dma_wait3A_61] : memref<16x158x128xi32, #tpu.memory_space<hbm>> -> memref<1x158x128xi32, #tpu.memory_space<hbm>>
      %dma_wait3A_63 = tpu.memref_squeeze %dma_wait3A_62 : memref<1x158x128xi32, #tpu.memory_space<hbm>> -> memref<158x128xi32, #tpu.memory_space<hbm>>
      tpu.wait_dma2 semaphore(%run_scoped3A : memref<!tpu.dma_semaphore, #tpu.memory_space<semaphore_mem>>) src(%dma_wait3A_63 : memref<158x128xi32, #tpu.memory_space<hbm>>) dst(%arg5 : memref<158x128xi32, #tpu.memory_space<vmem>>)
      tpu.yield
    }) : () -> ()
    %mul3A = arith.constant 5000 : i32
    %mul3A_0 = arith.muli %arg0, %mul3A : i32
    %scan3A = arith.constant 0 : i32
    %scan3A_1 = arith.constant 0 : i32
    %scan3A_2 = arith.constant 158 : i32
    %scan3A_3 = arith.addi %scan3A_1, %scan3A_2 : i32
    %scan3A_4 = arith.constant 1 : i32
    scf.for %scan3A_50 = %scan3A_1 to %scan3A_3 step %scan3A_4  : i32 {
      %get3A = arith.index_cast %scan3A_50 : i32 to index
      %get3A_51 = arith.constant 0 : index
      %get3A_52 = tpu.vector_load %arg5[%get3A, %get3A_51] {strides = array<i32>} : memref<158x128xi32, #tpu.memory_space<vmem>>, vector<1x16xi32>,
      %get3A_53 = vector.shape_cast %get3A_52 : vector<1x16xi32> to vector<16xi32>
      %shift_right_logical3A = arith.constant 14 : i32
      %shift_right_logical3A_54 = vector.broadcast %shift_right_logical3A : i32 to vector<16xi32>
      %shift_right_logical3A_55 = arith.shrui %get3A_53, %shift_right_logical3A_54 : vector<16xi32>
      %swap3A = arith.index_cast %scan3A_50 : i32 to index
      %swap3A_56 = arith.constant 0 : index
      %swap3A_57 = tpu.vector_load %arg6[%swap3A, %swap3A_56] {strides = array<i32>} : memref<158x128xi32, #tpu.memory_space<vmem>>, vector<1x16xi32>,
      %swap3A_58 = vector.shape_cast %swap3A_57 : vector<1x16xi32> to vector<16xi32>
      %swap3A_59 = vector.shape_cast %shift_right_logical3A_55 : vector<16xi32> to vector<1x16xi32>
      tpu.vector_store %arg6[%swap3A, %swap3A_56], %swap3A_59 {strides = array<i32>} : memref<158x128xi32, #tpu.memory_space<vmem>>, vector<1x16xi32>,
      %and3A = arith.constant 16383 : i32
      %and3A_60 = vector.broadcast %and3A : i32 to vector<16xi32>
      %and3A_61 = arith.andi %get3A_53, %and3A_60 : vector<16xi32>
      %sub3A = vector.broadcast %mul3A_0 : i32 to vector<16xi32>
      %sub3A_62 = arith.subi %and3A_61, %sub3A : vector<16xi32>
      %ge3A = arith.constant 0 : i32
      %ge3A_63 = vector.broadcast %ge3A : i32 to vector<16xi32>
      %ge3A_64 = arith.cmpi sge, %sub3A_62, %ge3A_63 : vector<16xi32>
      %lt3A = arith.constant 5000 : i32
      %lt3A_65 = vector.broadcast %lt3A : i32 to vector<16xi32>
      %lt3A_66 = arith.cmpi slt, %sub3A_62, %lt3A_65 : vector<16xi32>
      %and3A_67 = arith.andi %ge3A_64, %lt3A_66 : vector<16xi1>
      %and3A_68 = arith.constant 1023 : i32
      %and3A_69 = vector.broadcast %and3A_68 : i32 to vector<16xi32>
      %and3A_70 = arith.andi %and3A_61, %and3A_69 : vector<16xi32>
      %add3A = arith.constant 5000 : i32
      %add3A_71 = vector.broadcast %add3A : i32 to vector<16xi32>
      %add3A_72 = arith.addi %add3A_71, %and3A_70 : vector<16xi32>
      %select_n3A_73 = arith.select %and3A_67, %sub3A_62, %add3A_72 : vector<16xi1>, vector<16xi32>
      %swap3A_74 = arith.index_cast %scan3A_50 : i32 to index
      %swap3A_75 = arith.constant 0 : index
      %swap3A_76 = tpu.vector_load %arg7[%swap3A_74, %swap3A_75] {strides = array<i32>} : memref<158x128xi32, #tpu.memory_space<vmem>>, vector<1x16xi32>,
      %swap3A_77 = vector.shape_cast %swap3A_76 : vector<1x16xi32> to vector<16xi32>
      %swap3A_78 = vector.shape_cast %select_n3A_73 : vector<16xi32> to vector<1x16xi32>
      tpu.vector_store %arg7[%swap3A_74, %swap3A_75], %swap3A_78 {strides = array<i32>} : memref<158x128xi32, #tpu.memory_space<vmem>>, vector<1x16xi32>,
      %get3A_79 = arith.index_cast %scan3A_50 : i32 to index
      %get3A_80 = arith.constant 16 : index
      %get3A_81 = tpu.vector_load %arg5[%get3A_79, %get3A_80] {strides = array<i32>} : memref<158x128xi32, #tpu.memory_space<vmem>>, vector<1x16xi32>,
      %get3A_82 = vector.shape_cast %get3A_81 : vector<1x16xi32> to vector<16xi32>
      %shift_right_logical3A_83 = arith.constant 14 : i32
      %shift_right_logical3A_84 = vector.broadcast %shift_right_logical3A_83 : i32 to vector<16xi32>
      %shift_right_logical3A_85 = arith.shrui %get3A_82, %shift_right_logical3A_84 : vector<16xi32>
      %swap3A_86 = arith.index_cast %scan3A_50 : i32 to index
      %swap3A_87 = arith.constant 16 : index
      %swap3A_88 = tpu.vector_load %arg6[%swap3A_86, %swap3A_87] {strides = array<i32>} : memref<158x128xi32, #tpu.memory_space<vmem>>, vector<1x16xi32>,
      %swap3A_89 = vector.shape_cast %swap3A_88 : vector<1x16xi32> to vector<16xi32>
      %swap3A_90 = vector.shape_cast %shift_right_logical3A_85 : vector<16xi32> to vector<1x16xi32>
      tpu.vector_store %arg6[%swap3A_86, %swap3A_87], %swap3A_90 {strides = array<i32>} : memref<158x128xi32, #tpu.memory_space<vmem>>, vector<1x16xi32>,
      %and3A_91 = arith.constant 16383 : i32
      %and3A_92 = vector.broadcast %and3A_91 : i32 to vector<16xi32>
      %and3A_93 = arith.andi %get3A_82, %and3A_92 : vector<16xi32>
      %sub3A_94 = vector.broadcast %mul3A_0 : i32 to vector<16xi32>
      %sub3A_95 = arith.subi %and3A_93, %sub3A_94 : vector<16xi32>
      %ge3A_96 = arith.constant 0 : i32
      %ge3A_97 = vector.broadcast %ge3A_96 : i32 to vector<16xi32>
      %ge3A_98 = arith.cmpi sge, %sub3A_95, %ge3A_97 : vector<16xi32>
      %lt3A_99 = arith.constant 5000 : i32
      %lt3A_100 = vector.broadcast %lt3A_99 : i32 to vector<16xi32>
      %lt3A_101 = arith.cmpi slt, %sub3A_95, %lt3A_100 : vector<16xi32>
      %and3A_102 = arith.andi %ge3A_98, %lt3A_101 : vector<16xi1>
      %and3A_103 = arith.constant 1023 : i32
      %and3A_104 = vector.broadcast %and3A_103 : i32 to vector<16xi32>
      %and3A_105 = arith.andi %and3A_93, %and3A_104 : vector<16xi32>
      %add3A_106 = arith.constant 5000 : i32
      %add3A_107 = vector.broadcast %add3A_106 : i32 to vector<16xi32>
      %add3A_108 = arith.addi %add3A_107, %and3A_105 : vector<16xi32>
      %select_n3A_109 = arith.select %and3A_102, %sub3A_95, %add3A_108 : vector<16xi1>, vector<16xi32>
      %swap3A_110 = arith.index_cast %scan3A_50 : i32 to index
      %swap3A_111 = arith.constant 16 : index
      %swap3A_112 = tpu.vector_load %arg7[%swap3A_110, %swap3A_111] {strides = array<i32>} : memref<158x128xi32, #tpu.memory_space<vmem>>, vector<1x16xi32>,
      %swap3A_113 = vector.shape_cast %swap3A_112 : vector<1x16xi32> to vector<16xi32>
      %swap3A_114 = vector.shape_cast %select_n3A_109 : vector<16xi32> to vector<1x16xi32>
      tpu.vector_store %arg7[%swap3A_110, %swap3A_111], %swap3A_114 {strides = array<i32>} : memref<158x128xi32, #tpu.memory_space<vmem>>, vector<1x16xi32>,
      %get3A_115 = arith.index_cast %scan3A_50 : i32 to index
      %get3A_116 = arith.constant 32 : index
      %get3A_117 = tpu.vector_load %arg5[%get3A_115, %get3A_116] {strides = array<i32>} : memref<158x128xi32, #tpu.memory_space<vmem>>, vector<1x16xi32>,
      %get3A_118 = vector.shape_cast %get3A_117 : vector<1x16xi32> to vector<16xi32>
      %shift_right_logical3A_119 = arith.constant 14 : i32
      %shift_right_logical3A_120 = vector.broadcast %shift_right_logical3A_119 : i32 to vector<16xi32>
      %shift_right_logical3A_121 = arith.shrui %get3A_118, %shift_right_logical3A_120 : vector<16xi32>
      %swap3A_122 = arith.index_cast %scan3A_50 : i32 to index
      %swap3A_123 = arith.constant 32 : index
      %swap3A_124 = tpu.vector_load %arg6[%swap3A_122, %swap3A_123] {strides = array<i32>} : memref<158x128xi32, #tpu.memory_space<vmem>>, vector<1x16xi32>,
      %swap3A_125 = vector.shape_cast %swap3A_124 : vector<1x16xi32> to vector<16xi32>
      %swap3A_126 = vector.shape_cast %shift_right_logical3A_121 : vector<16xi32> to vector<1x16xi32>
      tpu.vector_store %arg6[%swap3A_122, %swap3A_123], %swap3A_126 {strides = array<i32>} : memref<158x128xi32, #tpu.memory_space<vmem>>, vector<1x16xi32>,
      %and3A_127 = arith.constant 16383 : i32
      %and3A_128 = vector.broadcast %and3A_127 : i32 to vector<16xi32>
      %and3A_129 = arith.andi %get3A_118, %and3A_128 : vector<16xi32>
      %sub3A_130 = vector.broadcast %mul3A_0 : i32 to vector<16xi32>
      %sub3A_131 = arith.subi %and3A_129, %sub3A_130 : vector<16xi32>
      %ge3A_132 = arith.constant 0 : i32
      %ge3A_133 = vector.broadcast %ge3A_132 : i32 to vector<16xi32>
      %ge3A_134 = arith.cmpi sge, %sub3A_131, %ge3A_133 : vector<16xi32>
      %lt3A_135 = arith.constant 5000 : i32
      %lt3A_136 = vector.broadcast %lt3A_135 : i32 to vector<16xi32>
      %lt3A_137 = arith.cmpi slt, %sub3A_131, %lt3A_136 : vector<16xi32>
      %and3A_138 = arith.andi %ge3A_134, %lt3A_137 : vector<16xi1>
      %and3A_139 = arith.constant 1023 : i32
      %and3A_140 = vector.broadcast %and3A_139 : i32 to vector<16xi32>
      %and3A_141 = arith.andi %and3A_129, %and3A_140 : vector<16xi32>
      %add3A_142 = arith.constant 5000 : i32
      %add3A_143 = vector.broadcast %add3A_142 : i32 to vector<16xi32>
      %add3A_144 = arith.addi %add3A_143, %and3A_141 : vector<16xi32>
      %select_n3A_145 = arith.select %and3A_138, %sub3A_131, %add3A_144 : vector<16xi1>, vector<16xi32>
      %swap3A_146 = arith.index_cast %scan3A_50 : i32 to index
      %swap3A_147 = arith.constant 32 : index
      %swap3A_148 = tpu.vector_load %arg7[%swap3A_146, %swap3A_147] {strides = array<i32>} : memref<158x128xi32, #tpu.memory_space<vmem>>, vector<1x16xi32>,
      %swap3A_149 = vector.shape_cast %swap3A_148 : vector<1x16xi32> to vector<16xi32>
      %swap3A_150 = vector.shape_cast %select_n3A_145 : vector<16xi32> to vector<1x16xi32>
      tpu.vector_store %arg7[%swap3A_146, %swap3A_147], %swap3A_150 {strides = array<i32>} : memref<158x128xi32, #tpu.memory_space<vmem>>, vector<1x16xi32>,
      %get3A_151 = arith.index_cast %scan3A_50 : i32 to index
      %get3A_152 = arith.constant 48 : index
      %get3A_153 = tpu.vector_load %arg5[%get3A_151, %get3A_152] {strides = array<i32>} : memref<158x128xi32, #tpu.memory_space<vmem>>, vector<1x16xi32>,
      %get3A_154 = vector.shape_cast %get3A_153 : vector<1x16xi32> to vector<16xi32>
      %shift_right_logical3A_155 = arith.constant 14 : i32
      %shift_right_logical3A_156 = vector.broadcast %shift_right_logical3A_155 : i32 to vector<16xi32>
      %shift_right_logical3A_157 = arith.shrui %get3A_154, %shift_right_logical3A_156 : vector<16xi32>
      %swap3A_158 = arith.index_cast %scan3A_50 : i32 to index
      %swap3A_159 = arith.constant 48 : index
      %swap3A_160 = tpu.vector_load %arg6[%swap3A_158, %swap3A_159] {strides = array<i32>} : memref<158x128xi32, #tpu.memory_space<vmem>>, vector<1x16xi32>,
      %swap3A_161 = vector.shape_cast %swap3A_160 : vector<1x16xi32> to vector<16xi32>
      %swap3A_162 = vector.shape_cast %shift_right_logical3A_157 : vector<16xi32> to vector<1x16xi32>
      tpu.vector_store %arg6[%swap3A_158, %swap3A_159], %swap3A_162 {strides = array<i32>} : memref<158x128xi32, #tpu.memory_space<vmem>>, vector<1x16xi32>,
      %and3A_163 = arith.constant 16383 : i32
      %and3A_164 = vector.broadcast %and3A_163 : i32 to vector<16xi32>
      %and3A_165 = arith.andi %get3A_154, %and3A_164 : vector<16xi32>
      %sub3A_166 = vector.broadcast %mul3A_0 : i32 to vector<16xi32>
      %sub3A_167 = arith.subi %and3A_165, %sub3A_166 : vector<16xi32>
      %ge3A_168 = arith.constant 0 : i32
      %ge3A_169 = vector.broadcast %ge3A_168 : i32 to vector<16xi32>
      %ge3A_170 = arith.cmpi sge, %sub3A_167, %ge3A_169 : vector<16xi32>
      %lt3A_171 = arith.constant 5000 : i32
      %lt3A_172 = vector.broadcast %lt3A_171 : i32 to vector<16xi32>
      %lt3A_173 = arith.cmpi slt, %sub3A_167, %lt3A_172 : vector<16xi32>
      %and3A_174 = arith.andi %ge3A_170, %lt3A_173 : vector<16xi1>
      %and3A_175 = arith.constant 1023 : i32
      %and3A_176 = vector.broadcast %and3A_175 : i32 to vector<16xi32>
      %and3A_177 = arith.andi %and3A_165, %and3A_176 : vector<16xi32>
      %add3A_178 = arith.constant 5000 : i32
      %add3A_179 = vector.broadcast %add3A_178 : i32 to vector<16xi32>
      %add3A_180 = arith.addi %add3A_179, %and3A_177 : vector<16xi32>
      %select_n3A_181 = arith.select %and3A_174, %sub3A_167, %add3A_180 : vector<16xi1>, vector<16xi32>
      %swap3A_182 = arith.index_cast %scan3A_50 : i32 to index
      %swap3A_183 = arith.constant 48 : index
      %swap3A_184 = tpu.vector_load %arg7[%swap3A_182, %swap3A_183] {strides = array<i32>} : memref<158x128xi32, #tpu.memory_space<vmem>>, vector<1x16xi32>,
      %swap3A_185 = vector.shape_cast %swap3A_184 : vector<1x16xi32> to vector<16xi32>
      %swap3A_186 = vector.shape_cast %select_n3A_181 : vector<16xi32> to vector<1x16xi32>
      tpu.vector_store %arg7[%swap3A_182, %swap3A_183], %swap3A_186 {strides = array<i32>} : memref<158x128xi32, #tpu.memory_space<vmem>>, vector<1x16xi32>,
      %get3A_187 = arith.index_cast %scan3A_50 : i32 to index
      %get3A_188 = arith.constant 64 : index
      %get3A_189 = tpu.vector_load %arg5[%get3A_187, %get3A_188] {strides = array<i32>} : memref<158x128xi32, #tpu.memory_space<vmem>>, vector<1x16xi32>,
      %get3A_190 = vector.shape_cast %get3A_189 : vector<1x16xi32> to vector<16xi32>
      %shift_right_logical3A_191 = arith.constant 14 : i32
      %shift_right_logical3A_192 = vector.broadcast %shift_right_logical3A_191 : i32 to vector<16xi32>
      %shift_right_logical3A_193 = arith.shrui %get3A_190, %shift_right_logical3A_192 : vector<16xi32>
      %swap3A_194 = arith.index_cast %scan3A_50 : i32 to index
      %swap3A_195 = arith.constant 64 : index
      %swap3A_196 = tpu.vector_load %arg6[%swap3A_194, %swap3A_195] {strides = array<i32>} : memref<158x128xi32, #tpu.memory_space<vmem>>, vector<1x16xi32>,
      %swap3A_197 = vector.shape_cast %swap3A_196 : vector<1x16xi32> to vector<16xi32>
      %swap3A_198 = vector.shape_cast %shift_right_logical3A_193 : vector<16xi32> to vector<1x16xi32>
      tpu.vector_store %arg6[%swap3A_194, %swap3A_195], %swap3A_198 {strides = array<i32>} : memref<158x128xi32, #tpu.memory_space<vmem>>, vector<1x16xi32>,
      %and3A_199 = arith.constant 16383 : i32
      %and3A_200 = vector.broadcast %and3A_199 : i32 to vector<16xi32>
      %and3A_201 = arith.andi %get3A_190, %and3A_200 : vector<16xi32>
      %sub3A_202 = vector.broadcast %mul3A_0 : i32 to vector<16xi32>
      %sub3A_203 = arith.subi %and3A_201, %sub3A_202 : vector<16xi32>
      %ge3A_204 = arith.constant 0 : i32
      %ge3A_205 = vector.broadcast %ge3A_204 : i32 to vector<16xi32>
      %ge3A_206 = arith.cmpi sge, %sub3A_203, %ge3A_205 : vector<16xi32>
      %lt3A_207 = arith.constant 5000 : i32
      %lt3A_208 = vector.broadcast %lt3A_207 : i32 to vector<16xi32>
      %lt3A_209 = arith.cmpi slt, %sub3A_203, %lt3A_208 : vector<16xi32>
      %and3A_210 = arith.andi %ge3A_206, %lt3A_209 : vector<16xi1>
      %and3A_211 = arith.constant 1023 : i32
      %and3A_212 = vector.broadcast %and3A_211 : i32 to vector<16xi32>
      %and3A_213 = arith.andi %and3A_201, %and3A_212 : vector<16xi32>
      %add3A_214 = arith.constant 5000 : i32
      %add3A_215 = vector.broadcast %add3A_214 : i32 to vector<16xi32>
      %add3A_216 = arith.addi %add3A_215, %and3A_213 : vector<16xi32>
      %select_n3A_217 = arith.select %and3A_210, %sub3A_203, %add3A_216 : vector<16xi1>, vector<16xi32>
      %swap3A_218 = arith.index_cast %scan3A_50 : i32 to index
      %swap3A_219 = arith.constant 64 : index
      %swap3A_220 = tpu.vector_load %arg7[%swap3A_218, %swap3A_219] {strides = array<i32>} : memref<158x128xi32, #tpu.memory_space<vmem>>, vector<1x16xi32>,
      %swap3A_221 = vector.shape_cast %swap3A_220 : vector<1x16xi32> to vector<16xi32>
      %swap3A_222 = vector.shape_cast %select_n3A_217 : vector<16xi32> to vector<1x16xi32>
      tpu.vector_store %arg7[%swap3A_218, %swap3A_219], %swap3A_222 {strides = array<i32>} : memref<158x128xi32, #tpu.memory_space<vmem>>, vector<1x16xi32>,
      %get3A_223 = arith.index_cast %scan3A_50 : i32 to index
      %get3A_224 = arith.constant 80 : index
      %get3A_225 = tpu.vector_load %arg5[%get3A_223, %get3A_224] {strides = array<i32>} : memref<158x128xi32, #tpu.memory_space<vmem>>, vector<1x16xi32>,
      %get3A_226 = vector.shape_cast %get3A_225 : vector<1x16xi32> to vector<16xi32>
      %shift_right_logical3A_227 = arith.constant 14 : i32
      %shift_right_logical3A_228 = vector.broadcast %shift_right_logical3A_227 : i32 to vector<16xi32>
      %shift_right_logical3A_229 = arith.shrui %get3A_226, %shift_right_logical3A_228 : vector<16xi32>
      %swap3A_230 = arith.index_cast %scan3A_50 : i32 to index
      %swap3A_231 = arith.constant 80 : index
      %swap3A_232 = tpu.vector_load %arg6[%swap3A_230, %swap3A_231] {strides = array<i32>} : memref<158x128xi32, #tpu.memory_space<vmem>>, vector<1x16xi32>,
      %swap3A_233 = vector.shape_cast %swap3A_232 : vector<1x16xi32> to vector<16xi32>
      %swap3A_234 = vector.shape_cast %shift_right_logical3A_229 : vector<16xi32> to vector<1x16xi32>
      tpu.vector_store %arg6[%swap3A_230, %swap3A_231], %swap3A_234 {strides = array<i32>} : memref<158x128xi32, #tpu.memory_space<vmem>>, vector<1x16xi32>,
      %and3A_235 = arith.constant 16383 : i32
      %and3A_236 = vector.broadcast %and3A_235 : i32 to vector<16xi32>
      %and3A_237 = arith.andi %get3A_226, %and3A_236 : vector<16xi32>
      %sub3A_238 = vector.broadcast %mul3A_0 : i32 to vector<16xi32>
      %sub3A_239 = arith.subi %and3A_237, %sub3A_238 : vector<16xi32>
      %ge3A_240 = arith.constant 0 : i32
      %ge3A_241 = vector.broadcast %ge3A_240 : i32 to vector<16xi32>
      %ge3A_242 = arith.cmpi sge, %sub3A_239, %ge3A_241 : vector<16xi32>
      %lt3A_243 = arith.constant 5000 : i32
      %lt3A_244 = vector.broadcast %lt3A_243 : i32 to vector<16xi32>
      %lt3A_245 = arith.cmpi slt, %sub3A_239, %lt3A_244 : vector<16xi32>
      %and3A_246 = arith.andi %ge3A_242, %lt3A_245 : vector<16xi1>
      %and3A_247 = arith.constant 1023 : i32
      %and3A_248 = vector.broadcast %and3A_247 : i32 to vector<16xi32>
      %and3A_249 = arith.andi %and3A_237, %and3A_248 : vector<16xi32>
      %add3A_250 = arith.constant 5000 : i32
      %add3A_251 = vector.broadcast %add3A_250 : i32 to vector<16xi32>
      %add3A_252 = arith.addi %add3A_251, %and3A_249 : vector<16xi32>
      %select_n3A_253 = arith.select %and3A_246, %sub3A_239, %add3A_252 : vector<16xi1>, vector<16xi32>
      %swap3A_254 = arith.index_cast %scan3A_50 : i32 to index
      %swap3A_255 = arith.constant 80 : index
      %swap3A_256 = tpu.vector_load %arg7[%swap3A_254, %swap3A_255] {strides = array<i32>} : memref<158x128xi32, #tpu.memory_space<vmem>>, vector<1x16xi32>,
      %swap3A_257 = vector.shape_cast %swap3A_256 : vector<1x16xi32> to vector<16xi32>
      %swap3A_258 = vector.shape_cast %select_n3A_253 : vector<16xi32> to vector<1x16xi32>
      tpu.vector_store %arg7[%swap3A_254, %swap3A_255], %swap3A_258 {strides = array<i32>} : memref<158x128xi32, #tpu.memory_space<vmem>>, vector<1x16xi32>,
      %get3A_259 = arith.index_cast %scan3A_50 : i32 to index
      %get3A_260 = arith.constant 96 : index
      %get3A_261 = tpu.vector_load %arg5[%get3A_259, %get3A_260] {strides = array<i32>} : memref<158x128xi32, #tpu.memory_space<vmem>>, vector<1x16xi32>,
      %get3A_262 = vector.shape_cast %get3A_261 : vector<1x16xi32> to vector<16xi32>
      %shift_right_logical3A_263 = arith.constant 14 : i32
      %shift_right_logical3A_264 = vector.broadcast %shift_right_logical3A_263 : i32 to vector<16xi32>
      %shift_right_logical3A_265 = arith.shrui %get3A_262, %shift_right_logical3A_264 : vector<16xi32>
      %swap3A_266 = arith.index_cast %scan3A_50 : i32 to index
      %swap3A_267 = arith.constant 96 : index
      %swap3A_268 = tpu.vector_load %arg6[%swap3A_266, %swap3A_267] {strides = array<i32>} : memref<158x128xi32, #tpu.memory_space<vmem>>, vector<1x16xi32>,
      %swap3A_269 = vector.shape_cast %swap3A_268 : vector<1x16xi32> to vector<16xi32>
      %swap3A_270 = vector.shape_cast %shift_right_logical3A_265 : vector<16xi32> to vector<1x16xi32>
      tpu.vector_store %arg6[%swap3A_266, %swap3A_267], %swap3A_270 {strides = array<i32>} : memref<158x128xi32, #tpu.memory_space<vmem>>, vector<1x16xi32>,
      %and3A_271 = arith.constant 16383 : i32
      %and3A_272 = vector.broadcast %and3A_271 : i32 to vector<16xi32>
      %and3A_273 = arith.andi %get3A_262, %and3A_272 : vector<16xi32>
      %sub3A_274 = vector.broadcast %mul3A_0 : i32 to vector<16xi32>
      %sub3A_275 = arith.subi %and3A_273, %sub3A_274 : vector<16xi32>
      %ge3A_276 = arith.constant 0 : i32
      %ge3A_277 = vector.broadcast %ge3A_276 : i32 to vector<16xi32>
      %ge3A_278 = arith.cmpi sge, %sub3A_275, %ge3A_277 : vector<16xi32>
      %lt3A_279 = arith.constant 5000 : i32
      %lt3A_280 = vector.broadcast %lt3A_279 : i32 to vector<16xi32>
      %lt3A_281 = arith.cmpi slt, %sub3A_275, %lt3A_280 : vector<16xi32>
      %and3A_282 = arith.andi %ge3A_278, %lt3A_281 : vector<16xi1>
      %and3A_283 = arith.constant 1023 : i32
      %and3A_284 = vector.broadcast %and3A_283 : i32 to vector<16xi32>
      %and3A_285 = arith.andi %and3A_273, %and3A_284 : vector<16xi32>
      %add3A_286 = arith.constant 5000 : i32
      %add3A_287 = vector.broadcast %add3A_286 : i32 to vector<16xi32>
      %add3A_288 = arith.addi %add3A_287, %and3A_285 : vector<16xi32>
      %select_n3A_289 = arith.select %and3A_282, %sub3A_275, %add3A_288 : vector<16xi1>, vector<16xi32>
      %swap3A_290 = arith.index_cast %scan3A_50 : i32 to index
      %swap3A_291 = arith.constant 96 : index
      %swap3A_292 = tpu.vector_load %arg7[%swap3A_290, %swap3A_291] {strides = array<i32>} : memref<158x128xi32, #tpu.memory_space<vmem>>, vector<1x16xi32>,
      %swap3A_293 = vector.shape_cast %swap3A_292 : vector<1x16xi32> to vector<16xi32>
      %swap3A_294 = vector.shape_cast %select_n3A_289 : vector<16xi32> to vector<1x16xi32>
      tpu.vector_store %arg7[%swap3A_290, %swap3A_291], %swap3A_294 {strides = array<i32>} : memref<158x128xi32, #tpu.memory_space<vmem>>, vector<1x16xi32>,
      %get3A_295 = arith.index_cast %scan3A_50 : i32 to index
      %get3A_296 = arith.constant 112 : index
      %get3A_297 = tpu.vector_load %arg5[%get3A_295, %get3A_296] {strides = array<i32>} : memref<158x128xi32, #tpu.memory_space<vmem>>, vector<1x16xi32>,
      %get3A_298 = vector.shape_cast %get3A_297 : vector<1x16xi32> to vector<16xi32>
      %shift_right_logical3A_299 = arith.constant 14 : i32
      %shift_right_logical3A_300 = vector.broadcast %shift_right_logical3A_299 : i32 to vector<16xi32>
      %shift_right_logical3A_301 = arith.shrui %get3A_298, %shift_right_logical3A_300 : vector<16xi32>
      %swap3A_302 = arith.index_cast %scan3A_50 : i32 to index
      %swap3A_303 = arith.constant 112 : index
      %swap3A_304 = tpu.vector_load %arg6[%swap3A_302, %swap3A_303] {strides = array<i32>} : memref<158x128xi32, #tpu.memory_space<vmem>>, vector<1x16xi32>,
      %swap3A_305 = vector.shape_cast %swap3A_304 : vector<1x16xi32> to vector<16xi32>
      %swap3A_306 = vector.shape_cast %shift_right_logical3A_301 : vector<16xi32> to vector<1x16xi32>
      tpu.vector_store %arg6[%swap3A_302, %swap3A_303], %swap3A_306 {strides = array<i32>} : memref<158x128xi32, #tpu.memory_space<vmem>>, vector<1x16xi32>,
      %and3A_307 = arith.constant 16383 : i32
      %and3A_308 = vector.broadcast %and3A_307 : i32 to vector<16xi32>
      %and3A_309 = arith.andi %get3A_298, %and3A_308 : vector<16xi32>
      %sub3A_310 = vector.broadcast %mul3A_0 : i32 to vector<16xi32>
      %sub3A_311 = arith.subi %and3A_309, %sub3A_310 : vector<16xi32>
      %ge3A_312 = arith.constant 0 : i32
      %ge3A_313 = vector.broadcast %ge3A_312 : i32 to vector<16xi32>
      %ge3A_314 = arith.cmpi sge, %sub3A_311, %ge3A_313 : vector<16xi32>
      %lt3A_315 = arith.constant 5000 : i32
      %lt3A_316 = vector.broadcast %lt3A_315 : i32 to vector<16xi32>
      %lt3A_317 = arith.cmpi slt, %sub3A_311, %lt3A_316 : vector<16xi32>
      %and3A_318 = arith.andi %ge3A_314, %lt3A_317 : vector<16xi1>
      %and3A_319 = arith.constant 1023 : i32
      %and3A_320 = vector.broadcast %and3A_319 : i32 to vector<16xi32>
      %and3A_321 = arith.andi %and3A_309, %and3A_320 : vector<16xi32>
      %add3A_322 = arith.constant 5000 : i32
      %add3A_323 = vector.broadcast %add3A_322 : i32 to vector<16xi32>
      %add3A_324 = arith.addi %add3A_323, %and3A_321 : vector<16xi32>
      %select_n3A_325 = arith.select %and3A_318, %sub3A_311, %add3A_324 : vector<16xi1>, vector<16xi32>
      %swap3A_326 = arith.index_cast %scan3A_50 : i32 to index
      %swap3A_327 = arith.constant 112 : index
      %swap3A_328 = tpu.vector_load %arg7[%swap3A_326, %swap3A_327] {strides = array<i32>} : memref<158x128xi32, #tpu.memory_space<vmem>>, vector<1x16xi32>,
      %swap3A_329 = vector.shape_cast %swap3A_328 : vector<1x16xi32> to vector<16xi32>
      %swap3A_330 = vector.shape_cast %select_n3A_325 : vector<16xi32> to vector<1x16xi32>
      tpu.vector_store %arg7[%swap3A_326, %swap3A_327], %swap3A_330 {strides = array<i32>} : memref<158x128xi32, #tpu.memory_space<vmem>>, vector<1x16xi32>,
    }
    %scan3A_5 = arith.constant 158 : i32
    %broadcast_in_dim3A = arith.constant 0.000000e+00 : f32
    %broadcast_in_dim3A_6 = vector.broadcast %broadcast_in_dim3A : f32 to vector<16xf32>
    %scan3A_7 = arith.constant 0 : i32
    %scan3A_8 = arith.constant 0 : i32
    %scan3A_9 = arith.constant 8 : i32
    %scan3A_10 = arith.addi %scan3A_8, %scan3A_9 : i32
    %scan3A_11 = arith.constant 1 : i32
    scf.for %scan3A_50 = %scan3A_8 to %scan3A_10 step %scan3A_11  : i32 {
      %swap3A = arith.index_cast %scan3A_50 : i32 to index
      %swap3A_51 = arith.constant 0 : index
      %swap3A_52 = tpu.vector_load %arg9[%swap3A, %swap3A_51] {strides = array<i32>} : memref<8x128xf32, #tpu.memory_space<vmem>>, vector<1x16xf32>,
      %swap3A_53 = vector.shape_cast %swap3A_52 : vector<1x16xf32> to vector<16xf32>
      %swap3A_54 = vector.shape_cast %broadcast_in_dim3A_6 : vector<16xf32> to vector<1x16xf32>
      tpu.vector_store %arg9[%swap3A, %swap3A_51], %swap3A_54 {strides = array<i32>} : memref<8x128xf32, #tpu.memory_space<vmem>>, vector<1x16xf32>,
      %swap3A_55 = arith.index_cast %scan3A_50 : i32 to index
      %swap3A_56 = arith.constant 16 : index
      %swap3A_57 = tpu.vector_load %arg9[%swap3A_55, %swap3A_56] {strides = array<i32>} : memref<8x128xf32, #tpu.memory_space<vmem>>, vector<1x16xf32>,
      %swap3A_58 = vector.shape_cast %swap3A_57 : vector<1x16xf32> to vector<16xf32>
      %swap3A_59 = vector.shape_cast %broadcast_in_dim3A_6 : vector<16xf32> to vector<1x16xf32>
      tpu.vector_store %arg9[%swap3A_55, %swap3A_56], %swap3A_59 {strides = array<i32>} : memref<8x128xf32, #tpu.memory_space<vmem>>, vector<1x16xf32>,
      %swap3A_60 = arith.index_cast %scan3A_50 : i32 to index
      %swap3A_61 = arith.constant 32 : index
      %swap3A_62 = tpu.vector_load %arg9[%swap3A_60, %swap3A_61] {strides = array<i32>} : memref<8x128xf32, #tpu.memory_space<vmem>>, vector<1x16xf32>,
      %swap3A_63 = vector.shape_cast %swap3A_62 : vector<1x16xf32> to vector<16xf32>
      %swap3A_64 = vector.shape_cast %broadcast_in_dim3A_6 : vector<16xf32> to vector<1x16xf32>
      tpu.vector_store %arg9[%swap3A_60, %swap3A_61], %swap3A_64 {strides = array<i32>} : memref<8x128xf32, #tpu.memory_space<vmem>>, vector<1x16xf32>,
      %swap3A_65 = arith.index_cast %scan3A_50 : i32 to index
      %swap3A_66 = arith.constant 48 : index
      %swap3A_67 = tpu.vector_load %arg9[%swap3A_65, %swap3A_66] {strides = array<i32>} : memref<8x128xf32, #tpu.memory_space<vmem>>, vector<1x16xf32>,
      %swap3A_68 = vector.shape_cast %swap3A_67 : vector<1x16xf32> to vector<16xf32>
      %swap3A_69 = vector.shape_cast %broadcast_in_dim3A_6 : vector<16xf32> to vector<1x16xf32>
      tpu.vector_store %arg9[%swap3A_65, %swap3A_66], %swap3A_69 {strides = array<i32>} : memref<8x128xf32, #tpu.memory_space<vmem>>, vector<1x16xf32>,
      %swap3A_70 = arith.index_cast %scan3A_50 : i32 to index
      %swap3A_71 = arith.constant 64 : index
      %swap3A_72 = tpu.vector_load %arg9[%swap3A_70, %swap3A_71] {strides = array<i32>} : memref<8x128xf32, #tpu.memory_space<vmem>>, vector<1x16xf32>,
      %swap3A_73 = vector.shape_cast %swap3A_72 : vector<1x16xf32> to vector<16xf32>
      %swap3A_74 = vector.shape_cast %broadcast_in_dim3A_6 : vector<16xf32> to vector<1x16xf32>
      tpu.vector_store %arg9[%swap3A_70, %swap3A_71], %swap3A_74 {strides = array<i32>} : memref<8x128xf32, #tpu.memory_space<vmem>>, vector<1x16xf32>,
      %swap3A_75 = arith.index_cast %scan3A_50 : i32 to index
      %swap3A_76 = arith.constant 80 : index
      %swap3A_77 = tpu.vector_load %arg9[%swap3A_75, %swap3A_76] {strides = array<i32>} : memref<8x128xf32, #tpu.memory_space<vmem>>, vector<1x16xf32>,
      %swap3A_78 = vector.shape_cast %swap3A_77 : vector<1x16xf32> to vector<16xf32>
      %swap3A_79 = vector.shape_cast %broadcast_in_dim3A_6 : vector<16xf32> to vector<1x16xf32>
      tpu.vector_store %arg9[%swap3A_75, %swap3A_76], %swap3A_79 {strides = array<i32>} : memref<8x128xf32, #tpu.memory_space<vmem>>, vector<1x16xf32>,
      %swap3A_80 = arith.index_cast %scan3A_50 : i32 to index
      %swap3A_81 = arith.constant 96 : index
      %swap3A_82 = tpu.vector_load %arg9[%swap3A_80, %swap3A_81] {strides = array<i32>} : memref<8x128xf32, #tpu.memory_space<vmem>>, vector<1x16xf32>,
      %swap3A_83 = vector.shape_cast %swap3A_82 : vector<1x16xf32> to vector<16xf32>
      %swap3A_84 = vector.shape_cast %broadcast_in_dim3A_6 : vector<16xf32> to vector<1x16xf32>
      tpu.vector_store %arg9[%swap3A_80, %swap3A_81], %swap3A_84 {strides = array<i32>} : memref<8x128xf32, #tpu.memory_space<vmem>>, vector<1x16xf32>,
      %swap3A_85 = arith.index_cast %scan3A_50 : i32 to index
      %swap3A_86 = arith.constant 112 : index
      %swap3A_87 = tpu.vector_load %arg9[%swap3A_85, %swap3A_86] {strides = array<i32>} : memref<8x128xf32, #tpu.memory_space<vmem>>, vector<1x16xf32>,
      %swap3A_88 = vector.shape_cast %swap3A_87 : vector<1x16xf32> to vector<16xf32>
      %swap3A_89 = vector.shape_cast %broadcast_in_dim3A_6 : vector<16xf32> to vector<1x16xf32>
      tpu.vector_store %arg9[%swap3A_85, %swap3A_86], %swap3A_89 {strides = array<i32>} : memref<8x128xf32, #tpu.memory_space<vmem>>, vector<1x16xf32>,
    }
    %scan3A_12 = arith.constant 8 : i32
    %eq3A = arith.constant 15 : i32
    %eq3A_13 = arith.cmpi eq, %arg1, %eq3A : i32
    %jit3A = arith.constant 41 : i32
    %jit3A_14 = arith.constant 39 : i32
    %select_n3A = arith.select %eq3A_13, %jit3A, %jit3A_14 : i32
    %mul3A_15 = arith.constant 312 : i32
    %mul3A_16 = arith.muli %arg1, %mul3A_15 : i32
    %while3A = arith.constant 0 : i32
    %while3A_17 = arith.constant 0 : i32
    %while3A_18 = arith.subi %select_n3A, %while3A_17 : i32
    %while3A_19 = arith.addi %while3A_17, %while3A_18 : i32
    %while3A_20 = arith.constant 1 : i32
    %while3A_21 = arith.divsi %while3A_18, %while3A_20 : i32
    %while3A_22 = arith.muli %while3A_21, %while3A_20 : i32
    %while3A_23 = arith.addi %while3A_17, %while3A_22 : i32
    %while3A_24 = arith.constant 1 : i32
    scf.for %while3A_50 = %while3A_17 to %while3A_23 step %while3A_24  : i32 {
      %mul3A_51 = arith.constant 8 : i32
      %mul3A_52 = arith.muli %while3A_50, %mul3A_51 : i32
      %add3A = arith.addi %mul3A_16, %mul3A_52 : i32
      "tpu.region"() ({
        %run_scoped3A = tpu.sem_alloc : memref<!tpu.dma_semaphore, #tpu.memory_space<semaphore_mem>>
        %dma_start3A = arith.constant 0 : i32
        %dma_start3A_53 = tpu.memref_slice %arg10[%add3A, %dma_start3A] : memref<6024x128xf32, #tpu.memory_space<vmem_shared>> -> memref<8x128xf32, #tpu.memory_space<vmem_shared>>
        %dma_start3A_54 = arith.constant 0 : i32
        %dma_start3A_55 = tpu.memref_slice %arg10[%add3A, %dma_start3A_54] : memref<6024x128xf32, #tpu.memory_space<vmem_shared>> -> memref<8x128xf32, #tpu.memory_space<vmem_shared>>
        tpu.enqueue_dma source(%arg9 : memref<8x128xf32, #tpu.memory_space<vmem>>) target(%dma_start3A_55 : memref<8x128xf32, #tpu.memory_space<vmem_shared>>) target_semaphore(%run_scoped3A : memref<!tpu.dma_semaphore, #tpu.memory_space<semaphore_mem>>)
        %dma_wait3A = arith.constant 0 : i32
        %dma_wait3A_56 = tpu.memref_slice %arg10[%add3A, %dma_wait3A] : memref<6024x128xf32, #tpu.memory_space<vmem_shared>> -> memref<8x128xf32, #tpu.memory_space<vmem_shared>>
        %dma_wait3A_57 = arith.constant 0 : i32
        %dma_wait3A_58 = tpu.memref_slice %arg10[%add3A, %dma_wait3A_57] : memref<6024x128xf32, #tpu.memory_space<vmem_shared>> -> memref<8x128xf32, #tpu.memory_space<vmem_shared>>
        tpu.wait_dma2 semaphore(%run_scoped3A : memref<!tpu.dma_semaphore, #tpu.memory_space<semaphore_mem>>) src(%arg9 : memref<8x128xf32, #tpu.memory_space<vmem>>) dst(%dma_wait3A_58 : memref<8x128xf32, #tpu.memory_space<vmem_shared>>)
        tpu.yield
      }) : () -> ()
    }
    %while3A_25 = arith.constant 1 : i32
    scf.for %while3A_50 = %while3A_23 to %while3A_19 step %while3A_25  : i32 {
      %mul3A_51 = arith.constant 8 : i32
      %mul3A_52 = arith.muli %while3A_50, %mul3A_51 : i32
      %add3A = arith.addi %mul3A_16, %mul3A_52 : i32
      "tpu.region"() ({
        %run_scoped3A = tpu.sem_alloc : memref<!tpu.dma_semaphore, #tpu.memory_space<semaphore_mem>>
        %dma_start3A = arith.constant 0 : i32
        %dma_start3A_53 = tpu.memref_slice %arg10[%add3A, %dma_start3A] : memref<6024x128xf32, #tpu.memory_space<vmem_shared>> -> memref<8x128xf32, #tpu.memory_space<vmem_shared>>
        %dma_start3A_54 = arith.constant 0 : i32
        %dma_start3A_55 = tpu.memref_slice %arg10[%add3A, %dma_start3A_54] : memref<6024x128xf32, #tpu.memory_space<vmem_shared>> -> memref<8x128xf32, #tpu.memory_space<vmem_shared>>
        tpu.enqueue_dma source(%arg9 : memref<8x128xf32, #tpu.memory_space<vmem>>) target(%dma_start3A_55 : memref<8x128xf32, #tpu.memory_space<vmem_shared>>) target_semaphore(%run_scoped3A : memref<!tpu.dma_semaphore, #tpu.memory_space<semaphore_mem>>)
        %dma_wait3A = arith.constant 0 : i32
        %dma_wait3A_56 = tpu.memref_slice %arg10[%add3A, %dma_wait3A] : memref<6024x128xf32, #tpu.memory_space<vmem_shared>> -> memref<8x128xf32, #tpu.memory_space<vmem_shared>>
        %dma_wait3A_57 = arith.constant 0 : i32
        %dma_wait3A_58 = tpu.memref_slice %arg10[%add3A, %dma_wait3A_57] : memref<6024x128xf32, #tpu.memory_space<vmem_shared>> -> memref<8x128xf32, #tpu.memory_space<vmem_shared>>
        tpu.wait_dma2 semaphore(%run_scoped3A : memref<!tpu.dma_semaphore, #tpu.memory_space<semaphore_mem>>) src(%arg9 : memref<8x128xf32, #tpu.memory_space<vmem>>) dst(%dma_wait3A_58 : memref<8x128xf32, #tpu.memory_space<vmem_shared>>)
        tpu.yield
      }) : () -> ()
    }
    %barrier3A = arith.constant 0 : index
    tpu.barrier barrier_id(%barrier3A)
    %scan3A_26 = arith.constant 0 : i32
    %scan3A_27 = arith.constant 0 : i32
    %scan3A_28 = arith.constant 158 : i32
    %scan3A_29 = arith.addi %scan3A_27, %scan3A_28 : i32
    %scan3A_30 = arith.constant 1 : i32
    scf.for %scan3A_50 = %scan3A_27 to %scan3A_29 step %scan3A_30  : i32 {
      %dma_start3A = arith.constant 0 : i32
      %dma_start3A_51 = tpu.memref_slice %arg6[%scan3A_50, %dma_start3A] : memref<158x128xi32, #tpu.memory_space<vmem>> -> memref<1x128xi32, #tpu.memory_space<vmem>>
      %dma_start3A_52 = tpu.memref_squeeze %dma_start3A_51 : memref<1x128xi32, #tpu.memory_space<vmem>> -> memref<128xi32, #tpu.memory_space<vmem>>
      %dma_start3A_53 = arith.constant 0 : i32
      %dma_start3A_54 = arith.constant 0 : i32
      %dma_start3A_55 = tpu.memref_slice %arg2[%dma_start3A_53, %dma_start3A_54] : memref<10000x128xf32, #tpu.memory_space<hbm>> -> memref<10000x128xf32, #tpu.memory_space<hbm>>
      tpu.enqueue_indirect_dma source(%dma_start3A_55 : memref<10000x128xf32, #tpu.memory_space<hbm>>) target(%arg8 : memref<128x128xf32, #tpu.memory_space<vmem>>) offsets(%dma_start3A_52 : memref<128xi32, #tpu.memory_space<vmem>>) semaphore(%arg11 : memref<!tpu.dma_semaphore, #tpu.memory_space<semaphore_mem>>)
      %dma_wait3A = arith.constant 0 : i32
      %dma_wait3A_56 = tpu.memref_slice %arg6[%scan3A_50, %dma_wait3A] : memref<158x128xi32, #tpu.memory_space<vmem>> -> memref<1x128xi32, #tpu.memory_space<vmem>>
      %dma_wait3A_57 = tpu.memref_squeeze %dma_wait3A_56 : memref<1x128xi32, #tpu.memory_space<vmem>> -> memref<128xi32, #tpu.memory_space<vmem>>
      %dma_wait3A_58 = arith.constant 0 : i32
      %dma_wait3A_59 = arith.constant 0 : i32
      %dma_wait3A_60 = tpu.memref_slice %arg2[%dma_wait3A_58, %dma_wait3A_59] : memref<10000x128xf32, #tpu.memory_space<hbm>> -> memref<10000x128xf32, #tpu.memory_space<hbm>>
      tpu.wait_indirect_dma semaphore(%arg11 : memref<!tpu.dma_semaphore, #tpu.memory_space<semaphore_mem>>) src(%dma_wait3A_60 : memref<10000x128xf32, #tpu.memory_space<hbm>>) dst(%arg8 : memref<128x128xf32, #tpu.memory_space<vmem>>)
      "tpu.region"() ({
        %run_scoped3A = tpu.sem_alloc : memref<!tpu.dma_semaphore, #tpu.memory_space<semaphore_mem>>
        %dma_start3A_61 = arith.constant 0 : i32
        %dma_start3A_62 = tpu.memref_slice %arg7[%scan3A_50, %dma_start3A_61] : memref<158x128xi32, #tpu.memory_space<vmem>> -> memref<1x128xi32, #tpu.memory_space<vmem>>
        %dma_start3A_63 = tpu.memref_squeeze %dma_start3A_62 : memref<1x128xi32, #tpu.memory_space<vmem>> -> memref<128xi32, #tpu.memory_space<vmem>>
        %dma_start3A_64 = arith.constant 0 : i32
        %dma_start3A_65 = arith.constant 0 : i32
        %dma_start3A_66 = tpu.memref_slice %arg10[%dma_start3A_64, %dma_start3A_65] : memref<6024x128xf32, #tpu.memory_space<vmem_shared>> -> memref<6024x128xf32, #tpu.memory_space<vmem_shared>>
        tpu.enqueue_indirect_dma source(%arg8 : memref<128x128xf32, #tpu.memory_space<vmem>>) target(%dma_start3A_66 : memref<6024x128xf32, #tpu.memory_space<vmem_shared>>) offsets(%dma_start3A_63 : memref<128xi32, #tpu.memory_space<vmem>>) semaphore(%run_scoped3A : memref<!tpu.dma_semaphore, #tpu.memory_space<semaphore_mem>>) {add = true}
        %dma_wait3A_67 = arith.constant 0 : i32
        %dma_wait3A_68 = tpu.memref_slice %arg7[%scan3A_50, %dma_wait3A_67] : memref<158x128xi32, #tpu.memory_space<vmem>> -> memref<1x128xi32, #tpu.memory_space<vmem>>
        %dma_wait3A_69 = tpu.memref_squeeze %dma_wait3A_68 : memref<1x128xi32, #tpu.memory_space<vmem>> -> memref<128xi32, #tpu.memory_space<vmem>>
        %dma_wait3A_70 = arith.constant 0 : i32
        %dma_wait3A_71 = arith.constant 0 : i32
        %dma_wait3A_72 = tpu.memref_slice %arg10[%dma_wait3A_70, %dma_wait3A_71] : memref<6024x128xf32, #tpu.memory_space<vmem_shared>> -> memref<6024x128xf32, #tpu.memory_space<vmem_shared>>
        tpu.wait_indirect_dma semaphore(%run_scoped3A : memref<!tpu.dma_semaphore, #tpu.memory_space<semaphore_mem>>) src(%arg8 : memref<128x128xf32, #tpu.memory_space<vmem>>) dst(%dma_wait3A_72 : memref<6024x128xf32, #tpu.memory_space<vmem_shared>>)
        tpu.yield
      }) : () -> ()
    }
    %scan3A_31 = arith.constant 158 : i32
    %barrier3A_32 = arith.constant 0 : index
    tpu.barrier barrier_id(%barrier3A_32)
    %eq3A_33 = arith.constant 15 : i32
    %eq3A_34 = arith.cmpi eq, %arg1, %eq3A_33 : i32
    %jit3A_35 = arith.constant 40 : i32
    %jit3A_36 = arith.constant 39 : i32
    %select_n3A_37 = arith.select %eq3A_34, %jit3A_35, %jit3A_36 : i32
    %mul3A_38 = arith.constant 312 : i32
    %mul3A_39 = arith.muli %arg1, %mul3A_38 : i32
    %while3A_40 = arith.constant 0 : i32
    %while3A_41 = arith.constant 0 : i32
    %while3A_42 = arith.subi %select_n3A_37, %while3A_41 : i32
    %while3A_43 = arith.addi %while3A_41, %while3A_42 : i32
    %while3A_44 = arith.constant 1 : i32
    %while3A_45 = arith.divsi %while3A_42, %while3A_44 : i32
    %while3A_46 = arith.muli %while3A_45, %while3A_44 : i32
    %while3A_47 = arith.addi %while3A_41, %while3A_46 : i32
    %while3A_48 = arith.constant 1 : i32
    scf.for %while3A_50 = %while3A_41 to %while3A_47 step %while3A_48  : i32 {
      %mul3A_51 = arith.constant 8 : i32
      %mul3A_52 = arith.muli %while3A_50, %mul3A_51 : i32
      %add3A = arith.addi %mul3A_39, %mul3A_52 : i32
      %mul3A_53 = arith.constant 5000 : i32
      %mul3A_54 = arith.muli %arg0, %mul3A_53 : i32
      %add3A_55 = arith.addi %mul3A_54, %mul3A_39 : i32
      %mul3A_56 = arith.constant 8 : i32
      %mul3A_57 = arith.muli %while3A_50, %mul3A_56 : i32
      %add3A_58 = arith.addi %add3A_55, %mul3A_57 : i32
      "tpu.region"() ({
        %run_scoped3A = tpu.sem_alloc : memref<!tpu.dma_semaphore, #tpu.memory_space<semaphore_mem>>
        %dma_start3A = arith.constant 0 : i32
        %dma_start3A_59 = tpu.memref_slice %arg4[%add3A_58, %dma_start3A] : memref<10000x128xf32, #tpu.memory_space<hbm>> -> memref<8x128xf32, #tpu.memory_space<hbm>>
        %dma_start3A_60 = arith.constant 0 : i32
        %dma_start3A_61 = tpu.memref_slice %arg10[%add3A, %dma_start3A_60] : memref<6024x128xf32, #tpu.memory_space<vmem_shared>> -> memref<8x128xf32, #tpu.memory_space<vmem_shared>>
        tpu.enqueue_dma source(%dma_start3A_61 : memref<8x128xf32, #tpu.memory_space<vmem_shared>>) target(%dma_start3A_59 : memref<8x128xf32, #tpu.memory_space<hbm>>) target_semaphore(%run_scoped3A : memref<!tpu.dma_semaphore, #tpu.memory_space<semaphore_mem>>)
        %dma_wait3A = arith.constant 0 : i32
        %dma_wait3A_62 = tpu.memref_slice %arg4[%add3A_58, %dma_wait3A] : memref<10000x128xf32, #tpu.memory_space<hbm>> -> memref<8x128xf32, #tpu.memory_space<hbm>>
        %dma_wait3A_63 = arith.constant 0 : i32
        %dma_wait3A_64 = tpu.memref_slice %arg10[%add3A, %dma_wait3A_63] : memref<6024x128xf32, #tpu.memory_space<vmem_shared>> -> memref<8x128xf32, #tpu.memory_space<vmem_shared>>
        tpu.wait_dma2 semaphore(%run_scoped3A : memref<!tpu.dma_semaphore, #tpu.memory_space<semaphore_mem>>) src(%dma_wait3A_64 : memref<8x128xf32, #tpu.memory_space<vmem_shared>>) dst(%dma_wait3A_62 : memref<8x128xf32, #tpu.memory_space<hbm>>)
        tpu.yield
      }) : () -> ()
    }
    %while3A_49 = arith.constant 1 : i32
    scf.for %while3A_50 = %while3A_47 to %while3A_43 step %while3A_49  : i32 {
      %mul3A_51 = arith.constant 8 : i32
      %mul3A_52 = arith.muli %while3A_50, %mul3A_51 : i32
      %add3A = arith.addi %mul3A_39, %mul3A_52 : i32
      %mul3A_53 = arith.constant 5000 : i32
      %mul3A_54 = arith.muli %arg0, %mul3A_53 : i32
      %add3A_55 = arith.addi %mul3A_54, %mul3A_39 : i32
      %mul3A_56 = arith.constant 8 : i32
      %mul3A_57 = arith.muli %while3A_50, %mul3A_56 : i32
      %add3A_58 = arith.addi %add3A_55, %mul3A_57 : i32
      "tpu.region"() ({
        %run_scoped3A = tpu.sem_alloc : memref<!tpu.dma_semaphore, #tpu.memory_space<semaphore_mem>>
        %dma_start3A = arith.constant 0 : i32
        %dma_start3A_59 = tpu.memref_slice %arg4[%add3A_58, %dma_start3A] : memref<10000x128xf32, #tpu.memory_space<hbm>> -> memref<8x128xf32, #tpu.memory_space<hbm>>
        %dma_start3A_60 = arith.constant 0 : i32
        %dma_start3A_61 = tpu.memref_slice %arg10[%add3A, %dma_start3A_60] : memref<6024x128xf32, #tpu.memory_space<vmem_shared>> -> memref<8x128xf32, #tpu.memory_space<vmem_shared>>
        tpu.enqueue_dma source(%dma_start3A_61 : memref<8x128xf32, #tpu.memory_space<vmem_shared>>) target(%dma_start3A_59 : memref<8x128xf32, #tpu.memory_space<hbm>>) target_semaphore(%run_scoped3A : memref<!tpu.dma_semaphore, #tpu.memory_space<semaphore_mem>>)
        %dma_wait3A = arith.constant 0 : i32
        %dma_wait3A_62 = tpu.memref_slice %arg4[%add3A_58, %dma_wait3A] : memref<10000x128xf32, #tpu.memory_space<hbm>> -> memref<8x128xf32, #tpu.memory_space<hbm>>
        %dma_wait3A_63 = arith.constant 0 : i32
        %dma_wait3A_64 = tpu.memref_slice %arg10[%add3A, %dma_wait3A_63] : memref<6024x128xf32, #tpu.memory_space<vmem_shared>> -> memref<8x128xf32, #tpu.memory_space<vmem_shared>>
        tpu.wait_dma2 semaphore(%run_scoped3A : memref<!tpu.dma_semaphore, #tpu.memory_space<semaphore_mem>>) src(%dma_wait3A_64 : memref<8x128xf32, #tpu.memory_space<vmem_shared>>) dst(%dma_wait3A_62 : memref<8x128xf32, #tpu.memory_space<hbm>>)
        tpu.yield
      }) : () -> ()
    }
    return
  }
}

#map = affine_map<(d0, d1) -> (0, 0)>
#map1 = affine_map<(d0, d1) -> (0, 0, 0)>
module attributes {stable_mosaic.version = 14 : i64} {
  func.func @_sc_propagate(%arg0: i32, %arg1: i32, %arg2: memref<10000x128xf32, #tpu.memory_space<hbm>>, %arg3: memref<16x158x128xi32, #tpu.memory_space<hbm>>, %arg4: memref<10000x128xf32, #tpu.memory_space<hbm>>, %arg5: memref<158x128xi32, #tpu.memory_space<vmem>>, %arg6: memref<158x128xi32, #tpu.memory_space<vmem>>, %arg7: memref<158x128xi32, #tpu.memory_space<vmem>>, %arg8: memref<128x128xf32, #tpu.memory_space<vmem>>, %arg9: memref<8x128xf32, #tpu.memory_space<vmem>>, %arg10: memref<6024x128xf32, #tpu.memory_space<vmem_shared>>, %arg11: memref<!tpu.dma_semaphore, #tpu.memory_space<semaphore_mem>>) attributes {dimension_semantics = [#tpu.dimension_semantics<core_parallel>, #tpu.dimension_semantics<subcore_parallel>], iteration_bounds = array<i64: 2, 16>, scalar_prefetch = 0 : i64, scratch_operands = 7 : i64, tpu.core_type = #tpu.core_type<sc_vector_subcore>, window_params = [{transform_indices = #map}, {transform_indices = #map1}, {transform_indices = #map}]} {
    "tpu.region"() ({
      %run_scoped3A = tpu.sem_alloc : memref<!tpu.dma_semaphore, #tpu.memory_space<semaphore_mem>>
      %dma_start3A = arith.constant 0 : i32
      %dma_start3A_50 = arith.constant 0 : i32
      %dma_start3A_51 = tpu.memref_slice %arg3[%arg1, %dma_start3A, %dma_start3A_50] : memref<16x158x128xi32, #tpu.memory_space<hbm>> -> memref<1x158x128xi32, #tpu.memory_space<hbm>>
      %dma_start3A_52 = tpu.memref_squeeze %dma_start3A_51 : memref<1x158x128xi32, #tpu.memory_space<hbm>> -> memref<158x128xi32, #tpu.memory_space<hbm>>
      %dma_start3A_53 = arith.constant 0 : i32
      %dma_start3A_54 = arith.constant 0 : i32
      %dma_start3A_55 = tpu.memref_slice %arg3[%arg1, %dma_start3A_53, %dma_start3A_54] : memref<16x158x128xi32, #tpu.memory_space<hbm>> -> memref<1x158x128xi32, #tpu.memory_space<hbm>>
      %dma_start3A_56 = tpu.memref_squeeze %dma_start3A_55 : memref<1x158x128xi32, #tpu.memory_space<hbm>> -> memref<158x128xi32, #tpu.memory_space<hbm>>
      tpu.enqueue_dma source(%dma_start3A_56 : memref<158x128xi32, #tpu.memory_space<hbm>>) target(%arg5 : memref<158x128xi32, #tpu.memory_space<vmem>>) target_semaphore(%run_scoped3A : memref<!tpu.dma_semaphore, #tpu.memory_space<semaphore_mem>>)
      %dma_wait3A = arith.constant 0 : i32
      %dma_wait3A_57 = arith.constant 0 : i32
      %dma_wait3A_58 = tpu.memref_slice %arg3[%arg1, %dma_wait3A, %dma_wait3A_57] : memref<16x158x128xi32, #tpu.memory_space<hbm>> -> memref<1x158x128xi32, #tpu.memory_space<hbm>>
      %dma_wait3A_59 = tpu.memref_squeeze %dma_wait3A_58 : memref<1x158x128xi32, #tpu.memory_space<hbm>> -> memref<158x128xi32, #tpu.memory_space<hbm>>
      %dma_wait3A_60 = arith.constant 0 : i32
      %dma_wait3A_61 = arith.constant 0 : i32
      %dma_wait3A_62 = tpu.memref_slice %arg3[%arg1, %dma_wait3A_60, %dma_wait3A_61] : memref<16x158x128xi32, #tpu.memory_space<hbm>> -> memref<1x158x128xi32, #tpu.memory_space<hbm>>
      %dma_wait3A_63 = tpu.memref_squeeze %dma_wait3A_62 : memref<1x158x128xi32, #tpu.memory_space<hbm>> -> memref<158x128xi32, #tpu.memory_space<hbm>>
      tpu.wait_dma2 semaphore(%run_scoped3A : memref<!tpu.dma_semaphore, #tpu.memory_space<semaphore_mem>>) src(%dma_wait3A_63 : memref<158x128xi32, #tpu.memory_space<hbm>>) dst(%arg5 : memref<158x128xi32, #tpu.memory_space<vmem>>)
      tpu.yield
    }) : () -> ()
    %mul3A = arith.constant 5000 : i32
    %mul3A_0 = arith.muli %arg0, %mul3A : i32
    %scan3A = arith.constant 0 : i32
    %scan3A_1 = arith.constant 0 : i32
    %scan3A_2 = arith.constant 158 : i32
    %scan3A_3 = arith.addi %scan3A_1, %scan3A_2 : i32
    %scan3A_4 = arith.constant 1 : i32
    scf.for %scan3A_50 = %scan3A_1 to %scan3A_3 step %scan3A_4  : i32 {
      %get3A = arith.index_cast %scan3A_50 : i32 to index
      %get3A_51 = arith.constant 0 : index
      %get3A_52 = tpu.vector_load %arg5[%get3A, %get3A_51] {strides = array<i32>} : memref<158x128xi32, #tpu.memory_space<vmem>>, vector<1x16xi32>,
      %get3A_53 = vector.shape_cast %get3A_52 : vector<1x16xi32> to vector<16xi32>
      %shift_right_logical3A = arith.constant 14 : i32
      %shift_right_logical3A_54 = vector.broadcast %shift_right_logical3A : i32 to vector<16xi32>
      %shift_right_logical3A_55 = arith.shrui %get3A_53, %shift_right_logical3A_54 : vector<16xi32>
      %swap3A = arith.index_cast %scan3A_50 : i32 to index
      %swap3A_56 = arith.constant 0 : index
      %swap3A_57 = tpu.vector_load %arg6[%swap3A, %swap3A_56] {strides = array<i32>} : memref<158x128xi32, #tpu.memory_space<vmem>>, vector<1x16xi32>,
      %swap3A_58 = vector.shape_cast %swap3A_57 : vector<1x16xi32> to vector<16xi32>
      %swap3A_59 = vector.shape_cast %shift_right_logical3A_55 : vector<16xi32> to vector<1x16xi32>
      tpu.vector_store %arg6[%swap3A, %swap3A_56], %swap3A_59 {strides = array<i32>} : memref<158x128xi32, #tpu.memory_space<vmem>>, vector<1x16xi32>,
      %and3A = arith.constant 16383 : i32
      %and3A_60 = vector.broadcast %and3A : i32 to vector<16xi32>
      %and3A_61 = arith.andi %get3A_53, %and3A_60 : vector<16xi32>
      %sub3A = vector.broadcast %mul3A_0 : i32 to vector<16xi32>
      %sub3A_62 = arith.subi %and3A_61, %sub3A : vector<16xi32>
      %ge3A = arith.constant 0 : i32
      %ge3A_63 = vector.broadcast %ge3A : i32 to vector<16xi32>
      %ge3A_64 = arith.cmpi sge, %sub3A_62, %ge3A_63 : vector<16xi32>
      %lt3A = arith.constant 5000 : i32
      %lt3A_65 = vector.broadcast %lt3A : i32 to vector<16xi32>
      %lt3A_66 = arith.cmpi slt, %sub3A_62, %lt3A_65 : vector<16xi32>
      %and3A_67 = arith.andi %ge3A_64, %lt3A_66 : vector<16xi1>
      %and3A_68 = arith.constant 1023 : i32
      %and3A_69 = vector.broadcast %and3A_68 : i32 to vector<16xi32>
      %and3A_70 = arith.andi %and3A_61, %and3A_69 : vector<16xi32>
      %add3A = arith.constant 5000 : i32
      %add3A_71 = vector.broadcast %add3A : i32 to vector<16xi32>
      %add3A_72 = arith.addi %add3A_71, %and3A_70 : vector<16xi32>
      %select_n3A_73 = arith.select %and3A_67, %sub3A_62, %add3A_72 : vector<16xi1>, vector<16xi32>
      %swap3A_74 = arith.index_cast %scan3A_50 : i32 to index
      %swap3A_75 = arith.constant 0 : index
      %swap3A_76 = tpu.vector_load %arg7[%swap3A_74, %swap3A_75] {strides = array<i32>} : memref<158x128xi32, #tpu.memory_space<vmem>>, vector<1x16xi32>,
      %swap3A_77 = vector.shape_cast %swap3A_76 : vector<1x16xi32> to vector<16xi32>
      %swap3A_78 = vector.shape_cast %select_n3A_73 : vector<16xi32> to vector<1x16xi32>
      tpu.vector_store %arg7[%swap3A_74, %swap3A_75], %swap3A_78 {strides = array<i32>} : memref<158x128xi32, #tpu.memory_space<vmem>>, vector<1x16xi32>,
      %get3A_79 = arith.index_cast %scan3A_50 : i32 to index
      %get3A_80 = arith.constant 16 : index
      %get3A_81 = tpu.vector_load %arg5[%get3A_79, %get3A_80] {strides = array<i32>} : memref<158x128xi32, #tpu.memory_space<vmem>>, vector<1x16xi32>,
      %get3A_82 = vector.shape_cast %get3A_81 : vector<1x16xi32> to vector<16xi32>
      %shift_right_logical3A_83 = arith.constant 14 : i32
      %shift_right_logical3A_84 = vector.broadcast %shift_right_logical3A_83 : i32 to vector<16xi32>
      %shift_right_logical3A_85 = arith.shrui %get3A_82, %shift_right_logical3A_84 : vector<16xi32>
      %swap3A_86 = arith.index_cast %scan3A_50 : i32 to index
      %swap3A_87 = arith.constant 16 : index
      %swap3A_88 = tpu.vector_load %arg6[%swap3A_86, %swap3A_87] {strides = array<i32>} : memref<158x128xi32, #tpu.memory_space<vmem>>, vector<1x16xi32>,
      %swap3A_89 = vector.shape_cast %swap3A_88 : vector<1x16xi32> to vector<16xi32>
      %swap3A_90 = vector.shape_cast %shift_right_logical3A_85 : vector<16xi32> to vector<1x16xi32>
      tpu.vector_store %arg6[%swap3A_86, %swap3A_87], %swap3A_90 {strides = array<i32>} : memref<158x128xi32, #tpu.memory_space<vmem>>, vector<1x16xi32>,
      %and3A_91 = arith.constant 16383 : i32
      %and3A_92 = vector.broadcast %and3A_91 : i32 to vector<16xi32>
      %and3A_93 = arith.andi %get3A_82, %and3A_92 : vector<16xi32>
      %sub3A_94 = vector.broadcast %mul3A_0 : i32 to vector<16xi32>
      %sub3A_95 = arith.subi %and3A_93, %sub3A_94 : vector<16xi32>
      %ge3A_96 = arith.constant 0 : i32
      %ge3A_97 = vector.broadcast %ge3A_96 : i32 to vector<16xi32>
      %ge3A_98 = arith.cmpi sge, %sub3A_95, %ge3A_97 : vector<16xi32>
      %lt3A_99 = arith.constant 5000 : i32
      %lt3A_100 = vector.broadcast %lt3A_99 : i32 to vector<16xi32>
      %lt3A_101 = arith.cmpi slt, %sub3A_95, %lt3A_100 : vector<16xi32>
      %and3A_102 = arith.andi %ge3A_98, %lt3A_101 : vector<16xi1>
      %and3A_103 = arith.constant 1023 : i32
      %and3A_104 = vector.broadcast %and3A_103 : i32 to vector<16xi32>
      %and3A_105 = arith.andi %and3A_93, %and3A_104 : vector<16xi32>
      %add3A_106 = arith.constant 5000 : i32
      %add3A_107 = vector.broadcast %add3A_106 : i32 to vector<16xi32>
      %add3A_108 = arith.addi %add3A_107, %and3A_105 : vector<16xi32>
      %select_n3A_109 = arith.select %and3A_102, %sub3A_95, %add3A_108 : vector<16xi1>, vector<16xi32>
      %swap3A_110 = arith.index_cast %scan3A_50 : i32 to index
      %swap3A_111 = arith.constant 16 : index
      %swap3A_112 = tpu.vector_load %arg7[%swap3A_110, %swap3A_111] {strides = array<i32>} : memref<158x128xi32, #tpu.memory_space<vmem>>, vector<1x16xi32>,
      %swap3A_113 = vector.shape_cast %swap3A_112 : vector<1x16xi32> to vector<16xi32>
      %swap3A_114 = vector.shape_cast %select_n3A_109 : vector<16xi32> to vector<1x16xi32>
      tpu.vector_store %arg7[%swap3A_110, %swap3A_111], %swap3A_114 {strides = array<i32>} : memref<158x128xi32, #tpu.memory_space<vmem>>, vector<1x16xi32>,
      %get3A_115 = arith.index_cast %scan3A_50 : i32 to index
      %get3A_116 = arith.constant 32 : index
      %get3A_117 = tpu.vector_load %arg5[%get3A_115, %get3A_116] {strides = array<i32>} : memref<158x128xi32, #tpu.memory_space<vmem>>, vector<1x16xi32>,
      %get3A_118 = vector.shape_cast %get3A_117 : vector<1x16xi32> to vector<16xi32>
      %shift_right_logical3A_119 = arith.constant 14 : i32
      %shift_right_logical3A_120 = vector.broadcast %shift_right_logical3A_119 : i32 to vector<16xi32>
      %shift_right_logical3A_121 = arith.shrui %get3A_118, %shift_right_logical3A_120 : vector<16xi32>
      %swap3A_122 = arith.index_cast %scan3A_50 : i32 to index
      %swap3A_123 = arith.constant 32 : index
      %swap3A_124 = tpu.vector_load %arg6[%swap3A_122, %swap3A_123] {strides = array<i32>} : memref<158x128xi32, #tpu.memory_space<vmem>>, vector<1x16xi32>,
      %swap3A_125 = vector.shape_cast %swap3A_124 : vector<1x16xi32> to vector<16xi32>
      %swap3A_126 = vector.shape_cast %shift_right_logical3A_121 : vector<16xi32> to vector<1x16xi32>
      tpu.vector_store %arg6[%swap3A_122, %swap3A_123], %swap3A_126 {strides = array<i32>} : memref<158x128xi32, #tpu.memory_space<vmem>>, vector<1x16xi32>,
      %and3A_127 = arith.constant 16383 : i32
      %and3A_128 = vector.broadcast %and3A_127 : i32 to vector<16xi32>
      %and3A_129 = arith.andi %get3A_118, %and3A_128 : vector<16xi32>
      %sub3A_130 = vector.broadcast %mul3A_0 : i32 to vector<16xi32>
      %sub3A_131 = arith.subi %and3A_129, %sub3A_130 : vector<16xi32>
      %ge3A_132 = arith.constant 0 : i32
      %ge3A_133 = vector.broadcast %ge3A_132 : i32 to vector<16xi32>
      %ge3A_134 = arith.cmpi sge, %sub3A_131, %ge3A_133 : vector<16xi32>
      %lt3A_135 = arith.constant 5000 : i32
      %lt3A_136 = vector.broadcast %lt3A_135 : i32 to vector<16xi32>
      %lt3A_137 = arith.cmpi slt, %sub3A_131, %lt3A_136 : vector<16xi32>
      %and3A_138 = arith.andi %ge3A_134, %lt3A_137 : vector<16xi1>
      %and3A_139 = arith.constant 1023 : i32
      %and3A_140 = vector.broadcast %and3A_139 : i32 to vector<16xi32>
      %and3A_141 = arith.andi %and3A_129, %and3A_140 : vector<16xi32>
      %add3A_142 = arith.constant 5000 : i32
      %add3A_143 = vector.broadcast %add3A_142 : i32 to vector<16xi32>
      %add3A_144 = arith.addi %add3A_143, %and3A_141 : vector<16xi32>
      %select_n3A_145 = arith.select %and3A_138, %sub3A_131, %add3A_144 : vector<16xi1>, vector<16xi32>
      %swap3A_146 = arith.index_cast %scan3A_50 : i32 to index
      %swap3A_147 = arith.constant 32 : index
      %swap3A_148 = tpu.vector_load %arg7[%swap3A_146, %swap3A_147] {strides = array<i32>} : memref<158x128xi32, #tpu.memory_space<vmem>>, vector<1x16xi32>,
      %swap3A_149 = vector.shape_cast %swap3A_148 : vector<1x16xi32> to vector<16xi32>
      %swap3A_150 = vector.shape_cast %select_n3A_145 : vector<16xi32> to vector<1x16xi32>
      tpu.vector_store %arg7[%swap3A_146, %swap3A_147], %swap3A_150 {strides = array<i32>} : memref<158x128xi32, #tpu.memory_space<vmem>>, vector<1x16xi32>,
      %get3A_151 = arith.index_cast %scan3A_50 : i32 to index
      %get3A_152 = arith.constant 48 : index
      %get3A_153 = tpu.vector_load %arg5[%get3A_151, %get3A_152] {strides = array<i32>} : memref<158x128xi32, #tpu.memory_space<vmem>>, vector<1x16xi32>,
      %get3A_154 = vector.shape_cast %get3A_153 : vector<1x16xi32> to vector<16xi32>
      %shift_right_logical3A_155 = arith.constant 14 : i32
      %shift_right_logical3A_156 = vector.broadcast %shift_right_logical3A_155 : i32 to vector<16xi32>
      %shift_right_logical3A_157 = arith.shrui %get3A_154, %shift_right_logical3A_156 : vector<16xi32>
      %swap3A_158 = arith.index_cast %scan3A_50 : i32 to index
      %swap3A_159 = arith.constant 48 : index
      %swap3A_160 = tpu.vector_load %arg6[%swap3A_158, %swap3A_159] {strides = array<i32>} : memref<158x128xi32, #tpu.memory_space<vmem>>, vector<1x16xi32>,
      %swap3A_161 = vector.shape_cast %swap3A_160 : vector<1x16xi32> to vector<16xi32>
      %swap3A_162 = vector.shape_cast %shift_right_logical3A_157 : vector<16xi32> to vector<1x16xi32>
      tpu.vector_store %arg6[%swap3A_158, %swap3A_159], %swap3A_162 {strides = array<i32>} : memref<158x128xi32, #tpu.memory_space<vmem>>, vector<1x16xi32>,
      %and3A_163 = arith.constant 16383 : i32
      %and3A_164 = vector.broadcast %and3A_163 : i32 to vector<16xi32>
      %and3A_165 = arith.andi %get3A_154, %and3A_164 : vector<16xi32>
      %sub3A_166 = vector.broadcast %mul3A_0 : i32 to vector<16xi32>
      %sub3A_167 = arith.subi %and3A_165, %sub3A_166 : vector<16xi32>
      %ge3A_168 = arith.constant 0 : i32
      %ge3A_169 = vector.broadcast %ge3A_168 : i32 to vector<16xi32>
      %ge3A_170 = arith.cmpi sge, %sub3A_167, %ge3A_169 : vector<16xi32>
      %lt3A_171 = arith.constant 5000 : i32
      %lt3A_172 = vector.broadcast %lt3A_171 : i32 to vector<16xi32>
      %lt3A_173 = arith.cmpi slt, %sub3A_167, %lt3A_172 : vector<16xi32>
      %and3A_174 = arith.andi %ge3A_170, %lt3A_173 : vector<16xi1>
      %and3A_175 = arith.constant 1023 : i32
      %and3A_176 = vector.broadcast %and3A_175 : i32 to vector<16xi32>
      %and3A_177 = arith.andi %and3A_165, %and3A_176 : vector<16xi32>
      %add3A_178 = arith.constant 5000 : i32
      %add3A_179 = vector.broadcast %add3A_178 : i32 to vector<16xi32>
      %add3A_180 = arith.addi %add3A_179, %and3A_177 : vector<16xi32>
      %select_n3A_181 = arith.select %and3A_174, %sub3A_167, %add3A_180 : vector<16xi1>, vector<16xi32>
      %swap3A_182 = arith.index_cast %scan3A_50 : i32 to index
      %swap3A_183 = arith.constant 48 : index
      %swap3A_184 = tpu.vector_load %arg7[%swap3A_182, %swap3A_183] {strides = array<i32>} : memref<158x128xi32, #tpu.memory_space<vmem>>, vector<1x16xi32>,
      %swap3A_185 = vector.shape_cast %swap3A_184 : vector<1x16xi32> to vector<16xi32>
      %swap3A_186 = vector.shape_cast %select_n3A_181 : vector<16xi32> to vector<1x16xi32>
      tpu.vector_store %arg7[%swap3A_182, %swap3A_183], %swap3A_186 {strides = array<i32>} : memref<158x128xi32, #tpu.memory_space<vmem>>, vector<1x16xi32>,
      %get3A_187 = arith.index_cast %scan3A_50 : i32 to index
      %get3A_188 = arith.constant 64 : index
      %get3A_189 = tpu.vector_load %arg5[%get3A_187, %get3A_188] {strides = array<i32>} : memref<158x128xi32, #tpu.memory_space<vmem>>, vector<1x16xi32>,
      %get3A_190 = vector.shape_cast %get3A_189 : vector<1x16xi32> to vector<16xi32>
      %shift_right_logical3A_191 = arith.constant 14 : i32
      %shift_right_logical3A_192 = vector.broadcast %shift_right_logical3A_191 : i32 to vector<16xi32>
      %shift_right_logical3A_193 = arith.shrui %get3A_190, %shift_right_logical3A_192 : vector<16xi32>
      %swap3A_194 = arith.index_cast %scan3A_50 : i32 to index
      %swap3A_195 = arith.constant 64 : index
      %swap3A_196 = tpu.vector_load %arg6[%swap3A_194, %swap3A_195] {strides = array<i32>} : memref<158x128xi32, #tpu.memory_space<vmem>>, vector<1x16xi32>,
      %swap3A_197 = vector.shape_cast %swap3A_196 : vector<1x16xi32> to vector<16xi32>
      %swap3A_198 = vector.shape_cast %shift_right_logical3A_193 : vector<16xi32> to vector<1x16xi32>
      tpu.vector_store %arg6[%swap3A_194, %swap3A_195], %swap3A_198 {strides = array<i32>} : memref<158x128xi32, #tpu.memory_space<vmem>>, vector<1x16xi32>,
      %and3A_199 = arith.constant 16383 : i32
      %and3A_200 = vector.broadcast %and3A_199 : i32 to vector<16xi32>
      %and3A_201 = arith.andi %get3A_190, %and3A_200 : vector<16xi32>
      %sub3A_202 = vector.broadcast %mul3A_0 : i32 to vector<16xi32>
      %sub3A_203 = arith.subi %and3A_201, %sub3A_202 : vector<16xi32>
      %ge3A_204 = arith.constant 0 : i32
      %ge3A_205 = vector.broadcast %ge3A_204 : i32 to vector<16xi32>
      %ge3A_206 = arith.cmpi sge, %sub3A_203, %ge3A_205 : vector<16xi32>
      %lt3A_207 = arith.constant 5000 : i32
      %lt3A_208 = vector.broadcast %lt3A_207 : i32 to vector<16xi32>
      %lt3A_209 = arith.cmpi slt, %sub3A_203, %lt3A_208 : vector<16xi32>
      %and3A_210 = arith.andi %ge3A_206, %lt3A_209 : vector<16xi1>
      %and3A_211 = arith.constant 1023 : i32
      %and3A_212 = vector.broadcast %and3A_211 : i32 to vector<16xi32>
      %and3A_213 = arith.andi %and3A_201, %and3A_212 : vector<16xi32>
      %add3A_214 = arith.constant 5000 : i32
      %add3A_215 = vector.broadcast %add3A_214 : i32 to vector<16xi32>
      %add3A_216 = arith.addi %add3A_215, %and3A_213 : vector<16xi32>
      %select_n3A_217 = arith.select %and3A_210, %sub3A_203, %add3A_216 : vector<16xi1>, vector<16xi32>
      %swap3A_218 = arith.index_cast %scan3A_50 : i32 to index
      %swap3A_219 = arith.constant 64 : index
      %swap3A_220 = tpu.vector_load %arg7[%swap3A_218, %swap3A_219] {strides = array<i32>} : memref<158x128xi32, #tpu.memory_space<vmem>>, vector<1x16xi32>,
      %swap3A_221 = vector.shape_cast %swap3A_220 : vector<1x16xi32> to vector<16xi32>
      %swap3A_222 = vector.shape_cast %select_n3A_217 : vector<16xi32> to vector<1x16xi32>
      tpu.vector_store %arg7[%swap3A_218, %swap3A_219], %swap3A_222 {strides = array<i32>} : memref<158x128xi32, #tpu.memory_space<vmem>>, vector<1x16xi32>,
      %get3A_223 = arith.index_cast %scan3A_50 : i32 to index
      %get3A_224 = arith.constant 80 : index
      %get3A_225 = tpu.vector_load %arg5[%get3A_223, %get3A_224] {strides = array<i32>} : memref<158x128xi32, #tpu.memory_space<vmem>>, vector<1x16xi32>,
      %get3A_226 = vector.shape_cast %get3A_225 : vector<1x16xi32> to vector<16xi32>
      %shift_right_logical3A_227 = arith.constant 14 : i32
      %shift_right_logical3A_228 = vector.broadcast %shift_right_logical3A_227 : i32 to vector<16xi32>
      %shift_right_logical3A_229 = arith.shrui %get3A_226, %shift_right_logical3A_228 : vector<16xi32>
      %swap3A_230 = arith.index_cast %scan3A_50 : i32 to index
      %swap3A_231 = arith.constant 80 : index
      %swap3A_232 = tpu.vector_load %arg6[%swap3A_230, %swap3A_231] {strides = array<i32>} : memref<158x128xi32, #tpu.memory_space<vmem>>, vector<1x16xi32>,
      %swap3A_233 = vector.shape_cast %swap3A_232 : vector<1x16xi32> to vector<16xi32>
      %swap3A_234 = vector.shape_cast %shift_right_logical3A_229 : vector<16xi32> to vector<1x16xi32>
      tpu.vector_store %arg6[%swap3A_230, %swap3A_231], %swap3A_234 {strides = array<i32>} : memref<158x128xi32, #tpu.memory_space<vmem>>, vector<1x16xi32>,
      %and3A_235 = arith.constant 16383 : i32
      %and3A_236 = vector.broadcast %and3A_235 : i32 to vector<16xi32>
      %and3A_237 = arith.andi %get3A_226, %and3A_236 : vector<16xi32>
      %sub3A_238 = vector.broadcast %mul3A_0 : i32 to vector<16xi32>
      %sub3A_239 = arith.subi %and3A_237, %sub3A_238 : vector<16xi32>
      %ge3A_240 = arith.constant 0 : i32
      %ge3A_241 = vector.broadcast %ge3A_240 : i32 to vector<16xi32>
      %ge3A_242 = arith.cmpi sge, %sub3A_239, %ge3A_241 : vector<16xi32>
      %lt3A_243 = arith.constant 5000 : i32
      %lt3A_244 = vector.broadcast %lt3A_243 : i32 to vector<16xi32>
      %lt3A_245 = arith.cmpi slt, %sub3A_239, %lt3A_244 : vector<16xi32>
      %and3A_246 = arith.andi %ge3A_242, %lt3A_245 : vector<16xi1>
      %and3A_247 = arith.constant 1023 : i32
      %and3A_248 = vector.broadcast %and3A_247 : i32 to vector<16xi32>
      %and3A_249 = arith.andi %and3A_237, %and3A_248 : vector<16xi32>
      %add3A_250 = arith.constant 5000 : i32
      %add3A_251 = vector.broadcast %add3A_250 : i32 to vector<16xi32>
      %add3A_252 = arith.addi %add3A_251, %and3A_249 : vector<16xi32>
      %select_n3A_253 = arith.select %and3A_246, %sub3A_239, %add3A_252 : vector<16xi1>, vector<16xi32>
      %swap3A_254 = arith.index_cast %scan3A_50 : i32 to index
      %swap3A_255 = arith.constant 80 : index
      %swap3A_256 = tpu.vector_load %arg7[%swap3A_254, %swap3A_255] {strides = array<i32>} : memref<158x128xi32, #tpu.memory_space<vmem>>, vector<1x16xi32>,
      %swap3A_257 = vector.shape_cast %swap3A_256 : vector<1x16xi32> to vector<16xi32>
      %swap3A_258 = vector.shape_cast %select_n3A_253 : vector<16xi32> to vector<1x16xi32>
      tpu.vector_store %arg7[%swap3A_254, %swap3A_255], %swap3A_258 {strides = array<i32>} : memref<158x128xi32, #tpu.memory_space<vmem>>, vector<1x16xi32>,
      %get3A_259 = arith.index_cast %scan3A_50 : i32 to index
      %get3A_260 = arith.constant 96 : index
      %get3A_261 = tpu.vector_load %arg5[%get3A_259, %get3A_260] {strides = array<i32>} : memref<158x128xi32, #tpu.memory_space<vmem>>, vector<1x16xi32>,
      %get3A_262 = vector.shape_cast %get3A_261 : vector<1x16xi32> to vector<16xi32>
      %shift_right_logical3A_263 = arith.constant 14 : i32
      %shift_right_logical3A_264 = vector.broadcast %shift_right_logical3A_263 : i32 to vector<16xi32>
      %shift_right_logical3A_265 = arith.shrui %get3A_262, %shift_right_logical3A_264 : vector<16xi32>
      %swap3A_266 = arith.index_cast %scan3A_50 : i32 to index
      %swap3A_267 = arith.constant 96 : index
      %swap3A_268 = tpu.vector_load %arg6[%swap3A_266, %swap3A_267] {strides = array<i32>} : memref<158x128xi32, #tpu.memory_space<vmem>>, vector<1x16xi32>,
      %swap3A_269 = vector.shape_cast %swap3A_268 : vector<1x16xi32> to vector<16xi32>
      %swap3A_270 = vector.shape_cast %shift_right_logical3A_265 : vector<16xi32> to vector<1x16xi32>
      tpu.vector_store %arg6[%swap3A_266, %swap3A_267], %swap3A_270 {strides = array<i32>} : memref<158x128xi32, #tpu.memory_space<vmem>>, vector<1x16xi32>,
      %and3A_271 = arith.constant 16383 : i32
      %and3A_272 = vector.broadcast %and3A_271 : i32 to vector<16xi32>
      %and3A_273 = arith.andi %get3A_262, %and3A_272 : vector<16xi32>
      %sub3A_274 = vector.broadcast %mul3A_0 : i32 to vector<16xi32>
      %sub3A_275 = arith.subi %and3A_273, %sub3A_274 : vector<16xi32>
      %ge3A_276 = arith.constant 0 : i32
      %ge3A_277 = vector.broadcast %ge3A_276 : i32 to vector<16xi32>
      %ge3A_278 = arith.cmpi sge, %sub3A_275, %ge3A_277 : vector<16xi32>
      %lt3A_279 = arith.constant 5000 : i32
      %lt3A_280 = vector.broadcast %lt3A_279 : i32 to vector<16xi32>
      %lt3A_281 = arith.cmpi slt, %sub3A_275, %lt3A_280 : vector<16xi32>
      %and3A_282 = arith.andi %ge3A_278, %lt3A_281 : vector<16xi1>
      %and3A_283 = arith.constant 1023 : i32
      %and3A_284 = vector.broadcast %and3A_283 : i32 to vector<16xi32>
      %and3A_285 = arith.andi %and3A_273, %and3A_284 : vector<16xi32>
      %add3A_286 = arith.constant 5000 : i32
      %add3A_287 = vector.broadcast %add3A_286 : i32 to vector<16xi32>
      %add3A_288 = arith.addi %add3A_287, %and3A_285 : vector<16xi32>
      %select_n3A_289 = arith.select %and3A_282, %sub3A_275, %add3A_288 : vector<16xi1>, vector<16xi32>
      %swap3A_290 = arith.index_cast %scan3A_50 : i32 to index
      %swap3A_291 = arith.constant 96 : index
      %swap3A_292 = tpu.vector_load %arg7[%swap3A_290, %swap3A_291] {strides = array<i32>} : memref<158x128xi32, #tpu.memory_space<vmem>>, vector<1x16xi32>,
      %swap3A_293 = vector.shape_cast %swap3A_292 : vector<1x16xi32> to vector<16xi32>
      %swap3A_294 = vector.shape_cast %select_n3A_289 : vector<16xi32> to vector<1x16xi32>
      tpu.vector_store %arg7[%swap3A_290, %swap3A_291], %swap3A_294 {strides = array<i32>} : memref<158x128xi32, #tpu.memory_space<vmem>>, vector<1x16xi32>,
      %get3A_295 = arith.index_cast %scan3A_50 : i32 to index
      %get3A_296 = arith.constant 112 : index
      %get3A_297 = tpu.vector_load %arg5[%get3A_295, %get3A_296] {strides = array<i32>} : memref<158x128xi32, #tpu.memory_space<vmem>>, vector<1x16xi32>,
      %get3A_298 = vector.shape_cast %get3A_297 : vector<1x16xi32> to vector<16xi32>
      %shift_right_logical3A_299 = arith.constant 14 : i32
      %shift_right_logical3A_300 = vector.broadcast %shift_right_logical3A_299 : i32 to vector<16xi32>
      %shift_right_logical3A_301 = arith.shrui %get3A_298, %shift_right_logical3A_300 : vector<16xi32>
      %swap3A_302 = arith.index_cast %scan3A_50 : i32 to index
      %swap3A_303 = arith.constant 112 : index
      %swap3A_304 = tpu.vector_load %arg6[%swap3A_302, %swap3A_303] {strides = array<i32>} : memref<158x128xi32, #tpu.memory_space<vmem>>, vector<1x16xi32>,
      %swap3A_305 = vector.shape_cast %swap3A_304 : vector<1x16xi32> to vector<16xi32>
      %swap3A_306 = vector.shape_cast %shift_right_logical3A_301 : vector<16xi32> to vector<1x16xi32>
      tpu.vector_store %arg6[%swap3A_302, %swap3A_303], %swap3A_306 {strides = array<i32>} : memref<158x128xi32, #tpu.memory_space<vmem>>, vector<1x16xi32>,
      %and3A_307 = arith.constant 16383 : i32
      %and3A_308 = vector.broadcast %and3A_307 : i32 to vector<16xi32>
      %and3A_309 = arith.andi %get3A_298, %and3A_308 : vector<16xi32>
      %sub3A_310 = vector.broadcast %mul3A_0 : i32 to vector<16xi32>
      %sub3A_311 = arith.subi %and3A_309, %sub3A_310 : vector<16xi32>
      %ge3A_312 = arith.constant 0 : i32
      %ge3A_313 = vector.broadcast %ge3A_312 : i32 to vector<16xi32>
      %ge3A_314 = arith.cmpi sge, %sub3A_311, %ge3A_313 : vector<16xi32>
      %lt3A_315 = arith.constant 5000 : i32
      %lt3A_316 = vector.broadcast %lt3A_315 : i32 to vector<16xi32>
      %lt3A_317 = arith.cmpi slt, %sub3A_311, %lt3A_316 : vector<16xi32>
      %and3A_318 = arith.andi %ge3A_314, %lt3A_317 : vector<16xi1>
      %and3A_319 = arith.constant 1023 : i32
      %and3A_320 = vector.broadcast %and3A_319 : i32 to vector<16xi32>
      %and3A_321 = arith.andi %and3A_309, %and3A_320 : vector<16xi32>
      %add3A_322 = arith.constant 5000 : i32
      %add3A_323 = vector.broadcast %add3A_322 : i32 to vector<16xi32>
      %add3A_324 = arith.addi %add3A_323, %and3A_321 : vector<16xi32>
      %select_n3A_325 = arith.select %and3A_318, %sub3A_311, %add3A_324 : vector<16xi1>, vector<16xi32>
      %swap3A_326 = arith.index_cast %scan3A_50 : i32 to index
      %swap3A_327 = arith.constant 112 : index
      %swap3A_328 = tpu.vector_load %arg7[%swap3A_326, %swap3A_327] {strides = array<i32>} : memref<158x128xi32, #tpu.memory_space<vmem>>, vector<1x16xi32>,
      %swap3A_329 = vector.shape_cast %swap3A_328 : vector<1x16xi32> to vector<16xi32>
      %swap3A_330 = vector.shape_cast %select_n3A_325 : vector<16xi32> to vector<1x16xi32>
      tpu.vector_store %arg7[%swap3A_326, %swap3A_327], %swap3A_330 {strides = array<i32>} : memref<158x128xi32, #tpu.memory_space<vmem>>, vector<1x16xi32>,
    }
    %scan3A_5 = arith.constant 158 : i32
    %broadcast_in_dim3A = arith.constant 0.000000e+00 : f32
    %broadcast_in_dim3A_6 = vector.broadcast %broadcast_in_dim3A : f32 to vector<16xf32>
    %scan3A_7 = arith.constant 0 : i32
    %scan3A_8 = arith.constant 0 : i32
    %scan3A_9 = arith.constant 8 : i32
    %scan3A_10 = arith.addi %scan3A_8, %scan3A_9 : i32
    %scan3A_11 = arith.constant 1 : i32
    scf.for %scan3A_50 = %scan3A_8 to %scan3A_10 step %scan3A_11  : i32 {
      %swap3A = arith.index_cast %scan3A_50 : i32 to index
      %swap3A_51 = arith.constant 0 : index
      %swap3A_52 = tpu.vector_load %arg9[%swap3A, %swap3A_51] {strides = array<i32>} : memref<8x128xf32, #tpu.memory_space<vmem>>, vector<1x16xf32>,
      %swap3A_53 = vector.shape_cast %swap3A_52 : vector<1x16xf32> to vector<16xf32>
      %swap3A_54 = vector.shape_cast %broadcast_in_dim3A_6 : vector<16xf32> to vector<1x16xf32>
      tpu.vector_store %arg9[%swap3A, %swap3A_51], %swap3A_54 {strides = array<i32>} : memref<8x128xf32, #tpu.memory_space<vmem>>, vector<1x16xf32>,
      %swap3A_55 = arith.index_cast %scan3A_50 : i32 to index
      %swap3A_56 = arith.constant 16 : index
      %swap3A_57 = tpu.vector_load %arg9[%swap3A_55, %swap3A_56] {strides = array<i32>} : memref<8x128xf32, #tpu.memory_space<vmem>>, vector<1x16xf32>,
      %swap3A_58 = vector.shape_cast %swap3A_57 : vector<1x16xf32> to vector<16xf32>
      %swap3A_59 = vector.shape_cast %broadcast_in_dim3A_6 : vector<16xf32> to vector<1x16xf32>
      tpu.vector_store %arg9[%swap3A_55, %swap3A_56], %swap3A_59 {strides = array<i32>} : memref<8x128xf32, #tpu.memory_space<vmem>>, vector<1x16xf32>,
      %swap3A_60 = arith.index_cast %scan3A_50 : i32 to index
      %swap3A_61 = arith.constant 32 : index
      %swap3A_62 = tpu.vector_load %arg9[%swap3A_60, %swap3A_61] {strides = array<i32>} : memref<8x128xf32, #tpu.memory_space<vmem>>, vector<1x16xf32>,
      %swap3A_63 = vector.shape_cast %swap3A_62 : vector<1x16xf32> to vector<16xf32>
      %swap3A_64 = vector.shape_cast %broadcast_in_dim3A_6 : vector<16xf32> to vector<1x16xf32>
      tpu.vector_store %arg9[%swap3A_60, %swap3A_61], %swap3A_64 {strides = array<i32>} : memref<8x128xf32, #tpu.memory_space<vmem>>, vector<1x16xf32>,
      %swap3A_65 = arith.index_cast %scan3A_50 : i32 to index
      %swap3A_66 = arith.constant 48 : index
      %swap3A_67 = tpu.vector_load %arg9[%swap3A_65, %swap3A_66] {strides = array<i32>} : memref<8x128xf32, #tpu.memory_space<vmem>>, vector<1x16xf32>,
      %swap3A_68 = vector.shape_cast %swap3A_67 : vector<1x16xf32> to vector<16xf32>
      %swap3A_69 = vector.shape_cast %broadcast_in_dim3A_6 : vector<16xf32> to vector<1x16xf32>
      tpu.vector_store %arg9[%swap3A_65, %swap3A_66], %swap3A_69 {strides = array<i32>} : memref<8x128xf32, #tpu.memory_space<vmem>>, vector<1x16xf32>,
      %swap3A_70 = arith.index_cast %scan3A_50 : i32 to index
      %swap3A_71 = arith.constant 64 : index
      %swap3A_72 = tpu.vector_load %arg9[%swap3A_70, %swap3A_71] {strides = array<i32>} : memref<8x128xf32, #tpu.memory_space<vmem>>, vector<1x16xf32>,
      %swap3A_73 = vector.shape_cast %swap3A_72 : vector<1x16xf32> to vector<16xf32>
      %swap3A_74 = vector.shape_cast %broadcast_in_dim3A_6 : vector<16xf32> to vector<1x16xf32>
      tpu.vector_store %arg9[%swap3A_70, %swap3A_71], %swap3A_74 {strides = array<i32>} : memref<8x128xf32, #tpu.memory_space<vmem>>, vector<1x16xf32>,
      %swap3A_75 = arith.index_cast %scan3A_50 : i32 to index
      %swap3A_76 = arith.constant 80 : index
      %swap3A_77 = tpu.vector_load %arg9[%swap3A_75, %swap3A_76] {strides = array<i32>} : memref<8x128xf32, #tpu.memory_space<vmem>>, vector<1x16xf32>,
      %swap3A_78 = vector.shape_cast %swap3A_77 : vector<1x16xf32> to vector<16xf32>
      %swap3A_79 = vector.shape_cast %broadcast_in_dim3A_6 : vector<16xf32> to vector<1x16xf32>
      tpu.vector_store %arg9[%swap3A_75, %swap3A_76], %swap3A_79 {strides = array<i32>} : memref<8x128xf32, #tpu.memory_space<vmem>>, vector<1x16xf32>,
      %swap3A_80 = arith.index_cast %scan3A_50 : i32 to index
      %swap3A_81 = arith.constant 96 : index
      %swap3A_82 = tpu.vector_load %arg9[%swap3A_80, %swap3A_81] {strides = array<i32>} : memref<8x128xf32, #tpu.memory_space<vmem>>, vector<1x16xf32>,
      %swap3A_83 = vector.shape_cast %swap3A_82 : vector<1x16xf32> to vector<16xf32>
      %swap3A_84 = vector.shape_cast %broadcast_in_dim3A_6 : vector<16xf32> to vector<1x16xf32>
      tpu.vector_store %arg9[%swap3A_80, %swap3A_81], %swap3A_84 {strides = array<i32>} : memref<8x128xf32, #tpu.memory_space<vmem>>, vector<1x16xf32>,
      %swap3A_85 = arith.index_cast %scan3A_50 : i32 to index
      %swap3A_86 = arith.constant 112 : index
      %swap3A_87 = tpu.vector_load %arg9[%swap3A_85, %swap3A_86] {strides = array<i32>} : memref<8x128xf32, #tpu.memory_space<vmem>>, vector<1x16xf32>,
      %swap3A_88 = vector.shape_cast %swap3A_87 : vector<1x16xf32> to vector<16xf32>
      %swap3A_89 = vector.shape_cast %broadcast_in_dim3A_6 : vector<16xf32> to vector<1x16xf32>
      tpu.vector_store %arg9[%swap3A_85, %swap3A_86], %swap3A_89 {strides = array<i32>} : memref<8x128xf32, #tpu.memory_space<vmem>>, vector<1x16xf32>,
    }
    %scan3A_12 = arith.constant 8 : i32
    %eq3A = arith.constant 15 : i32
    %eq3A_13 = arith.cmpi eq, %arg1, %eq3A : i32
    %jit3A = arith.constant 41 : i32
    %jit3A_14 = arith.constant 39 : i32
    %select_n3A = arith.select %eq3A_13, %jit3A, %jit3A_14 : i32
    %mul3A_15 = arith.constant 312 : i32
    %mul3A_16 = arith.muli %arg1, %mul3A_15 : i32
    %while3A = arith.constant 0 : i32
    %while3A_17 = arith.constant 0 : i32
    %while3A_18 = arith.subi %select_n3A, %while3A_17 : i32
    %while3A_19 = arith.addi %while3A_17, %while3A_18 : i32
    %while3A_20 = arith.constant 1 : i32
    %while3A_21 = arith.divsi %while3A_18, %while3A_20 : i32
    %while3A_22 = arith.muli %while3A_21, %while3A_20 : i32
    %while3A_23 = arith.addi %while3A_17, %while3A_22 : i32
    %while3A_24 = arith.constant 1 : i32
    scf.for %while3A_50 = %while3A_17 to %while3A_23 step %while3A_24  : i32 {
      %mul3A_51 = arith.constant 8 : i32
      %mul3A_52 = arith.muli %while3A_50, %mul3A_51 : i32
      %add3A = arith.addi %mul3A_16, %mul3A_52 : i32
      "tpu.region"() ({
        %run_scoped3A = tpu.sem_alloc : memref<!tpu.dma_semaphore, #tpu.memory_space<semaphore_mem>>
        %dma_start3A = arith.constant 0 : i32
        %dma_start3A_53 = tpu.memref_slice %arg10[%add3A, %dma_start3A] : memref<6024x128xf32, #tpu.memory_space<vmem_shared>> -> memref<8x128xf32, #tpu.memory_space<vmem_shared>>
        %dma_start3A_54 = arith.constant 0 : i32
        %dma_start3A_55 = tpu.memref_slice %arg10[%add3A, %dma_start3A_54] : memref<6024x128xf32, #tpu.memory_space<vmem_shared>> -> memref<8x128xf32, #tpu.memory_space<vmem_shared>>
        tpu.enqueue_dma source(%arg9 : memref<8x128xf32, #tpu.memory_space<vmem>>) target(%dma_start3A_55 : memref<8x128xf32, #tpu.memory_space<vmem_shared>>) target_semaphore(%run_scoped3A : memref<!tpu.dma_semaphore, #tpu.memory_space<semaphore_mem>>)
        %dma_wait3A = arith.constant 0 : i32
        %dma_wait3A_56 = tpu.memref_slice %arg10[%add3A, %dma_wait3A] : memref<6024x128xf32, #tpu.memory_space<vmem_shared>> -> memref<8x128xf32, #tpu.memory_space<vmem_shared>>
        %dma_wait3A_57 = arith.constant 0 : i32
        %dma_wait3A_58 = tpu.memref_slice %arg10[%add3A, %dma_wait3A_57] : memref<6024x128xf32, #tpu.memory_space<vmem_shared>> -> memref<8x128xf32, #tpu.memory_space<vmem_shared>>
        tpu.wait_dma2 semaphore(%run_scoped3A : memref<!tpu.dma_semaphore, #tpu.memory_space<semaphore_mem>>) src(%arg9 : memref<8x128xf32, #tpu.memory_space<vmem>>) dst(%dma_wait3A_58 : memref<8x128xf32, #tpu.memory_space<vmem_shared>>)
        tpu.yield
      }) : () -> ()
    }
    %while3A_25 = arith.constant 1 : i32
    scf.for %while3A_50 = %while3A_23 to %while3A_19 step %while3A_25  : i32 {
      %mul3A_51 = arith.constant 8 : i32
      %mul3A_52 = arith.muli %while3A_50, %mul3A_51 : i32
      %add3A = arith.addi %mul3A_16, %mul3A_52 : i32
      "tpu.region"() ({
        %run_scoped3A = tpu.sem_alloc : memref<!tpu.dma_semaphore, #tpu.memory_space<semaphore_mem>>
        %dma_start3A = arith.constant 0 : i32
        %dma_start3A_53 = tpu.memref_slice %arg10[%add3A, %dma_start3A] : memref<6024x128xf32, #tpu.memory_space<vmem_shared>> -> memref<8x128xf32, #tpu.memory_space<vmem_shared>>
        %dma_start3A_54 = arith.constant 0 : i32
        %dma_start3A_55 = tpu.memref_slice %arg10[%add3A, %dma_start3A_54] : memref<6024x128xf32, #tpu.memory_space<vmem_shared>> -> memref<8x128xf32, #tpu.memory_space<vmem_shared>>
        tpu.enqueue_dma source(%arg9 : memref<8x128xf32, #tpu.memory_space<vmem>>) target(%dma_start3A_55 : memref<8x128xf32, #tpu.memory_space<vmem_shared>>) target_semaphore(%run_scoped3A : memref<!tpu.dma_semaphore, #tpu.memory_space<semaphore_mem>>)
        %dma_wait3A = arith.constant 0 : i32
        %dma_wait3A_56 = tpu.memref_slice %arg10[%add3A, %dma_wait3A] : memref<6024x128xf32, #tpu.memory_space<vmem_shared>> -> memref<8x128xf32, #tpu.memory_space<vmem_shared>>
        %dma_wait3A_57 = arith.constant 0 : i32
        %dma_wait3A_58 = tpu.memref_slice %arg10[%add3A, %dma_wait3A_57] : memref<6024x128xf32, #tpu.memory_space<vmem_shared>> -> memref<8x128xf32, #tpu.memory_space<vmem_shared>>
        tpu.wait_dma2 semaphore(%run_scoped3A : memref<!tpu.dma_semaphore, #tpu.memory_space<semaphore_mem>>) src(%arg9 : memref<8x128xf32, #tpu.memory_space<vmem>>) dst(%dma_wait3A_58 : memref<8x128xf32, #tpu.memory_space<vmem_shared>>)
        tpu.yield
      }) : () -> ()
    }
    %barrier3A = arith.constant 0 : index
    tpu.barrier barrier_id(%barrier3A)
    %scan3A_26 = arith.constant 0 : i32
    %scan3A_27 = arith.constant 0 : i32
    %scan3A_28 = arith.constant 158 : i32
    %scan3A_29 = arith.addi %scan3A_27, %scan3A_28 : i32
    %scan3A_30 = arith.constant 1 : i32
    scf.for %scan3A_50 = %scan3A_27 to %scan3A_29 step %scan3A_30  : i32 {
      %dma_start3A = arith.constant 0 : i32
      %dma_start3A_51 = tpu.memref_slice %arg6[%scan3A_50, %dma_start3A] : memref<158x128xi32, #tpu.memory_space<vmem>> -> memref<1x128xi32, #tpu.memory_space<vmem>>
      %dma_start3A_52 = tpu.memref_squeeze %dma_start3A_51 : memref<1x128xi32, #tpu.memory_space<vmem>> -> memref<128xi32, #tpu.memory_space<vmem>>
      %dma_start3A_53 = arith.constant 0 : i32
      %dma_start3A_54 = arith.constant 0 : i32
      %dma_start3A_55 = tpu.memref_slice %arg2[%dma_start3A_53, %dma_start3A_54] : memref<10000x128xf32, #tpu.memory_space<hbm>> -> memref<10000x128xf32, #tpu.memory_space<hbm>>
      tpu.enqueue_indirect_dma source(%dma_start3A_55 : memref<10000x128xf32, #tpu.memory_space<hbm>>) target(%arg8 : memref<128x128xf32, #tpu.memory_space<vmem>>) offsets(%dma_start3A_52 : memref<128xi32, #tpu.memory_space<vmem>>) semaphore(%arg11 : memref<!tpu.dma_semaphore, #tpu.memory_space<semaphore_mem>>)
      %dma_wait3A = arith.constant 0 : i32
      %dma_wait3A_56 = tpu.memref_slice %arg6[%scan3A_50, %dma_wait3A] : memref<158x128xi32, #tpu.memory_space<vmem>> -> memref<1x128xi32, #tpu.memory_space<vmem>>
      %dma_wait3A_57 = tpu.memref_squeeze %dma_wait3A_56 : memref<1x128xi32, #tpu.memory_space<vmem>> -> memref<128xi32, #tpu.memory_space<vmem>>
      %dma_wait3A_58 = arith.constant 0 : i32
      %dma_wait3A_59 = arith.constant 0 : i32
      %dma_wait3A_60 = tpu.memref_slice %arg2[%dma_wait3A_58, %dma_wait3A_59] : memref<10000x128xf32, #tpu.memory_space<hbm>> -> memref<10000x128xf32, #tpu.memory_space<hbm>>
      tpu.wait_indirect_dma semaphore(%arg11 : memref<!tpu.dma_semaphore, #tpu.memory_space<semaphore_mem>>) src(%dma_wait3A_60 : memref<10000x128xf32, #tpu.memory_space<hbm>>) dst(%arg8 : memref<128x128xf32, #tpu.memory_space<vmem>>)
      "tpu.region"() ({
        %run_scoped3A = tpu.sem_alloc : memref<!tpu.dma_semaphore, #tpu.memory_space<semaphore_mem>>
        %dma_start3A_61 = arith.constant 0 : i32
        %dma_start3A_62 = tpu.memref_slice %arg7[%scan3A_50, %dma_start3A_61] : memref<158x128xi32, #tpu.memory_space<vmem>> -> memref<1x128xi32, #tpu.memory_space<vmem>>
        %dma_start3A_63 = tpu.memref_squeeze %dma_start3A_62 : memref<1x128xi32, #tpu.memory_space<vmem>> -> memref<128xi32, #tpu.memory_space<vmem>>
        %dma_start3A_64 = arith.constant 0 : i32
        %dma_start3A_65 = arith.constant 0 : i32
        %dma_start3A_66 = tpu.memref_slice %arg10[%dma_start3A_64, %dma_start3A_65] : memref<6024x128xf32, #tpu.memory_space<vmem_shared>> -> memref<6024x128xf32, #tpu.memory_space<vmem_shared>>
        tpu.enqueue_indirect_dma source(%arg8 : memref<128x128xf32, #tpu.memory_space<vmem>>) target(%dma_start3A_66 : memref<6024x128xf32, #tpu.memory_space<vmem_shared>>) offsets(%dma_start3A_63 : memref<128xi32, #tpu.memory_space<vmem>>) semaphore(%run_scoped3A : memref<!tpu.dma_semaphore, #tpu.memory_space<semaphore_mem>>) {add = true}
        %dma_wait3A_67 = arith.constant 0 : i32
        %dma_wait3A_68 = tpu.memref_slice %arg7[%scan3A_50, %dma_wait3A_67] : memref<158x128xi32, #tpu.memory_space<vmem>> -> memref<1x128xi32, #tpu.memory_space<vmem>>
        %dma_wait3A_69 = tpu.memref_squeeze %dma_wait3A_68 : memref<1x128xi32, #tpu.memory_space<vmem>> -> memref<128xi32, #tpu.memory_space<vmem>>
        %dma_wait3A_70 = arith.constant 0 : i32
        %dma_wait3A_71 = arith.constant 0 : i32
        %dma_wait3A_72 = tpu.memref_slice %arg10[%dma_wait3A_70, %dma_wait3A_71] : memref<6024x128xf32, #tpu.memory_space<vmem_shared>> -> memref<6024x128xf32, #tpu.memory_space<vmem_shared>>
        tpu.wait_indirect_dma semaphore(%run_scoped3A : memref<!tpu.dma_semaphore, #tpu.memory_space<semaphore_mem>>) src(%arg8 : memref<128x128xf32, #tpu.memory_space<vmem>>) dst(%dma_wait3A_72 : memref<6024x128xf32, #tpu.memory_space<vmem_shared>>)
        tpu.yield
      }) : () -> ()
    }
    %scan3A_31 = arith.constant 158 : i32
    %barrier3A_32 = arith.constant 0 : index
    tpu.barrier barrier_id(%barrier3A_32)
    %eq3A_33 = arith.constant 15 : i32
    %eq3A_34 = arith.cmpi eq, %arg1, %eq3A_33 : i32
    %jit3A_35 = arith.constant 40 : i32
    %jit3A_36 = arith.constant 39 : i32
    %select_n3A_37 = arith.select %eq3A_34, %jit3A_35, %jit3A_36 : i32
    %mul3A_38 = arith.constant 312 : i32
    %mul3A_39 = arith.muli %arg1, %mul3A_38 : i32
    %while3A_40 = arith.constant 0 : i32
    %while3A_41 = arith.constant 0 : i32
    %while3A_42 = arith.subi %select_n3A_37, %while3A_41 : i32
    %while3A_43 = arith.addi %while3A_41, %while3A_42 : i32
    %while3A_44 = arith.constant 1 : i32
    %while3A_45 = arith.divsi %while3A_42, %while3A_44 : i32
    %while3A_46 = arith.muli %while3A_45, %while3A_44 : i32
    %while3A_47 = arith.addi %while3A_41, %while3A_46 : i32
    %while3A_48 = arith.constant 1 : i32
    scf.for %while3A_50 = %while3A_41 to %while3A_47 step %while3A_48  : i32 {
      %mul3A_51 = arith.constant 8 : i32
      %mul3A_52 = arith.muli %while3A_50, %mul3A_51 : i32
      %add3A = arith.addi %mul3A_39, %mul3A_52 : i32
      %mul3A_53 = arith.constant 5000 : i32
      %mul3A_54 = arith.muli %arg0, %mul3A_53 : i32
      %add3A_55 = arith.addi %mul3A_54, %mul3A_39 : i32
      %mul3A_56 = arith.constant 8 : i32
      %mul3A_57 = arith.muli %while3A_50, %mul3A_56 : i32
      %add3A_58 = arith.addi %add3A_55, %mul3A_57 : i32
      "tpu.region"() ({
        %run_scoped3A = tpu.sem_alloc : memref<!tpu.dma_semaphore, #tpu.memory_space<semaphore_mem>>
        %dma_start3A = arith.constant 0 : i32
        %dma_start3A_59 = tpu.memref_slice %arg4[%add3A_58, %dma_start3A] : memref<10000x128xf32, #tpu.memory_space<hbm>> -> memref<8x128xf32, #tpu.memory_space<hbm>>
        %dma_start3A_60 = arith.constant 0 : i32
        %dma_start3A_61 = tpu.memref_slice %arg10[%add3A, %dma_start3A_60] : memref<6024x128xf32, #tpu.memory_space<vmem_shared>> -> memref<8x128xf32, #tpu.memory_space<vmem_shared>>
        tpu.enqueue_dma source(%dma_start3A_61 : memref<8x128xf32, #tpu.memory_space<vmem_shared>>) target(%dma_start3A_59 : memref<8x128xf32, #tpu.memory_space<hbm>>) target_semaphore(%run_scoped3A : memref<!tpu.dma_semaphore, #tpu.memory_space<semaphore_mem>>)
        %dma_wait3A = arith.constant 0 : i32
        %dma_wait3A_62 = tpu.memref_slice %arg4[%add3A_58, %dma_wait3A] : memref<10000x128xf32, #tpu.memory_space<hbm>> -> memref<8x128xf32, #tpu.memory_space<hbm>>
        %dma_wait3A_63 = arith.constant 0 : i32
        %dma_wait3A_64 = tpu.memref_slice %arg10[%add3A, %dma_wait3A_63] : memref<6024x128xf32, #tpu.memory_space<vmem_shared>> -> memref<8x128xf32, #tpu.memory_space<vmem_shared>>
        tpu.wait_dma2 semaphore(%run_scoped3A : memref<!tpu.dma_semaphore, #tpu.memory_space<semaphore_mem>>) src(%dma_wait3A_64 : memref<8x128xf32, #tpu.memory_space<vmem_shared>>) dst(%dma_wait3A_62 : memref<8x128xf32, #tpu.memory_space<hbm>>)
        tpu.yield
      }) : () -> ()
    }
    %while3A_49 = arith.constant 1 : i32
    scf.for %while3A_50 = %while3A_47 to %while3A_43 step %while3A_49  : i32 {
      %mul3A_51 = arith.constant 8 : i32
      %mul3A_52 = arith.muli %while3A_50, %mul3A_51 : i32
      %add3A = arith.addi %mul3A_39, %mul3A_52 : i32
      %mul3A_53 = arith.constant 5000 : i32
      %mul3A_54 = arith.muli %arg0, %mul3A_53 : i32
      %add3A_55 = arith.addi %mul3A_54, %mul3A_39 : i32
      %mul3A_56 = arith.constant 8 : i32
      %mul3A_57 = arith.muli %while3A_50, %mul3A_56 : i32
      %add3A_58 = arith.addi %add3A_55, %mul3A_57 : i32
      "tpu.region"() ({
        %run_scoped3A = tpu.sem_alloc : memref<!tpu.dma_semaphore, #tpu.memory_space<semaphore_mem>>
        %dma_start3A = arith.constant 0 : i32
        %dma_start3A_59 = tpu.memref_slice %arg4[%add3A_58, %dma_start3A] : memref<10000x128xf32, #tpu.memory_space<hbm>> -> memref<8x128xf32, #tpu.memory_space<hbm>>
        %dma_start3A_60 = arith.constant 0 : i32
        %dma_start3A_61 = tpu.memref_slice %arg10[%add3A, %dma_start3A_60] : memref<6024x128xf32, #tpu.memory_space<vmem_shared>> -> memref<8x128xf32, #tpu.memory_space<vmem_shared>>
        tpu.enqueue_dma source(%dma_start3A_61 : memref<8x128xf32, #tpu.memory_space<vmem_shared>>) target(%dma_start3A_59 : memref<8x128xf32, #tpu.memory_space<hbm>>) target_semaphore(%run_scoped3A : memref<!tpu.dma_semaphore, #tpu.memory_space<semaphore_mem>>)
        %dma_wait3A = arith.constant 0 : i32
        %dma_wait3A_62 = tpu.memref_slice %arg4[%add3A_58, %dma_wait3A] : memref<10000x128xf32, #tpu.memory_space<hbm>> -> memref<8x128xf32, #tpu.memory_space<hbm>>
        %dma_wait3A_63 = arith.constant 0 : i32
        %dma_wait3A_64 = tpu.memref_slice %arg10[%add3A, %dma_wait3A_63] : memref<6024x128xf32, #tpu.memory_space<vmem_shared>> -> memref<8x128xf32, #tpu.memory_space<vmem_shared>>
        tpu.wait_dma2 semaphore(%run_scoped3A : memref<!tpu.dma_semaphore, #tpu.memory_space<semaphore_mem>>) src(%dma_wait3A_64 : memref<8x128xf32, #tpu.memory_space<vmem_shared>>) dst(%dma_wait3A_62 : memref<8x128xf32, #tpu.memory_space<hbm>>)
        tpu.yield
      }) : () -> ()
    }
    return
  }
}

#map = affine_map<(d0, d1) -> (0, 0)>
#map1 = affine_map<(d0, d1) -> (0, 0, 0)>
module attributes {stable_mosaic.version = 14 : i64} {
  func.func @_sc_propagate(%arg0: i32, %arg1: i32, %arg2: memref<10000x128xf32, #tpu.memory_space<hbm>>, %arg3: memref<16x158x128xi32, #tpu.memory_space<hbm>>, %arg4: memref<10000x128xf32, #tpu.memory_space<hbm>>, %arg5: memref<158x128xi32, #tpu.memory_space<vmem>>, %arg6: memref<158x128xi32, #tpu.memory_space<vmem>>, %arg7: memref<158x128xi32, #tpu.memory_space<vmem>>, %arg8: memref<128x128xf32, #tpu.memory_space<vmem>>, %arg9: memref<8x128xf32, #tpu.memory_space<vmem>>, %arg10: memref<6024x128xf32, #tpu.memory_space<vmem_shared>>, %arg11: memref<!tpu.dma_semaphore, #tpu.memory_space<semaphore_mem>>) attributes {dimension_semantics = [#tpu.dimension_semantics<core_parallel>, #tpu.dimension_semantics<subcore_parallel>], iteration_bounds = array<i64: 2, 16>, scalar_prefetch = 0 : i64, scratch_operands = 7 : i64, tpu.core_type = #tpu.core_type<sc_vector_subcore>, window_params = [{transform_indices = #map}, {transform_indices = #map1}, {transform_indices = #map}]} {
    "tpu.region"() ({
      %run_scoped3A = tpu.sem_alloc : memref<!tpu.dma_semaphore, #tpu.memory_space<semaphore_mem>>
      %dma_start3A = arith.constant 0 : i32
      %dma_start3A_50 = arith.constant 0 : i32
      %dma_start3A_51 = tpu.memref_slice %arg3[%arg1, %dma_start3A, %dma_start3A_50] : memref<16x158x128xi32, #tpu.memory_space<hbm>> -> memref<1x158x128xi32, #tpu.memory_space<hbm>>
      %dma_start3A_52 = tpu.memref_squeeze %dma_start3A_51 : memref<1x158x128xi32, #tpu.memory_space<hbm>> -> memref<158x128xi32, #tpu.memory_space<hbm>>
      %dma_start3A_53 = arith.constant 0 : i32
      %dma_start3A_54 = arith.constant 0 : i32
      %dma_start3A_55 = tpu.memref_slice %arg3[%arg1, %dma_start3A_53, %dma_start3A_54] : memref<16x158x128xi32, #tpu.memory_space<hbm>> -> memref<1x158x128xi32, #tpu.memory_space<hbm>>
      %dma_start3A_56 = tpu.memref_squeeze %dma_start3A_55 : memref<1x158x128xi32, #tpu.memory_space<hbm>> -> memref<158x128xi32, #tpu.memory_space<hbm>>
      tpu.enqueue_dma source(%dma_start3A_56 : memref<158x128xi32, #tpu.memory_space<hbm>>) target(%arg5 : memref<158x128xi32, #tpu.memory_space<vmem>>) target_semaphore(%run_scoped3A : memref<!tpu.dma_semaphore, #tpu.memory_space<semaphore_mem>>)
      %dma_wait3A = arith.constant 0 : i32
      %dma_wait3A_57 = arith.constant 0 : i32
      %dma_wait3A_58 = tpu.memref_slice %arg3[%arg1, %dma_wait3A, %dma_wait3A_57] : memref<16x158x128xi32, #tpu.memory_space<hbm>> -> memref<1x158x128xi32, #tpu.memory_space<hbm>>
      %dma_wait3A_59 = tpu.memref_squeeze %dma_wait3A_58 : memref<1x158x128xi32, #tpu.memory_space<hbm>> -> memref<158x128xi32, #tpu.memory_space<hbm>>
      %dma_wait3A_60 = arith.constant 0 : i32
      %dma_wait3A_61 = arith.constant 0 : i32
      %dma_wait3A_62 = tpu.memref_slice %arg3[%arg1, %dma_wait3A_60, %dma_wait3A_61] : memref<16x158x128xi32, #tpu.memory_space<hbm>> -> memref<1x158x128xi32, #tpu.memory_space<hbm>>
      %dma_wait3A_63 = tpu.memref_squeeze %dma_wait3A_62 : memref<1x158x128xi32, #tpu.memory_space<hbm>> -> memref<158x128xi32, #tpu.memory_space<hbm>>
      tpu.wait_dma2 semaphore(%run_scoped3A : memref<!tpu.dma_semaphore, #tpu.memory_space<semaphore_mem>>) src(%dma_wait3A_63 : memref<158x128xi32, #tpu.memory_space<hbm>>) dst(%arg5 : memref<158x128xi32, #tpu.memory_space<vmem>>)
      tpu.yield
    }) : () -> ()
    %mul3A = arith.constant 5000 : i32
    %mul3A_0 = arith.muli %arg0, %mul3A : i32
    %scan3A = arith.constant 0 : i32
    %scan3A_1 = arith.constant 0 : i32
    %scan3A_2 = arith.constant 158 : i32
    %scan3A_3 = arith.addi %scan3A_1, %scan3A_2 : i32
    %scan3A_4 = arith.constant 1 : i32
    scf.for %scan3A_50 = %scan3A_1 to %scan3A_3 step %scan3A_4  : i32 {
      %get3A = arith.index_cast %scan3A_50 : i32 to index
      %get3A_51 = arith.constant 0 : index
      %get3A_52 = tpu.vector_load %arg5[%get3A, %get3A_51] {strides = array<i32>} : memref<158x128xi32, #tpu.memory_space<vmem>>, vector<1x16xi32>,
      %get3A_53 = vector.shape_cast %get3A_52 : vector<1x16xi32> to vector<16xi32>
      %shift_right_logical3A = arith.constant 14 : i32
      %shift_right_logical3A_54 = vector.broadcast %shift_right_logical3A : i32 to vector<16xi32>
      %shift_right_logical3A_55 = arith.shrui %get3A_53, %shift_right_logical3A_54 : vector<16xi32>
      %swap3A = arith.index_cast %scan3A_50 : i32 to index
      %swap3A_56 = arith.constant 0 : index
      %swap3A_57 = tpu.vector_load %arg6[%swap3A, %swap3A_56] {strides = array<i32>} : memref<158x128xi32, #tpu.memory_space<vmem>>, vector<1x16xi32>,
      %swap3A_58 = vector.shape_cast %swap3A_57 : vector<1x16xi32> to vector<16xi32>
      %swap3A_59 = vector.shape_cast %shift_right_logical3A_55 : vector<16xi32> to vector<1x16xi32>
      tpu.vector_store %arg6[%swap3A, %swap3A_56], %swap3A_59 {strides = array<i32>} : memref<158x128xi32, #tpu.memory_space<vmem>>, vector<1x16xi32>,
      %and3A = arith.constant 16383 : i32
      %and3A_60 = vector.broadcast %and3A : i32 to vector<16xi32>
      %and3A_61 = arith.andi %get3A_53, %and3A_60 : vector<16xi32>
      %sub3A = vector.broadcast %mul3A_0 : i32 to vector<16xi32>
      %sub3A_62 = arith.subi %and3A_61, %sub3A : vector<16xi32>
      %ge3A = arith.constant 0 : i32
      %ge3A_63 = vector.broadcast %ge3A : i32 to vector<16xi32>
      %ge3A_64 = arith.cmpi sge, %sub3A_62, %ge3A_63 : vector<16xi32>
      %lt3A = arith.constant 5000 : i32
      %lt3A_65 = vector.broadcast %lt3A : i32 to vector<16xi32>
      %lt3A_66 = arith.cmpi slt, %sub3A_62, %lt3A_65 : vector<16xi32>
      %and3A_67 = arith.andi %ge3A_64, %lt3A_66 : vector<16xi1>
      %and3A_68 = arith.constant 1023 : i32
      %and3A_69 = vector.broadcast %and3A_68 : i32 to vector<16xi32>
      %and3A_70 = arith.andi %and3A_61, %and3A_69 : vector<16xi32>
      %add3A = arith.constant 5000 : i32
      %add3A_71 = vector.broadcast %add3A : i32 to vector<16xi32>
      %add3A_72 = arith.addi %add3A_71, %and3A_70 : vector<16xi32>
      %select_n3A_73 = arith.select %and3A_67, %sub3A_62, %add3A_72 : vector<16xi1>, vector<16xi32>
      %swap3A_74 = arith.index_cast %scan3A_50 : i32 to index
      %swap3A_75 = arith.constant 0 : index
      %swap3A_76 = tpu.vector_load %arg7[%swap3A_74, %swap3A_75] {strides = array<i32>} : memref<158x128xi32, #tpu.memory_space<vmem>>, vector<1x16xi32>,
      %swap3A_77 = vector.shape_cast %swap3A_76 : vector<1x16xi32> to vector<16xi32>
      %swap3A_78 = vector.shape_cast %select_n3A_73 : vector<16xi32> to vector<1x16xi32>
      tpu.vector_store %arg7[%swap3A_74, %swap3A_75], %swap3A_78 {strides = array<i32>} : memref<158x128xi32, #tpu.memory_space<vmem>>, vector<1x16xi32>,
      %get3A_79 = arith.index_cast %scan3A_50 : i32 to index
      %get3A_80 = arith.constant 16 : index
      %get3A_81 = tpu.vector_load %arg5[%get3A_79, %get3A_80] {strides = array<i32>} : memref<158x128xi32, #tpu.memory_space<vmem>>, vector<1x16xi32>,
      %get3A_82 = vector.shape_cast %get3A_81 : vector<1x16xi32> to vector<16xi32>
      %shift_right_logical3A_83 = arith.constant 14 : i32
      %shift_right_logical3A_84 = vector.broadcast %shift_right_logical3A_83 : i32 to vector<16xi32>
      %shift_right_logical3A_85 = arith.shrui %get3A_82, %shift_right_logical3A_84 : vector<16xi32>
      %swap3A_86 = arith.index_cast %scan3A_50 : i32 to index
      %swap3A_87 = arith.constant 16 : index
      %swap3A_88 = tpu.vector_load %arg6[%swap3A_86, %swap3A_87] {strides = array<i32>} : memref<158x128xi32, #tpu.memory_space<vmem>>, vector<1x16xi32>,
      %swap3A_89 = vector.shape_cast %swap3A_88 : vector<1x16xi32> to vector<16xi32>
      %swap3A_90 = vector.shape_cast %shift_right_logical3A_85 : vector<16xi32> to vector<1x16xi32>
      tpu.vector_store %arg6[%swap3A_86, %swap3A_87], %swap3A_90 {strides = array<i32>} : memref<158x128xi32, #tpu.memory_space<vmem>>, vector<1x16xi32>,
      %and3A_91 = arith.constant 16383 : i32
      %and3A_92 = vector.broadcast %and3A_91 : i32 to vector<16xi32>
      %and3A_93 = arith.andi %get3A_82, %and3A_92 : vector<16xi32>
      %sub3A_94 = vector.broadcast %mul3A_0 : i32 to vector<16xi32>
      %sub3A_95 = arith.subi %and3A_93, %sub3A_94 : vector<16xi32>
      %ge3A_96 = arith.constant 0 : i32
      %ge3A_97 = vector.broadcast %ge3A_96 : i32 to vector<16xi32>
      %ge3A_98 = arith.cmpi sge, %sub3A_95, %ge3A_97 : vector<16xi32>
      %lt3A_99 = arith.constant 5000 : i32
      %lt3A_100 = vector.broadcast %lt3A_99 : i32 to vector<16xi32>
      %lt3A_101 = arith.cmpi slt, %sub3A_95, %lt3A_100 : vector<16xi32>
      %and3A_102 = arith.andi %ge3A_98, %lt3A_101 : vector<16xi1>
      %and3A_103 = arith.constant 1023 : i32
      %and3A_104 = vector.broadcast %and3A_103 : i32 to vector<16xi32>
      %and3A_105 = arith.andi %and3A_93, %and3A_104 : vector<16xi32>
      %add3A_106 = arith.constant 5000 : i32
      %add3A_107 = vector.broadcast %add3A_106 : i32 to vector<16xi32>
      %add3A_108 = arith.addi %add3A_107, %and3A_105 : vector<16xi32>
      %select_n3A_109 = arith.select %and3A_102, %sub3A_95, %add3A_108 : vector<16xi1>, vector<16xi32>
      %swap3A_110 = arith.index_cast %scan3A_50 : i32 to index
      %swap3A_111 = arith.constant 16 : index
      %swap3A_112 = tpu.vector_load %arg7[%swap3A_110, %swap3A_111] {strides = array<i32>} : memref<158x128xi32, #tpu.memory_space<vmem>>, vector<1x16xi32>,
      %swap3A_113 = vector.shape_cast %swap3A_112 : vector<1x16xi32> to vector<16xi32>
      %swap3A_114 = vector.shape_cast %select_n3A_109 : vector<16xi32> to vector<1x16xi32>
      tpu.vector_store %arg7[%swap3A_110, %swap3A_111], %swap3A_114 {strides = array<i32>} : memref<158x128xi32, #tpu.memory_space<vmem>>, vector<1x16xi32>,
      %get3A_115 = arith.index_cast %scan3A_50 : i32 to index
      %get3A_116 = arith.constant 32 : index
      %get3A_117 = tpu.vector_load %arg5[%get3A_115, %get3A_116] {strides = array<i32>} : memref<158x128xi32, #tpu.memory_space<vmem>>, vector<1x16xi32>,
      %get3A_118 = vector.shape_cast %get3A_117 : vector<1x16xi32> to vector<16xi32>
      %shift_right_logical3A_119 = arith.constant 14 : i32
      %shift_right_logical3A_120 = vector.broadcast %shift_right_logical3A_119 : i32 to vector<16xi32>
      %shift_right_logical3A_121 = arith.shrui %get3A_118, %shift_right_logical3A_120 : vector<16xi32>
      %swap3A_122 = arith.index_cast %scan3A_50 : i32 to index
      %swap3A_123 = arith.constant 32 : index
      %swap3A_124 = tpu.vector_load %arg6[%swap3A_122, %swap3A_123] {strides = array<i32>} : memref<158x128xi32, #tpu.memory_space<vmem>>, vector<1x16xi32>,
      %swap3A_125 = vector.shape_cast %swap3A_124 : vector<1x16xi32> to vector<16xi32>
      %swap3A_126 = vector.shape_cast %shift_right_logical3A_121 : vector<16xi32> to vector<1x16xi32>
      tpu.vector_store %arg6[%swap3A_122, %swap3A_123], %swap3A_126 {strides = array<i32>} : memref<158x128xi32, #tpu.memory_space<vmem>>, vector<1x16xi32>,
      %and3A_127 = arith.constant 16383 : i32
      %and3A_128 = vector.broadcast %and3A_127 : i32 to vector<16xi32>
      %and3A_129 = arith.andi %get3A_118, %and3A_128 : vector<16xi32>
      %sub3A_130 = vector.broadcast %mul3A_0 : i32 to vector<16xi32>
      %sub3A_131 = arith.subi %and3A_129, %sub3A_130 : vector<16xi32>
      %ge3A_132 = arith.constant 0 : i32
      %ge3A_133 = vector.broadcast %ge3A_132 : i32 to vector<16xi32>
      %ge3A_134 = arith.cmpi sge, %sub3A_131, %ge3A_133 : vector<16xi32>
      %lt3A_135 = arith.constant 5000 : i32
      %lt3A_136 = vector.broadcast %lt3A_135 : i32 to vector<16xi32>
      %lt3A_137 = arith.cmpi slt, %sub3A_131, %lt3A_136 : vector<16xi32>
      %and3A_138 = arith.andi %ge3A_134, %lt3A_137 : vector<16xi1>
      %and3A_139 = arith.constant 1023 : i32
      %and3A_140 = vector.broadcast %and3A_139 : i32 to vector<16xi32>
      %and3A_141 = arith.andi %and3A_129, %and3A_140 : vector<16xi32>
      %add3A_142 = arith.constant 5000 : i32
      %add3A_143 = vector.broadcast %add3A_142 : i32 to vector<16xi32>
      %add3A_144 = arith.addi %add3A_143, %and3A_141 : vector<16xi32>
      %select_n3A_145 = arith.select %and3A_138, %sub3A_131, %add3A_144 : vector<16xi1>, vector<16xi32>
      %swap3A_146 = arith.index_cast %scan3A_50 : i32 to index
      %swap3A_147 = arith.constant 32 : index
      %swap3A_148 = tpu.vector_load %arg7[%swap3A_146, %swap3A_147] {strides = array<i32>} : memref<158x128xi32, #tpu.memory_space<vmem>>, vector<1x16xi32>,
      %swap3A_149 = vector.shape_cast %swap3A_148 : vector<1x16xi32> to vector<16xi32>
      %swap3A_150 = vector.shape_cast %select_n3A_145 : vector<16xi32> to vector<1x16xi32>
      tpu.vector_store %arg7[%swap3A_146, %swap3A_147], %swap3A_150 {strides = array<i32>} : memref<158x128xi32, #tpu.memory_space<vmem>>, vector<1x16xi32>,
      %get3A_151 = arith.index_cast %scan3A_50 : i32 to index
      %get3A_152 = arith.constant 48 : index
      %get3A_153 = tpu.vector_load %arg5[%get3A_151, %get3A_152] {strides = array<i32>} : memref<158x128xi32, #tpu.memory_space<vmem>>, vector<1x16xi32>,
      %get3A_154 = vector.shape_cast %get3A_153 : vector<1x16xi32> to vector<16xi32>
      %shift_right_logical3A_155 = arith.constant 14 : i32
      %shift_right_logical3A_156 = vector.broadcast %shift_right_logical3A_155 : i32 to vector<16xi32>
      %shift_right_logical3A_157 = arith.shrui %get3A_154, %shift_right_logical3A_156 : vector<16xi32>
      %swap3A_158 = arith.index_cast %scan3A_50 : i32 to index
      %swap3A_159 = arith.constant 48 : index
      %swap3A_160 = tpu.vector_load %arg6[%swap3A_158, %swap3A_159] {strides = array<i32>} : memref<158x128xi32, #tpu.memory_space<vmem>>, vector<1x16xi32>,
      %swap3A_161 = vector.shape_cast %swap3A_160 : vector<1x16xi32> to vector<16xi32>
      %swap3A_162 = vector.shape_cast %shift_right_logical3A_157 : vector<16xi32> to vector<1x16xi32>
      tpu.vector_store %arg6[%swap3A_158, %swap3A_159], %swap3A_162 {strides = array<i32>} : memref<158x128xi32, #tpu.memory_space<vmem>>, vector<1x16xi32>,
      %and3A_163 = arith.constant 16383 : i32
      %and3A_164 = vector.broadcast %and3A_163 : i32 to vector<16xi32>
      %and3A_165 = arith.andi %get3A_154, %and3A_164 : vector<16xi32>
      %sub3A_166 = vector.broadcast %mul3A_0 : i32 to vector<16xi32>
      %sub3A_167 = arith.subi %and3A_165, %sub3A_166 : vector<16xi32>
      %ge3A_168 = arith.constant 0 : i32
      %ge3A_169 = vector.broadcast %ge3A_168 : i32 to vector<16xi32>
      %ge3A_170 = arith.cmpi sge, %sub3A_167, %ge3A_169 : vector<16xi32>
      %lt3A_171 = arith.constant 5000 : i32
      %lt3A_172 = vector.broadcast %lt3A_171 : i32 to vector<16xi32>
      %lt3A_173 = arith.cmpi slt, %sub3A_167, %lt3A_172 : vector<16xi32>
      %and3A_174 = arith.andi %ge3A_170, %lt3A_173 : vector<16xi1>
      %and3A_175 = arith.constant 1023 : i32
      %and3A_176 = vector.broadcast %and3A_175 : i32 to vector<16xi32>
      %and3A_177 = arith.andi %and3A_165, %and3A_176 : vector<16xi32>
      %add3A_178 = arith.constant 5000 : i32
      %add3A_179 = vector.broadcast %add3A_178 : i32 to vector<16xi32>
      %add3A_180 = arith.addi %add3A_179, %and3A_177 : vector<16xi32>
      %select_n3A_181 = arith.select %and3A_174, %sub3A_167, %add3A_180 : vector<16xi1>, vector<16xi32>
      %swap3A_182 = arith.index_cast %scan3A_50 : i32 to index
      %swap3A_183 = arith.constant 48 : index
      %swap3A_184 = tpu.vector_load %arg7[%swap3A_182, %swap3A_183] {strides = array<i32>} : memref<158x128xi32, #tpu.memory_space<vmem>>, vector<1x16xi32>,
      %swap3A_185 = vector.shape_cast %swap3A_184 : vector<1x16xi32> to vector<16xi32>
      %swap3A_186 = vector.shape_cast %select_n3A_181 : vector<16xi32> to vector<1x16xi32>
      tpu.vector_store %arg7[%swap3A_182, %swap3A_183], %swap3A_186 {strides = array<i32>} : memref<158x128xi32, #tpu.memory_space<vmem>>, vector<1x16xi32>,
      %get3A_187 = arith.index_cast %scan3A_50 : i32 to index
      %get3A_188 = arith.constant 64 : index
      %get3A_189 = tpu.vector_load %arg5[%get3A_187, %get3A_188] {strides = array<i32>} : memref<158x128xi32, #tpu.memory_space<vmem>>, vector<1x16xi32>,
      %get3A_190 = vector.shape_cast %get3A_189 : vector<1x16xi32> to vector<16xi32>
      %shift_right_logical3A_191 = arith.constant 14 : i32
      %shift_right_logical3A_192 = vector.broadcast %shift_right_logical3A_191 : i32 to vector<16xi32>
      %shift_right_logical3A_193 = arith.shrui %get3A_190, %shift_right_logical3A_192 : vector<16xi32>
      %swap3A_194 = arith.index_cast %scan3A_50 : i32 to index
      %swap3A_195 = arith.constant 64 : index
      %swap3A_196 = tpu.vector_load %arg6[%swap3A_194, %swap3A_195] {strides = array<i32>} : memref<158x128xi32, #tpu.memory_space<vmem>>, vector<1x16xi32>,
      %swap3A_197 = vector.shape_cast %swap3A_196 : vector<1x16xi32> to vector<16xi32>
      %swap3A_198 = vector.shape_cast %shift_right_logical3A_193 : vector<16xi32> to vector<1x16xi32>
      tpu.vector_store %arg6[%swap3A_194, %swap3A_195], %swap3A_198 {strides = array<i32>} : memref<158x128xi32, #tpu.memory_space<vmem>>, vector<1x16xi32>,
      %and3A_199 = arith.constant 16383 : i32
      %and3A_200 = vector.broadcast %and3A_199 : i32 to vector<16xi32>
      %and3A_201 = arith.andi %get3A_190, %and3A_200 : vector<16xi32>
      %sub3A_202 = vector.broadcast %mul3A_0 : i32 to vector<16xi32>
      %sub3A_203 = arith.subi %and3A_201, %sub3A_202 : vector<16xi32>
      %ge3A_204 = arith.constant 0 : i32
      %ge3A_205 = vector.broadcast %ge3A_204 : i32 to vector<16xi32>
      %ge3A_206 = arith.cmpi sge, %sub3A_203, %ge3A_205 : vector<16xi32>
      %lt3A_207 = arith.constant 5000 : i32
      %lt3A_208 = vector.broadcast %lt3A_207 : i32 to vector<16xi32>
      %lt3A_209 = arith.cmpi slt, %sub3A_203, %lt3A_208 : vector<16xi32>
      %and3A_210 = arith.andi %ge3A_206, %lt3A_209 : vector<16xi1>
      %and3A_211 = arith.constant 1023 : i32
      %and3A_212 = vector.broadcast %and3A_211 : i32 to vector<16xi32>
      %and3A_213 = arith.andi %and3A_201, %and3A_212 : vector<16xi32>
      %add3A_214 = arith.constant 5000 : i32
      %add3A_215 = vector.broadcast %add3A_214 : i32 to vector<16xi32>
      %add3A_216 = arith.addi %add3A_215, %and3A_213 : vector<16xi32>
      %select_n3A_217 = arith.select %and3A_210, %sub3A_203, %add3A_216 : vector<16xi1>, vector<16xi32>
      %swap3A_218 = arith.index_cast %scan3A_50 : i32 to index
      %swap3A_219 = arith.constant 64 : index
      %swap3A_220 = tpu.vector_load %arg7[%swap3A_218, %swap3A_219] {strides = array<i32>} : memref<158x128xi32, #tpu.memory_space<vmem>>, vector<1x16xi32>,
      %swap3A_221 = vector.shape_cast %swap3A_220 : vector<1x16xi32> to vector<16xi32>
      %swap3A_222 = vector.shape_cast %select_n3A_217 : vector<16xi32> to vector<1x16xi32>
      tpu.vector_store %arg7[%swap3A_218, %swap3A_219], %swap3A_222 {strides = array<i32>} : memref<158x128xi32, #tpu.memory_space<vmem>>, vector<1x16xi32>,
      %get3A_223 = arith.index_cast %scan3A_50 : i32 to index
      %get3A_224 = arith.constant 80 : index
      %get3A_225 = tpu.vector_load %arg5[%get3A_223, %get3A_224] {strides = array<i32>} : memref<158x128xi32, #tpu.memory_space<vmem>>, vector<1x16xi32>,
      %get3A_226 = vector.shape_cast %get3A_225 : vector<1x16xi32> to vector<16xi32>
      %shift_right_logical3A_227 = arith.constant 14 : i32
      %shift_right_logical3A_228 = vector.broadcast %shift_right_logical3A_227 : i32 to vector<16xi32>
      %shift_right_logical3A_229 = arith.shrui %get3A_226, %shift_right_logical3A_228 : vector<16xi32>
      %swap3A_230 = arith.index_cast %scan3A_50 : i32 to index
      %swap3A_231 = arith.constant 80 : index
      %swap3A_232 = tpu.vector_load %arg6[%swap3A_230, %swap3A_231] {strides = array<i32>} : memref<158x128xi32, #tpu.memory_space<vmem>>, vector<1x16xi32>,
      %swap3A_233 = vector.shape_cast %swap3A_232 : vector<1x16xi32> to vector<16xi32>
      %swap3A_234 = vector.shape_cast %shift_right_logical3A_229 : vector<16xi32> to vector<1x16xi32>
      tpu.vector_store %arg6[%swap3A_230, %swap3A_231], %swap3A_234 {strides = array<i32>} : memref<158x128xi32, #tpu.memory_space<vmem>>, vector<1x16xi32>,
      %and3A_235 = arith.constant 16383 : i32
      %and3A_236 = vector.broadcast %and3A_235 : i32 to vector<16xi32>
      %and3A_237 = arith.andi %get3A_226, %and3A_236 : vector<16xi32>
      %sub3A_238 = vector.broadcast %mul3A_0 : i32 to vector<16xi32>
      %sub3A_239 = arith.subi %and3A_237, %sub3A_238 : vector<16xi32>
      %ge3A_240 = arith.constant 0 : i32
      %ge3A_241 = vector.broadcast %ge3A_240 : i32 to vector<16xi32>
      %ge3A_242 = arith.cmpi sge, %sub3A_239, %ge3A_241 : vector<16xi32>
      %lt3A_243 = arith.constant 5000 : i32
      %lt3A_244 = vector.broadcast %lt3A_243 : i32 to vector<16xi32>
      %lt3A_245 = arith.cmpi slt, %sub3A_239, %lt3A_244 : vector<16xi32>
      %and3A_246 = arith.andi %ge3A_242, %lt3A_245 : vector<16xi1>
      %and3A_247 = arith.constant 1023 : i32
      %and3A_248 = vector.broadcast %and3A_247 : i32 to vector<16xi32>
      %and3A_249 = arith.andi %and3A_237, %and3A_248 : vector<16xi32>
      %add3A_250 = arith.constant 5000 : i32
      %add3A_251 = vector.broadcast %add3A_250 : i32 to vector<16xi32>
      %add3A_252 = arith.addi %add3A_251, %and3A_249 : vector<16xi32>
      %select_n3A_253 = arith.select %and3A_246, %sub3A_239, %add3A_252 : vector<16xi1>, vector<16xi32>
      %swap3A_254 = arith.index_cast %scan3A_50 : i32 to index
      %swap3A_255 = arith.constant 80 : index
      %swap3A_256 = tpu.vector_load %arg7[%swap3A_254, %swap3A_255] {strides = array<i32>} : memref<158x128xi32, #tpu.memory_space<vmem>>, vector<1x16xi32>,
      %swap3A_257 = vector.shape_cast %swap3A_256 : vector<1x16xi32> to vector<16xi32>
      %swap3A_258 = vector.shape_cast %select_n3A_253 : vector<16xi32> to vector<1x16xi32>
      tpu.vector_store %arg7[%swap3A_254, %swap3A_255], %swap3A_258 {strides = array<i32>} : memref<158x128xi32, #tpu.memory_space<vmem>>, vector<1x16xi32>,
      %get3A_259 = arith.index_cast %scan3A_50 : i32 to index
      %get3A_260 = arith.constant 96 : index
      %get3A_261 = tpu.vector_load %arg5[%get3A_259, %get3A_260] {strides = array<i32>} : memref<158x128xi32, #tpu.memory_space<vmem>>, vector<1x16xi32>,
      %get3A_262 = vector.shape_cast %get3A_261 : vector<1x16xi32> to vector<16xi32>
      %shift_right_logical3A_263 = arith.constant 14 : i32
      %shift_right_logical3A_264 = vector.broadcast %shift_right_logical3A_263 : i32 to vector<16xi32>
      %shift_right_logical3A_265 = arith.shrui %get3A_262, %shift_right_logical3A_264 : vector<16xi32>
      %swap3A_266 = arith.index_cast %scan3A_50 : i32 to index
      %swap3A_267 = arith.constant 96 : index
      %swap3A_268 = tpu.vector_load %arg6[%swap3A_266, %swap3A_267] {strides = array<i32>} : memref<158x128xi32, #tpu.memory_space<vmem>>, vector<1x16xi32>,
      %swap3A_269 = vector.shape_cast %swap3A_268 : vector<1x16xi32> to vector<16xi32>
      %swap3A_270 = vector.shape_cast %shift_right_logical3A_265 : vector<16xi32> to vector<1x16xi32>
      tpu.vector_store %arg6[%swap3A_266, %swap3A_267], %swap3A_270 {strides = array<i32>} : memref<158x128xi32, #tpu.memory_space<vmem>>, vector<1x16xi32>,
      %and3A_271 = arith.constant 16383 : i32
      %and3A_272 = vector.broadcast %and3A_271 : i32 to vector<16xi32>
      %and3A_273 = arith.andi %get3A_262, %and3A_272 : vector<16xi32>
      %sub3A_274 = vector.broadcast %mul3A_0 : i32 to vector<16xi32>
      %sub3A_275 = arith.subi %and3A_273, %sub3A_274 : vector<16xi32>
      %ge3A_276 = arith.constant 0 : i32
      %ge3A_277 = vector.broadcast %ge3A_276 : i32 to vector<16xi32>
      %ge3A_278 = arith.cmpi sge, %sub3A_275, %ge3A_277 : vector<16xi32>
      %lt3A_279 = arith.constant 5000 : i32
      %lt3A_280 = vector.broadcast %lt3A_279 : i32 to vector<16xi32>
      %lt3A_281 = arith.cmpi slt, %sub3A_275, %lt3A_280 : vector<16xi32>
      %and3A_282 = arith.andi %ge3A_278, %lt3A_281 : vector<16xi1>
      %and3A_283 = arith.constant 1023 : i32
      %and3A_284 = vector.broadcast %and3A_283 : i32 to vector<16xi32>
      %and3A_285 = arith.andi %and3A_273, %and3A_284 : vector<16xi32>
      %add3A_286 = arith.constant 5000 : i32
      %add3A_287 = vector.broadcast %add3A_286 : i32 to vector<16xi32>
      %add3A_288 = arith.addi %add3A_287, %and3A_285 : vector<16xi32>
      %select_n3A_289 = arith.select %and3A_282, %sub3A_275, %add3A_288 : vector<16xi1>, vector<16xi32>
      %swap3A_290 = arith.index_cast %scan3A_50 : i32 to index
      %swap3A_291 = arith.constant 96 : index
      %swap3A_292 = tpu.vector_load %arg7[%swap3A_290, %swap3A_291] {strides = array<i32>} : memref<158x128xi32, #tpu.memory_space<vmem>>, vector<1x16xi32>,
      %swap3A_293 = vector.shape_cast %swap3A_292 : vector<1x16xi32> to vector<16xi32>
      %swap3A_294 = vector.shape_cast %select_n3A_289 : vector<16xi32> to vector<1x16xi32>
      tpu.vector_store %arg7[%swap3A_290, %swap3A_291], %swap3A_294 {strides = array<i32>} : memref<158x128xi32, #tpu.memory_space<vmem>>, vector<1x16xi32>,
      %get3A_295 = arith.index_cast %scan3A_50 : i32 to index
      %get3A_296 = arith.constant 112 : index
      %get3A_297 = tpu.vector_load %arg5[%get3A_295, %get3A_296] {strides = array<i32>} : memref<158x128xi32, #tpu.memory_space<vmem>>, vector<1x16xi32>,
      %get3A_298 = vector.shape_cast %get3A_297 : vector<1x16xi32> to vector<16xi32>
      %shift_right_logical3A_299 = arith.constant 14 : i32
      %shift_right_logical3A_300 = vector.broadcast %shift_right_logical3A_299 : i32 to vector<16xi32>
      %shift_right_logical3A_301 = arith.shrui %get3A_298, %shift_right_logical3A_300 : vector<16xi32>
      %swap3A_302 = arith.index_cast %scan3A_50 : i32 to index
      %swap3A_303 = arith.constant 112 : index
      %swap3A_304 = tpu.vector_load %arg6[%swap3A_302, %swap3A_303] {strides = array<i32>} : memref<158x128xi32, #tpu.memory_space<vmem>>, vector<1x16xi32>,
      %swap3A_305 = vector.shape_cast %swap3A_304 : vector<1x16xi32> to vector<16xi32>
      %swap3A_306 = vector.shape_cast %shift_right_logical3A_301 : vector<16xi32> to vector<1x16xi32>
      tpu.vector_store %arg6[%swap3A_302, %swap3A_303], %swap3A_306 {strides = array<i32>} : memref<158x128xi32, #tpu.memory_space<vmem>>, vector<1x16xi32>,
      %and3A_307 = arith.constant 16383 : i32
      %and3A_308 = vector.broadcast %and3A_307 : i32 to vector<16xi32>
      %and3A_309 = arith.andi %get3A_298, %and3A_308 : vector<16xi32>
      %sub3A_310 = vector.broadcast %mul3A_0 : i32 to vector<16xi32>
      %sub3A_311 = arith.subi %and3A_309, %sub3A_310 : vector<16xi32>
      %ge3A_312 = arith.constant 0 : i32
      %ge3A_313 = vector.broadcast %ge3A_312 : i32 to vector<16xi32>
      %ge3A_314 = arith.cmpi sge, %sub3A_311, %ge3A_313 : vector<16xi32>
      %lt3A_315 = arith.constant 5000 : i32
      %lt3A_316 = vector.broadcast %lt3A_315 : i32 to vector<16xi32>
      %lt3A_317 = arith.cmpi slt, %sub3A_311, %lt3A_316 : vector<16xi32>
      %and3A_318 = arith.andi %ge3A_314, %lt3A_317 : vector<16xi1>
      %and3A_319 = arith.constant 1023 : i32
      %and3A_320 = vector.broadcast %and3A_319 : i32 to vector<16xi32>
      %and3A_321 = arith.andi %and3A_309, %and3A_320 : vector<16xi32>
      %add3A_322 = arith.constant 5000 : i32
      %add3A_323 = vector.broadcast %add3A_322 : i32 to vector<16xi32>
      %add3A_324 = arith.addi %add3A_323, %and3A_321 : vector<16xi32>
      %select_n3A_325 = arith.select %and3A_318, %sub3A_311, %add3A_324 : vector<16xi1>, vector<16xi32>
      %swap3A_326 = arith.index_cast %scan3A_50 : i32 to index
      %swap3A_327 = arith.constant 112 : index
      %swap3A_328 = tpu.vector_load %arg7[%swap3A_326, %swap3A_327] {strides = array<i32>} : memref<158x128xi32, #tpu.memory_space<vmem>>, vector<1x16xi32>,
      %swap3A_329 = vector.shape_cast %swap3A_328 : vector<1x16xi32> to vector<16xi32>
      %swap3A_330 = vector.shape_cast %select_n3A_325 : vector<16xi32> to vector<1x16xi32>
      tpu.vector_store %arg7[%swap3A_326, %swap3A_327], %swap3A_330 {strides = array<i32>} : memref<158x128xi32, #tpu.memory_space<vmem>>, vector<1x16xi32>,
    }
    %scan3A_5 = arith.constant 158 : i32
    %broadcast_in_dim3A = arith.constant 0.000000e+00 : f32
    %broadcast_in_dim3A_6 = vector.broadcast %broadcast_in_dim3A : f32 to vector<16xf32>
    %scan3A_7 = arith.constant 0 : i32
    %scan3A_8 = arith.constant 0 : i32
    %scan3A_9 = arith.constant 8 : i32
    %scan3A_10 = arith.addi %scan3A_8, %scan3A_9 : i32
    %scan3A_11 = arith.constant 1 : i32
    scf.for %scan3A_50 = %scan3A_8 to %scan3A_10 step %scan3A_11  : i32 {
      %swap3A = arith.index_cast %scan3A_50 : i32 to index
      %swap3A_51 = arith.constant 0 : index
      %swap3A_52 = tpu.vector_load %arg9[%swap3A, %swap3A_51] {strides = array<i32>} : memref<8x128xf32, #tpu.memory_space<vmem>>, vector<1x16xf32>,
      %swap3A_53 = vector.shape_cast %swap3A_52 : vector<1x16xf32> to vector<16xf32>
      %swap3A_54 = vector.shape_cast %broadcast_in_dim3A_6 : vector<16xf32> to vector<1x16xf32>
      tpu.vector_store %arg9[%swap3A, %swap3A_51], %swap3A_54 {strides = array<i32>} : memref<8x128xf32, #tpu.memory_space<vmem>>, vector<1x16xf32>,
      %swap3A_55 = arith.index_cast %scan3A_50 : i32 to index
      %swap3A_56 = arith.constant 16 : index
      %swap3A_57 = tpu.vector_load %arg9[%swap3A_55, %swap3A_56] {strides = array<i32>} : memref<8x128xf32, #tpu.memory_space<vmem>>, vector<1x16xf32>,
      %swap3A_58 = vector.shape_cast %swap3A_57 : vector<1x16xf32> to vector<16xf32>
      %swap3A_59 = vector.shape_cast %broadcast_in_dim3A_6 : vector<16xf32> to vector<1x16xf32>
      tpu.vector_store %arg9[%swap3A_55, %swap3A_56], %swap3A_59 {strides = array<i32>} : memref<8x128xf32, #tpu.memory_space<vmem>>, vector<1x16xf32>,
      %swap3A_60 = arith.index_cast %scan3A_50 : i32 to index
      %swap3A_61 = arith.constant 32 : index
      %swap3A_62 = tpu.vector_load %arg9[%swap3A_60, %swap3A_61] {strides = array<i32>} : memref<8x128xf32, #tpu.memory_space<vmem>>, vector<1x16xf32>,
      %swap3A_63 = vector.shape_cast %swap3A_62 : vector<1x16xf32> to vector<16xf32>
      %swap3A_64 = vector.shape_cast %broadcast_in_dim3A_6 : vector<16xf32> to vector<1x16xf32>
      tpu.vector_store %arg9[%swap3A_60, %swap3A_61], %swap3A_64 {strides = array<i32>} : memref<8x128xf32, #tpu.memory_space<vmem>>, vector<1x16xf32>,
      %swap3A_65 = arith.index_cast %scan3A_50 : i32 to index
      %swap3A_66 = arith.constant 48 : index
      %swap3A_67 = tpu.vector_load %arg9[%swap3A_65, %swap3A_66] {strides = array<i32>} : memref<8x128xf32, #tpu.memory_space<vmem>>, vector<1x16xf32>,
      %swap3A_68 = vector.shape_cast %swap3A_67 : vector<1x16xf32> to vector<16xf32>
      %swap3A_69 = vector.shape_cast %broadcast_in_dim3A_6 : vector<16xf32> to vector<1x16xf32>
      tpu.vector_store %arg9[%swap3A_65, %swap3A_66], %swap3A_69 {strides = array<i32>} : memref<8x128xf32, #tpu.memory_space<vmem>>, vector<1x16xf32>,
      %swap3A_70 = arith.index_cast %scan3A_50 : i32 to index
      %swap3A_71 = arith.constant 64 : index
      %swap3A_72 = tpu.vector_load %arg9[%swap3A_70, %swap3A_71] {strides = array<i32>} : memref<8x128xf32, #tpu.memory_space<vmem>>, vector<1x16xf32>,
      %swap3A_73 = vector.shape_cast %swap3A_72 : vector<1x16xf32> to vector<16xf32>
      %swap3A_74 = vector.shape_cast %broadcast_in_dim3A_6 : vector<16xf32> to vector<1x16xf32>
      tpu.vector_store %arg9[%swap3A_70, %swap3A_71], %swap3A_74 {strides = array<i32>} : memref<8x128xf32, #tpu.memory_space<vmem>>, vector<1x16xf32>,
      %swap3A_75 = arith.index_cast %scan3A_50 : i32 to index
      %swap3A_76 = arith.constant 80 : index
      %swap3A_77 = tpu.vector_load %arg9[%swap3A_75, %swap3A_76] {strides = array<i32>} : memref<8x128xf32, #tpu.memory_space<vmem>>, vector<1x16xf32>,
      %swap3A_78 = vector.shape_cast %swap3A_77 : vector<1x16xf32> to vector<16xf32>
      %swap3A_79 = vector.shape_cast %broadcast_in_dim3A_6 : vector<16xf32> to vector<1x16xf32>
      tpu.vector_store %arg9[%swap3A_75, %swap3A_76], %swap3A_79 {strides = array<i32>} : memref<8x128xf32, #tpu.memory_space<vmem>>, vector<1x16xf32>,
      %swap3A_80 = arith.index_cast %scan3A_50 : i32 to index
      %swap3A_81 = arith.constant 96 : index
      %swap3A_82 = tpu.vector_load %arg9[%swap3A_80, %swap3A_81] {strides = array<i32>} : memref<8x128xf32, #tpu.memory_space<vmem>>, vector<1x16xf32>,
      %swap3A_83 = vector.shape_cast %swap3A_82 : vector<1x16xf32> to vector<16xf32>
      %swap3A_84 = vector.shape_cast %broadcast_in_dim3A_6 : vector<16xf32> to vector<1x16xf32>
      tpu.vector_store %arg9[%swap3A_80, %swap3A_81], %swap3A_84 {strides = array<i32>} : memref<8x128xf32, #tpu.memory_space<vmem>>, vector<1x16xf32>,
      %swap3A_85 = arith.index_cast %scan3A_50 : i32 to index
      %swap3A_86 = arith.constant 112 : index
      %swap3A_87 = tpu.vector_load %arg9[%swap3A_85, %swap3A_86] {strides = array<i32>} : memref<8x128xf32, #tpu.memory_space<vmem>>, vector<1x16xf32>,
      %swap3A_88 = vector.shape_cast %swap3A_87 : vector<1x16xf32> to vector<16xf32>
      %swap3A_89 = vector.shape_cast %broadcast_in_dim3A_6 : vector<16xf32> to vector<1x16xf32>
      tpu.vector_store %arg9[%swap3A_85, %swap3A_86], %swap3A_89 {strides = array<i32>} : memref<8x128xf32, #tpu.memory_space<vmem>>, vector<1x16xf32>,
    }
    %scan3A_12 = arith.constant 8 : i32
    %eq3A = arith.constant 15 : i32
    %eq3A_13 = arith.cmpi eq, %arg1, %eq3A : i32
    %jit3A = arith.constant 41 : i32
    %jit3A_14 = arith.constant 39 : i32
    %select_n3A = arith.select %eq3A_13, %jit3A, %jit3A_14 : i32
    %mul3A_15 = arith.constant 312 : i32
    %mul3A_16 = arith.muli %arg1, %mul3A_15 : i32
    %while3A = arith.constant 0 : i32
    %while3A_17 = arith.constant 0 : i32
    %while3A_18 = arith.subi %select_n3A, %while3A_17 : i32
    %while3A_19 = arith.addi %while3A_17, %while3A_18 : i32
    %while3A_20 = arith.constant 1 : i32
    %while3A_21 = arith.divsi %while3A_18, %while3A_20 : i32
    %while3A_22 = arith.muli %while3A_21, %while3A_20 : i32
    %while3A_23 = arith.addi %while3A_17, %while3A_22 : i32
    %while3A_24 = arith.constant 1 : i32
    scf.for %while3A_50 = %while3A_17 to %while3A_23 step %while3A_24  : i32 {
      %mul3A_51 = arith.constant 8 : i32
      %mul3A_52 = arith.muli %while3A_50, %mul3A_51 : i32
      %add3A = arith.addi %mul3A_16, %mul3A_52 : i32
      "tpu.region"() ({
        %run_scoped3A = tpu.sem_alloc : memref<!tpu.dma_semaphore, #tpu.memory_space<semaphore_mem>>
        %dma_start3A = arith.constant 0 : i32
        %dma_start3A_53 = tpu.memref_slice %arg10[%add3A, %dma_start3A] : memref<6024x128xf32, #tpu.memory_space<vmem_shared>> -> memref<8x128xf32, #tpu.memory_space<vmem_shared>>
        %dma_start3A_54 = arith.constant 0 : i32
        %dma_start3A_55 = tpu.memref_slice %arg10[%add3A, %dma_start3A_54] : memref<6024x128xf32, #tpu.memory_space<vmem_shared>> -> memref<8x128xf32, #tpu.memory_space<vmem_shared>>
        tpu.enqueue_dma source(%arg9 : memref<8x128xf32, #tpu.memory_space<vmem>>) target(%dma_start3A_55 : memref<8x128xf32, #tpu.memory_space<vmem_shared>>) target_semaphore(%run_scoped3A : memref<!tpu.dma_semaphore, #tpu.memory_space<semaphore_mem>>)
        %dma_wait3A = arith.constant 0 : i32
        %dma_wait3A_56 = tpu.memref_slice %arg10[%add3A, %dma_wait3A] : memref<6024x128xf32, #tpu.memory_space<vmem_shared>> -> memref<8x128xf32, #tpu.memory_space<vmem_shared>>
        %dma_wait3A_57 = arith.constant 0 : i32
        %dma_wait3A_58 = tpu.memref_slice %arg10[%add3A, %dma_wait3A_57] : memref<6024x128xf32, #tpu.memory_space<vmem_shared>> -> memref<8x128xf32, #tpu.memory_space<vmem_shared>>
        tpu.wait_dma2 semaphore(%run_scoped3A : memref<!tpu.dma_semaphore, #tpu.memory_space<semaphore_mem>>) src(%arg9 : memref<8x128xf32, #tpu.memory_space<vmem>>) dst(%dma_wait3A_58 : memref<8x128xf32, #tpu.memory_space<vmem_shared>>)
        tpu.yield
      }) : () -> ()
    }
    %while3A_25 = arith.constant 1 : i32
    scf.for %while3A_50 = %while3A_23 to %while3A_19 step %while3A_25  : i32 {
      %mul3A_51 = arith.constant 8 : i32
      %mul3A_52 = arith.muli %while3A_50, %mul3A_51 : i32
      %add3A = arith.addi %mul3A_16, %mul3A_52 : i32
      "tpu.region"() ({
        %run_scoped3A = tpu.sem_alloc : memref<!tpu.dma_semaphore, #tpu.memory_space<semaphore_mem>>
        %dma_start3A = arith.constant 0 : i32
        %dma_start3A_53 = tpu.memref_slice %arg10[%add3A, %dma_start3A] : memref<6024x128xf32, #tpu.memory_space<vmem_shared>> -> memref<8x128xf32, #tpu.memory_space<vmem_shared>>
        %dma_start3A_54 = arith.constant 0 : i32
        %dma_start3A_55 = tpu.memref_slice %arg10[%add3A, %dma_start3A_54] : memref<6024x128xf32, #tpu.memory_space<vmem_shared>> -> memref<8x128xf32, #tpu.memory_space<vmem_shared>>
        tpu.enqueue_dma source(%arg9 : memref<8x128xf32, #tpu.memory_space<vmem>>) target(%dma_start3A_55 : memref<8x128xf32, #tpu.memory_space<vmem_shared>>) target_semaphore(%run_scoped3A : memref<!tpu.dma_semaphore, #tpu.memory_space<semaphore_mem>>)
        %dma_wait3A = arith.constant 0 : i32
        %dma_wait3A_56 = tpu.memref_slice %arg10[%add3A, %dma_wait3A] : memref<6024x128xf32, #tpu.memory_space<vmem_shared>> -> memref<8x128xf32, #tpu.memory_space<vmem_shared>>
        %dma_wait3A_57 = arith.constant 0 : i32
        %dma_wait3A_58 = tpu.memref_slice %arg10[%add3A, %dma_wait3A_57] : memref<6024x128xf32, #tpu.memory_space<vmem_shared>> -> memref<8x128xf32, #tpu.memory_space<vmem_shared>>
        tpu.wait_dma2 semaphore(%run_scoped3A : memref<!tpu.dma_semaphore, #tpu.memory_space<semaphore_mem>>) src(%arg9 : memref<8x128xf32, #tpu.memory_space<vmem>>) dst(%dma_wait3A_58 : memref<8x128xf32, #tpu.memory_space<vmem_shared>>)
        tpu.yield
      }) : () -> ()
    }
    %barrier3A = arith.constant 0 : index
    tpu.barrier barrier_id(%barrier3A)
    %scan3A_26 = arith.constant 0 : i32
    %scan3A_27 = arith.constant 0 : i32
    %scan3A_28 = arith.constant 158 : i32
    %scan3A_29 = arith.addi %scan3A_27, %scan3A_28 : i32
    %scan3A_30 = arith.constant 1 : i32
    scf.for %scan3A_50 = %scan3A_27 to %scan3A_29 step %scan3A_30  : i32 {
      %dma_start3A = arith.constant 0 : i32
      %dma_start3A_51 = tpu.memref_slice %arg6[%scan3A_50, %dma_start3A] : memref<158x128xi32, #tpu.memory_space<vmem>> -> memref<1x128xi32, #tpu.memory_space<vmem>>
      %dma_start3A_52 = tpu.memref_squeeze %dma_start3A_51 : memref<1x128xi32, #tpu.memory_space<vmem>> -> memref<128xi32, #tpu.memory_space<vmem>>
      %dma_start3A_53 = arith.constant 0 : i32
      %dma_start3A_54 = arith.constant 0 : i32
      %dma_start3A_55 = tpu.memref_slice %arg2[%dma_start3A_53, %dma_start3A_54] : memref<10000x128xf32, #tpu.memory_space<hbm>> -> memref<10000x128xf32, #tpu.memory_space<hbm>>
      tpu.enqueue_indirect_dma source(%dma_start3A_55 : memref<10000x128xf32, #tpu.memory_space<hbm>>) target(%arg8 : memref<128x128xf32, #tpu.memory_space<vmem>>) offsets(%dma_start3A_52 : memref<128xi32, #tpu.memory_space<vmem>>) semaphore(%arg11 : memref<!tpu.dma_semaphore, #tpu.memory_space<semaphore_mem>>)
      %dma_wait3A = arith.constant 0 : i32
      %dma_wait3A_56 = tpu.memref_slice %arg6[%scan3A_50, %dma_wait3A] : memref<158x128xi32, #tpu.memory_space<vmem>> -> memref<1x128xi32, #tpu.memory_space<vmem>>
      %dma_wait3A_57 = tpu.memref_squeeze %dma_wait3A_56 : memref<1x128xi32, #tpu.memory_space<vmem>> -> memref<128xi32, #tpu.memory_space<vmem>>
      %dma_wait3A_58 = arith.constant 0 : i32
      %dma_wait3A_59 = arith.constant 0 : i32
      %dma_wait3A_60 = tpu.memref_slice %arg2[%dma_wait3A_58, %dma_wait3A_59] : memref<10000x128xf32, #tpu.memory_space<hbm>> -> memref<10000x128xf32, #tpu.memory_space<hbm>>
      tpu.wait_indirect_dma semaphore(%arg11 : memref<!tpu.dma_semaphore, #tpu.memory_space<semaphore_mem>>) src(%dma_wait3A_60 : memref<10000x128xf32, #tpu.memory_space<hbm>>) dst(%arg8 : memref<128x128xf32, #tpu.memory_space<vmem>>)
      "tpu.region"() ({
        %run_scoped3A = tpu.sem_alloc : memref<!tpu.dma_semaphore, #tpu.memory_space<semaphore_mem>>
        %dma_start3A_61 = arith.constant 0 : i32
        %dma_start3A_62 = tpu.memref_slice %arg7[%scan3A_50, %dma_start3A_61] : memref<158x128xi32, #tpu.memory_space<vmem>> -> memref<1x128xi32, #tpu.memory_space<vmem>>
        %dma_start3A_63 = tpu.memref_squeeze %dma_start3A_62 : memref<1x128xi32, #tpu.memory_space<vmem>> -> memref<128xi32, #tpu.memory_space<vmem>>
        %dma_start3A_64 = arith.constant 0 : i32
        %dma_start3A_65 = arith.constant 0 : i32
        %dma_start3A_66 = tpu.memref_slice %arg10[%dma_start3A_64, %dma_start3A_65] : memref<6024x128xf32, #tpu.memory_space<vmem_shared>> -> memref<6024x128xf32, #tpu.memory_space<vmem_shared>>
        tpu.enqueue_indirect_dma source(%arg8 : memref<128x128xf32, #tpu.memory_space<vmem>>) target(%dma_start3A_66 : memref<6024x128xf32, #tpu.memory_space<vmem_shared>>) offsets(%dma_start3A_63 : memref<128xi32, #tpu.memory_space<vmem>>) semaphore(%run_scoped3A : memref<!tpu.dma_semaphore, #tpu.memory_space<semaphore_mem>>) {add = true}
        %dma_wait3A_67 = arith.constant 0 : i32
        %dma_wait3A_68 = tpu.memref_slice %arg7[%scan3A_50, %dma_wait3A_67] : memref<158x128xi32, #tpu.memory_space<vmem>> -> memref<1x128xi32, #tpu.memory_space<vmem>>
        %dma_wait3A_69 = tpu.memref_squeeze %dma_wait3A_68 : memref<1x128xi32, #tpu.memory_space<vmem>> -> memref<128xi32, #tpu.memory_space<vmem>>
        %dma_wait3A_70 = arith.constant 0 : i32
        %dma_wait3A_71 = arith.constant 0 : i32
        %dma_wait3A_72 = tpu.memref_slice %arg10[%dma_wait3A_70, %dma_wait3A_71] : memref<6024x128xf32, #tpu.memory_space<vmem_shared>> -> memref<6024x128xf32, #tpu.memory_space<vmem_shared>>
        tpu.wait_indirect_dma semaphore(%run_scoped3A : memref<!tpu.dma_semaphore, #tpu.memory_space<semaphore_mem>>) src(%arg8 : memref<128x128xf32, #tpu.memory_space<vmem>>) dst(%dma_wait3A_72 : memref<6024x128xf32, #tpu.memory_space<vmem_shared>>)
        tpu.yield
      }) : () -> ()
    }
    %scan3A_31 = arith.constant 158 : i32
    %barrier3A_32 = arith.constant 0 : index
    tpu.barrier barrier_id(%barrier3A_32)
    %eq3A_33 = arith.constant 15 : i32
    %eq3A_34 = arith.cmpi eq, %arg1, %eq3A_33 : i32
    %jit3A_35 = arith.constant 40 : i32
    %jit3A_36 = arith.constant 39 : i32
    %select_n3A_37 = arith.select %eq3A_34, %jit3A_35, %jit3A_36 : i32
    %mul3A_38 = arith.constant 312 : i32
    %mul3A_39 = arith.muli %arg1, %mul3A_38 : i32
    %while3A_40 = arith.constant 0 : i32
    %while3A_41 = arith.constant 0 : i32
    %while3A_42 = arith.subi %select_n3A_37, %while3A_41 : i32
    %while3A_43 = arith.addi %while3A_41, %while3A_42 : i32
    %while3A_44 = arith.constant 1 : i32
    %while3A_45 = arith.divsi %while3A_42, %while3A_44 : i32
    %while3A_46 = arith.muli %while3A_45, %while3A_44 : i32
    %while3A_47 = arith.addi %while3A_41, %while3A_46 : i32
    %while3A_48 = arith.constant 1 : i32
    scf.for %while3A_50 = %while3A_41 to %while3A_47 step %while3A_48  : i32 {
      %mul3A_51 = arith.constant 8 : i32
      %mul3A_52 = arith.muli %while3A_50, %mul3A_51 : i32
      %add3A = arith.addi %mul3A_39, %mul3A_52 : i32
      %mul3A_53 = arith.constant 5000 : i32
      %mul3A_54 = arith.muli %arg0, %mul3A_53 : i32
      %add3A_55 = arith.addi %mul3A_54, %mul3A_39 : i32
      %mul3A_56 = arith.constant 8 : i32
      %mul3A_57 = arith.muli %while3A_50, %mul3A_56 : i32
      %add3A_58 = arith.addi %add3A_55, %mul3A_57 : i32
      "tpu.region"() ({
        %run_scoped3A = tpu.sem_alloc : memref<!tpu.dma_semaphore, #tpu.memory_space<semaphore_mem>>
        %dma_start3A = arith.constant 0 : i32
        %dma_start3A_59 = tpu.memref_slice %arg4[%add3A_58, %dma_start3A] : memref<10000x128xf32, #tpu.memory_space<hbm>> -> memref<8x128xf32, #tpu.memory_space<hbm>>
        %dma_start3A_60 = arith.constant 0 : i32
        %dma_start3A_61 = tpu.memref_slice %arg10[%add3A, %dma_start3A_60] : memref<6024x128xf32, #tpu.memory_space<vmem_shared>> -> memref<8x128xf32, #tpu.memory_space<vmem_shared>>
        tpu.enqueue_dma source(%dma_start3A_61 : memref<8x128xf32, #tpu.memory_space<vmem_shared>>) target(%dma_start3A_59 : memref<8x128xf32, #tpu.memory_space<hbm>>) target_semaphore(%run_scoped3A : memref<!tpu.dma_semaphore, #tpu.memory_space<semaphore_mem>>)
        %dma_wait3A = arith.constant 0 : i32
        %dma_wait3A_62 = tpu.memref_slice %arg4[%add3A_58, %dma_wait3A] : memref<10000x128xf32, #tpu.memory_space<hbm>> -> memref<8x128xf32, #tpu.memory_space<hbm>>
        %dma_wait3A_63 = arith.constant 0 : i32
        %dma_wait3A_64 = tpu.memref_slice %arg10[%add3A, %dma_wait3A_63] : memref<6024x128xf32, #tpu.memory_space<vmem_shared>> -> memref<8x128xf32, #tpu.memory_space<vmem_shared>>
        tpu.wait_dma2 semaphore(%run_scoped3A : memref<!tpu.dma_semaphore, #tpu.memory_space<semaphore_mem>>) src(%dma_wait3A_64 : memref<8x128xf32, #tpu.memory_space<vmem_shared>>) dst(%dma_wait3A_62 : memref<8x128xf32, #tpu.memory_space<hbm>>)
        tpu.yield
      }) : () -> ()
    }
    %while3A_49 = arith.constant 1 : i32
    scf.for %while3A_50 = %while3A_47 to %while3A_43 step %while3A_49  : i32 {
      %mul3A_51 = arith.constant 8 : i32
      %mul3A_52 = arith.muli %while3A_50, %mul3A_51 : i32
      %add3A = arith.addi %mul3A_39, %mul3A_52 : i32
      %mul3A_53 = arith.constant 5000 : i32
      %mul3A_54 = arith.muli %arg0, %mul3A_53 : i32
      %add3A_55 = arith.addi %mul3A_54, %mul3A_39 : i32
      %mul3A_56 = arith.constant 8 : i32
      %mul3A_57 = arith.muli %while3A_50, %mul3A_56 : i32
      %add3A_58 = arith.addi %add3A_55, %mul3A_57 : i32
      "tpu.region"() ({
        %run_scoped3A = tpu.sem_alloc : memref<!tpu.dma_semaphore, #tpu.memory_space<semaphore_mem>>
        %dma_start3A = arith.constant 0 : i32
        %dma_start3A_59 = tpu.memref_slice %arg4[%add3A_58, %dma_start3A] : memref<10000x128xf32, #tpu.memory_space<hbm>> -> memref<8x128xf32, #tpu.memory_space<hbm>>
        %dma_start3A_60 = arith.constant 0 : i32
        %dma_start3A_61 = tpu.memref_slice %arg10[%add3A, %dma_start3A_60] : memref<6024x128xf32, #tpu.memory_space<vmem_shared>> -> memref<8x128xf32, #tpu.memory_space<vmem_shared>>
        tpu.enqueue_dma source(%dma_start3A_61 : memref<8x128xf32, #tpu.memory_space<vmem_shared>>) target(%dma_start3A_59 : memref<8x128xf32, #tpu.memory_space<hbm>>) target_semaphore(%run_scoped3A : memref<!tpu.dma_semaphore, #tpu.memory_space<semaphore_mem>>)
        %dma_wait3A = arith.constant 0 : i32
        %dma_wait3A_62 = tpu.memref_slice %arg4[%add3A_58, %dma_wait3A] : memref<10000x128xf32, #tpu.memory_space<hbm>> -> memref<8x128xf32, #tpu.memory_space<hbm>>
        %dma_wait3A_63 = arith.constant 0 : i32
        %dma_wait3A_64 = tpu.memref_slice %arg10[%add3A, %dma_wait3A_63] : memref<6024x128xf32, #tpu.memory_space<vmem_shared>> -> memref<8x128xf32, #tpu.memory_space<vmem_shared>>
        tpu.wait_dma2 semaphore(%run_scoped3A : memref<!tpu.dma_semaphore, #tpu.memory_space<semaphore_mem>>) src(%dma_wait3A_64 : memref<8x128xf32, #tpu.memory_space<vmem_shared>>) dst(%dma_wait3A_62 : memref<8x128xf32, #tpu.memory_space<hbm>>)
        tpu.yield
      }) : () -> ()
    }
    return
  }
}

#map = affine_map<(d0, d1) -> (0, 0)>
#map1 = affine_map<(d0, d1) -> (0, 0, 0)>
module attributes {stable_mosaic.version = 14 : i64} {
  func.func @_sc_propagate(%arg0: i32, %arg1: i32, %arg2: memref<10000x128xf32, #tpu.memory_space<hbm>>, %arg3: memref<16x158x128xi32, #tpu.memory_space<hbm>>, %arg4: memref<10000x128xf32, #tpu.memory_space<hbm>>, %arg5: memref<158x128xi32, #tpu.memory_space<vmem>>, %arg6: memref<158x128xi32, #tpu.memory_space<vmem>>, %arg7: memref<158x128xi32, #tpu.memory_space<vmem>>, %arg8: memref<128x128xf32, #tpu.memory_space<vmem>>, %arg9: memref<8x128xf32, #tpu.memory_space<vmem>>, %arg10: memref<6024x128xf32, #tpu.memory_space<vmem_shared>>, %arg11: memref<!tpu.dma_semaphore, #tpu.memory_space<semaphore_mem>>) attributes {dimension_semantics = [#tpu.dimension_semantics<core_parallel>, #tpu.dimension_semantics<subcore_parallel>], iteration_bounds = array<i64: 2, 16>, scalar_prefetch = 0 : i64, scratch_operands = 7 : i64, tpu.core_type = #tpu.core_type<sc_vector_subcore>, window_params = [{transform_indices = #map}, {transform_indices = #map1}, {transform_indices = #map}]} {
    "tpu.region"() ({
      %run_scoped3A = tpu.sem_alloc : memref<!tpu.dma_semaphore, #tpu.memory_space<semaphore_mem>>
      %dma_start3A = arith.constant 0 : i32
      %dma_start3A_50 = arith.constant 0 : i32
      %dma_start3A_51 = tpu.memref_slice %arg3[%arg1, %dma_start3A, %dma_start3A_50] : memref<16x158x128xi32, #tpu.memory_space<hbm>> -> memref<1x158x128xi32, #tpu.memory_space<hbm>>
      %dma_start3A_52 = tpu.memref_squeeze %dma_start3A_51 : memref<1x158x128xi32, #tpu.memory_space<hbm>> -> memref<158x128xi32, #tpu.memory_space<hbm>>
      %dma_start3A_53 = arith.constant 0 : i32
      %dma_start3A_54 = arith.constant 0 : i32
      %dma_start3A_55 = tpu.memref_slice %arg3[%arg1, %dma_start3A_53, %dma_start3A_54] : memref<16x158x128xi32, #tpu.memory_space<hbm>> -> memref<1x158x128xi32, #tpu.memory_space<hbm>>
      %dma_start3A_56 = tpu.memref_squeeze %dma_start3A_55 : memref<1x158x128xi32, #tpu.memory_space<hbm>> -> memref<158x128xi32, #tpu.memory_space<hbm>>
      tpu.enqueue_dma source(%dma_start3A_56 : memref<158x128xi32, #tpu.memory_space<hbm>>) target(%arg5 : memref<158x128xi32, #tpu.memory_space<vmem>>) target_semaphore(%run_scoped3A : memref<!tpu.dma_semaphore, #tpu.memory_space<semaphore_mem>>)
      %dma_wait3A = arith.constant 0 : i32
      %dma_wait3A_57 = arith.constant 0 : i32
      %dma_wait3A_58 = tpu.memref_slice %arg3[%arg1, %dma_wait3A, %dma_wait3A_57] : memref<16x158x128xi32, #tpu.memory_space<hbm>> -> memref<1x158x128xi32, #tpu.memory_space<hbm>>
      %dma_wait3A_59 = tpu.memref_squeeze %dma_wait3A_58 : memref<1x158x128xi32, #tpu.memory_space<hbm>> -> memref<158x128xi32, #tpu.memory_space<hbm>>
      %dma_wait3A_60 = arith.constant 0 : i32
      %dma_wait3A_61 = arith.constant 0 : i32
      %dma_wait3A_62 = tpu.memref_slice %arg3[%arg1, %dma_wait3A_60, %dma_wait3A_61] : memref<16x158x128xi32, #tpu.memory_space<hbm>> -> memref<1x158x128xi32, #tpu.memory_space<hbm>>
      %dma_wait3A_63 = tpu.memref_squeeze %dma_wait3A_62 : memref<1x158x128xi32, #tpu.memory_space<hbm>> -> memref<158x128xi32, #tpu.memory_space<hbm>>
      tpu.wait_dma2 semaphore(%run_scoped3A : memref<!tpu.dma_semaphore, #tpu.memory_space<semaphore_mem>>) src(%dma_wait3A_63 : memref<158x128xi32, #tpu.memory_space<hbm>>) dst(%arg5 : memref<158x128xi32, #tpu.memory_space<vmem>>)
      tpu.yield
    }) : () -> ()
    %mul3A = arith.constant 5000 : i32
    %mul3A_0 = arith.muli %arg0, %mul3A : i32
    %scan3A = arith.constant 0 : i32
    %scan3A_1 = arith.constant 0 : i32
    %scan3A_2 = arith.constant 158 : i32
    %scan3A_3 = arith.addi %scan3A_1, %scan3A_2 : i32
    %scan3A_4 = arith.constant 1 : i32
    scf.for %scan3A_50 = %scan3A_1 to %scan3A_3 step %scan3A_4  : i32 {
      %get3A = arith.index_cast %scan3A_50 : i32 to index
      %get3A_51 = arith.constant 0 : index
      %get3A_52 = tpu.vector_load %arg5[%get3A, %get3A_51] {strides = array<i32>} : memref<158x128xi32, #tpu.memory_space<vmem>>, vector<1x16xi32>,
      %get3A_53 = vector.shape_cast %get3A_52 : vector<1x16xi32> to vector<16xi32>
      %shift_right_logical3A = arith.constant 14 : i32
      %shift_right_logical3A_54 = vector.broadcast %shift_right_logical3A : i32 to vector<16xi32>
      %shift_right_logical3A_55 = arith.shrui %get3A_53, %shift_right_logical3A_54 : vector<16xi32>
      %swap3A = arith.index_cast %scan3A_50 : i32 to index
      %swap3A_56 = arith.constant 0 : index
      %swap3A_57 = tpu.vector_load %arg6[%swap3A, %swap3A_56] {strides = array<i32>} : memref<158x128xi32, #tpu.memory_space<vmem>>, vector<1x16xi32>,
      %swap3A_58 = vector.shape_cast %swap3A_57 : vector<1x16xi32> to vector<16xi32>
      %swap3A_59 = vector.shape_cast %shift_right_logical3A_55 : vector<16xi32> to vector<1x16xi32>
      tpu.vector_store %arg6[%swap3A, %swap3A_56], %swap3A_59 {strides = array<i32>} : memref<158x128xi32, #tpu.memory_space<vmem>>, vector<1x16xi32>,
      %and3A = arith.constant 16383 : i32
      %and3A_60 = vector.broadcast %and3A : i32 to vector<16xi32>
      %and3A_61 = arith.andi %get3A_53, %and3A_60 : vector<16xi32>
      %sub3A = vector.broadcast %mul3A_0 : i32 to vector<16xi32>
      %sub3A_62 = arith.subi %and3A_61, %sub3A : vector<16xi32>
      %ge3A = arith.constant 0 : i32
      %ge3A_63 = vector.broadcast %ge3A : i32 to vector<16xi32>
      %ge3A_64 = arith.cmpi sge, %sub3A_62, %ge3A_63 : vector<16xi32>
      %lt3A = arith.constant 5000 : i32
      %lt3A_65 = vector.broadcast %lt3A : i32 to vector<16xi32>
      %lt3A_66 = arith.cmpi slt, %sub3A_62, %lt3A_65 : vector<16xi32>
      %and3A_67 = arith.andi %ge3A_64, %lt3A_66 : vector<16xi1>
      %and3A_68 = arith.constant 1023 : i32
      %and3A_69 = vector.broadcast %and3A_68 : i32 to vector<16xi32>
      %and3A_70 = arith.andi %and3A_61, %and3A_69 : vector<16xi32>
      %add3A = arith.constant 5000 : i32
      %add3A_71 = vector.broadcast %add3A : i32 to vector<16xi32>
      %add3A_72 = arith.addi %add3A_71, %and3A_70 : vector<16xi32>
      %select_n3A_73 = arith.select %and3A_67, %sub3A_62, %add3A_72 : vector<16xi1>, vector<16xi32>
      %swap3A_74 = arith.index_cast %scan3A_50 : i32 to index
      %swap3A_75 = arith.constant 0 : index
      %swap3A_76 = tpu.vector_load %arg7[%swap3A_74, %swap3A_75] {strides = array<i32>} : memref<158x128xi32, #tpu.memory_space<vmem>>, vector<1x16xi32>,
      %swap3A_77 = vector.shape_cast %swap3A_76 : vector<1x16xi32> to vector<16xi32>
      %swap3A_78 = vector.shape_cast %select_n3A_73 : vector<16xi32> to vector<1x16xi32>
      tpu.vector_store %arg7[%swap3A_74, %swap3A_75], %swap3A_78 {strides = array<i32>} : memref<158x128xi32, #tpu.memory_space<vmem>>, vector<1x16xi32>,
      %get3A_79 = arith.index_cast %scan3A_50 : i32 to index
      %get3A_80 = arith.constant 16 : index
      %get3A_81 = tpu.vector_load %arg5[%get3A_79, %get3A_80] {strides = array<i32>} : memref<158x128xi32, #tpu.memory_space<vmem>>, vector<1x16xi32>,
      %get3A_82 = vector.shape_cast %get3A_81 : vector<1x16xi32> to vector<16xi32>
      %shift_right_logical3A_83 = arith.constant 14 : i32
      %shift_right_logical3A_84 = vector.broadcast %shift_right_logical3A_83 : i32 to vector<16xi32>
      %shift_right_logical3A_85 = arith.shrui %get3A_82, %shift_right_logical3A_84 : vector<16xi32>
      %swap3A_86 = arith.index_cast %scan3A_50 : i32 to index
      %swap3A_87 = arith.constant 16 : index
      %swap3A_88 = tpu.vector_load %arg6[%swap3A_86, %swap3A_87] {strides = array<i32>} : memref<158x128xi32, #tpu.memory_space<vmem>>, vector<1x16xi32>,
      %swap3A_89 = vector.shape_cast %swap3A_88 : vector<1x16xi32> to vector<16xi32>
      %swap3A_90 = vector.shape_cast %shift_right_logical3A_85 : vector<16xi32> to vector<1x16xi32>
      tpu.vector_store %arg6[%swap3A_86, %swap3A_87], %swap3A_90 {strides = array<i32>} : memref<158x128xi32, #tpu.memory_space<vmem>>, vector<1x16xi32>,
      %and3A_91 = arith.constant 16383 : i32
      %and3A_92 = vector.broadcast %and3A_91 : i32 to vector<16xi32>
      %and3A_93 = arith.andi %get3A_82, %and3A_92 : vector<16xi32>
      %sub3A_94 = vector.broadcast %mul3A_0 : i32 to vector<16xi32>
      %sub3A_95 = arith.subi %and3A_93, %sub3A_94 : vector<16xi32>
      %ge3A_96 = arith.constant 0 : i32
      %ge3A_97 = vector.broadcast %ge3A_96 : i32 to vector<16xi32>
      %ge3A_98 = arith.cmpi sge, %sub3A_95, %ge3A_97 : vector<16xi32>
      %lt3A_99 = arith.constant 5000 : i32
      %lt3A_100 = vector.broadcast %lt3A_99 : i32 to vector<16xi32>
      %lt3A_101 = arith.cmpi slt, %sub3A_95, %lt3A_100 : vector<16xi32>
      %and3A_102 = arith.andi %ge3A_98, %lt3A_101 : vector<16xi1>
      %and3A_103 = arith.constant 1023 : i32
      %and3A_104 = vector.broadcast %and3A_103 : i32 to vector<16xi32>
      %and3A_105 = arith.andi %and3A_93, %and3A_104 : vector<16xi32>
      %add3A_106 = arith.constant 5000 : i32
      %add3A_107 = vector.broadcast %add3A_106 : i32 to vector<16xi32>
      %add3A_108 = arith.addi %add3A_107, %and3A_105 : vector<16xi32>
      %select_n3A_109 = arith.select %and3A_102, %sub3A_95, %add3A_108 : vector<16xi1>, vector<16xi32>
      %swap3A_110 = arith.index_cast %scan3A_50 : i32 to index
      %swap3A_111 = arith.constant 16 : index
      %swap3A_112 = tpu.vector_load %arg7[%swap3A_110, %swap3A_111] {strides = array<i32>} : memref<158x128xi32, #tpu.memory_space<vmem>>, vector<1x16xi32>,
      %swap3A_113 = vector.shape_cast %swap3A_112 : vector<1x16xi32> to vector<16xi32>
      %swap3A_114 = vector.shape_cast %select_n3A_109 : vector<16xi32> to vector<1x16xi32>
      tpu.vector_store %arg7[%swap3A_110, %swap3A_111], %swap3A_114 {strides = array<i32>} : memref<158x128xi32, #tpu.memory_space<vmem>>, vector<1x16xi32>,
      %get3A_115 = arith.index_cast %scan3A_50 : i32 to index
      %get3A_116 = arith.constant 32 : index
      %get3A_117 = tpu.vector_load %arg5[%get3A_115, %get3A_116] {strides = array<i32>} : memref<158x128xi32, #tpu.memory_space<vmem>>, vector<1x16xi32>,
      %get3A_118 = vector.shape_cast %get3A_117 : vector<1x16xi32> to vector<16xi32>
      %shift_right_logical3A_119 = arith.constant 14 : i32
      %shift_right_logical3A_120 = vector.broadcast %shift_right_logical3A_119 : i32 to vector<16xi32>
      %shift_right_logical3A_121 = arith.shrui %get3A_118, %shift_right_logical3A_120 : vector<16xi32>
      %swap3A_122 = arith.index_cast %scan3A_50 : i32 to index
      %swap3A_123 = arith.constant 32 : index
      %swap3A_124 = tpu.vector_load %arg6[%swap3A_122, %swap3A_123] {strides = array<i32>} : memref<158x128xi32, #tpu.memory_space<vmem>>, vector<1x16xi32>,
      %swap3A_125 = vector.shape_cast %swap3A_124 : vector<1x16xi32> to vector<16xi32>
      %swap3A_126 = vector.shape_cast %shift_right_logical3A_121 : vector<16xi32> to vector<1x16xi32>
      tpu.vector_store %arg6[%swap3A_122, %swap3A_123], %swap3A_126 {strides = array<i32>} : memref<158x128xi32, #tpu.memory_space<vmem>>, vector<1x16xi32>,
      %and3A_127 = arith.constant 16383 : i32
      %and3A_128 = vector.broadcast %and3A_127 : i32 to vector<16xi32>
      %and3A_129 = arith.andi %get3A_118, %and3A_128 : vector<16xi32>
      %sub3A_130 = vector.broadcast %mul3A_0 : i32 to vector<16xi32>
      %sub3A_131 = arith.subi %and3A_129, %sub3A_130 : vector<16xi32>
      %ge3A_132 = arith.constant 0 : i32
      %ge3A_133 = vector.broadcast %ge3A_132 : i32 to vector<16xi32>
      %ge3A_134 = arith.cmpi sge, %sub3A_131, %ge3A_133 : vector<16xi32>
      %lt3A_135 = arith.constant 5000 : i32
      %lt3A_136 = vector.broadcast %lt3A_135 : i32 to vector<16xi32>
      %lt3A_137 = arith.cmpi slt, %sub3A_131, %lt3A_136 : vector<16xi32>
      %and3A_138 = arith.andi %ge3A_134, %lt3A_137 : vector<16xi1>
      %and3A_139 = arith.constant 1023 : i32
      %and3A_140 = vector.broadcast %and3A_139 : i32 to vector<16xi32>
      %and3A_141 = arith.andi %and3A_129, %and3A_140 : vector<16xi32>
      %add3A_142 = arith.constant 5000 : i32
      %add3A_143 = vector.broadcast %add3A_142 : i32 to vector<16xi32>
      %add3A_144 = arith.addi %add3A_143, %and3A_141 : vector<16xi32>
      %select_n3A_145 = arith.select %and3A_138, %sub3A_131, %add3A_144 : vector<16xi1>, vector<16xi32>
      %swap3A_146 = arith.index_cast %scan3A_50 : i32 to index
      %swap3A_147 = arith.constant 32 : index
      %swap3A_148 = tpu.vector_load %arg7[%swap3A_146, %swap3A_147] {strides = array<i32>} : memref<158x128xi32, #tpu.memory_space<vmem>>, vector<1x16xi32>,
      %swap3A_149 = vector.shape_cast %swap3A_148 : vector<1x16xi32> to vector<16xi32>
      %swap3A_150 = vector.shape_cast %select_n3A_145 : vector<16xi32> to vector<1x16xi32>
      tpu.vector_store %arg7[%swap3A_146, %swap3A_147], %swap3A_150 {strides = array<i32>} : memref<158x128xi32, #tpu.memory_space<vmem>>, vector<1x16xi32>,
      %get3A_151 = arith.index_cast %scan3A_50 : i32 to index
      %get3A_152 = arith.constant 48 : index
      %get3A_153 = tpu.vector_load %arg5[%get3A_151, %get3A_152] {strides = array<i32>} : memref<158x128xi32, #tpu.memory_space<vmem>>, vector<1x16xi32>,
      %get3A_154 = vector.shape_cast %get3A_153 : vector<1x16xi32> to vector<16xi32>
      %shift_right_logical3A_155 = arith.constant 14 : i32
      %shift_right_logical3A_156 = vector.broadcast %shift_right_logical3A_155 : i32 to vector<16xi32>
      %shift_right_logical3A_157 = arith.shrui %get3A_154, %shift_right_logical3A_156 : vector<16xi32>
      %swap3A_158 = arith.index_cast %scan3A_50 : i32 to index
      %swap3A_159 = arith.constant 48 : index
      %swap3A_160 = tpu.vector_load %arg6[%swap3A_158, %swap3A_159] {strides = array<i32>} : memref<158x128xi32, #tpu.memory_space<vmem>>, vector<1x16xi32>,
      %swap3A_161 = vector.shape_cast %swap3A_160 : vector<1x16xi32> to vector<16xi32>
      %swap3A_162 = vector.shape_cast %shift_right_logical3A_157 : vector<16xi32> to vector<1x16xi32>
      tpu.vector_store %arg6[%swap3A_158, %swap3A_159], %swap3A_162 {strides = array<i32>} : memref<158x128xi32, #tpu.memory_space<vmem>>, vector<1x16xi32>,
      %and3A_163 = arith.constant 16383 : i32
      %and3A_164 = vector.broadcast %and3A_163 : i32 to vector<16xi32>
      %and3A_165 = arith.andi %get3A_154, %and3A_164 : vector<16xi32>
      %sub3A_166 = vector.broadcast %mul3A_0 : i32 to vector<16xi32>
      %sub3A_167 = arith.subi %and3A_165, %sub3A_166 : vector<16xi32>
      %ge3A_168 = arith.constant 0 : i32
      %ge3A_169 = vector.broadcast %ge3A_168 : i32 to vector<16xi32>
      %ge3A_170 = arith.cmpi sge, %sub3A_167, %ge3A_169 : vector<16xi32>
      %lt3A_171 = arith.constant 5000 : i32
      %lt3A_172 = vector.broadcast %lt3A_171 : i32 to vector<16xi32>
      %lt3A_173 = arith.cmpi slt, %sub3A_167, %lt3A_172 : vector<16xi32>
      %and3A_174 = arith.andi %ge3A_170, %lt3A_173 : vector<16xi1>
      %and3A_175 = arith.constant 1023 : i32
      %and3A_176 = vector.broadcast %and3A_175 : i32 to vector<16xi32>
      %and3A_177 = arith.andi %and3A_165, %and3A_176 : vector<16xi32>
      %add3A_178 = arith.constant 5000 : i32
      %add3A_179 = vector.broadcast %add3A_178 : i32 to vector<16xi32>
      %add3A_180 = arith.addi %add3A_179, %and3A_177 : vector<16xi32>
      %select_n3A_181 = arith.select %and3A_174, %sub3A_167, %add3A_180 : vector<16xi1>, vector<16xi32>
      %swap3A_182 = arith.index_cast %scan3A_50 : i32 to index
      %swap3A_183 = arith.constant 48 : index
      %swap3A_184 = tpu.vector_load %arg7[%swap3A_182, %swap3A_183] {strides = array<i32>} : memref<158x128xi32, #tpu.memory_space<vmem>>, vector<1x16xi32>,
      %swap3A_185 = vector.shape_cast %swap3A_184 : vector<1x16xi32> to vector<16xi32>
      %swap3A_186 = vector.shape_cast %select_n3A_181 : vector<16xi32> to vector<1x16xi32>
      tpu.vector_store %arg7[%swap3A_182, %swap3A_183], %swap3A_186 {strides = array<i32>} : memref<158x128xi32, #tpu.memory_space<vmem>>, vector<1x16xi32>,
      %get3A_187 = arith.index_cast %scan3A_50 : i32 to index
      %get3A_188 = arith.constant 64 : index
      %get3A_189 = tpu.vector_load %arg5[%get3A_187, %get3A_188] {strides = array<i32>} : memref<158x128xi32, #tpu.memory_space<vmem>>, vector<1x16xi32>,
      %get3A_190 = vector.shape_cast %get3A_189 : vector<1x16xi32> to vector<16xi32>
      %shift_right_logical3A_191 = arith.constant 14 : i32
      %shift_right_logical3A_192 = vector.broadcast %shift_right_logical3A_191 : i32 to vector<16xi32>
      %shift_right_logical3A_193 = arith.shrui %get3A_190, %shift_right_logical3A_192 : vector<16xi32>
      %swap3A_194 = arith.index_cast %scan3A_50 : i32 to index
      %swap3A_195 = arith.constant 64 : index
      %swap3A_196 = tpu.vector_load %arg6[%swap3A_194, %swap3A_195] {strides = array<i32>} : memref<158x128xi32, #tpu.memory_space<vmem>>, vector<1x16xi32>,
      %swap3A_197 = vector.shape_cast %swap3A_196 : vector<1x16xi32> to vector<16xi32>
      %swap3A_198 = vector.shape_cast %shift_right_logical3A_193 : vector<16xi32> to vector<1x16xi32>
      tpu.vector_store %arg6[%swap3A_194, %swap3A_195], %swap3A_198 {strides = array<i32>} : memref<158x128xi32, #tpu.memory_space<vmem>>, vector<1x16xi32>,
      %and3A_199 = arith.constant 16383 : i32
      %and3A_200 = vector.broadcast %and3A_199 : i32 to vector<16xi32>
      %and3A_201 = arith.andi %get3A_190, %and3A_200 : vector<16xi32>
      %sub3A_202 = vector.broadcast %mul3A_0 : i32 to vector<16xi32>
      %sub3A_203 = arith.subi %and3A_201, %sub3A_202 : vector<16xi32>
      %ge3A_204 = arith.constant 0 : i32
      %ge3A_205 = vector.broadcast %ge3A_204 : i32 to vector<16xi32>
      %ge3A_206 = arith.cmpi sge, %sub3A_203, %ge3A_205 : vector<16xi32>
      %lt3A_207 = arith.constant 5000 : i32
      %lt3A_208 = vector.broadcast %lt3A_207 : i32 to vector<16xi32>
      %lt3A_209 = arith.cmpi slt, %sub3A_203, %lt3A_208 : vector<16xi32>
      %and3A_210 = arith.andi %ge3A_206, %lt3A_209 : vector<16xi1>
      %and3A_211 = arith.constant 1023 : i32
      %and3A_212 = vector.broadcast %and3A_211 : i32 to vector<16xi32>
      %and3A_213 = arith.andi %and3A_201, %and3A_212 : vector<16xi32>
      %add3A_214 = arith.constant 5000 : i32
      %add3A_215 = vector.broadcast %add3A_214 : i32 to vector<16xi32>
      %add3A_216 = arith.addi %add3A_215, %and3A_213 : vector<16xi32>
      %select_n3A_217 = arith.select %and3A_210, %sub3A_203, %add3A_216 : vector<16xi1>, vector<16xi32>
      %swap3A_218 = arith.index_cast %scan3A_50 : i32 to index
      %swap3A_219 = arith.constant 64 : index
      %swap3A_220 = tpu.vector_load %arg7[%swap3A_218, %swap3A_219] {strides = array<i32>} : memref<158x128xi32, #tpu.memory_space<vmem>>, vector<1x16xi32>,
      %swap3A_221 = vector.shape_cast %swap3A_220 : vector<1x16xi32> to vector<16xi32>
      %swap3A_222 = vector.shape_cast %select_n3A_217 : vector<16xi32> to vector<1x16xi32>
      tpu.vector_store %arg7[%swap3A_218, %swap3A_219], %swap3A_222 {strides = array<i32>} : memref<158x128xi32, #tpu.memory_space<vmem>>, vector<1x16xi32>,
      %get3A_223 = arith.index_cast %scan3A_50 : i32 to index
      %get3A_224 = arith.constant 80 : index
      %get3A_225 = tpu.vector_load %arg5[%get3A_223, %get3A_224] {strides = array<i32>} : memref<158x128xi32, #tpu.memory_space<vmem>>, vector<1x16xi32>,
      %get3A_226 = vector.shape_cast %get3A_225 : vector<1x16xi32> to vector<16xi32>
      %shift_right_logical3A_227 = arith.constant 14 : i32
      %shift_right_logical3A_228 = vector.broadcast %shift_right_logical3A_227 : i32 to vector<16xi32>
      %shift_right_logical3A_229 = arith.shrui %get3A_226, %shift_right_logical3A_228 : vector<16xi32>
      %swap3A_230 = arith.index_cast %scan3A_50 : i32 to index
      %swap3A_231 = arith.constant 80 : index
      %swap3A_232 = tpu.vector_load %arg6[%swap3A_230, %swap3A_231] {strides = array<i32>} : memref<158x128xi32, #tpu.memory_space<vmem>>, vector<1x16xi32>,
      %swap3A_233 = vector.shape_cast %swap3A_232 : vector<1x16xi32> to vector<16xi32>
      %swap3A_234 = vector.shape_cast %shift_right_logical3A_229 : vector<16xi32> to vector<1x16xi32>
      tpu.vector_store %arg6[%swap3A_230, %swap3A_231], %swap3A_234 {strides = array<i32>} : memref<158x128xi32, #tpu.memory_space<vmem>>, vector<1x16xi32>,
      %and3A_235 = arith.constant 16383 : i32
      %and3A_236 = vector.broadcast %and3A_235 : i32 to vector<16xi32>
      %and3A_237 = arith.andi %get3A_226, %and3A_236 : vector<16xi32>
      %sub3A_238 = vector.broadcast %mul3A_0 : i32 to vector<16xi32>
      %sub3A_239 = arith.subi %and3A_237, %sub3A_238 : vector<16xi32>
      %ge3A_240 = arith.constant 0 : i32
      %ge3A_241 = vector.broadcast %ge3A_240 : i32 to vector<16xi32>
      %ge3A_242 = arith.cmpi sge, %sub3A_239, %ge3A_241 : vector<16xi32>
      %lt3A_243 = arith.constant 5000 : i32
      %lt3A_244 = vector.broadcast %lt3A_243 : i32 to vector<16xi32>
      %lt3A_245 = arith.cmpi slt, %sub3A_239, %lt3A_244 : vector<16xi32>
      %and3A_246 = arith.andi %ge3A_242, %lt3A_245 : vector<16xi1>
      %and3A_247 = arith.constant 1023 : i32
      %and3A_248 = vector.broadcast %and3A_247 : i32 to vector<16xi32>
      %and3A_249 = arith.andi %and3A_237, %and3A_248 : vector<16xi32>
      %add3A_250 = arith.constant 5000 : i32
      %add3A_251 = vector.broadcast %add3A_250 : i32 to vector<16xi32>
      %add3A_252 = arith.addi %add3A_251, %and3A_249 : vector<16xi32>
      %select_n3A_253 = arith.select %and3A_246, %sub3A_239, %add3A_252 : vector<16xi1>, vector<16xi32>
      %swap3A_254 = arith.index_cast %scan3A_50 : i32 to index
      %swap3A_255 = arith.constant 80 : index
      %swap3A_256 = tpu.vector_load %arg7[%swap3A_254, %swap3A_255] {strides = array<i32>} : memref<158x128xi32, #tpu.memory_space<vmem>>, vector<1x16xi32>,
      %swap3A_257 = vector.shape_cast %swap3A_256 : vector<1x16xi32> to vector<16xi32>
      %swap3A_258 = vector.shape_cast %select_n3A_253 : vector<16xi32> to vector<1x16xi32>
      tpu.vector_store %arg7[%swap3A_254, %swap3A_255], %swap3A_258 {strides = array<i32>} : memref<158x128xi32, #tpu.memory_space<vmem>>, vector<1x16xi32>,
      %get3A_259 = arith.index_cast %scan3A_50 : i32 to index
      %get3A_260 = arith.constant 96 : index
      %get3A_261 = tpu.vector_load %arg5[%get3A_259, %get3A_260] {strides = array<i32>} : memref<158x128xi32, #tpu.memory_space<vmem>>, vector<1x16xi32>,
      %get3A_262 = vector.shape_cast %get3A_261 : vector<1x16xi32> to vector<16xi32>
      %shift_right_logical3A_263 = arith.constant 14 : i32
      %shift_right_logical3A_264 = vector.broadcast %shift_right_logical3A_263 : i32 to vector<16xi32>
      %shift_right_logical3A_265 = arith.shrui %get3A_262, %shift_right_logical3A_264 : vector<16xi32>
      %swap3A_266 = arith.index_cast %scan3A_50 : i32 to index
      %swap3A_267 = arith.constant 96 : index
      %swap3A_268 = tpu.vector_load %arg6[%swap3A_266, %swap3A_267] {strides = array<i32>} : memref<158x128xi32, #tpu.memory_space<vmem>>, vector<1x16xi32>,
      %swap3A_269 = vector.shape_cast %swap3A_268 : vector<1x16xi32> to vector<16xi32>
      %swap3A_270 = vector.shape_cast %shift_right_logical3A_265 : vector<16xi32> to vector<1x16xi32>
      tpu.vector_store %arg6[%swap3A_266, %swap3A_267], %swap3A_270 {strides = array<i32>} : memref<158x128xi32, #tpu.memory_space<vmem>>, vector<1x16xi32>,
      %and3A_271 = arith.constant 16383 : i32
      %and3A_272 = vector.broadcast %and3A_271 : i32 to vector<16xi32>
      %and3A_273 = arith.andi %get3A_262, %and3A_272 : vector<16xi32>
      %sub3A_274 = vector.broadcast %mul3A_0 : i32 to vector<16xi32>
      %sub3A_275 = arith.subi %and3A_273, %sub3A_274 : vector<16xi32>
      %ge3A_276 = arith.constant 0 : i32
      %ge3A_277 = vector.broadcast %ge3A_276 : i32 to vector<16xi32>
      %ge3A_278 = arith.cmpi sge, %sub3A_275, %ge3A_277 : vector<16xi32>
      %lt3A_279 = arith.constant 5000 : i32
      %lt3A_280 = vector.broadcast %lt3A_279 : i32 to vector<16xi32>
      %lt3A_281 = arith.cmpi slt, %sub3A_275, %lt3A_280 : vector<16xi32>
      %and3A_282 = arith.andi %ge3A_278, %lt3A_281 : vector<16xi1>
      %and3A_283 = arith.constant 1023 : i32
      %and3A_284 = vector.broadcast %and3A_283 : i32 to vector<16xi32>
      %and3A_285 = arith.andi %and3A_273, %and3A_284 : vector<16xi32>
      %add3A_286 = arith.constant 5000 : i32
      %add3A_287 = vector.broadcast %add3A_286 : i32 to vector<16xi32>
      %add3A_288 = arith.addi %add3A_287, %and3A_285 : vector<16xi32>
      %select_n3A_289 = arith.select %and3A_282, %sub3A_275, %add3A_288 : vector<16xi1>, vector<16xi32>
      %swap3A_290 = arith.index_cast %scan3A_50 : i32 to index
      %swap3A_291 = arith.constant 96 : index
      %swap3A_292 = tpu.vector_load %arg7[%swap3A_290, %swap3A_291] {strides = array<i32>} : memref<158x128xi32, #tpu.memory_space<vmem>>, vector<1x16xi32>,
      %swap3A_293 = vector.shape_cast %swap3A_292 : vector<1x16xi32> to vector<16xi32>
      %swap3A_294 = vector.shape_cast %select_n3A_289 : vector<16xi32> to vector<1x16xi32>
      tpu.vector_store %arg7[%swap3A_290, %swap3A_291], %swap3A_294 {strides = array<i32>} : memref<158x128xi32, #tpu.memory_space<vmem>>, vector<1x16xi32>,
      %get3A_295 = arith.index_cast %scan3A_50 : i32 to index
      %get3A_296 = arith.constant 112 : index
      %get3A_297 = tpu.vector_load %arg5[%get3A_295, %get3A_296] {strides = array<i32>} : memref<158x128xi32, #tpu.memory_space<vmem>>, vector<1x16xi32>,
      %get3A_298 = vector.shape_cast %get3A_297 : vector<1x16xi32> to vector<16xi32>
      %shift_right_logical3A_299 = arith.constant 14 : i32
      %shift_right_logical3A_300 = vector.broadcast %shift_right_logical3A_299 : i32 to vector<16xi32>
      %shift_right_logical3A_301 = arith.shrui %get3A_298, %shift_right_logical3A_300 : vector<16xi32>
      %swap3A_302 = arith.index_cast %scan3A_50 : i32 to index
      %swap3A_303 = arith.constant 112 : index
      %swap3A_304 = tpu.vector_load %arg6[%swap3A_302, %swap3A_303] {strides = array<i32>} : memref<158x128xi32, #tpu.memory_space<vmem>>, vector<1x16xi32>,
      %swap3A_305 = vector.shape_cast %swap3A_304 : vector<1x16xi32> to vector<16xi32>
      %swap3A_306 = vector.shape_cast %shift_right_logical3A_301 : vector<16xi32> to vector<1x16xi32>
      tpu.vector_store %arg6[%swap3A_302, %swap3A_303], %swap3A_306 {strides = array<i32>} : memref<158x128xi32, #tpu.memory_space<vmem>>, vector<1x16xi32>,
      %and3A_307 = arith.constant 16383 : i32
      %and3A_308 = vector.broadcast %and3A_307 : i32 to vector<16xi32>
      %and3A_309 = arith.andi %get3A_298, %and3A_308 : vector<16xi32>
      %sub3A_310 = vector.broadcast %mul3A_0 : i32 to vector<16xi32>
      %sub3A_311 = arith.subi %and3A_309, %sub3A_310 : vector<16xi32>
      %ge3A_312 = arith.constant 0 : i32
      %ge3A_313 = vector.broadcast %ge3A_312 : i32 to vector<16xi32>
      %ge3A_314 = arith.cmpi sge, %sub3A_311, %ge3A_313 : vector<16xi32>
      %lt3A_315 = arith.constant 5000 : i32
      %lt3A_316 = vector.broadcast %lt3A_315 : i32 to vector<16xi32>
      %lt3A_317 = arith.cmpi slt, %sub3A_311, %lt3A_316 : vector<16xi32>
      %and3A_318 = arith.andi %ge3A_314, %lt3A_317 : vector<16xi1>
      %and3A_319 = arith.constant 1023 : i32
      %and3A_320 = vector.broadcast %and3A_319 : i32 to vector<16xi32>
      %and3A_321 = arith.andi %and3A_309, %and3A_320 : vector<16xi32>
      %add3A_322 = arith.constant 5000 : i32
      %add3A_323 = vector.broadcast %add3A_322 : i32 to vector<16xi32>
      %add3A_324 = arith.addi %add3A_323, %and3A_321 : vector<16xi32>
      %select_n3A_325 = arith.select %and3A_318, %sub3A_311, %add3A_324 : vector<16xi1>, vector<16xi32>
      %swap3A_326 = arith.index_cast %scan3A_50 : i32 to index
      %swap3A_327 = arith.constant 112 : index
      %swap3A_328 = tpu.vector_load %arg7[%swap3A_326, %swap3A_327] {strides = array<i32>} : memref<158x128xi32, #tpu.memory_space<vmem>>, vector<1x16xi32>,
      %swap3A_329 = vector.shape_cast %swap3A_328 : vector<1x16xi32> to vector<16xi32>
      %swap3A_330 = vector.shape_cast %select_n3A_325 : vector<16xi32> to vector<1x16xi32>
      tpu.vector_store %arg7[%swap3A_326, %swap3A_327], %swap3A_330 {strides = array<i32>} : memref<158x128xi32, #tpu.memory_space<vmem>>, vector<1x16xi32>,
    }
    %scan3A_5 = arith.constant 158 : i32
    %broadcast_in_dim3A = arith.constant 0.000000e+00 : f32
    %broadcast_in_dim3A_6 = vector.broadcast %broadcast_in_dim3A : f32 to vector<16xf32>
    %scan3A_7 = arith.constant 0 : i32
    %scan3A_8 = arith.constant 0 : i32
    %scan3A_9 = arith.constant 8 : i32
    %scan3A_10 = arith.addi %scan3A_8, %scan3A_9 : i32
    %scan3A_11 = arith.constant 1 : i32
    scf.for %scan3A_50 = %scan3A_8 to %scan3A_10 step %scan3A_11  : i32 {
      %swap3A = arith.index_cast %scan3A_50 : i32 to index
      %swap3A_51 = arith.constant 0 : index
      %swap3A_52 = tpu.vector_load %arg9[%swap3A, %swap3A_51] {strides = array<i32>} : memref<8x128xf32, #tpu.memory_space<vmem>>, vector<1x16xf32>,
      %swap3A_53 = vector.shape_cast %swap3A_52 : vector<1x16xf32> to vector<16xf32>
      %swap3A_54 = vector.shape_cast %broadcast_in_dim3A_6 : vector<16xf32> to vector<1x16xf32>
      tpu.vector_store %arg9[%swap3A, %swap3A_51], %swap3A_54 {strides = array<i32>} : memref<8x128xf32, #tpu.memory_space<vmem>>, vector<1x16xf32>,
      %swap3A_55 = arith.index_cast %scan3A_50 : i32 to index
      %swap3A_56 = arith.constant 16 : index
      %swap3A_57 = tpu.vector_load %arg9[%swap3A_55, %swap3A_56] {strides = array<i32>} : memref<8x128xf32, #tpu.memory_space<vmem>>, vector<1x16xf32>,
      %swap3A_58 = vector.shape_cast %swap3A_57 : vector<1x16xf32> to vector<16xf32>
      %swap3A_59 = vector.shape_cast %broadcast_in_dim3A_6 : vector<16xf32> to vector<1x16xf32>
      tpu.vector_store %arg9[%swap3A_55, %swap3A_56], %swap3A_59 {strides = array<i32>} : memref<8x128xf32, #tpu.memory_space<vmem>>, vector<1x16xf32>,
      %swap3A_60 = arith.index_cast %scan3A_50 : i32 to index
      %swap3A_61 = arith.constant 32 : index
      %swap3A_62 = tpu.vector_load %arg9[%swap3A_60, %swap3A_61] {strides = array<i32>} : memref<8x128xf32, #tpu.memory_space<vmem>>, vector<1x16xf32>,
      %swap3A_63 = vector.shape_cast %swap3A_62 : vector<1x16xf32> to vector<16xf32>
      %swap3A_64 = vector.shape_cast %broadcast_in_dim3A_6 : vector<16xf32> to vector<1x16xf32>
      tpu.vector_store %arg9[%swap3A_60, %swap3A_61], %swap3A_64 {strides = array<i32>} : memref<8x128xf32, #tpu.memory_space<vmem>>, vector<1x16xf32>,
      %swap3A_65 = arith.index_cast %scan3A_50 : i32 to index
      %swap3A_66 = arith.constant 48 : index
      %swap3A_67 = tpu.vector_load %arg9[%swap3A_65, %swap3A_66] {strides = array<i32>} : memref<8x128xf32, #tpu.memory_space<vmem>>, vector<1x16xf32>,
      %swap3A_68 = vector.shape_cast %swap3A_67 : vector<1x16xf32> to vector<16xf32>
      %swap3A_69 = vector.shape_cast %broadcast_in_dim3A_6 : vector<16xf32> to vector<1x16xf32>
      tpu.vector_store %arg9[%swap3A_65, %swap3A_66], %swap3A_69 {strides = array<i32>} : memref<8x128xf32, #tpu.memory_space<vmem>>, vector<1x16xf32>,
      %swap3A_70 = arith.index_cast %scan3A_50 : i32 to index
      %swap3A_71 = arith.constant 64 : index
      %swap3A_72 = tpu.vector_load %arg9[%swap3A_70, %swap3A_71] {strides = array<i32>} : memref<8x128xf32, #tpu.memory_space<vmem>>, vector<1x16xf32>,
      %swap3A_73 = vector.shape_cast %swap3A_72 : vector<1x16xf32> to vector<16xf32>
      %swap3A_74 = vector.shape_cast %broadcast_in_dim3A_6 : vector<16xf32> to vector<1x16xf32>
      tpu.vector_store %arg9[%swap3A_70, %swap3A_71], %swap3A_74 {strides = array<i32>} : memref<8x128xf32, #tpu.memory_space<vmem>>, vector<1x16xf32>,
      %swap3A_75 = arith.index_cast %scan3A_50 : i32 to index
      %swap3A_76 = arith.constant 80 : index
      %swap3A_77 = tpu.vector_load %arg9[%swap3A_75, %swap3A_76] {strides = array<i32>} : memref<8x128xf32, #tpu.memory_space<vmem>>, vector<1x16xf32>,
      %swap3A_78 = vector.shape_cast %swap3A_77 : vector<1x16xf32> to vector<16xf32>
      %swap3A_79 = vector.shape_cast %broadcast_in_dim3A_6 : vector<16xf32> to vector<1x16xf32>
      tpu.vector_store %arg9[%swap3A_75, %swap3A_76], %swap3A_79 {strides = array<i32>} : memref<8x128xf32, #tpu.memory_space<vmem>>, vector<1x16xf32>,
      %swap3A_80 = arith.index_cast %scan3A_50 : i32 to index
      %swap3A_81 = arith.constant 96 : index
      %swap3A_82 = tpu.vector_load %arg9[%swap3A_80, %swap3A_81] {strides = array<i32>} : memref<8x128xf32, #tpu.memory_space<vmem>>, vector<1x16xf32>,
      %swap3A_83 = vector.shape_cast %swap3A_82 : vector<1x16xf32> to vector<16xf32>
      %swap3A_84 = vector.shape_cast %broadcast_in_dim3A_6 : vector<16xf32> to vector<1x16xf32>
      tpu.vector_store %arg9[%swap3A_80, %swap3A_81], %swap3A_84 {strides = array<i32>} : memref<8x128xf32, #tpu.memory_space<vmem>>, vector<1x16xf32>,
      %swap3A_85 = arith.index_cast %scan3A_50 : i32 to index
      %swap3A_86 = arith.constant 112 : index
      %swap3A_87 = tpu.vector_load %arg9[%swap3A_85, %swap3A_86] {strides = array<i32>} : memref<8x128xf32, #tpu.memory_space<vmem>>, vector<1x16xf32>,
      %swap3A_88 = vector.shape_cast %swap3A_87 : vector<1x16xf32> to vector<16xf32>
      %swap3A_89 = vector.shape_cast %broadcast_in_dim3A_6 : vector<16xf32> to vector<1x16xf32>
      tpu.vector_store %arg9[%swap3A_85, %swap3A_86], %swap3A_89 {strides = array<i32>} : memref<8x128xf32, #tpu.memory_space<vmem>>, vector<1x16xf32>,
    }
    %scan3A_12 = arith.constant 8 : i32
    %eq3A = arith.constant 15 : i32
    %eq3A_13 = arith.cmpi eq, %arg1, %eq3A : i32
    %jit3A = arith.constant 41 : i32
    %jit3A_14 = arith.constant 39 : i32
    %select_n3A = arith.select %eq3A_13, %jit3A, %jit3A_14 : i32
    %mul3A_15 = arith.constant 312 : i32
    %mul3A_16 = arith.muli %arg1, %mul3A_15 : i32
    %while3A = arith.constant 0 : i32
    %while3A_17 = arith.constant 0 : i32
    %while3A_18 = arith.subi %select_n3A, %while3A_17 : i32
    %while3A_19 = arith.addi %while3A_17, %while3A_18 : i32
    %while3A_20 = arith.constant 1 : i32
    %while3A_21 = arith.divsi %while3A_18, %while3A_20 : i32
    %while3A_22 = arith.muli %while3A_21, %while3A_20 : i32
    %while3A_23 = arith.addi %while3A_17, %while3A_22 : i32
    %while3A_24 = arith.constant 1 : i32
    scf.for %while3A_50 = %while3A_17 to %while3A_23 step %while3A_24  : i32 {
      %mul3A_51 = arith.constant 8 : i32
      %mul3A_52 = arith.muli %while3A_50, %mul3A_51 : i32
      %add3A = arith.addi %mul3A_16, %mul3A_52 : i32
      "tpu.region"() ({
        %run_scoped3A = tpu.sem_alloc : memref<!tpu.dma_semaphore, #tpu.memory_space<semaphore_mem>>
        %dma_start3A = arith.constant 0 : i32
        %dma_start3A_53 = tpu.memref_slice %arg10[%add3A, %dma_start3A] : memref<6024x128xf32, #tpu.memory_space<vmem_shared>> -> memref<8x128xf32, #tpu.memory_space<vmem_shared>>
        %dma_start3A_54 = arith.constant 0 : i32
        %dma_start3A_55 = tpu.memref_slice %arg10[%add3A, %dma_start3A_54] : memref<6024x128xf32, #tpu.memory_space<vmem_shared>> -> memref<8x128xf32, #tpu.memory_space<vmem_shared>>
        tpu.enqueue_dma source(%arg9 : memref<8x128xf32, #tpu.memory_space<vmem>>) target(%dma_start3A_55 : memref<8x128xf32, #tpu.memory_space<vmem_shared>>) target_semaphore(%run_scoped3A : memref<!tpu.dma_semaphore, #tpu.memory_space<semaphore_mem>>)
        %dma_wait3A = arith.constant 0 : i32
        %dma_wait3A_56 = tpu.memref_slice %arg10[%add3A, %dma_wait3A] : memref<6024x128xf32, #tpu.memory_space<vmem_shared>> -> memref<8x128xf32, #tpu.memory_space<vmem_shared>>
        %dma_wait3A_57 = arith.constant 0 : i32
        %dma_wait3A_58 = tpu.memref_slice %arg10[%add3A, %dma_wait3A_57] : memref<6024x128xf32, #tpu.memory_space<vmem_shared>> -> memref<8x128xf32, #tpu.memory_space<vmem_shared>>
        tpu.wait_dma2 semaphore(%run_scoped3A : memref<!tpu.dma_semaphore, #tpu.memory_space<semaphore_mem>>) src(%arg9 : memref<8x128xf32, #tpu.memory_space<vmem>>) dst(%dma_wait3A_58 : memref<8x128xf32, #tpu.memory_space<vmem_shared>>)
        tpu.yield
      }) : () -> ()
    }
    %while3A_25 = arith.constant 1 : i32
    scf.for %while3A_50 = %while3A_23 to %while3A_19 step %while3A_25  : i32 {
      %mul3A_51 = arith.constant 8 : i32
      %mul3A_52 = arith.muli %while3A_50, %mul3A_51 : i32
      %add3A = arith.addi %mul3A_16, %mul3A_52 : i32
      "tpu.region"() ({
        %run_scoped3A = tpu.sem_alloc : memref<!tpu.dma_semaphore, #tpu.memory_space<semaphore_mem>>
        %dma_start3A = arith.constant 0 : i32
        %dma_start3A_53 = tpu.memref_slice %arg10[%add3A, %dma_start3A] : memref<6024x128xf32, #tpu.memory_space<vmem_shared>> -> memref<8x128xf32, #tpu.memory_space<vmem_shared>>
        %dma_start3A_54 = arith.constant 0 : i32
        %dma_start3A_55 = tpu.memref_slice %arg10[%add3A, %dma_start3A_54] : memref<6024x128xf32, #tpu.memory_space<vmem_shared>> -> memref<8x128xf32, #tpu.memory_space<vmem_shared>>
        tpu.enqueue_dma source(%arg9 : memref<8x128xf32, #tpu.memory_space<vmem>>) target(%dma_start3A_55 : memref<8x128xf32, #tpu.memory_space<vmem_shared>>) target_semaphore(%run_scoped3A : memref<!tpu.dma_semaphore, #tpu.memory_space<semaphore_mem>>)
        %dma_wait3A = arith.constant 0 : i32
        %dma_wait3A_56 = tpu.memref_slice %arg10[%add3A, %dma_wait3A] : memref<6024x128xf32, #tpu.memory_space<vmem_shared>> -> memref<8x128xf32, #tpu.memory_space<vmem_shared>>
        %dma_wait3A_57 = arith.constant 0 : i32
        %dma_wait3A_58 = tpu.memref_slice %arg10[%add3A, %dma_wait3A_57] : memref<6024x128xf32, #tpu.memory_space<vmem_shared>> -> memref<8x128xf32, #tpu.memory_space<vmem_shared>>
        tpu.wait_dma2 semaphore(%run_scoped3A : memref<!tpu.dma_semaphore, #tpu.memory_space<semaphore_mem>>) src(%arg9 : memref<8x128xf32, #tpu.memory_space<vmem>>) dst(%dma_wait3A_58 : memref<8x128xf32, #tpu.memory_space<vmem_shared>>)
        tpu.yield
      }) : () -> ()
    }
    %barrier3A = arith.constant 0 : index
    tpu.barrier barrier_id(%barrier3A)
    %scan3A_26 = arith.constant 0 : i32
    %scan3A_27 = arith.constant 0 : i32
    %scan3A_28 = arith.constant 158 : i32
    %scan3A_29 = arith.addi %scan3A_27, %scan3A_28 : i32
    %scan3A_30 = arith.constant 1 : i32
    scf.for %scan3A_50 = %scan3A_27 to %scan3A_29 step %scan3A_30  : i32 {
      %dma_start3A = arith.constant 0 : i32
      %dma_start3A_51 = tpu.memref_slice %arg6[%scan3A_50, %dma_start3A] : memref<158x128xi32, #tpu.memory_space<vmem>> -> memref<1x128xi32, #tpu.memory_space<vmem>>
      %dma_start3A_52 = tpu.memref_squeeze %dma_start3A_51 : memref<1x128xi32, #tpu.memory_space<vmem>> -> memref<128xi32, #tpu.memory_space<vmem>>
      %dma_start3A_53 = arith.constant 0 : i32
      %dma_start3A_54 = arith.constant 0 : i32
      %dma_start3A_55 = tpu.memref_slice %arg2[%dma_start3A_53, %dma_start3A_54] : memref<10000x128xf32, #tpu.memory_space<hbm>> -> memref<10000x128xf32, #tpu.memory_space<hbm>>
      tpu.enqueue_indirect_dma source(%dma_start3A_55 : memref<10000x128xf32, #tpu.memory_space<hbm>>) target(%arg8 : memref<128x128xf32, #tpu.memory_space<vmem>>) offsets(%dma_start3A_52 : memref<128xi32, #tpu.memory_space<vmem>>) semaphore(%arg11 : memref<!tpu.dma_semaphore, #tpu.memory_space<semaphore_mem>>)
      %dma_wait3A = arith.constant 0 : i32
      %dma_wait3A_56 = tpu.memref_slice %arg6[%scan3A_50, %dma_wait3A] : memref<158x128xi32, #tpu.memory_space<vmem>> -> memref<1x128xi32, #tpu.memory_space<vmem>>
      %dma_wait3A_57 = tpu.memref_squeeze %dma_wait3A_56 : memref<1x128xi32, #tpu.memory_space<vmem>> -> memref<128xi32, #tpu.memory_space<vmem>>
      %dma_wait3A_58 = arith.constant 0 : i32
      %dma_wait3A_59 = arith.constant 0 : i32
      %dma_wait3A_60 = tpu.memref_slice %arg2[%dma_wait3A_58, %dma_wait3A_59] : memref<10000x128xf32, #tpu.memory_space<hbm>> -> memref<10000x128xf32, #tpu.memory_space<hbm>>
      tpu.wait_indirect_dma semaphore(%arg11 : memref<!tpu.dma_semaphore, #tpu.memory_space<semaphore_mem>>) src(%dma_wait3A_60 : memref<10000x128xf32, #tpu.memory_space<hbm>>) dst(%arg8 : memref<128x128xf32, #tpu.memory_space<vmem>>)
      "tpu.region"() ({
        %run_scoped3A = tpu.sem_alloc : memref<!tpu.dma_semaphore, #tpu.memory_space<semaphore_mem>>
        %dma_start3A_61 = arith.constant 0 : i32
        %dma_start3A_62 = tpu.memref_slice %arg7[%scan3A_50, %dma_start3A_61] : memref<158x128xi32, #tpu.memory_space<vmem>> -> memref<1x128xi32, #tpu.memory_space<vmem>>
        %dma_start3A_63 = tpu.memref_squeeze %dma_start3A_62 : memref<1x128xi32, #tpu.memory_space<vmem>> -> memref<128xi32, #tpu.memory_space<vmem>>
        %dma_start3A_64 = arith.constant 0 : i32
        %dma_start3A_65 = arith.constant 0 : i32
        %dma_start3A_66 = tpu.memref_slice %arg10[%dma_start3A_64, %dma_start3A_65] : memref<6024x128xf32, #tpu.memory_space<vmem_shared>> -> memref<6024x128xf32, #tpu.memory_space<vmem_shared>>
        tpu.enqueue_indirect_dma source(%arg8 : memref<128x128xf32, #tpu.memory_space<vmem>>) target(%dma_start3A_66 : memref<6024x128xf32, #tpu.memory_space<vmem_shared>>) offsets(%dma_start3A_63 : memref<128xi32, #tpu.memory_space<vmem>>) semaphore(%run_scoped3A : memref<!tpu.dma_semaphore, #tpu.memory_space<semaphore_mem>>) {add = true}
        %dma_wait3A_67 = arith.constant 0 : i32
        %dma_wait3A_68 = tpu.memref_slice %arg7[%scan3A_50, %dma_wait3A_67] : memref<158x128xi32, #tpu.memory_space<vmem>> -> memref<1x128xi32, #tpu.memory_space<vmem>>
        %dma_wait3A_69 = tpu.memref_squeeze %dma_wait3A_68 : memref<1x128xi32, #tpu.memory_space<vmem>> -> memref<128xi32, #tpu.memory_space<vmem>>
        %dma_wait3A_70 = arith.constant 0 : i32
        %dma_wait3A_71 = arith.constant 0 : i32
        %dma_wait3A_72 = tpu.memref_slice %arg10[%dma_wait3A_70, %dma_wait3A_71] : memref<6024x128xf32, #tpu.memory_space<vmem_shared>> -> memref<6024x128xf32, #tpu.memory_space<vmem_shared>>
        tpu.wait_indirect_dma semaphore(%run_scoped3A : memref<!tpu.dma_semaphore, #tpu.memory_space<semaphore_mem>>) src(%arg8 : memref<128x128xf32, #tpu.memory_space<vmem>>) dst(%dma_wait3A_72 : memref<6024x128xf32, #tpu.memory_space<vmem_shared>>)
        tpu.yield
      }) : () -> ()
    }
    %scan3A_31 = arith.constant 158 : i32
    %barrier3A_32 = arith.constant 0 : index
    tpu.barrier barrier_id(%barrier3A_32)
    %eq3A_33 = arith.constant 15 : i32
    %eq3A_34 = arith.cmpi eq, %arg1, %eq3A_33 : i32
    %jit3A_35 = arith.constant 40 : i32
    %jit3A_36 = arith.constant 39 : i32
    %select_n3A_37 = arith.select %eq3A_34, %jit3A_35, %jit3A_36 : i32
    %mul3A_38 = arith.constant 312 : i32
    %mul3A_39 = arith.muli %arg1, %mul3A_38 : i32
    %while3A_40 = arith.constant 0 : i32
    %while3A_41 = arith.constant 0 : i32
    %while3A_42 = arith.subi %select_n3A_37, %while3A_41 : i32
    %while3A_43 = arith.addi %while3A_41, %while3A_42 : i32
    %while3A_44 = arith.constant 1 : i32
    %while3A_45 = arith.divsi %while3A_42, %while3A_44 : i32
    %while3A_46 = arith.muli %while3A_45, %while3A_44 : i32
    %while3A_47 = arith.addi %while3A_41, %while3A_46 : i32
    %while3A_48 = arith.constant 1 : i32
    scf.for %while3A_50 = %while3A_41 to %while3A_47 step %while3A_48  : i32 {
      %mul3A_51 = arith.constant 8 : i32
      %mul3A_52 = arith.muli %while3A_50, %mul3A_51 : i32
      %add3A = arith.addi %mul3A_39, %mul3A_52 : i32
      %mul3A_53 = arith.constant 5000 : i32
      %mul3A_54 = arith.muli %arg0, %mul3A_53 : i32
      %add3A_55 = arith.addi %mul3A_54, %mul3A_39 : i32
      %mul3A_56 = arith.constant 8 : i32
      %mul3A_57 = arith.muli %while3A_50, %mul3A_56 : i32
      %add3A_58 = arith.addi %add3A_55, %mul3A_57 : i32
      "tpu.region"() ({
        %run_scoped3A = tpu.sem_alloc : memref<!tpu.dma_semaphore, #tpu.memory_space<semaphore_mem>>
        %dma_start3A = arith.constant 0 : i32
        %dma_start3A_59 = tpu.memref_slice %arg4[%add3A_58, %dma_start3A] : memref<10000x128xf32, #tpu.memory_space<hbm>> -> memref<8x128xf32, #tpu.memory_space<hbm>>
        %dma_start3A_60 = arith.constant 0 : i32
        %dma_start3A_61 = tpu.memref_slice %arg10[%add3A, %dma_start3A_60] : memref<6024x128xf32, #tpu.memory_space<vmem_shared>> -> memref<8x128xf32, #tpu.memory_space<vmem_shared>>
        tpu.enqueue_dma source(%dma_start3A_61 : memref<8x128xf32, #tpu.memory_space<vmem_shared>>) target(%dma_start3A_59 : memref<8x128xf32, #tpu.memory_space<hbm>>) target_semaphore(%run_scoped3A : memref<!tpu.dma_semaphore, #tpu.memory_space<semaphore_mem>>)
        %dma_wait3A = arith.constant 0 : i32
        %dma_wait3A_62 = tpu.memref_slice %arg4[%add3A_58, %dma_wait3A] : memref<10000x128xf32, #tpu.memory_space<hbm>> -> memref<8x128xf32, #tpu.memory_space<hbm>>
        %dma_wait3A_63 = arith.constant 0 : i32
        %dma_wait3A_64 = tpu.memref_slice %arg10[%add3A, %dma_wait3A_63] : memref<6024x128xf32, #tpu.memory_space<vmem_shared>> -> memref<8x128xf32, #tpu.memory_space<vmem_shared>>
        tpu.wait_dma2 semaphore(%run_scoped3A : memref<!tpu.dma_semaphore, #tpu.memory_space<semaphore_mem>>) src(%dma_wait3A_64 : memref<8x128xf32, #tpu.memory_space<vmem_shared>>) dst(%dma_wait3A_62 : memref<8x128xf32, #tpu.memory_space<hbm>>)
        tpu.yield
      }) : () -> ()
    }
    %while3A_49 = arith.constant 1 : i32
    scf.for %while3A_50 = %while3A_47 to %while3A_43 step %while3A_49  : i32 {
      %mul3A_51 = arith.constant 8 : i32
      %mul3A_52 = arith.muli %while3A_50, %mul3A_51 : i32
      %add3A = arith.addi %mul3A_39, %mul3A_52 : i32
      %mul3A_53 = arith.constant 5000 : i32
      %mul3A_54 = arith.muli %arg0, %mul3A_53 : i32
      %add3A_55 = arith.addi %mul3A_54, %mul3A_39 : i32
      %mul3A_56 = arith.constant 8 : i32
      %mul3A_57 = arith.muli %while3A_50, %mul3A_56 : i32
      %add3A_58 = arith.addi %add3A_55, %mul3A_57 : i32
      "tpu.region"() ({
        %run_scoped3A = tpu.sem_alloc : memref<!tpu.dma_semaphore, #tpu.memory_space<semaphore_mem>>
        %dma_start3A = arith.constant 0 : i32
        %dma_start3A_59 = tpu.memref_slice %arg4[%add3A_58, %dma_start3A] : memref<10000x128xf32, #tpu.memory_space<hbm>> -> memref<8x128xf32, #tpu.memory_space<hbm>>
        %dma_start3A_60 = arith.constant 0 : i32
        %dma_start3A_61 = tpu.memref_slice %arg10[%add3A, %dma_start3A_60] : memref<6024x128xf32, #tpu.memory_space<vmem_shared>> -> memref<8x128xf32, #tpu.memory_space<vmem_shared>>
        tpu.enqueue_dma source(%dma_start3A_61 : memref<8x128xf32, #tpu.memory_space<vmem_shared>>) target(%dma_start3A_59 : memref<8x128xf32, #tpu.memory_space<hbm>>) target_semaphore(%run_scoped3A : memref<!tpu.dma_semaphore, #tpu.memory_space<semaphore_mem>>)
        %dma_wait3A = arith.constant 0 : i32
        %dma_wait3A_62 = tpu.memref_slice %arg4[%add3A_58, %dma_wait3A] : memref<10000x128xf32, #tpu.memory_space<hbm>> -> memref<8x128xf32, #tpu.memory_space<hbm>>
        %dma_wait3A_63 = arith.constant 0 : i32
        %dma_wait3A_64 = tpu.memref_slice %arg10[%add3A, %dma_wait3A_63] : memref<6024x128xf32, #tpu.memory_space<vmem_shared>> -> memref<8x128xf32, #tpu.memory_space<vmem_shared>>
        tpu.wait_dma2 semaphore(%run_scoped3A : memref<!tpu.dma_semaphore, #tpu.memory_space<semaphore_mem>>) src(%dma_wait3A_64 : memref<8x128xf32, #tpu.memory_space<vmem_shared>>) dst(%dma_wait3A_62 : memref<8x128xf32, #tpu.memory_space<hbm>>)
        tpu.yield
      }) : () -> ()
    }
    return
  }
}

module attributes {stable_mosaic.version = 14 : i64} {
  func.func @_tc_in_body(%arg0: i32, %arg1: memref<1000x128xf32, #tpu.memory_space<vmem>>, %arg2: memref<1000x16xf32, #tpu.memory_space<vmem>>, %arg3: memref<1000x128xf32, #tpu.memory_space<vmem>>, %arg4: memref<128x128xf32, #tpu.memory_space<vmem>>, %arg5: memref<16x128xf32, #tpu.memory_space<vmem>>, %arg6: memref<1000x128xf32, #tpu.memory_space<vmem>>) attributes {dimension_semantics = [#tpu.dimension_semantics<arbitrary>], iteration_bounds = array<i64: 10>, scalar_prefetch = 0 : i64, scratch_operands = 0 : i64, tpu.core_type = #tpu.core_type<tc>, window_params = [{transform_indices = @transform_0, window_bounds = array<i64: 1000, 128>}, {transform_indices = @transform_1, window_bounds = array<i64: 1000, 16>}, {transform_indices = @transform_2, window_bounds = array<i64: 1000, 128>}, {pipeline_mode = #tpu.pipeline_mode<synchronous>, transform_indices = @transform_3, window_bounds = array<i64: 128, 128>}, {pipeline_mode = #tpu.pipeline_mode<synchronous>, transform_indices = @transform_4, window_bounds = array<i64: 16, 128>}, {transform_indices = @transform_5, window_bounds = array<i64: 1000, 128>}]} {
    %get3A = arith.constant 0 : index
    %get3A_0 = arith.constant 0 : index
    %get3A_1 = vector.load %arg3[%get3A, %get3A_0] : memref<1000x128xf32, #tpu.memory_space<vmem>>, vector<1000x1xf32>
    %add3A = arith.constant 1.000000e+00 : f32
    %add3A_2 = vector.broadcast %add3A : f32 to vector<1000x1xf32>
    %add3A_3 = arith.addf %get3A_1, %add3A_2 : vector<1000x1xf32>
    %max3A = arith.constant 1.000000e+00 : f32
    %max3A_4 = vector.broadcast %max3A : f32 to vector<1000x1xf32>
    %max3A_5 = arith.maximumf %add3A_3, %max3A_4 : vector<1000x1xf32>
    %rsqrt3A = math.rsqrt %max3A_5 : vector<1000x1xf32>
    %get3A_6 = arith.constant 0 : index
    %get3A_7 = arith.constant 0 : index
    %get3A_8 = vector.load %arg1[%get3A_6, %get3A_7] : memref<1000x128xf32, #tpu.memory_space<vmem>>, vector<1000x128xf32>
    %get3A_9 = arith.constant 0 : index
    %get3A_10 = arith.constant 0 : index
    %get3A_11 = vector.load %arg4[%get3A_9, %get3A_10] : memref<128x128xf32, #tpu.memory_space<vmem>>, vector<128x128xf32>
    %dot_general3A = arith.constant dense<0.000000e+00> : vector<1000x128xf32>
    %dot_general3A_12 = tpu.matmul %get3A_8, %get3A_11, %dot_general3A {dimension_numbers = #tpu.dot_dimension_numbers<[1], [0], [0], [1], [0, 0, 1, 1], [], []>, transpose_lhs_hint = false} : vector<1000x128xf32>, vector<128x128xf32>, vector<1000x128xf32> -> vector<1000x128xf32>
    %get3A_13 = arith.constant 0 : index
    %get3A_14 = arith.constant 0 : index
    %get3A_15 = vector.load %arg2[%get3A_13, %get3A_14] : memref<1000x16xf32, #tpu.memory_space<vmem>>, vector<1000x16xf32>
    %get3A_16 = arith.constant 0 : index
    %get3A_17 = arith.constant 0 : index
    %get3A_18 = vector.load %arg5[%get3A_16, %get3A_17] : memref<16x128xf32, #tpu.memory_space<vmem>>, vector<16x128xf32>
    %dot_general3A_19 = arith.constant dense<0.000000e+00> : vector<1000x128xf32>
    %dot_general3A_20 = tpu.matmul %get3A_15, %get3A_18, %dot_general3A_19 {dimension_numbers = #tpu.dot_dimension_numbers<[1], [0], [0], [1], [0, 0, 1, 1], [], []>, transpose_lhs_hint = false} : vector<1000x16xf32>, vector<16x128xf32>, vector<1000x128xf32> -> vector<1000x128xf32>
    %add3A_21 = arith.addf %dot_general3A_12, %dot_general3A_20 : vector<1000x128xf32>
    %mul3A = vector.broadcast %rsqrt3A : vector<1000x1xf32> to vector<1000x128xf32>
    %mul3A_22 = arith.mulf %add3A_21, %mul3A : vector<1000x128xf32>
    %swap3A = arith.constant 0 : index
    %swap3A_23 = arith.constant 0 : index
    %swap3A_24 = vector.load %arg6[%swap3A, %swap3A_23] : memref<1000x128xf32, #tpu.memory_space<vmem>>, vector<1000x128xf32>
    tpu.vector_store %arg6[%swap3A, %swap3A_23], %mul3A_22 {strides = array<i32>} : memref<1000x128xf32, #tpu.memory_space<vmem>>, vector<1000x128xf32>,
    return
  }
  func.func @transform_0(%arg0: i32) -> (i32, i32) {
    %c0_i32 = arith.constant 0 : i32
    %c0_i32_0 = arith.constant 0 : i32
    return %arg0, %c0_i32 : i32, i32
  }
  func.func @transform_1(%arg0: i32) -> (i32, i32) {
    %c0_i32 = arith.constant 0 : i32
    %c0_i32_0 = arith.constant 0 : i32
    return %arg0, %c0_i32 : i32, i32
  }
  func.func @transform_2(%arg0: i32) -> (i32, i32) {
    %c0_i32 = arith.constant 0 : i32
    %c0_i32_0 = arith.constant 0 : i32
    return %arg0, %c0_i32 : i32, i32
  }
  func.func @transform_3(%arg0: i32) -> (i32, i32) {
    %c0_i32 = arith.constant 0 : i32
    %c0_i32_0 = arith.constant 0 : i32
    %c0_i32_1 = arith.constant 0 : i32
    return %c0_i32, %c0_i32_0 : i32, i32
  }
  func.func @transform_4(%arg0: i32) -> (i32, i32) {
    %c0_i32 = arith.constant 0 : i32
    %c0_i32_0 = arith.constant 0 : i32
    %c0_i32_1 = arith.constant 0 : i32
    return %c0_i32, %c0_i32_0 : i32, i32
  }
  func.func @transform_5(%arg0: i32) -> (i32, i32) {
    %c0_i32 = arith.constant 0 : i32
    %c0_i32_0 = arith.constant 0 : i32
    return %arg0, %c0_i32 : i32, i32
  }
}

module attributes {stable_mosaic.version = 14 : i64} {
  func.func @_tc_mid_body(%arg0: i32, %arg1: memref<1000x128xf32, #tpu.memory_space<vmem>>, %arg2: memref<1000x128xf32, #tpu.memory_space<vmem>>, %arg3: memref<1000x128xf32, #tpu.memory_space<vmem>>, %arg4: memref<1x128xf32, #tpu.memory_space<vmem>>, %arg5: memref<128x128xf32, #tpu.memory_space<vmem>>, %arg6: memref<1000x128xf32, #tpu.memory_space<vmem>>) attributes {dimension_semantics = [#tpu.dimension_semantics<arbitrary>], iteration_bounds = array<i64: 10>, scalar_prefetch = 0 : i64, scratch_operands = 0 : i64, tpu.core_type = #tpu.core_type<tc>, window_params = [{transform_indices = @transform_0, window_bounds = array<i64: 1000, 128>}, {transform_indices = @transform_1, window_bounds = array<i64: 1000, 128>}, {transform_indices = @transform_2, window_bounds = array<i64: 1000, 128>}, {pipeline_mode = #tpu.pipeline_mode<synchronous>, transform_indices = @transform_3, window_bounds = array<i64: 1, 128>}, {pipeline_mode = #tpu.pipeline_mode<synchronous>, transform_indices = @transform_4, window_bounds = array<i64: 128, 128>}, {transform_indices = @transform_5, window_bounds = array<i64: 1000, 128>}]} {
    %get3A = arith.constant 0 : index
    %get3A_0 = arith.constant 0 : index
    %get3A_1 = vector.load %arg3[%get3A, %get3A_0] : memref<1000x128xf32, #tpu.memory_space<vmem>>, vector<1000x1xf32>
    %add3A = arith.constant 1.000000e+00 : f32
    %add3A_2 = vector.broadcast %add3A : f32 to vector<1000x1xf32>
    %add3A_3 = arith.addf %get3A_1, %add3A_2 : vector<1000x1xf32>
    %max3A = arith.constant 1.000000e+00 : f32
    %max3A_4 = vector.broadcast %max3A : f32 to vector<1000x1xf32>
    %max3A_5 = arith.maximumf %add3A_3, %max3A_4 : vector<1000x1xf32>
    %rsqrt3A = math.rsqrt %max3A_5 : vector<1000x1xf32>
    %get3A_6 = arith.constant 0 : index
    %get3A_7 = arith.constant 0 : index
    %get3A_8 = vector.load %arg1[%get3A_6, %get3A_7] : memref<1000x128xf32, #tpu.memory_space<vmem>>, vector<1000x128xf32>
    %get3A_9 = arith.constant 0 : index
    %get3A_10 = arith.constant 0 : index
    %get3A_11 = vector.load %arg2[%get3A_9, %get3A_10] : memref<1000x128xf32, #tpu.memory_space<vmem>>, vector<1000x128xf32>
    %add3A_12 = arith.addf %get3A_8, %get3A_11 : vector<1000x128xf32>
    %mul3A = vector.broadcast %rsqrt3A : vector<1000x1xf32> to vector<1000x128xf32>
    %mul3A_13 = arith.mulf %add3A_12, %mul3A : vector<1000x128xf32>
    %get3A_14 = arith.constant 0 : index
    %get3A_15 = arith.constant 0 : index
    %get3A_16 = vector.load %arg4[%get3A_14, %get3A_15] : memref<1x128xf32, #tpu.memory_space<vmem>>, vector<1x128xf32>
    %add3A_17 = vector.broadcast %get3A_16 : vector<1x128xf32> to vector<1000x128xf32>
    %add3A_18 = arith.addf %mul3A_13, %add3A_17 : vector<1000x128xf32>
    %tanh3A = math.tanh %add3A_18 : vector<1000x128xf32>
    %get3A_19 = arith.constant 0 : index
    %get3A_20 = arith.constant 0 : index
    %get3A_21 = vector.load %arg5[%get3A_19, %get3A_20] : memref<128x128xf32, #tpu.memory_space<vmem>>, vector<128x128xf32>
    %dot_general3A = arith.constant dense<0.000000e+00> : vector<1000x128xf32>
    %dot_general3A_22 = tpu.matmul %tanh3A, %get3A_21, %dot_general3A {dimension_numbers = #tpu.dot_dimension_numbers<[1], [0], [0], [1], [0, 0, 1, 1], [], []>, transpose_lhs_hint = false} : vector<1000x128xf32>, vector<128x128xf32>, vector<1000x128xf32> -> vector<1000x128xf32>
    %mul3A_23 = vector.broadcast %rsqrt3A : vector<1000x1xf32> to vector<1000x128xf32>
    %mul3A_24 = arith.mulf %dot_general3A_22, %mul3A_23 : vector<1000x128xf32>
    %swap3A = arith.constant 0 : index
    %swap3A_25 = arith.constant 0 : index
    %swap3A_26 = vector.load %arg6[%swap3A, %swap3A_25] : memref<1000x128xf32, #tpu.memory_space<vmem>>, vector<1000x128xf32>
    tpu.vector_store %arg6[%swap3A, %swap3A_25], %mul3A_24 {strides = array<i32>} : memref<1000x128xf32, #tpu.memory_space<vmem>>, vector<1000x128xf32>,
    return
  }
  func.func @transform_0(%arg0: i32) -> (i32, i32) {
    %c0_i32 = arith.constant 0 : i32
    %c0_i32_0 = arith.constant 0 : i32
    return %arg0, %c0_i32 : i32, i32
  }
  func.func @transform_1(%arg0: i32) -> (i32, i32) {
    %c0_i32 = arith.constant 0 : i32
    %c0_i32_0 = arith.constant 0 : i32
    return %arg0, %c0_i32 : i32, i32
  }
  func.func @transform_2(%arg0: i32) -> (i32, i32) {
    %c0_i32 = arith.constant 0 : i32
    %c0_i32_0 = arith.constant 0 : i32
    return %arg0, %c0_i32 : i32, i32
  }
  func.func @transform_3(%arg0: i32) -> (i32, i32) {
    %c0_i32 = arith.constant 0 : i32
    %c0_i32_0 = arith.constant 0 : i32
    %c0_i32_1 = arith.constant 0 : i32
    return %c0_i32, %c0_i32_0 : i32, i32
  }
  func.func @transform_4(%arg0: i32) -> (i32, i32) {
    %c0_i32 = arith.constant 0 : i32
    %c0_i32_0 = arith.constant 0 : i32
    %c0_i32_1 = arith.constant 0 : i32
    return %c0_i32, %c0_i32_0 : i32, i32
  }
  func.func @transform_5(%arg0: i32) -> (i32, i32) {
    %c0_i32 = arith.constant 0 : i32
    %c0_i32_0 = arith.constant 0 : i32
    return %arg0, %c0_i32 : i32, i32
  }
}

module attributes {stable_mosaic.version = 14 : i64} {
  func.func @_tc_z_body(%arg0: i32, %arg1: memref<1000x128xf32, #tpu.memory_space<vmem>>, %arg2: memref<1000x128xf32, #tpu.memory_space<vmem>>, %arg3: memref<1000x128xf32, #tpu.memory_space<vmem>>, %arg4: memref<1x128xf32, #tpu.memory_space<vmem>>, %arg5: memref<1000x64xf32, #tpu.memory_space<vmem>>, %arg6: memref<1000x16xf32, #tpu.memory_space<vmem>>, %arg7: memref<64x128xf32, #tpu.memory_space<vmem>>, %arg8: memref<16x128xf32, #tpu.memory_space<vmem>>, %arg9: memref<1000x64xf32, #tpu.memory_space<vmem>>, %arg10: memref<1000x64xf32, #tpu.memory_space<vmem>>, %arg11: memref<1000x64xf32, #tpu.memory_space<vmem>>, %arg12: memref<1000x128xf32, #tpu.memory_space<vmem>>) attributes {dimension_semantics = [#tpu.dimension_semantics<arbitrary>], iteration_bounds = array<i64: 10>, scalar_prefetch = 0 : i64, scratch_operands = 0 : i64, tpu.core_type = #tpu.core_type<tc>, window_params = [{transform_indices = @transform_0, window_bounds = array<i64: 1000, 128>}, {transform_indices = @transform_1, window_bounds = array<i64: 1000, 128>}, {transform_indices = @transform_2, window_bounds = array<i64: 1000, 128>}, {pipeline_mode = #tpu.pipeline_mode<synchronous>, transform_indices = @transform_3, window_bounds = array<i64: 1, 128>}, {transform_indices = @transform_4, window_bounds = array<i64: 1000, 64>}, {transform_indices = @transform_5, window_bounds = array<i64: 1000, 16>}, {pipeline_mode = #tpu.pipeline_mode<synchronous>, transform_indices = @transform_6, window_bounds = array<i64: 64, 128>}, {pipeline_mode = #tpu.pipeline_mode<synchronous>, transform_indices = @transform_7, window_bounds = array<i64: 16, 128>}, {transform_indices = @transform_8, window_bounds = array<i64: 1000, 64>}, {transform_indices = @transform_9, window_bounds = array<i64: 1000, 64>}, {transform_indices = @transform_10, window_bounds = array<i64: 1000, 64>}, {transform_indices = @transform_11, window_bounds = array<i64: 1000, 128>}]} {
    %get3A = arith.constant 0 : index
    %get3A_0 = arith.constant 0 : index
    %get3A_1 = vector.load %arg3[%get3A, %get3A_0] : memref<1000x128xf32, #tpu.memory_space<vmem>>, vector<1000x1xf32>
    %add3A = arith.constant 1.000000e+00 : f32
    %add3A_2 = vector.broadcast %add3A : f32 to vector<1000x1xf32>
    %add3A_3 = arith.addf %get3A_1, %add3A_2 : vector<1000x1xf32>
    %max3A = arith.constant 1.000000e+00 : f32
    %max3A_4 = vector.broadcast %max3A : f32 to vector<1000x1xf32>
    %max3A_5 = arith.maximumf %add3A_3, %max3A_4 : vector<1000x1xf32>
    %rsqrt3A = math.rsqrt %max3A_5 : vector<1000x1xf32>
    %get3A_6 = arith.constant 0 : index
    %get3A_7 = arith.constant 0 : index
    %get3A_8 = vector.load %arg1[%get3A_6, %get3A_7] : memref<1000x128xf32, #tpu.memory_space<vmem>>, vector<1000x128xf32>
    %get3A_9 = arith.constant 0 : index
    %get3A_10 = arith.constant 0 : index
    %get3A_11 = vector.load %arg2[%get3A_9, %get3A_10] : memref<1000x128xf32, #tpu.memory_space<vmem>>, vector<1000x128xf32>
    %add3A_12 = arith.addf %get3A_8, %get3A_11 : vector<1000x128xf32>
    %mul3A = vector.broadcast %rsqrt3A : vector<1000x1xf32> to vector<1000x128xf32>
    %mul3A_13 = arith.mulf %add3A_12, %mul3A : vector<1000x128xf32>
    %get3A_14 = arith.constant 0 : index
    %get3A_15 = arith.constant 0 : index
    %get3A_16 = vector.load %arg4[%get3A_14, %get3A_15] : memref<1x128xf32, #tpu.memory_space<vmem>>, vector<1x128xf32>
    %add3A_17 = vector.broadcast %get3A_16 : vector<1x128xf32> to vector<1000x128xf32>
    %add3A_18 = arith.addf %mul3A_13, %add3A_17 : vector<1000x128xf32>
    %slice3A = vector.extract_strided_slice %add3A_18 {offsets = [0, 0], sizes = [1000, 64], strides = [1, 1]} : vector<1000x128xf32> to vector<1000x64xf32>
    %slice3A_19 = vector.extract_strided_slice %add3A_18 {offsets = [0, 64], sizes = [1000, 64], strides = [1, 1]} : vector<1000x128xf32> to vector<1000x64xf32>
    %get3A_20 = arith.constant 0 : index
    %get3A_21 = arith.constant 0 : index
    %get3A_22 = vector.load %arg5[%get3A_20, %get3A_21] : memref<1000x64xf32, #tpu.memory_space<vmem>>, vector<1000x64xf32>
    %mul3A_23 = arith.constant 5.000000e-01 : f32
    %mul3A_24 = vector.broadcast %mul3A_23 : f32 to vector<1000x64xf32>
    %mul3A_25 = arith.mulf %mul3A_24, %slice3A_19 : vector<1000x64xf32>
    %exp3A = math.exp %mul3A_25 : vector<1000x64xf32>
    %mul3A_26 = arith.mulf %get3A_22, %exp3A : vector<1000x64xf32>
    %add3A_27 = arith.addf %mul3A_26, %slice3A : vector<1000x64xf32>
    %swap3A = arith.constant 0 : index
    %swap3A_28 = arith.constant 0 : index
    %swap3A_29 = vector.load %arg9[%swap3A, %swap3A_28] : memref<1000x64xf32, #tpu.memory_space<vmem>>, vector<1000x64xf32>
    tpu.vector_store %arg9[%swap3A, %swap3A_28], %slice3A {strides = array<i32>} : memref<1000x64xf32, #tpu.memory_space<vmem>>, vector<1000x64xf32>,
    %swap3A_30 = arith.constant 0 : index
    %swap3A_31 = arith.constant 0 : index
    %swap3A_32 = vector.load %arg10[%swap3A_30, %swap3A_31] : memref<1000x64xf32, #tpu.memory_space<vmem>>, vector<1000x64xf32>
    tpu.vector_store %arg10[%swap3A_30, %swap3A_31], %slice3A_19 {strides = array<i32>} : memref<1000x64xf32, #tpu.memory_space<vmem>>, vector<1000x64xf32>,
    %swap3A_33 = arith.constant 0 : index
    %swap3A_34 = arith.constant 0 : index
    %swap3A_35 = vector.load %arg11[%swap3A_33, %swap3A_34] : memref<1000x64xf32, #tpu.memory_space<vmem>>, vector<1000x64xf32>
    tpu.vector_store %arg11[%swap3A_33, %swap3A_34], %add3A_27 {strides = array<i32>} : memref<1000x64xf32, #tpu.memory_space<vmem>>, vector<1000x64xf32>,
    %get3A_36 = arith.constant 0 : index
    %get3A_37 = arith.constant 0 : index
    %get3A_38 = vector.load %arg7[%get3A_36, %get3A_37] : memref<64x128xf32, #tpu.memory_space<vmem>>, vector<64x128xf32>
    %dot_general3A = arith.constant dense<0.000000e+00> : vector<1000x128xf32>
    %dot_general3A_39 = tpu.matmul %add3A_27, %get3A_38, %dot_general3A {dimension_numbers = #tpu.dot_dimension_numbers<[1], [0], [0], [1], [0, 0, 1, 1], [], []>, transpose_lhs_hint = false} : vector<1000x64xf32>, vector<64x128xf32>, vector<1000x128xf32> -> vector<1000x128xf32>
    %get3A_40 = arith.constant 0 : index
    %get3A_41 = arith.constant 0 : index
    %get3A_42 = vector.load %arg6[%get3A_40, %get3A_41] : memref<1000x16xf32, #tpu.memory_space<vmem>>, vector<1000x16xf32>
    %get3A_43 = arith.constant 0 : index
    %get3A_44 = arith.constant 0 : index
    %get3A_45 = vector.load %arg8[%get3A_43, %get3A_44] : memref<16x128xf32, #tpu.memory_space<vmem>>, vector<16x128xf32>
    %dot_general3A_46 = arith.constant dense<0.000000e+00> : vector<1000x128xf32>
    %dot_general3A_47 = tpu.matmul %get3A_42, %get3A_45, %dot_general3A_46 {dimension_numbers = #tpu.dot_dimension_numbers<[1], [0], [0], [1], [0, 0, 1, 1], [], []>, transpose_lhs_hint = false} : vector<1000x16xf32>, vector<16x128xf32>, vector<1000x128xf32> -> vector<1000x128xf32>
    %add3A_48 = arith.addf %dot_general3A_39, %dot_general3A_47 : vector<1000x128xf32>
    %mul3A_49 = vector.broadcast %rsqrt3A : vector<1000x1xf32> to vector<1000x128xf32>
    %mul3A_50 = arith.mulf %add3A_48, %mul3A_49 : vector<1000x128xf32>
    %swap3A_51 = arith.constant 0 : index
    %swap3A_52 = arith.constant 0 : index
    %swap3A_53 = vector.load %arg12[%swap3A_51, %swap3A_52] : memref<1000x128xf32, #tpu.memory_space<vmem>>, vector<1000x128xf32>
    tpu.vector_store %arg12[%swap3A_51, %swap3A_52], %mul3A_50 {strides = array<i32>} : memref<1000x128xf32, #tpu.memory_space<vmem>>, vector<1000x128xf32>,
    return
  }
  func.func @transform_0(%arg0: i32) -> (i32, i32) {
    %c0_i32 = arith.constant 0 : i32
    %c0_i32_0 = arith.constant 0 : i32
    return %arg0, %c0_i32 : i32, i32
  }
  func.func @transform_1(%arg0: i32) -> (i32, i32) {
    %c0_i32 = arith.constant 0 : i32
    %c0_i32_0 = arith.constant 0 : i32
    return %arg0, %c0_i32 : i32, i32
  }
  func.func @transform_2(%arg0: i32) -> (i32, i32) {
    %c0_i32 = arith.constant 0 : i32
    %c0_i32_0 = arith.constant 0 : i32
    return %arg0, %c0_i32 : i32, i32
  }
  func.func @transform_3(%arg0: i32) -> (i32, i32) {
    %c0_i32 = arith.constant 0 : i32
    %c0_i32_0 = arith.constant 0 : i32
    %c0_i32_1 = arith.constant 0 : i32
    return %c0_i32, %c0_i32_0 : i32, i32
  }
  func.func @transform_4(%arg0: i32) -> (i32, i32) {
    %c0_i32 = arith.constant 0 : i32
    %c0_i32_0 = arith.constant 0 : i32
    return %arg0, %c0_i32 : i32, i32
  }
  func.func @transform_5(%arg0: i32) -> (i32, i32) {
    %c0_i32 = arith.constant 0 : i32
    %c0_i32_0 = arith.constant 0 : i32
    return %arg0, %c0_i32 : i32, i32
  }
  func.func @transform_6(%arg0: i32) -> (i32, i32) {
    %c0_i32 = arith.constant 0 : i32
    %c0_i32_0 = arith.constant 0 : i32
    %c0_i32_1 = arith.constant 0 : i32
    return %c0_i32, %c0_i32_0 : i32, i32
  }
  func.func @transform_7(%arg0: i32) -> (i32, i32) {
    %c0_i32 = arith.constant 0 : i32
    %c0_i32_0 = arith.constant 0 : i32
    %c0_i32_1 = arith.constant 0 : i32
    return %c0_i32, %c0_i32_0 : i32, i32
  }
  func.func @transform_8(%arg0: i32) -> (i32, i32) {
    %c0_i32 = arith.constant 0 : i32
    %c0_i32_0 = arith.constant 0 : i32
    return %arg0, %c0_i32 : i32, i32
  }
  func.func @transform_9(%arg0: i32) -> (i32, i32) {
    %c0_i32 = arith.constant 0 : i32
    %c0_i32_0 = arith.constant 0 : i32
    return %arg0, %c0_i32 : i32, i32
  }
  func.func @transform_10(%arg0: i32) -> (i32, i32) {
    %c0_i32 = arith.constant 0 : i32
    %c0_i32_0 = arith.constant 0 : i32
    return %arg0, %c0_i32 : i32, i32
  }
  func.func @transform_11(%arg0: i32) -> (i32, i32) {
    %c0_i32 = arith.constant 0 : i32
    %c0_i32_0 = arith.constant 0 : i32
    return %arg0, %c0_i32 : i32, i32
  }
}

module attributes {stable_mosaic.version = 14 : i64} {
  func.func @_tc_out_body(%arg0: i32, %arg1: memref<1000x128xf32, #tpu.memory_space<vmem>>, %arg2: memref<1000x128xf32, #tpu.memory_space<vmem>>, %arg3: memref<1000x128xf32, #tpu.memory_space<vmem>>, %arg4: memref<1x128xf32, #tpu.memory_space<vmem>>, %arg5: memref<1000x128xf32, #tpu.memory_space<vmem>>) attributes {dimension_semantics = [#tpu.dimension_semantics<arbitrary>], iteration_bounds = array<i64: 10>, scalar_prefetch = 0 : i64, scratch_operands = 0 : i64, tpu.core_type = #tpu.core_type<tc>, window_params = [{transform_indices = @transform_0, window_bounds = array<i64: 1000, 128>}, {transform_indices = @transform_1, window_bounds = array<i64: 1000, 128>}, {transform_indices = @transform_2, window_bounds = array<i64: 1000, 128>}, {pipeline_mode = #tpu.pipeline_mode<synchronous>, transform_indices = @transform_3, window_bounds = array<i64: 1, 128>}, {transform_indices = @transform_4, window_bounds = array<i64: 1000, 128>}]} {
    %get3A = arith.constant 0 : index
    %get3A_0 = arith.constant 0 : index
    %get3A_1 = vector.load %arg3[%get3A, %get3A_0] : memref<1000x128xf32, #tpu.memory_space<vmem>>, vector<1000x1xf32>
    %add3A = arith.constant 1.000000e+00 : f32
    %add3A_2 = vector.broadcast %add3A : f32 to vector<1000x1xf32>
    %add3A_3 = arith.addf %get3A_1, %add3A_2 : vector<1000x1xf32>
    %max3A = arith.constant 1.000000e+00 : f32
    %max3A_4 = vector.broadcast %max3A : f32 to vector<1000x1xf32>
    %max3A_5 = arith.maximumf %add3A_3, %max3A_4 : vector<1000x1xf32>
    %rsqrt3A = math.rsqrt %max3A_5 : vector<1000x1xf32>
    %get3A_6 = arith.constant 0 : index
    %get3A_7 = arith.constant 0 : index
    %get3A_8 = vector.load %arg1[%get3A_6, %get3A_7] : memref<1000x128xf32, #tpu.memory_space<vmem>>, vector<1000x128xf32>
    %get3A_9 = arith.constant 0 : index
    %get3A_10 = arith.constant 0 : index
    %get3A_11 = vector.load %arg2[%get3A_9, %get3A_10] : memref<1000x128xf32, #tpu.memory_space<vmem>>, vector<1000x128xf32>
    %add3A_12 = arith.addf %get3A_8, %get3A_11 : vector<1000x128xf32>
    %mul3A = vector.broadcast %rsqrt3A : vector<1000x1xf32> to vector<1000x128xf32>
    %mul3A_13 = arith.mulf %add3A_12, %mul3A : vector<1000x128xf32>
    %get3A_14 = arith.constant 0 : index
    %get3A_15 = arith.constant 0 : index
    %get3A_16 = vector.load %arg4[%get3A_14, %get3A_15] : memref<1x128xf32, #tpu.memory_space<vmem>>, vector<1x128xf32>
    %add3A_17 = vector.broadcast %get3A_16 : vector<1x128xf32> to vector<1000x128xf32>
    %add3A_18 = arith.addf %mul3A_13, %add3A_17 : vector<1000x128xf32>
    %swap3A = arith.constant 0 : index
    %swap3A_19 = arith.constant 0 : index
    %swap3A_20 = vector.load %arg5[%swap3A, %swap3A_19] : memref<1000x128xf32, #tpu.memory_space<vmem>>, vector<1000x128xf32>
    tpu.vector_store %arg5[%swap3A, %swap3A_19], %add3A_18 {strides = array<i32>} : memref<1000x128xf32, #tpu.memory_space<vmem>>, vector<1000x128xf32>,
    return
  }
  func.func @transform_0(%arg0: i32) -> (i32, i32) {
    %c0_i32 = arith.constant 0 : i32
    %c0_i32_0 = arith.constant 0 : i32
    return %arg0, %c0_i32 : i32, i32
  }
  func.func @transform_1(%arg0: i32) -> (i32, i32) {
    %c0_i32 = arith.constant 0 : i32
    %c0_i32_0 = arith.constant 0 : i32
    return %arg0, %c0_i32 : i32, i32
  }
  func.func @transform_2(%arg0: i32) -> (i32, i32) {
    %c0_i32 = arith.constant 0 : i32
    %c0_i32_0 = arith.constant 0 : i32
    return %arg0, %c0_i32 : i32, i32
  }
  func.func @transform_3(%arg0: i32) -> (i32, i32) {
    %c0_i32 = arith.constant 0 : i32
    %c0_i32_0 = arith.constant 0 : i32
    %c0_i32_1 = arith.constant 0 : i32
    return %c0_i32, %c0_i32_0 : i32, i32
  }
  func.func @transform_4(%arg0: i32) -> (i32, i32) {
    %c0_i32 = arith.constant 0 : i32
    %c0_i32_0 = arith.constant 0 : i32
    return %arg0, %c0_i32 : i32, i32
  }
}

</mosaic_0001>

<sc_bundles>
// kernel: kernel.12.cloned.1.call-start
scs
__scs_entry_jumppad:
0x0: {  	(pc) =	sbr.rel $0x88, $3  }
0x1: {  	(tag) =	ssettag $0x0;
	lr =	simm.s32 $0x1  }
0x2: {  	[smem:$0x3F93] =	sst lr;
	_ =	strace $0xD0000000  }
0x3: {  	_ = 	snop  }
0x4: {  	_ = 	snop  }
0x5: {  	_ = 	snop  }
0x6: {  	_ = 	snop  }
0x7: {  	_ = 	snop  }
__scs_overlays_trampoline_lowered:
0x8: {  	[smem:$0x3FA2] =	sst s0  }
0x9: {  	[smem:$0x3FA3] =	sst s1  }
0xa: {  	[smem:$0x3FA4] =	sst s2  }
0xb: {  	[smem:$0x3FA5] =	sst s3  }
0xc: {  	[smem:$0x3FA6] =	sst s4  }
0xd: {  	[smem:$0x3FA7] =	sst s5  }
0xe: {  	[smem:$0x3FA8] =	sst s6  }
0xf: {  	[smem:$0x3FA9] =	sst s7  }
0x10: {  	[smem:$0x3FAA] =	sst s8  }
0x11: {  	[smem:$0x3FAB] =	sst s9;
	s0 =	simm.s32 @!p0 $0x0  }
0x12: {  	s1 =	sld [smem:$0x3F91];
	s0 =	simm.s32 @p0 $0x1  }
0x13: {  	[smem:$0x3FAC] =	sst s0;
	s0 =	simm.s32 @!p1 $0x0  }
0x14: {  	s2 =	sld [smem:$0x3F90];
	s0 =	simm.s32 @p1 $0x1  }
0x15: {  	[smem:$0x3FAD] =	sst s0;
	s0 =	simm.s32 @!p2 $0x0  }
0x16: {  	s3 =	sld [smem:$0x3FDB];
	s0 =	simm.s32 @p2 $0x1  }
0x17: {  	s4 =	simm.s32 $0x1BF5;
	[smem:$0x3FAF] =	sst s0  }
0x18: {  	s0 =	sld [smem:$0x3F92];
	_ =	swait.ge [sflag:s4], $0x0  }
0x19: {  	s7 =	sld [smem:$0x3F93]  }
0x1a: {  	s8 =	sadd.s32 $0xFFFFE003, lr  }
0x1b: {  	s9 =	sadd.s32 $0xFFFFFEF7, lr;
	s5 =	simm.s32 $0xFFFFFFFF;
	p2 =	slt.u32 s8, $0xFFFFF086  }
0x1c: {  	p1 =	slt.u32 s9, $0xF7A;
	s5 =	simm.s32 @!p2 $0x0  }
0x1d: {  	s5 =	simm.s32 @p1 $0x1;
	p0 =	seq.s32 s7, s2  }
0x1e: {  	s7 =	smul.u32 @!p0 $0xF7A, s2;
	p2 =	seq.s32 @!p0 s5, $0x0  }
0x1f: {  	s9 =	smul.u32 $0xF7A, s1;
	s8 =	simm.s32 @!p0 $0x1BF5;
	p2 =	por !p2, p0  }
0x20: {  	[sflag:s8] =	ssyncset.s32 @!p0 $0xFFFFF086;
	s6 =	sadd.s32 @!p0 s3, s7;
	s7 =	simm.s32 @!p0 $0x108  }
0x21: {  	s3 =	sadd.s32 s3, s9;
	s6 =	sadd.s32 @!p0 $0x88, s6;
	s7 =	simm.s32 @p2 $0x1082  }
0x22: {  	[simem:s7], [sflag:s8] =	dma.local @!p0 [hbm:s6], $0xF7A  }
0x23: {  	s9 =	sor.u32 $0xD0000000, s2;
	s6 =	simm.s32 $0x108;
	_ =	swait.ge @!p0 [sflag:s8], $0x0  }
0x24: {  	s3 =	sadd.s32 $0x88, s3;
	s6 =	simm.s32 @!p1 $0x1082;
	[sflag:s4] =	ssyncset.s32 $0xFFFFF086  }
0x25: {  	[simem:s6], [sflag:s4] =	dma.local [hbm:s3], $0xF7A  }
0x26: {  	[smem:$0x3F93] =	sst s1;
	(tag) =	ssettag s2;
	_ =	strace s9  }
0x27: {  	s1 =	sld [smem:$0x3FA3]  }
0x28: {  	s2 =	sld [smem:$0x3FA4]  }
0x29: {  	s4 =	sld [smem:$0x3FA6]  }
0x2a: {  	p0 =	seq.s32 s5, $0x0;
	s5 =	sld [smem:$0x3FA7]  }
0x2b: {  	s6 =	sld [smem:$0x3FA8]  }
0x2c: {  	s7 =	sld [smem:$0x3FA9]  }
0x2d: {  	s3 =	simm.s32 $0x108;
	s8 =	sld [smem:$0x3FAA]  }
0x2e: {  	s3 =	simm.s32 @!p0 $0x1082;
	s9 =	sld [smem:$0x3FAB]  }
0x2f: {  	lr =	sadd.s32 s0, s3;
	s0 =	sld [smem:$0x3FA2]  }
0x30: {  	s3 =	sld [smem:$0x3FA5]  }
0x31: {  	[smem:$0x3FAE] =	sst s10  }
0x32: {  	s10 =	sld [smem:$0x3FAC];
	_ =	sdelay $0x3  }
0x33: {  	p0 =	seq.s32 s10, $0x1;
	s10 =	sld [smem:$0x3FAE];
	_ =	sdelay $0x3  }
0x34: {  	[smem:$0x3FAE] =	sst s10  }
0x35: {  	s10 =	sld [smem:$0x3FAD];
	_ =	sdelay $0x3  }
0x36: {  	p1 =	seq.s32 s10, $0x1;
	s10 =	sld [smem:$0x3FAE];
	_ =	sdelay $0x3  }
0x37: {  	[smem:$0x3FAE] =	sst s10  }
0x38: {  	s10 =	sld [smem:$0x3FAF]  }
0x39: {  	_ = 	snop;
	(pc) =	sbr.ind lr, $3  }
0x3a: {  	_ = 	snop  }
0x3b: {  	_ = 	snop  }
0x3c: {  	p2 =	seq.s32 s10, $0x1;
	s10 =	sld [smem:$0x3FAE]  }
0x3d: {  	_ =	shalt  }
0x3e: {  	_ =	shalt  }
0x3f: {  	_ =	shalt  }
0x40: {  	_ =	shalt  }
0x41: {  	_ =	shalt  }
0x42: {  	_ =	shalt  }
0x43: {  	_ =	shalt  }
0x44: {  	_ =	shalt  }
0x45: {  	_ =	shalt  }
0x46: {  	_ =	shalt  }
0x47: {  	_ =	shalt  }
0x48: {  	_ =	shalt  }
0x49: {  	_ =	shalt  }
0x4a: {  	_ =	shalt  }
0x4b: {  	_ =	shalt  }
0x4c: {  	_ =	shalt  }
0x4d: {  	_ =	shalt  }
0x4e: {  	_ =	shalt  }
0x4f: {  	_ =	shalt  }
0x50: {  	_ =	shalt  }
0x51: {  	_ =	shalt  }
0x52: {  	_ =	shalt  }
0x53: {  	_ =	shalt  }
0x54: {  	_ =	shalt  }
0x55: {  	_ =	shalt  }
0x56: {  	_ =	shalt  }
0x57: {  	_ =	shalt  }
0x58: {  	_ =	shalt  }
0x59: {  	_ =	shalt  }
0x5a: {  	_ =	shalt  }
0x5b: {  	_ =	shalt  }
0x5c: {  	_ =	shalt  }
0x5d: {  	_ =	shalt  }
0x5e: {  	_ =	shalt  }
0x5f: {  	_ =	shalt  }
0x60: {  	_ =	shalt  }
0x61: {  	_ =	shalt  }
0x62: {  	_ =	shalt  }
0x63: {  	_ =	shalt  }
0x64: {  	_ =	shalt  }
0x65: {  	_ =	shalt  }
0x66: {  	_ =	shalt  }
0x67: {  	_ =	shalt  }
0x68: {  	_ =	shalt  }
0x69: {  	_ =	shalt  }
0x6a: {  	_ =	shalt  }
0x6b: {  	_ =	shalt  }
0x6c: {  	_ =	shalt  }
0x6d: {  	_ =	shalt  }
0x6e: {  	_ =	shalt  }
0x6f: {  	_ =	shalt  }
0x70: {  	_ =	shalt  }
0x71: {  	_ =	shalt  }
0x72: {  	_ =	shalt  }
0x73: {  	_ =	shalt  }
0x74: {  	_ =	shalt  }
0x75: {  	_ =	shalt  }
0x76: {  	_ =	shalt  }
0x77: {  	_ =	shalt  }
0x78: {  	_ =	shalt  }
0x79: {  	_ =	shalt  }
0x7a: {  	_ =	shalt  }
0x7b: {  	_ =	shalt  }
0x7c: {  	_ =	shalt  }
0x7d: {  	_ =	shalt  }
0x7e: {  	_ =	shalt  }
0x7f: {  	_ =	shalt  }
0x80: {  	_ =	shalt  }
0x81: {  	_ =	shalt  }
0x82: {  	_ =	shalt  }
0x83: {  	_ =	shalt  }
0x84: {  	_ =	shalt  }
0x85: {  	_ =	shalt  }
0x86: {  	_ =	shalt  }
0x87: {  	_ =	shalt  }
.Lfunc_end0:
.L_simem_size_0:
called_computation_lowered:
.L_overlay_start_0:
0x88: {  	s2 =	sld [smem:$0x3FD9]  }
0x89: {  	s3 =	sld [smem:$0x3FFE];
	_ =	sdelay $0x1  }
0x8a: {  	s1 =	srdreg.scid  }
0x8b: {  	s0 =	sand.u32 $0x1, s1  }
0x8c: {  	s14 =	sshll.u32 s0, $0xA;
	s2 =	sadd.s32 s3, s2  }
0x8d: {  	s2 =	sadd.s32 s2, s14  }
0x8e: {  	[smem:$0x3FBA] =	sst s2  }
0x8f: {  	_ = 	snop  }
0x90: {  	s2 =	sld [smem:$0x3FD0];
	_ =	sdelay $0x2  }
0x91: {  	s15 =	simm.s32 $0xA;
	s4 =	simm.s32 $0x10  }
0x92: {  	[smem:s4], [sflag:s15] =	dma.local [hbm:s2], $0x1  }
0x93: {  	_ =	swait.eq [sflag:s15], $0x1  }
0x94: {  	[sflag:s15] =	ssyncset.done $0x0  }
0x95: {  	[sflag:s15] =	ssyncadd.s32 $0xFFFFFFFF  }
0x96: {  	s16 =	sld [smem:$0x13];
	(tm) =	ssettm $0x1  }
0x97: {  	s17 =	sld [smem:$0x3FFB];
	_ =	sdelay $0x3  }
0x98: {  	_ =	strace s17  }
0x99: {  	s3 =	sld [smem:$0x3FFC];
	_ =	sdelay $0x3  }
0x9a: {  	_ =	strace s3  }
0x9b: {  	s3 =	sld [smem:$0x3FFD];
	_ =	sdelay $0x3  }
0x9c: {  	_ =	strace s3  }
0x9d: {  	_ =	strace $0x8FFFFFFF  }
0x9e: {  	s18 =	sld [smem:$0x3FDB];
	_ =	sdelay $0x1  }
0x9f: {  	s19 =	simm.s32 $_scs_section_size  }
0xa0: {  	s5 =	simm.s32 $_size__tile_overlayer_lowered;
	s6 =	simm.s32 $_tile_overlayer_lowered  }
0xa1: {  	s22 =	simm.s32 $0x1BFF;
	s21 =	sshll.u32 s6, $0x1;
	s3 =	sadd.s32 s19, s18  }
0xa2: {  	s7 =	simm.s32 $0x0;
	s20 =	sshll.u32 s5, $0x1;
	s5 =	sadd.s32 s21, s3  }
0xa3: {  	[timem:s7], [sflag:s22] =	dma.local [hbm:s5], s20  }
0xa4: {  	_ =	swait.ge [sflag:s22], s20  }
0xa5: {  	s4 =	ssub.s32 $0x0, s20;
	[sflag:s22] =	ssyncset.done $0x0  }
0xa6: {  	[sflag:s22] =	ssyncadd.s32 s4;
	_ =	sdelay $0x1  }
0xa7: {  	s23 =	simm.s32 $0x1B8B  }
0xa8: {  	_ =	swait.ge [sflag:s23], $0x1  }
0xa9: {  	[sflag:s23] =	ssyncset.done $0x0  }
0xaa: {  	s25 =	simm.s32 $0x1B8E;
	s24 =	sld [smem:$0x3FFE];
	[sflag:s23] =	ssyncadd.s32 $0xFFFFFFFF  }
0xab: {  	s26 =	simm.s32 $execute0_lowered;
	[smem:$0x3FD2] =	sst s25  }
0xac: {  	s5 =	sshll.u32 s26, $0x1;
	_ =	strace $0x80000046;
	[dreg:$0x1] =	wrdreg $0xFFFFFFFF  }
0xad: {  	s28 =	simm.s32 $_size_execute0_lowered;
	s3 =	sadd.s32 s3, s5;
	[dreg:$0x0] =	wrdreg $0x0  }
0xae: {  	s5 =	sshll.u32 s28, $0x1;
	[dreg:$0x2] =	wrdreg s3  }
0xaf: {  	[dreg:$0x3] =	wrdreg s5  }
0xb0: {  	[dreg:$0x4] =	wrdreg $0xC0  }
0xb1: {  	_ =	task [dreg:s7], $0x5FFFF  }
0xb2: {  	[dreg:$0x1] =	wrdreg $0xFFFFFFFF  }
0xb3: {  	[dreg:$0x0] =	wrdreg $0x60  }
0xb4: {  	[dreg:$0x2] =	wrdreg s16  }
0xb5: {  	[dreg:$0x3] =	wrdreg s24  }
0xb6: {  	[dreg:$0x4] =	wrdreg $0x134000  }
0xb7: {  	[dreg:$0x5] =	wrdreg $0x9  }
0xb8: {  	_ =	task.clear_ibuf [dreg:s7], $0x6FFFF;
	_ =	strace $0x90000046  }
0xb9: {  	s29 =	simm.s32 $0x9;
	_ =	strace $0x80000048  }
0xba: {  	_ =	swait.ge [sflag:s29], $0x1  }
0xbb: {  	[sflag:s29] =	ssyncadd.s32 $0xFFFFFFFF  }
0xbc: {  	_ =	strace $0x90000048  }
0xbd: {  	_ =	sfence  }
0xbe: {  	s30 =	sld [smem:$0x0];
	_ =	sdelay $0x2  }
0xbf: {  	s31 =	sshll.u32 s1, $0xD;
	s1 =	sshrl.u32 s1, $0x2  }
0xc0: {  	s3 =	sand.u32 $0x4000, s31;
	s1 =	sadd.s32 s1, s30  }
0xc1: {  	s0 =	sor.u32 s3, s0;
	s1 =	sshll.u32 s1, $0x11  }
0xc2: {  	s0 =	sor.u32 s1, s0  }
0xc3: {  	s0 =	sadd.s32 $0x8F2B, s0  }
0xc4: {  	[sflag:s0] =	ssyncadd.remote.s32 $0x1  }
0xc5: {  	_ =	sfence.sel $0xFFFF  }
0xc6: {  	[dreg:$0x0] =	wrdreg $0xFFFFFFFF;
	(pc) =	sbr.abs _section_cstart, $3  }
0xc7: {  	[dreg:$0x1] =	wrdreg $0xFFFFFFFF  }
0xc8: {  	_ =	task.clear_ibuf [dreg:s7], $0x2FFFF;
	_ =	strace $0x9FFFFFFF  }
0xc9: {  	(tm) =	ssettm $0x7FFFFFFF  }
tec
execute0_lowered:
.L_overlay_start_1:
0x0: {  	(tag) =	ssettag $0x1  }
0x1: {  	s2 =	rddreg [dreg:$0x0]  }
0x2: {  	s5 =	rddreg [dreg:$0x1]  }
0x3: {  	s3 =	rddreg [dreg:$0x2]  }
0x4: {  	s0 =	rddreg [dreg:$0x3]  }
0x5: {  	s1 =	stileid.u32;
	s6 =	srdreg.scid  }
0x6: {  	s4 =	simm.s32 $0x0;
	s12 =	simm.s32 $0x13000;
	s13 =	simm.s32 $0x80  }
0x7: {  	s14 =	simm.s32 $0xF000;
	s17 =	simm.s32 $0x0;
	s7 =	smul.u32 $0xA00, s1  }
0x8: {  	s6 =	sand.u32 $0x1, s6;
	[smem:$0x7FF] =	sst s4;
	s29 =	smul.u32 $0x27000, s1  }
0x9: {  	p0 =	seq.s32 s1, $0xF;
	s31 =	smul.u32 $0x1380, s1;
	s16 =	sshll.u32 s1, $0x6  }
0xa: {  	s8 =	smul.u32 $0x13880, s6;
	s9 =	ssub.s32 $0x2, s6;
	_ =	strace $0x80000047  }
0xb: {  	s15 =	smul.u32 $0x1388, s6;
	s6 =	simm.s32 $0x29;
	s16 =	sor.u32 $0x1C02, s16  }
0xc: {  	s7 =	sadd.s32 s7, s5;
	s10 =	sshrl.u32 s9, $0x1;
	s30 =	sshrl.u32 s29, $0x2  }
0xd: {  	s6 =	simm.s32 @!p0 $0x27;
	s11 =	sadd.s32 s8, s5;
	s9 =	ssub.s32 s9, s10  }
0xe: {  	s5 =	sadd.s32 $0x6200, s7;
	s7 =	sadd.s32 s30, s3;
	s8 =	simm.s32 $0x28  }
0xf: {  	v0 =	vmov s15;
	s15 =	simm.s32 $0x1;
	s8 =	simm.s32 @!p0 $0x27;
	s10 =	sadd.s32 s31, s11  }
0x10: {  	v1 =	vimm.f32 $0.0e+00;
	s9 =	smax.u32 s9, $0x1;
	s11 =	simm.s32 $0x2;
	s10 =	sadd.s32 $0x10200, s10  }
.LBB2_1:
0x11: {  	[tilespmem:s4], [sflag:$0x2] =	stream.linear.gather [hbm4b:s5+s4], $0x4F00, $0x38;
	[tilespmem:$0x1F040] =	vst v63  }
0x12: {  	_ =	swait.ge [sflag:s11], $0x4F00  }
0x13: {  	[sflag:s11] =	ssyncset.done $0x0  }
0x14: {  	s18 =	simm.s32 $0x0;
	[sflag:s11] =	ssyncadd.s32 $0xFFFFB100  }
0x15: {  	v6 =	vld [tilespmem:s18+$0x70]  }
0x16: {  	v8 =	vld [tilespmem:s18+$0x0]  }
0x17: {  	v7 =	vld [tilespmem:s18+$0x10]  }
0x18: {  	v2 =	vld [tilespmem:s18+$0x20]  }
0x19: {  	v3 =	vld [tilespmem:s18+$0x30]  }
0x1a: {  	v5 =	vld [tilespmem:s18+$0x50]  }
0x1b: {  	v4 =	vld [tilespmem:s18+$0x40]  }
0x1c: {  	v17 =	vshrl.u32 v6, $0xE;
	v9 =	vand.u32 $0x3FFF, v6  }
0x1d: {  	v10 =	vand.u32 $0x3FFF, v8;
	v11 =	vand.u32 $0x3FF, v6;
	v12 =	vand.u32 $0x3FFF, v7  }
0x1e: {  	v13 =	vand.u32 $0x3FFF, v2;
	v19 =	vand.u32 $0x3FF, v8;
	v20 =	vand.u32 $0x3FF, v7  }
0x1f: {  	v14 =	vand.u32 $0x3FFF, v5;
	v23 =	vand.u32 $0x3FF, v2;
	v24 =	vand.u32 $0x3FF, v3  }
0x20: {  	v25 =	vand.u32 $0x3FF, v4;
	v26 =	vand.u32 $0x3FF, v5;
	v9 =	vsub.s32 v9, v0  }
0x21: {  	v11 =	vadd.s32 $0x1388, v11;
	v10 =	vsub.s32 v10, v0;
	v12 =	vsub.s32 v12, v0  }
0x22: {  	v6 =	vld [tilespmem:s18+$0x60];
	v14 =	vsub.s32 v14, v0;
	v22 =	vadd.s32 $0x1388, v19;
	v21 =	vadd.s32 $0x1388, v20  }
0x23: {  	[tilespmem:s18+$0x5070] =	vst v17;
	v20 =	vadd.s32 $0x1388, v24;
	v19 =	vadd.s32 $0x1388, v25;
	v17 =	vadd.s32 $0x1388, v26  }
0x24: {  	vm0 =	vlt.u32 v9, $0x1388;
	vm5 =	vlt.u32 v10, $0x1388;
	vm6 =	vlt.u32 v12, $0x1388  }
0x25: {  	v18 =	vsel vm0, v9, v11;
	v9 =	vsub.s32 v13, v0;
	v11 =	vand.u32 $0x3FFF, v3  }
0x26: {  	v13 =	vand.u32 $0x3FFF, v4;
	vm0 =	vlt.u32 v14, $0x1388;
	v11 =	vsub.s32 v11, v0  }
0x27: {  	v13 =	vsub.s32 v13, v0;
	vm4 =	vlt.u32 v9, $0x1388;
	v15 =	vand.u32 $0x3FFF, v6  }
0x28: {  	[tilespmem:s18+$0xA070] =	vst v18;
	v18 =	vadd.s32 $0x1388, v23;
	v16 =	vand.u32 $0x3FF, v6;
	v15 =	vsub.s32 v15, v0  }
0x29: {  	s19 =	simm.s32 $0x80;
	s20 =	simm.s32 $0x400;
	vm2 =	vlt.u32 v11, $0x1388;
	vm3 =	vlt.u32 v13, $0x1388;
	vm1 =	vlt.u32 v15, $0x1388  }
.LBB2_2:
0x2a: {  	p0 =	sne.s32 s20, $0x13A00;
	v23 =	vld [tilespmem:s19+$0x70];
	v10 =	vsel vm5, v10, v22;
	v12 =	vsel vm6, v12, v21;
	v16 =	vadd.s32 $0x1388, v16  }
0x2b: {  	v9 =	vsel vm4, v9, v18;
	v21 =	vld [tilespmem:s19+$0x0];
	[tilespmem:s18+$0xA000] =	vst v10;
	v10 =	vsel vm2, v11, v20;
	v11 =	vsel vm3, v13, v19  }
0x2c: {  	v18 =	vshrl.u32 v8, $0xE;
	v8 =	vsel vm0, v14, v17;
	v13 =	vld [tilespmem:s19+$0x10];
	[tilespmem:s18+$0xA010] =	vst v12;
	v12 =	vsel vm1, v15, v16  }
0x2d: {  	v14 =	vshrl.u32 v7, $0xE;
	v15 =	vshrl.u32 v2, $0xE;
	v16 =	vshrl.u32 v3, $0xE;
	v2 =	vld [tilespmem:s19+$0x20];
	[tilespmem:s18+$0xA020] =	vst v9  }
0x2e: {  	v17 =	vshrl.u32 v4, $0xE;
	v19 =	vshrl.u32 v5, $0xE;
	v20 =	vshrl.u32 v6, $0xE;
	v3 =	vld [tilespmem:s19+$0x30];
	[tilespmem:s18+$0xA030] =	vst v10  }
0x2f: {  	v4 =	vld [tilespmem:s19+$0x40];
	v22 =	vshrl.u32 v23, $0xE;
	v6 =	vand.u32 $0x3FFF, v23;
	[tilespmem:s18+$0xA040] =	vst v11  }
0x30: {  	v10 =	vand.u32 $0x3FF, v23;
	v9 =	vand.u32 $0x3FFF, v21;
	v5 =	vld [tilespmem:s19+$0x50];
	v11 =	vsub.s32 v6, v0;
	[tilespmem:s18+$0xA050] =	vst v8;
	v8 =	vmovc v21  }
0x31: {  	v23 =	vadd.s32 $0x1388, v10;
	v21 =	vand.u32 $0x3FFF, v13;
	v6 =	vld [tilespmem:s19+$0x60];
	vm0 =	vlt.u32 v11, $0x1388;
	[tilespmem:s18+$0xA060] =	vst v12;
	v7 =	vmovc v13  }
0x32: {  	v10 =	vsub.s32 v9, v0;
	v9 =	vand.u32 $0x3FFF, v2;
	v11 =	vsel vm0, v11, v23;
	[tilespmem:s18+$0x5000] =	vst v18  }
0x33: {  	v12 =	vsub.s32 v21, v0;
	v9 =	vsub.s32 v9, v0;
	v13 =	vand.u32 $0x3FFF, v3;
	[tilespmem:s19+$0xA070] =	vst v11  }
0x34: {  	v18 =	vand.u32 $0x3FF, v8;
	v11 =	vsub.s32 v13, v0;
	v13 =	vand.u32 $0x3FFF, v4;
	[tilespmem:s18+$0x5010] =	vst v14  }
0x35: {  	v21 =	vand.u32 $0x3FF, v7;
	v13 =	vsub.s32 v13, v0;
	v14 =	vand.u32 $0x3FFF, v5;
	[tilespmem:s18+$0x5020] =	vst v15  }
0x36: {  	v23 =	vand.u32 $0x3FF, v2;
	v14 =	vsub.s32 v14, v0;
	v15 =	vand.u32 $0x3FFF, v6;
	[tilespmem:s18+$0x5030] =	vst v16  }
0x37: {  	v24 =	vand.u32 $0x3FF, v3;
	v25 =	vand.u32 $0x3FF, v4;
	v15 =	vsub.s32 v15, v0;
	[tilespmem:s18+$0x5040] =	vst v17  }
.Ltmp0:
0x38: {  	vm5 =	vlt.u32 v10, $0x1388;
	v16 =	vand.u32 $0x3FF, v6;
	v17 =	vand.u32 $0x3FF, v5;
	[tilespmem:s18+$0x5050] =	vst v19;
	(pc) =	sbr.rel @p0 .LBB2_2-.Ltmp0, $4  }
0x39: {  	vm6 =	vlt.u32 v12, $0x1388;
	vm4 =	vlt.u32 v9, $0x1388;
	vm2 =	vlt.u32 v11, $0x1388;
	[tilespmem:s18+$0x5060] =	vst v20;
	s18 =	smov.u32 s19  }
0x3a: {  	vm3 =	vlt.u32 v13, $0x1388;
	vm0 =	vlt.u32 v14, $0x1388;
	vm1 =	vlt.u32 v15, $0x1388;
	[tilespmem:s18+$0x5070] =	vst v22  }
0x3b: {  	v21 =	vadd.s32 $0x1388, v21;
	v22 =	vadd.s32 $0x1388, v18;
	v18 =	vadd.s32 $0x1388, v23  }
0x3c: {  	v19 =	vadd.s32 $0x1388, v25;
	v17 =	vadd.s32 $0x1388, v17;
	s19 =	sshra.s32 s20, $0x2;
	s20 =	sadd.s32 $0x200, s20;
	v20 =	vadd.s32 $0x1388, v24  }
0x3d: {  	v23 =	vld [tilespmem:s19+$0x70];
	v10 =	vsel vm5, v10, v22  }
0x3e: {  	v31 =	vld [tilespmem:s19+$0x0];
	v32 =	vsel vm6, v12, v21;
	v9 =	vsel vm4, v9, v18;
	[tilespmem:s18+$0xA000] =	vst v10  }
0x3f: {  	v34 =	vsel vm2, v11, v20;
	v36 =	vadd.s32 $0x1388, v16;
	v13 =	vsel vm3, v13, v19;
	v33 =	vld [tilespmem:s19+$0x10];
	[tilespmem:s18+$0xA010] =	vst v32  }
0x40: {  	v8 =	vshrl.u32 v8, $0xE;
	v14 =	vsel vm0, v14, v17;
	v7 =	vshrl.u32 v7, $0xE;
	v10 =	vld [tilespmem:s19+$0x20];
	[tilespmem:s18+$0xA020] =	vst v9  }
0x41: {  	v2 =	vshrl.u32 v2, $0xE;
	v3 =	vshrl.u32 v3, $0xE;
	v4 =	vshrl.u32 v4, $0xE;
	v35 =	vld [tilespmem:s19+$0x30];
	[tilespmem:s18+$0xA030] =	vst v34  }
0x42: {  	v5 =	vshrl.u32 v5, $0xE;
	v6 =	vshrl.u32 v6, $0xE;
	v37 =	vld [tilespmem:s19+$0x40];
	[tilespmem:s18+$0xA040] =	vst v13;
	v38 =	vand.u32 $0x3FFF, v23  }
0x43: {  	v9 =	vsel vm1, v15, v36;
	v40 =	vand.u32 $0x3FF, v23;
	v13 =	vld [tilespmem:s19+$0x50];
	[tilespmem:s18+$0xA050] =	vst v14;
	v39 =	vsub.s32 v38, v0  }
0x44: {  	v42 =	vshrl.u32 v23, $0xE;
	v15 =	vadd.s32 $0x1388, v40;
	v41 =	vld [tilespmem:s19+$0x60];
	vm8 =	vlt.u32 v39, $0x1388;
	[tilespmem:s18+$0xA060] =	vst v9  }
0x45: {  	v43 =	vand.u32 $0x3FFF, v31;
	v49 =	vand.u32 $0x3FF, v31;
	[tilespmem:s18+$0x5000] =	vst v8;
	v14 =	vsel vm8, v39, v15  }
0x46: {  	v45 =	vsub.s32 v43, v0;
	v59 =	vadd.s32 $0x1388, v49;
	v44 =	vand.u32 $0x3FFF, v33;
	[tilespmem:s19+$0xA070] =	vst v14  }
0x47: {  	v52 =	vand.u32 $0x3FF, v33;
	vm9 =	vlt.u32 v45, $0x1388;
	v46 =	vand.u32 $0x3FFF, v10;
	[tilespmem:s18+$0x5010] =	vst v7  }
0x48: {  	v47 =	vsub.s32 v44, v0;
	v54 =	vand.u32 $0x3FF, v10;
	v60 =	vadd.s32 $0x1388, v52;
	[tilespmem:s18+$0x5020] =	vst v2  }
0x49: {  	v9 =	vsub.s32 v46, v0;
	v48 =	vand.u32 $0x3FFF, v35;
	v56 =	vand.u32 $0x3FF, v35;
	[tilespmem:s18+$0x5030] =	vst v3  }
0x4a: {  	vm10 =	vlt.u32 v47, $0x1388;
	v61 =	vadd.s32 $0x1388, v54;
	v50 =	vsub.s32 v48, v0;
	[tilespmem:s18+$0x5040] =	vst v4  }
0x4b: {  	v51 =	vand.u32 $0x3FFF, v37;
	v57 =	vand.u32 $0x3FF, v37;
	[tilespmem:s18+$0x5060] =	vst v6;
	v6 =	vsel vm9, v45, v59  }
0x4c: {  	[tilespmem:s18+$0x5050] =	vst v5;
	vm11 =	vlt.u32 v9, $0x1388;
	v15 =	vsel vm10, v47, v60;
	v62 =	vadd.s32 $0x1388, v56  }
0x4d: {  	v2 =	vsub.s32 v51, v0;
	v53 =	vand.u32 $0x3FFF, v13;
	v58 =	vand.u32 $0x3FF, v13;
	[tilespmem:s19+$0x5070] =	vst v42  }
0x4e: {  	[tilespmem:s19+$0xA000] =	vst v6;
	vm12 =	vlt.u32 v50, $0x1388;
	v8 =	vsel vm11, v9, v61;
	v4 =	vadd.s32 $0x1388, v57  }
0x4f: {  	[tilespmem:s19+$0xA010] =	vst v15;
	v3 =	vsub.s32 v53, v0;
	v55 =	vand.u32 $0x3FFF, v41;
	v24 =	vand.u32 $0x3FF, v41  }
0x50: {  	vm13 =	vlt.u32 v2, $0x1388;
	v6 =	vsel vm12, v50, v62;
	[tilespmem:s19+$0xA020] =	vst v8;
	v5 =	vadd.s32 $0x1388, v58  }
0x51: {  	v14 =	vsub.s32 v55, v0;
	vm14 =	vlt.u32 v3, $0x1388;
	v2 =	vsel vm13, v2, v4;
	[tilespmem:s19+$0xA030] =	vst v6  }
0x52: {  	v63 =	vadd.s32 $0x1388, v24;
	vm15 =	vlt.u32 v14, $0x1388;
	v3 =	vsel vm14, v3, v5;
	[tilespmem:s19+$0xA040] =	vst v2  }
0x53: {  	v2 =	vsel vm15, v14, v63;
	[tilespmem:s19+$0xA050] =	vst v3  }
0x54: {  	v3 =	vshrl.u32 v31, $0xE;
	[tilespmem:s19+$0xA060] =	vst v2  }
0x55: {  	v2 =	vshrl.u32 v33, $0xE;
	[tilespmem:s19+$0x5000] =	vst v3  }
0x56: {  	v3 =	vshrl.u32 v10, $0xE;
	[tilespmem:s19+$0x5010] =	vst v2  }
0x57: {  	v2 =	vshrl.u32 v35, $0xE;
	[tilespmem:s19+$0x5020] =	vst v3  }
0x58: {  	v3 =	vshrl.u32 v37, $0xE;
	[tilespmem:s19+$0x5030] =	vst v2  }
0x59: {  	v2 =	vshrl.u32 v13, $0xE;
	[tilespmem:s19+$0x5040] =	vst v3  }
0x5a: {  	v3 =	vshrl.u32 v41, $0xE;
	[tilespmem:s19+$0x5050] =	vst v2  }
0x5b: {  	[tilespmem:s19+$0x5060] =	vst v3  }
0x5c: {  	[tilespmem:$0x13000] =	vst v1  }
0x5d: {  	[tilespmem:$0x13010] =	vst v1  }
0x5e: {  	[tilespmem:$0x13020] =	vst v1  }
0x5f: {  	[tilespmem:$0x13030] =	vst v1  }
0x60: {  	[tilespmem:$0x13040] =	vst v1  }
0x61: {  	[tilespmem:$0x13050] =	vst v1  }
0x62: {  	[tilespmem:$0x13060] =	vst v1  }
0x63: {  	[tilespmem:$0x13070] =	vst v1  }
0x64: {  	[tilespmem:$0x13080] =	vst v1  }
0x65: {  	[tilespmem:$0x13090] =	vst v1  }
0x66: {  	[tilespmem:$0x130A0] =	vst v1  }
0x67: {  	[tilespmem:$0x130B0] =	vst v1  }
0x68: {  	[tilespmem:$0x130C0] =	vst v1  }
0x69: {  	[tilespmem:$0x130D0] =	vst v1  }
0x6a: {  	[tilespmem:$0x130E0] =	vst v1  }
0x6b: {  	[tilespmem:$0x130F0] =	vst v1  }
0x6c: {  	[tilespmem:$0x13100] =	vst v1  }
0x6d: {  	[tilespmem:$0x13110] =	vst v1  }
0x6e: {  	[tilespmem:$0x13120] =	vst v1  }
0x6f: {  	[tilespmem:$0x13130] =	vst v1  }
0x70: {  	[tilespmem:$0x13140] =	vst v1  }
0x71: {  	[tilespmem:$0x13150] =	vst v1  }
0x72: {  	[tilespmem:$0x13160] =	vst v1  }
0x73: {  	[tilespmem:$0x13170] =	vst v1  }
0x74: {  	[tilespmem:$0x13180] =	vst v1  }
0x75: {  	[tilespmem:$0x13190] =	vst v1  }
0x76: {  	[tilespmem:$0x131A0] =	vst v1  }
0x77: {  	[tilespmem:$0x131B0] =	vst v1  }
0x78: {  	[tilespmem:$0x131C0] =	vst v1  }
0x79: {  	[tilespmem:$0x131D0] =	vst v1  }
0x7a: {  	[tilespmem:$0x131E0] =	vst v1  }
0x7b: {  	[tilespmem:$0x131F0] =	vst v1  }
0x7c: {  	[tilespmem:$0x13200] =	vst v1  }
0x7d: {  	[tilespmem:$0x13210] =	vst v1  }
0x7e: {  	[tilespmem:$0x13220] =	vst v1  }
0x7f: {  	[tilespmem:$0x13230] =	vst v1  }
0x80: {  	[tilespmem:$0x13240] =	vst v1  }
0x81: {  	[tilespmem:$0x13250] =	vst v1  }
0x82: {  	[tilespmem:$0x13260] =	vst v1  }
0x83: {  	[tilespmem:$0x13270] =	vst v1  }
0x84: {  	[tilespmem:$0x13280] =	vst v1  }
0x85: {  	[tilespmem:$0x13290] =	vst v1  }
0x86: {  	[tilespmem:$0x132A0] =	vst v1  }
0x87: {  	[tilespmem:$0x132B0] =	vst v1  }
0x88: {  	[tilespmem:$0x132C0] =	vst v1  }
0x89: {  	[tilespmem:$0x132D0] =	vst v1  }
0x8a: {  	[tilespmem:$0x132E0] =	vst v1  }
0x8b: {  	[tilespmem:$0x132F0] =	vst v1  }
0x8c: {  	[tilespmem:$0x13300] =	vst v1  }
0x8d: {  	[tilespmem:$0x13310] =	vst v1  }
0x8e: {  	[tilespmem:$0x13320] =	vst v1  }
0x8f: {  	[tilespmem:$0x13330] =	vst v1  }
0x90: {  	[tilespmem:$0x13340] =	vst v1  }
0x91: {  	[tilespmem:$0x13350] =	vst v1  }
0x92: {  	[tilespmem:$0x13360] =	vst v1  }
0x93: {  	[tilespmem:$0x13370] =	vst v1  }
0x94: {  	[tilespmem:$0x13380] =	vst v1  }
0x95: {  	[tilespmem:$0x13390] =	vst v1  }
0x96: {  	[tilespmem:$0x133A0] =	vst v1  }
0x97: {  	[tilespmem:$0x133B0] =	vst v1  }
0x98: {  	[tilespmem:$0x133C0] =	vst v1  }
0x99: {  	p0 =	sne.s32 s6, $0x1;
	[tilespmem:$0x133D0] =	vst v1  }
.Ltmp1:
0x9a: {  	[tilespmem:$0x133E0] =	vst v1;
	(pc) =	sbr.rel @!p0 .LBB2_5-.Ltmp1, $4  }
0x9b: {  	[tilespmem:$0x133F0] =	vst v1  }
0x9c: {  	[spmem:s7] =	stream.linear.scatter [tilespmem:s12], [sflag:$0x2], $0x400, $0x38;
	[tilespmem:$0x1F040] =	vst v63  }
0x9d: {  	_ =	swait.ge [sflag:s11], $0x400  }
0x9e: {  	s18 =	sadd.s32 $0xFFFFFFFF, s6;
	s19 =	smov.u32 s7;
	[sflag:s11] =	ssyncset.done $0x0  }
.LBB2_4:
0x9f: {  	p0 =	sne.s32 s18, $0x1;
	[sflag:s11] =	ssyncadd.s32 $0xFFFFFC00;
	s19 =	sadd.s32 $0x400, s19  }
.Ltmp2:
0xa0: {  	s18 =	sadd.s32 $0xFFFFFFFF, s18;
	(pc) =	sbr.rel @p0 .LBB2_4-.Ltmp2, $4  }
0xa1: {  	_ = 	snop  }
0xa2: {  	[spmem:s19] =	stream.linear.scatter [tilespmem:s12], [sflag:$0x2], $0x400, $0x38;
	[tilespmem:$0x1F040] =	vst v63  }
0xa3: {  	_ =	swait.ge [sflag:s11], $0x400  }
0xa4: {  	[sflag:s11] =	ssyncset.done $0x0  }
.LBB2_5:
0xa5: {  	[sflag:s11] =	ssyncadd.s32 $0xFFFFFC00  }
0xa6: {  	s18 =	simm.s32 $0x5000;
	[bflag:$0x0] =	sbarrier.arrive $0xFFFF  }
0xa7: {  	[tilespmem:s14], [sflag:$0x1] =	stream.indirect.gather [hbm4b:s2+s13], $0x80, s18, s13, $0xb8;
	[tilespmem:$0x1F040] =	vst v63  }
0xa8: {  	_ =	swait.ge [sflag:s15], $0x4000  }
0xa9: {  	[sflag:s15] =	ssyncset.done $0x0  }
0xaa: {  	s31 =	simm.s32 $0xA000;
	[sflag:s15] =	ssyncadd.s32 $0xFFFFC000  }
0xab: {  	[spmem:s3] =	stream.indirect.scatter.add.f32 [tilespmem:s14], [sflag:$0x2], $0x80, s31, s13, $0xb8;
	[tilespmem:$0x1F040] =	vst v63  }
0xac: {  	_ =	swait.ge [sflag:s11], $0x4000  }
0xad: {  	s19 =	simm.s32 $0x400;
	s18 =	simm.s32 $0x80;
	[sflag:s11] =	ssyncset.done $0x0  }
.LBB2_6:
0xae: {  	s20 =	sadd.s32 $0x5000, s18  }
0xaf: {  	[sflag:s11] =	ssyncadd.s32 $0xFFFFC000;
	s21 =	smov.u32 s19;
	s22 =	sadd.s32 $0x200, s19  }
0xb0: {  	[tilespmem:s14], [sflag:$0x1] =	stream.indirect.gather [hbm4b:s2+s13], $0x80, s20, s13, $0xb8;
	[tilespmem:$0x1F040] =	vst v63  }
0xb1: {  	p0 =	sne.s32 s19, $0x13A00;
	_ =	swait.ge [sflag:s15], $0x4000  }
.Ltmp3:
0xb2: {  	[sflag:s15] =	ssyncset.done $0x0;
	(pc) =	sbr.rel @p0 .LBB2_6-.Ltmp3, $4  }
0xb3: {  	s18 =	sadd.s32 $0xA000, s18;
	[sflag:s15] =	ssyncadd.s32 $0xFFFFC000  }
0xb4: {  	[spmem:s3] =	stream.indirect.scatter.add.f32 [tilespmem:s14], [sflag:$0x2], $0x80, s18, s13, $0xb8;
	[tilespmem:$0x1F040] =	vst v63  }
0xb5: {  	_ =	swait.ge [sflag:s11], $0x4000  }
0xb6: {  	s19 =	smov.u32 s22;
	s18 =	sshra.s32 s21, $0x2;
	[sflag:s11] =	ssyncset.done $0x0  }
0xb7: {  	s19 =	sadd.s32 $0x5000, s18;
	[sflag:s11] =	ssyncadd.s32 $0xFFFFC000  }
0xb8: {  	[tilespmem:s14], [sflag:$0x1] =	stream.indirect.gather [hbm4b:s2+s13], $0x80, s19, s13, $0xb8;
	[tilespmem:$0x1F040] =	vst v63  }
0xb9: {  	_ =	swait.ge [sflag:s15], $0x4000  }
0xba: {  	[sflag:s15] =	ssyncset.done $0x0  }
0xbb: {  	s30 =	sadd.s32 $0xA000, s18;
	[sflag:s15] =	ssyncadd.s32 $0xFFFFC000  }
0xbc: {  	[spmem:s3] =	stream.indirect.scatter.add.f32 [tilespmem:s14], [sflag:$0x2], $0x80, s30, s13, $0xb8;
	[tilespmem:$0x1F040] =	vst v63  }
0xbd: {  	_ =	swait.ge [sflag:s11], $0x4000  }
0xbe: {  	p0 =	sne.s32 s8, $0x1;
	[sflag:s11] =	ssyncset.done $0x0  }
.Ltmp4:
0xbf: {  	[sflag:s11] =	ssyncadd.s32 $0xFFFFC000;
	(pc) =	sbr.rel @!p0 .LBB2_9-.Ltmp4, $4  }
0xc0: {  	s31 =	sshrl.u32 s7, $0x3;
	[bflag:$0x0] =	sbarrier.arrive $0xFFFF  }
0xc1: {  	[hbm:s10], [sflag:s16] =	dma.local [spmem:s31], $0x80  }
0xc2: {  	s18 =	sadd.s32 $0xFFFFFFFF, s8;
	_ =	swait.ge [sflag:s11], $0x80  }
0xc3: {  	s20 =	smov.u32 s10;
	s19 =	sadd.s32 $0x400, s7;
	[sflag:s11] =	ssyncset.done $0x0  }
.LBB2_8:
0xc4: {  	s21 =	sshrl.u32 s19, $0x3  }
0xc5: {  	[sflag:s11] =	ssyncadd.s32 $0xFFFFFF80;
	s20 =	sadd.s32 $0x80, s20;
	p0 =	sne.s32 s18, $0x1  }
0xc6: {  	[hbm:s20], [sflag:s16] =	dma.local [spmem:s21], $0x80  }
.Ltmp5:
0xc7: {  	_ = 	snop;
	(pc) =	sbr.rel @p0 .LBB2_8-.Ltmp5, $4  }
0xc8: {  	_ = 	snop  }
0xc9: {  	s18 =	sadd.s32 $0xFFFFFFFF, s18  }
0xca: {  	_ =	swait.ge [sflag:s11], $0x80  }
0xcb: {  	s19 =	sadd.s32 $0x400, s19;
	[sflag:s11] =	ssyncset.done $0x0  }
.LBB2_9:
0xcc: {  	s17 =	sadd.s32 $0x1, s17  }
0xcd: {  	p0 =	sne.s32 s17, s9  }
.Ltmp6:
0xce: {  	_ = 	snop;
	(pc) =	sbr.rel @p0 .LBB2_1-.Ltmp6, $2  }
0xcf: {  	_ =	sdelay $0x2  }
0xd0: {  	[sflag:s11] =	ssyncadd.s32 $0xFFFFFF80  }
0xd1: {  	_ =	sfence.sel $0x180000  }
0xd2: {  	[bflag:$0x0] =	sbarrier.arrive $0xFFFF  }
0xd3: {  	p0 =	sne.s32 s1, $0x0;
	_ =	strace $0x90000047  }
0xd4: {  	s0 =	sadd.s32 @!p0 $0x100000, s0;
	[bflag:$0x2] =	sbarrier.arrive $0xFFFF  }
0xd5: {  	[sflag:s0] =	ssyncadd.tile.s32 @!p0 $0x1;
	_ =	shalt  }
.Lfunc_end2:
_tile_overlayer_lowered:
.L_overlay_start_2:
0xd6: {  	(tag) =	ssettag $0x2  }
0xd7: {  	s0 =	rddreg [dreg:$0x0];
	s2 =	stileid.u32  }
0xd8: {  	s1 =	rddreg [dreg:$0x1];
	p0 =	sne.s32 s2, $0x0  }
0xd9: {  	s3 =	rddreg [dreg:$0x2];
	[bflag:$0x3] =	sbarrier.arrive $0xFFFF;
	s2 =	simm.s32 @!p0 $0x1C02  }
0xda: {  	[timem:s3], [sflag:s2] =	dma.local @!p0 [hbm:s0], s1  }
0xdb: {  	s0 =	simm.s32 @!p0 $0x2  }
0xdc: {  	_ =	swait.ge @!p0 [sflag:s0], s1  }
0xdd: {  	s1 =	ssub.s32 @!p0 $0x0, s1;
	[sflag:s0] =	ssyncset.done @!p0 $0x0  }
0xde: {  	[sflag:s0] =	ssyncadd.s32 @!p0 s1  }
0xdf: {  	[bflag:$0x3] =	sbarrier.arrive $0xFFFF  }
0xe0: {  	_ =	shalt  }

// kernel: kernel.15.cloned.1.call-start
scs
__scs_entry_jumppad:
0x0: {  	(pc) =	sbr.rel $0x88, $3  }
0x1: {  	(tag) =	ssettag $0x0;
	lr =	simm.s32 $0x1  }
0x2: {  	[smem:$0x3F93] =	sst lr;
	_ =	strace $0xD0000000  }
0x3: {  	_ = 	snop  }
0x4: {  	_ = 	snop  }
0x5: {  	_ = 	snop  }
0x6: {  	_ = 	snop  }
0x7: {  	_ = 	snop  }
__scs_overlays_trampoline_lowered:
0x8: {  	[smem:$0x3FA2] =	sst s0  }
0x9: {  	[smem:$0x3FA3] =	sst s1  }
0xa: {  	[smem:$0x3FA4] =	sst s2  }
0xb: {  	[smem:$0x3FA5] =	sst s3  }
0xc: {  	[smem:$0x3FA6] =	sst s4  }
0xd: {  	[smem:$0x3FA7] =	sst s5  }
0xe: {  	[smem:$0x3FA8] =	sst s6  }
0xf: {  	[smem:$0x3FA9] =	sst s7  }
0x10: {  	[smem:$0x3FAA] =	sst s8  }
0x11: {  	[smem:$0x3FAB] =	sst s9;
	s0 =	simm.s32 @!p0 $0x0  }
0x12: {  	s1 =	sld [smem:$0x3F91];
	s0 =	simm.s32 @p0 $0x1  }
0x13: {  	[smem:$0x3FAC] =	sst s0;
	s0 =	simm.s32 @!p1 $0x0  }
0x14: {  	s2 =	sld [smem:$0x3F90];
	s0 =	simm.s32 @p1 $0x1  }
0x15: {  	[smem:$0x3FAD] =	sst s0;
	s0 =	simm.s32 @!p2 $0x0  }
0x16: {  	s3 =	sld [smem:$0x3FDB];
	s0 =	simm.s32 @p2 $0x1  }
0x17: {  	s4 =	simm.s32 $0x1BF5;
	[smem:$0x3FAF] =	sst s0  }
0x18: {  	s0 =	sld [smem:$0x3F92];
	_ =	swait.ge [sflag:s4], $0x0  }
0x19: {  	s7 =	sld [smem:$0x3F93]  }
0x1a: {  	s8 =	sadd.s32 $0xFFFFE003, lr  }
0x1b: {  	s9 =	sadd.s32 $0xFFFFFEF7, lr;
	s5 =	simm.s32 $0xFFFFFFFF;
	p2 =	slt.u32 s8, $0xFFFFF086  }
0x1c: {  	p1 =	slt.u32 s9, $0xF7A;
	s5 =	simm.s32 @!p2 $0x0  }
0x1d: {  	s5 =	simm.s32 @p1 $0x1;
	p0 =	seq.s32 s7, s2  }
0x1e: {  	s7 =	smul.u32 @!p0 $0xF7A, s2;
	p2 =	seq.s32 @!p0 s5, $0x0  }
0x1f: {  	s9 =	smul.u32 $0xF7A, s1;
	s8 =	simm.s32 @!p0 $0x1BF5;
	p2 =	por !p2, p0  }
0x20: {  	[sflag:s8] =	ssyncset.s32 @!p0 $0xFFFFF086;
	s6 =	sadd.s32 @!p0 s3, s7;
	s7 =	simm.s32 @!p0 $0x108  }
0x21: {  	s3 =	sadd.s32 s3, s9;
	s6 =	sadd.s32 @!p0 $0x88, s6;
	s7 =	simm.s32 @p2 $0x1082  }
0x22: {  	[simem:s7], [sflag:s8] =	dma.local @!p0 [hbm:s6], $0xF7A  }
0x23: {  	s9 =	sor.u32 $0xD0000000, s2;
	s6 =	simm.s32 $0x108;
	_ =	swait.ge @!p0 [sflag:s8], $0x0  }
0x24: {  	s3 =	sadd.s32 $0x88, s3;
	s6 =	simm.s32 @!p1 $0x1082;
	[sflag:s4] =	ssyncset.s32 $0xFFFFF086  }
0x25: {  	[simem:s6], [sflag:s4] =	dma.local [hbm:s3], $0xF7A  }
0x26: {  	[smem:$0x3F93] =	sst s1;
	(tag) =	ssettag s2;
	_ =	strace s9  }
0x27: {  	s1 =	sld [smem:$0x3FA3]  }
0x28: {  	s2 =	sld [smem:$0x3FA4]  }
0x29: {  	s4 =	sld [smem:$0x3FA6]  }
0x2a: {  	p0 =	seq.s32 s5, $0x0;
	s5 =	sld [smem:$0x3FA7]  }
0x2b: {  	s6 =	sld [smem:$0x3FA8]  }
0x2c: {  	s7 =	sld [smem:$0x3FA9]  }
0x2d: {  	s3 =	simm.s32 $0x108;
	s8 =	sld [smem:$0x3FAA]  }
0x2e: {  	s3 =	simm.s32 @!p0 $0x1082;
	s9 =	sld [smem:$0x3FAB]  }
0x2f: {  	lr =	sadd.s32 s0, s3;
	s0 =	sld [smem:$0x3FA2]  }
0x30: {  	s3 =	sld [smem:$0x3FA5]  }
0x31: {  	[smem:$0x3FAE] =	sst s10  }
0x32: {  	s10 =	sld [smem:$0x3FAC];
	_ =	sdelay $0x3  }
0x33: {  	p0 =	seq.s32 s10, $0x1;
	s10 =	sld [smem:$0x3FAE];
	_ =	sdelay $0x3  }
0x34: {  	[smem:$0x3FAE] =	sst s10  }
0x35: {  	s10 =	sld [smem:$0x3FAD];
	_ =	sdelay $0x3  }
0x36: {  	p1 =	seq.s32 s10, $0x1;
	s10 =	sld [smem:$0x3FAE];
	_ =	sdelay $0x3  }
0x37: {  	[smem:$0x3FAE] =	sst s10  }
0x38: {  	s10 =	sld [smem:$0x3FAF]  }
0x39: {  	_ = 	snop;
	(pc) =	sbr.ind lr, $3  }
0x3a: {  	_ = 	snop  }
0x3b: {  	_ = 	snop  }
0x3c: {  	p2 =	seq.s32 s10, $0x1;
	s10 =	sld [smem:$0x3FAE]  }
0x3d: {  	_ =	shalt  }
0x3e: {  	_ =	shalt  }
0x3f: {  	_ =	shalt  }
0x40: {  	_ =	shalt  }
0x41: {  	_ =	shalt  }
0x42: {  	_ =	shalt  }
0x43: {  	_ =	shalt  }
0x44: {  	_ =	shalt  }
0x45: {  	_ =	shalt  }
0x46: {  	_ =	shalt  }
0x47: {  	_ =	shalt  }
0x48: {  	_ =	shalt  }
0x49: {  	_ =	shalt  }
0x4a: {  	_ =	shalt  }
0x4b: {  	_ =	shalt  }
0x4c: {  	_ =	shalt  }
0x4d: {  	_ =	shalt  }
0x4e: {  	_ =	shalt  }
0x4f: {  	_ =	shalt  }
0x50: {  	_ =	shalt  }
0x51: {  	_ =	shalt  }
0x52: {  	_ =	shalt  }
0x53: {  	_ =	shalt  }
0x54: {  	_ =	shalt  }
0x55: {  	_ =	shalt  }
0x56: {  	_ =	shalt  }
0x57: {  	_ =	shalt  }
0x58: {  	_ =	shalt  }
0x59: {  	_ =	shalt  }
0x5a: {  	_ =	shalt  }
0x5b: {  	_ =	shalt  }
0x5c: {  	_ =	shalt  }
0x5d: {  	_ =	shalt  }
0x5e: {  	_ =	shalt  }
0x5f: {  	_ =	shalt  }
0x60: {  	_ =	shalt  }
0x61: {  	_ =	shalt  }
0x62: {  	_ =	shalt  }
0x63: {  	_ =	shalt  }
0x64: {  	_ =	shalt  }
0x65: {  	_ =	shalt  }
0x66: {  	_ =	shalt  }
0x67: {  	_ =	shalt  }
0x68: {  	_ =	shalt  }
0x69: {  	_ =	shalt  }
0x6a: {  	_ =	shalt  }
0x6b: {  	_ =	shalt  }
0x6c: {  	_ =	shalt  }
0x6d: {  	_ =	shalt  }
0x6e: {  	_ =	shalt  }
0x6f: {  	_ =	shalt  }
0x70: {  	_ =	shalt  }
0x71: {  	_ =	shalt  }
0x72: {  	_ =	shalt  }
0x73: {  	_ =	shalt  }
0x74: {  	_ =	shalt  }
0x75: {  	_ =	shalt  }
0x76: {  	_ =	shalt  }
0x77: {  	_ =	shalt  }
0x78: {  	_ =	shalt  }
0x79: {  	_ =	shalt  }
0x7a: {  	_ =	shalt  }
0x7b: {  	_ =	shalt  }
0x7c: {  	_ =	shalt  }
0x7d: {  	_ =	shalt  }
0x7e: {  	_ =	shalt  }
0x7f: {  	_ =	shalt  }
0x80: {  	_ =	shalt  }
0x81: {  	_ =	shalt  }
0x82: {  	_ =	shalt  }
0x83: {  	_ =	shalt  }
0x84: {  	_ =	shalt  }
0x85: {  	_ =	shalt  }
0x86: {  	_ =	shalt  }
0x87: {  	_ =	shalt  }
.Lfunc_end0:
.L_simem_size_0:
called_computation.1_lowered:
.L_overlay_start_0:
0x88: {  	s2 =	sld [smem:$0x3FD9]  }
0x89: {  	s3 =	sld [smem:$0x3FFE];
	_ =	sdelay $0x1  }
0x8a: {  	s1 =	srdreg.scid  }
0x8b: {  	s0 =	sand.u32 $0x1, s1  }
0x8c: {  	s14 =	sshll.u32 s0, $0xA;
	s2 =	sadd.s32 s3, s2  }
0x8d: {  	s2 =	sadd.s32 s2, s14  }
0x8e: {  	[smem:$0x3FBA] =	sst s2  }
0x8f: {  	_ = 	snop  }
0x90: {  	s2 =	sld [smem:$0x3FD0];
	_ =	sdelay $0x2  }
0x91: {  	s15 =	simm.s32 $0xA;
	s4 =	simm.s32 $0x10  }
0x92: {  	[smem:s4], [sflag:s15] =	dma.local [hbm:s2], $0x1  }
0x93: {  	_ =	swait.eq [sflag:s15], $0x1  }
0x94: {  	[sflag:s15] =	ssyncset.done $0x0  }
0x95: {  	[sflag:s15] =	ssyncadd.s32 $0xFFFFFFFF  }
0x96: {  	s16 =	sld [smem:$0x13];
	(tm) =	ssettm $0x1  }
0x97: {  	s17 =	sld [smem:$0x3FFB];
	_ =	sdelay $0x3  }
0x98: {  	_ =	strace s17  }
0x99: {  	s3 =	sld [smem:$0x3FFC];
	_ =	sdelay $0x3  }
0x9a: {  	_ =	strace s3  }
0x9b: {  	s3 =	sld [smem:$0x3FFD];
	_ =	sdelay $0x3  }
0x9c: {  	_ =	strace s3  }
0x9d: {  	_ =	strace $0x8FFFFFFF  }
0x9e: {  	s18 =	sld [smem:$0x3FDB];
	_ =	sdelay $0x1  }
0x9f: {  	s19 =	simm.s32 $_scs_section_size  }
0xa0: {  	s5 =	simm.s32 $_size__tile_overlayer_lowered;
	s6 =	simm.s32 $_tile_overlayer_lowered  }
0xa1: {  	s22 =	simm.s32 $0x1BFF;
	s21 =	sshll.u32 s6, $0x1;
	s3 =	sadd.s32 s19, s18  }
0xa2: {  	s7 =	simm.s32 $0x0;
	s20 =	sshll.u32 s5, $0x1;
	s5 =	sadd.s32 s21, s3  }
0xa3: {  	[timem:s7], [sflag:s22] =	dma.local [hbm:s5], s20  }
0xa4: {  	_ =	swait.ge [sflag:s22], s20  }
0xa5: {  	s4 =	ssub.s32 $0x0, s20;
	[sflag:s22] =	ssyncset.done $0x0  }
0xa6: {  	[sflag:s22] =	ssyncadd.s32 s4;
	_ =	sdelay $0x1  }
0xa7: {  	s23 =	simm.s32 $0x1B8B  }
0xa8: {  	_ =	swait.ge [sflag:s23], $0x1  }
0xa9: {  	[sflag:s23] =	ssyncset.done $0x0  }
0xaa: {  	s25 =	simm.s32 $0x1B8E;
	s24 =	sld [smem:$0x3FFE];
	[sflag:s23] =	ssyncadd.s32 $0xFFFFFFFF  }
0xab: {  	s26 =	simm.s32 $execute0_lowered;
	[smem:$0x3FD2] =	sst s25  }
0xac: {  	s5 =	sshll.u32 s26, $0x1;
	_ =	strace $0x80000049;
	[dreg:$0x1] =	wrdreg $0xFFFFFFFF  }
0xad: {  	s28 =	simm.s32 $_size_execute0_lowered;
	s3 =	sadd.s32 s3, s5;
	[dreg:$0x0] =	wrdreg $0x0  }
0xae: {  	s5 =	sshll.u32 s28, $0x1;
	[dreg:$0x2] =	wrdreg s3  }
0xaf: {  	[dreg:$0x3] =	wrdreg s5  }
0xb0: {  	[dreg:$0x4] =	wrdreg $0xC0  }
0xb1: {  	_ =	task [dreg:s7], $0x5FFFF  }
0xb2: {  	[dreg:$0x1] =	wrdreg $0xFFFFFFFF  }
0xb3: {  	[dreg:$0x0] =	wrdreg $0x60  }
0xb4: {  	[dreg:$0x2] =	wrdreg s16  }
0xb5: {  	[dreg:$0x3] =	wrdreg s24  }
0xb6: {  	[dreg:$0x4] =	wrdreg $0x134000  }
0xb7: {  	[dreg:$0x5] =	wrdreg $0x9  }
0xb8: {  	_ =	task.clear_ibuf [dreg:s7], $0x6FFFF;
	_ =	strace $0x90000049  }
0xb9: {  	s29 =	simm.s32 $0x9;
	_ =	strace $0x8000004B  }
0xba: {  	_ =	swait.ge [sflag:s29], $0x1  }
0xbb: {  	[sflag:s29] =	ssyncadd.s32 $0xFFFFFFFF  }
0xbc: {  	_ =	strace $0x9000004B  }
0xbd: {  	_ =	sfence  }
0xbe: {  	s30 =	sld [smem:$0x0];
	_ =	sdelay $0x2  }
0xbf: {  	s31 =	sshll.u32 s1, $0xD;
	s1 =	sshrl.u32 s1, $0x2  }
0xc0: {  	s3 =	sand.u32 $0x4000, s31;
	s1 =	sadd.s32 s1, s30  }
0xc1: {  	s0 =	sor.u32 s3, s0;
	s1 =	sshll.u32 s1, $0x11  }
0xc2: {  	s0 =	sor.u32 s1, s0  }
0xc3: {  	s0 =	sadd.s32 $0x8F2B, s0  }
0xc4: {  	[sflag:s0] =	ssyncadd.remote.s32 $0x1  }
0xc5: {  	_ =	sfence.sel $0xFFFF  }
0xc6: {  	[dreg:$0x0] =	wrdreg $0xFFFFFFFF;
	(pc) =	sbr.abs _section_cstart, $3  }
0xc7: {  	[dreg:$0x1] =	wrdreg $0xFFFFFFFF  }
0xc8: {  	_ =	task.clear_ibuf [dreg:s7], $0x2FFFF;
	_ =	strace $0x9FFFFFFF  }
0xc9: {  	(tm) =	ssettm $0x7FFFFFFF  }
tec
execute0_lowered:
.L_overlay_start_1:
0x0: {  	(tag) =	ssettag $0x1  }
0x1: {  	s2 =	rddreg [dreg:$0x0]  }
0x2: {  	s5 =	rddreg [dreg:$0x1]  }
0x3: {  	s3 =	rddreg [dreg:$0x2]  }
0x4: {  	s0 =	rddreg [dreg:$0x3]  }
0x5: {  	s1 =	stileid.u32;
	s6 =	srdreg.scid  }
0x6: {  	s4 =	simm.s32 $0x0;
	s12 =	simm.s32 $0x13000;
	s13 =	simm.s32 $0x80  }
0x7: {  	s14 =	simm.s32 $0xF000;
	s17 =	simm.s32 $0x0;
	s7 =	smul.u32 $0xA00, s1  }
0x8: {  	s6 =	sand.u32 $0x1, s6;
	[smem:$0x7FF] =	sst s4;
	s29 =	smul.u32 $0x27000, s1  }
0x9: {  	p0 =	seq.s32 s1, $0xF;
	s31 =	smul.u32 $0x1380, s1;
	s16 =	sshll.u32 s1, $0x6  }
0xa: {  	s8 =	smul.u32 $0x13880, s6;
	s9 =	ssub.s32 $0x2, s6;
	_ =	strace $0x8000004A  }
0xb: {  	s15 =	smul.u32 $0x1388, s6;
	s6 =	simm.s32 $0x29;
	s16 =	sor.u32 $0x1C02, s16  }
0xc: {  	s7 =	sadd.s32 s7, s5;
	s10 =	sshrl.u32 s9, $0x1;
	s30 =	sshrl.u32 s29, $0x2  }
0xd: {  	s6 =	simm.s32 @!p0 $0x27;
	s11 =	sadd.s32 s8, s5;
	s9 =	ssub.s32 s9, s10  }
0xe: {  	s5 =	sadd.s32 $0x6200, s7;
	s7 =	sadd.s32 s30, s3;
	s8 =	simm.s32 $0x28  }
0xf: {  	v0 =	vmov s15;
	s15 =	simm.s32 $0x1;
	s8 =	simm.s32 @!p0 $0x27;
	s10 =	sadd.s32 s31, s11  }
0x10: {  	v1 =	vimm.f32 $0.0e+00;
	s9 =	smax.u32 s9, $0x1;
	s11 =	simm.s32 $0x2;
	s10 =	sadd.s32 $0x5E600, s10  }
.LBB2_1:
0x11: {  	[tilespmem:s4], [sflag:$0x2] =	stream.linear.gather [hbm4b:s5+s4], $0x4F00, $0x38;
	[tilespmem:$0x1F040] =	vst v63  }
0x12: {  	_ =	swait.ge [sflag:s11], $0x4F00  }
0x13: {  	[sflag:s11] =	ssyncset.done $0x0  }
0x14: {  	s18 =	simm.s32 $0x0;
	[sflag:s11] =	ssyncadd.s32 $0xFFFFB100  }
0x15: {  	v6 =	vld [tilespmem:s18+$0x70]  }
0x16: {  	v8 =	vld [tilespmem:s18+$0x0]  }
0x17: {  	v7 =	vld [tilespmem:s18+$0x10]  }
0x18: {  	v2 =	vld [tilespmem:s18+$0x20]  }
0x19: {  	v3 =	vld [tilespmem:s18+$0x30]  }
0x1a: {  	v5 =	vld [tilespmem:s18+$0x50]  }
0x1b: {  	v4 =	vld [tilespmem:s18+$0x40]  }
0x1c: {  	v17 =	vshrl.u32 v6, $0xE;
	v9 =	vand.u32 $0x3FFF, v6  }
0x1d: {  	v10 =	vand.u32 $0x3FFF, v8;
	v11 =	vand.u32 $0x3FF, v6;
	v12 =	vand.u32 $0x3FFF, v7  }
0x1e: {  	v13 =	vand.u32 $0x3FFF, v2;
	v19 =	vand.u32 $0x3FF, v8;
	v20 =	vand.u32 $0x3FF, v7  }
0x1f: {  	v14 =	vand.u32 $0x3FFF, v5;
	v23 =	vand.u32 $0x3FF, v2;
	v24 =	vand.u32 $0x3FF, v3  }
0x20: {  	v25 =	vand.u32 $0x3FF, v4;
	v26 =	vand.u32 $0x3FF, v5;
	v9 =	vsub.s32 v9, v0  }
0x21: {  	v11 =	vadd.s32 $0x1388, v11;
	v10 =	vsub.s32 v10, v0;
	v12 =	vsub.s32 v12, v0  }
0x22: {  	v6 =	vld [tilespmem:s18+$0x60];
	v14 =	vsub.s32 v14, v0;
	v22 =	vadd.s32 $0x1388, v19;
	v21 =	vadd.s32 $0x1388, v20  }
0x23: {  	[tilespmem:s18+$0x5070] =	vst v17;
	v20 =	vadd.s32 $0x1388, v24;
	v19 =	vadd.s32 $0x1388, v25;
	v17 =	vadd.s32 $0x1388, v26  }
0x24: {  	vm0 =	vlt.u32 v9, $0x1388;
	vm5 =	vlt.u32 v10, $0x1388;
	vm6 =	vlt.u32 v12, $0x1388  }
0x25: {  	v18 =	vsel vm0, v9, v11;
	v9 =	vsub.s32 v13, v0;
	v11 =	vand.u32 $0x3FFF, v3  }
0x26: {  	v13 =	vand.u32 $0x3FFF, v4;
	vm0 =	vlt.u32 v14, $0x1388;
	v11 =	vsub.s32 v11, v0  }
0x27: {  	v13 =	vsub.s32 v13, v0;
	vm4 =	vlt.u32 v9, $0x1388;
	v15 =	vand.u32 $0x3FFF, v6  }
0x28: {  	[tilespmem:s18+$0xA070] =	vst v18;
	v18 =	vadd.s32 $0x1388, v23;
	v16 =	vand.u32 $0x3FF, v6;
	v15 =	vsub.s32 v15, v0  }
0x29: {  	s19 =	simm.s32 $0x80;
	s20 =	simm.s32 $0x400;
	vm2 =	vlt.u32 v11, $0x1388;
	vm3 =	vlt.u32 v13, $0x1388;
	vm1 =	vlt.u32 v15, $0x1388  }
.LBB2_2:
0x2a: {  	p0 =	sne.s32 s20, $0x13A00;
	v23 =	vld [tilespmem:s19+$0x70];
	v10 =	vsel vm5, v10, v22;
	v12 =	vsel vm6, v12, v21;
	v16 =	vadd.s32 $0x1388, v16  }
0x2b: {  	v9 =	vsel vm4, v9, v18;
	v21 =	vld [tilespmem:s19+$0x0];
	[tilespmem:s18+$0xA000] =	vst v10;
	v10 =	vsel vm2, v11, v20;
	v11 =	vsel vm3, v13, v19  }
0x2c: {  	v18 =	vshrl.u32 v8, $0xE;
	v8 =	vsel vm0, v14, v17;
	v13 =	vld [tilespmem:s19+$0x10];
	[tilespmem:s18+$0xA010] =	vst v12;
	v12 =	vsel vm1, v15, v16  }
0x2d: {  	v14 =	vshrl.u32 v7, $0xE;
	v15 =	vshrl.u32 v2, $0xE;
	v16 =	vshrl.u32 v3, $0xE;
	v2 =	vld [tilespmem:s19+$0x20];
	[tilespmem:s18+$0xA020] =	vst v9  }
0x2e: {  	v17 =	vshrl.u32 v4, $0xE;
	v19 =	vshrl.u32 v5, $0xE;
	v20 =	vshrl.u32 v6, $0xE;
	v3 =	vld [tilespmem:s19+$0x30];
	[tilespmem:s18+$0xA030] =	vst v10  }
0x2f: {  	v4 =	vld [tilespmem:s19+$0x40];
	v22 =	vshrl.u32 v23, $0xE;
	v6 =	vand.u32 $0x3FFF, v23;
	[tilespmem:s18+$0xA040] =	vst v11  }
0x30: {  	v10 =	vand.u32 $0x3FF, v23;
	v9 =	vand.u32 $0x3FFF, v21;
	v5 =	vld [tilespmem:s19+$0x50];
	v11 =	vsub.s32 v6, v0;
	[tilespmem:s18+$0xA050] =	vst v8;
	v8 =	vmovc v21  }
0x31: {  	v23 =	vadd.s32 $0x1388, v10;
	v21 =	vand.u32 $0x3FFF, v13;
	v6 =	vld [tilespmem:s19+$0x60];
	vm0 =	vlt.u32 v11, $0x1388;
	[tilespmem:s18+$0xA060] =	vst v12;
	v7 =	vmovc v13  }
0x32: {  	v10 =	vsub.s32 v9, v0;
	v9 =	vand.u32 $0x3FFF, v2;
	v11 =	vsel vm0, v11, v23;
	[tilespmem:s18+$0x5000] =	vst v18  }
0x33: {  	v12 =	vsub.s32 v21, v0;
	v9 =	vsub.s32 v9, v0;
	v13 =	vand.u32 $0x3FFF, v3;
	[tilespmem:s19+$0xA070] =	vst v11  }
0x34: {  	v18 =	vand.u32 $0x3FF, v8;
	v11 =	vsub.s32 v13, v0;
	v13 =	vand.u32 $0x3FFF, v4;
	[tilespmem:s18+$0x5010] =	vst v14  }
0x35: {  	v21 =	vand.u32 $0x3FF, v7;
	v13 =	vsub.s32 v13, v0;
	v14 =	vand.u32 $0x3FFF, v5;
	[tilespmem:s18+$0x5020] =	vst v15  }
0x36: {  	v23 =	vand.u32 $0x3FF, v2;
	v14 =	vsub.s32 v14, v0;
	v15 =	vand.u32 $0x3FFF, v6;
	[tilespmem:s18+$0x5030] =	vst v16  }
0x37: {  	v24 =	vand.u32 $0x3FF, v3;
	v25 =	vand.u32 $0x3FF, v4;
	v15 =	vsub.s32 v15, v0;
	[tilespmem:s18+$0x5040] =	vst v17  }
.Ltmp0:
0x38: {  	vm5 =	vlt.u32 v10, $0x1388;
	v16 =	vand.u32 $0x3FF, v6;
	v17 =	vand.u32 $0x3FF, v5;
	[tilespmem:s18+$0x5050] =	vst v19;
	(pc) =	sbr.rel @p0 .LBB2_2-.Ltmp0, $4  }
0x39: {  	vm6 =	vlt.u32 v12, $0x1388;
	vm4 =	vlt.u32 v9, $0x1388;
	vm2 =	vlt.u32 v11, $0x1388;
	[tilespmem:s18+$0x5060] =	vst v20;
	s18 =	smov.u32 s19  }
0x3a: {  	vm3 =	vlt.u32 v13, $0x1388;
	vm0 =	vlt.u32 v14, $0x1388;
	vm1 =	vlt.u32 v15, $0x1388;
	[tilespmem:s18+$0x5070] =	vst v22  }
0x3b: {  	v21 =	vadd.s32 $0x1388, v21;
	v22 =	vadd.s32 $0x1388, v18;
	v18 =	vadd.s32 $0x1388, v23  }
0x3c: {  	v19 =	vadd.s32 $0x1388, v25;
	v17 =	vadd.s32 $0x1388, v17;
	s19 =	sshra.s32 s20, $0x2;
	s20 =	sadd.s32 $0x200, s20;
	v20 =	vadd.s32 $0x1388, v24  }
0x3d: {  	v23 =	vld [tilespmem:s19+$0x70];
	v10 =	vsel vm5, v10, v22  }
0x3e: {  	v31 =	vld [tilespmem:s19+$0x0];
	v32 =	vsel vm6, v12, v21;
	v9 =	vsel vm4, v9, v18;
	[tilespmem:s18+$0xA000] =	vst v10  }
0x3f: {  	v34 =	vsel vm2, v11, v20;
	v36 =	vadd.s32 $0x1388, v16;
	v13 =	vsel vm3, v13, v19;
	v33 =	vld [tilespmem:s19+$0x10];
	[tilespmem:s18+$0xA010] =	vst v32  }
0x40: {  	v8 =	vshrl.u32 v8, $0xE;
	v14 =	vsel vm0, v14, v17;
	v7 =	vshrl.u32 v7, $0xE;
	v10 =	vld [tilespmem:s19+$0x20];
	[tilespmem:s18+$0xA020] =	vst v9  }
0x41: {  	v2 =	vshrl.u32 v2, $0xE;
	v3 =	vshrl.u32 v3, $0xE;
	v4 =	vshrl.u32 v4, $0xE;
	v35 =	vld [tilespmem:s19+$0x30];
	[tilespmem:s18+$0xA030] =	vst v34  }
0x42: {  	v5 =	vshrl.u32 v5, $0xE;
	v6 =	vshrl.u32 v6, $0xE;
	v37 =	vld [tilespmem:s19+$0x40];
	[tilespmem:s18+$0xA040] =	vst v13;
	v38 =	vand.u32 $0x3FFF, v23  }
0x43: {  	v9 =	vsel vm1, v15, v36;
	v40 =	vand.u32 $0x3FF, v23;
	v13 =	vld [tilespmem:s19+$0x50];
	[tilespmem:s18+$0xA050] =	vst v14;
	v39 =	vsub.s32 v38, v0  }
0x44: {  	v42 =	vshrl.u32 v23, $0xE;
	v15 =	vadd.s32 $0x1388, v40;
	v41 =	vld [tilespmem:s19+$0x60];
	vm8 =	vlt.u32 v39, $0x1388;
	[tilespmem:s18+$0xA060] =	vst v9  }
0x45: {  	v43 =	vand.u32 $0x3FFF, v31;
	v49 =	vand.u32 $0x3FF, v31;
	[tilespmem:s18+$0x5000] =	vst v8;
	v14 =	vsel vm8, v39, v15  }
0x46: {  	v45 =	vsub.s32 v43, v0;
	v59 =	vadd.s32 $0x1388, v49;
	v44 =	vand.u32 $0x3FFF, v33;
	[tilespmem:s19+$0xA070] =	vst v14  }
0x47: {  	v52 =	vand.u32 $0x3FF, v33;
	vm9 =	vlt.u32 v45, $0x1388;
	v46 =	vand.u32 $0x3FFF, v10;
	[tilespmem:s18+$0x5010] =	vst v7  }
0x48: {  	v47 =	vsub.s32 v44, v0;
	v54 =	vand.u32 $0x3FF, v10;
	v60 =	vadd.s32 $0x1388, v52;
	[tilespmem:s18+$0x5020] =	vst v2  }
0x49: {  	v9 =	vsub.s32 v46, v0;
	v48 =	vand.u32 $0x3FFF, v35;
	v56 =	vand.u32 $0x3FF, v35;
	[tilespmem:s18+$0x5030] =	vst v3  }
0x4a: {  	vm10 =	vlt.u32 v47, $0x1388;
	v61 =	vadd.s32 $0x1388, v54;
	v50 =	vsub.s32 v48, v0;
	[tilespmem:s18+$0x5040] =	vst v4  }
0x4b: {  	v51 =	vand.u32 $0x3FFF, v37;
	v57 =	vand.u32 $0x3FF, v37;
	[tilespmem:s18+$0x5060] =	vst v6;
	v6 =	vsel vm9, v45, v59  }
0x4c: {  	[tilespmem:s18+$0x5050] =	vst v5;
	vm11 =	vlt.u32 v9, $0x1388;
	v15 =	vsel vm10, v47, v60;
	v62 =	vadd.s32 $0x1388, v56  }
0x4d: {  	v2 =	vsub.s32 v51, v0;
	v53 =	vand.u32 $0x3FFF, v13;
	v58 =	vand.u32 $0x3FF, v13;
	[tilespmem:s19+$0x5070] =	vst v42  }
0x4e: {  	[tilespmem:s19+$0xA000] =	vst v6;
	vm12 =	vlt.u32 v50, $0x1388;
	v8 =	vsel vm11, v9, v61;
	v4 =	vadd.s32 $0x1388, v57  }
0x4f: {  	[tilespmem:s19+$0xA010] =	vst v15;
	v3 =	vsub.s32 v53, v0;
	v55 =	vand.u32 $0x3FFF, v41;
	v24 =	vand.u32 $0x3FF, v41  }
0x50: {  	vm13 =	vlt.u32 v2, $0x1388;
	v6 =	vsel vm12, v50, v62;
	[tilespmem:s19+$0xA020] =	vst v8;
	v5 =	vadd.s32 $0x1388, v58  }
0x51: {  	v14 =	vsub.s32 v55, v0;
	vm14 =	vlt.u32 v3, $0x1388;
	v2 =	vsel vm13, v2, v4;
	[tilespmem:s19+$0xA030] =	vst v6  }
0x52: {  	v63 =	vadd.s32 $0x1388, v24;
	vm15 =	vlt.u32 v14, $0x1388;
	v3 =	vsel vm14, v3, v5;
	[tilespmem:s19+$0xA040] =	vst v2  }
0x53: {  	v2 =	vsel vm15, v14, v63;
	[tilespmem:s19+$0xA050] =	vst v3  }
0x54: {  	v3 =	vshrl.u32 v31, $0xE;
	[tilespmem:s19+$0xA060] =	vst v2  }
0x55: {  	v2 =	vshrl.u32 v33, $0xE;
	[tilespmem:s19+$0x5000] =	vst v3  }
0x56: {  	v3 =	vshrl.u32 v10, $0xE;
	[tilespmem:s19+$0x5010] =	vst v2  }
0x57: {  	v2 =	vshrl.u32 v35, $0xE;
	[tilespmem:s19+$0x5020] =	vst v3  }
0x58: {  	v3 =	vshrl.u32 v37, $0xE;
	[tilespmem:s19+$0x5030] =	vst v2  }
0x59: {  	v2 =	vshrl.u32 v13, $0xE;
	[tilespmem:s19+$0x5040] =	vst v3  }
0x5a: {  	v3 =	vshrl.u32 v41, $0xE;
	[tilespmem:s19+$0x5050] =	vst v2  }
0x5b: {  	[tilespmem:s19+$0x5060] =	vst v3  }
0x5c: {  	[tilespmem:$0x13000] =	vst v1  }
0x5d: {  	[tilespmem:$0x13010] =	vst v1  }
0x5e: {  	[tilespmem:$0x13020] =	vst v1  }
0x5f: {  	[tilespmem:$0x13030] =	vst v1  }
0x60: {  	[tilespmem:$0x13040] =	vst v1  }
0x61: {  	[tilespmem:$0x13050] =	vst v1  }
0x62: {  	[tilespmem:$0x13060] =	vst v1  }
0x63: {  	[tilespmem:$0x13070] =	vst v1  }
0x64: {  	[tilespmem:$0x13080] =	vst v1  }
0x65: {  	[tilespmem:$0x13090] =	vst v1  }
0x66: {  	[tilespmem:$0x130A0] =	vst v1  }
0x67: {  	[tilespmem:$0x130B0] =	vst v1  }
0x68: {  	[tilespmem:$0x130C0] =	vst v1  }
0x69: {  	[tilespmem:$0x130D0] =	vst v1  }
0x6a: {  	[tilespmem:$0x130E0] =	vst v1  }
0x6b: {  	[tilespmem:$0x130F0] =	vst v1  }
0x6c: {  	[tilespmem:$0x13100] =	vst v1  }
0x6d: {  	[tilespmem:$0x13110] =	vst v1  }
0x6e: {  	[tilespmem:$0x13120] =	vst v1  }
0x6f: {  	[tilespmem:$0x13130] =	vst v1  }
0x70: {  	[tilespmem:$0x13140] =	vst v1  }
0x71: {  	[tilespmem:$0x13150] =	vst v1  }
0x72: {  	[tilespmem:$0x13160] =	vst v1  }
0x73: {  	[tilespmem:$0x13170] =	vst v1  }
0x74: {  	[tilespmem:$0x13180] =	vst v1  }
0x75: {  	[tilespmem:$0x13190] =	vst v1  }
0x76: {  	[tilespmem:$0x131A0] =	vst v1  }
0x77: {  	[tilespmem:$0x131B0] =	vst v1  }
0x78: {  	[tilespmem:$0x131C0] =	vst v1  }
0x79: {  	[tilespmem:$0x131D0] =	vst v1  }
0x7a: {  	[tilespmem:$0x131E0] =	vst v1  }
0x7b: {  	[tilespmem:$0x131F0] =	vst v1  }
0x7c: {  	[tilespmem:$0x13200] =	vst v1  }
0x7d: {  	[tilespmem:$0x13210] =	vst v1  }
0x7e: {  	[tilespmem:$0x13220] =	vst v1  }
0x7f: {  	[tilespmem:$0x13230] =	vst v1  }
0x80: {  	[tilespmem:$0x13240] =	vst v1  }
0x81: {  	[tilespmem:$0x13250] =	vst v1  }
0x82: {  	[tilespmem:$0x13260] =	vst v1  }
0x83: {  	[tilespmem:$0x13270] =	vst v1  }
0x84: {  	[tilespmem:$0x13280] =	vst v1  }
0x85: {  	[tilespmem:$0x13290] =	vst v1  }
0x86: {  	[tilespmem:$0x132A0] =	vst v1  }
0x87: {  	[tilespmem:$0x132B0] =	vst v1  }
0x88: {  	[tilespmem:$0x132C0] =	vst v1  }
0x89: {  	[tilespmem:$0x132D0] =	vst v1  }
0x8a: {  	[tilespmem:$0x132E0] =	vst v1  }
0x8b: {  	[tilespmem:$0x132F0] =	vst v1  }
0x8c: {  	[tilespmem:$0x13300] =	vst v1  }
0x8d: {  	[tilespmem:$0x13310] =	vst v1  }
0x8e: {  	[tilespmem:$0x13320] =	vst v1  }
0x8f: {  	[tilespmem:$0x13330] =	vst v1  }
0x90: {  	[tilespmem:$0x13340] =	vst v1  }
0x91: {  	[tilespmem:$0x13350] =	vst v1  }
0x92: {  	[tilespmem:$0x13360] =	vst v1  }
0x93: {  	[tilespmem:$0x13370] =	vst v1  }
0x94: {  	[tilespmem:$0x13380] =	vst v1  }
0x95: {  	[tilespmem:$0x13390] =	vst v1  }
0x96: {  	[tilespmem:$0x133A0] =	vst v1  }
0x97: {  	[tilespmem:$0x133B0] =	vst v1  }
0x98: {  	[tilespmem:$0x133C0] =	vst v1  }
0x99: {  	p0 =	sne.s32 s6, $0x1;
	[tilespmem:$0x133D0] =	vst v1  }
.Ltmp1:
0x9a: {  	[tilespmem:$0x133E0] =	vst v1;
	(pc) =	sbr.rel @!p0 .LBB2_5-.Ltmp1, $4  }
0x9b: {  	[tilespmem:$0x133F0] =	vst v1  }
0x9c: {  	[spmem:s7] =	stream.linear.scatter [tilespmem:s12], [sflag:$0x2], $0x400, $0x38;
	[tilespmem:$0x1F040] =	vst v63  }
0x9d: {  	_ =	swait.ge [sflag:s11], $0x400  }
0x9e: {  	s18 =	sadd.s32 $0xFFFFFFFF, s6;
	s19 =	smov.u32 s7;
	[sflag:s11] =	ssyncset.done $0x0  }
.LBB2_4:
0x9f: {  	p0 =	sne.s32 s18, $0x1;
	[sflag:s11] =	ssyncadd.s32 $0xFFFFFC00;
	s19 =	sadd.s32 $0x400, s19  }
.Ltmp2:
0xa0: {  	s18 =	sadd.s32 $0xFFFFFFFF, s18;
	(pc) =	sbr.rel @p0 .LBB2_4-.Ltmp2, $4  }
0xa1: {  	_ = 	snop  }
0xa2: {  	[spmem:s19] =	stream.linear.scatter [tilespmem:s12], [sflag:$0x2], $0x400, $0x38;
	[tilespmem:$0x1F040] =	vst v63  }
0xa3: {  	_ =	swait.ge [sflag:s11], $0x400  }
0xa4: {  	[sflag:s11] =	ssyncset.done $0x0  }
.LBB2_5:
0xa5: {  	[sflag:s11] =	ssyncadd.s32 $0xFFFFFC00  }
0xa6: {  	s18 =	simm.s32 $0x5000;
	[bflag:$0x0] =	sbarrier.arrive $0xFFFF  }
0xa7: {  	[tilespmem:s14], [sflag:$0x1] =	stream.indirect.gather [hbm4b:s2+s13], $0x80, s18, s13, $0xb8;
	[tilespmem:$0x1F040] =	vst v63  }
0xa8: {  	_ =	swait.ge [sflag:s15], $0x4000  }
0xa9: {  	[sflag:s15] =	ssyncset.done $0x0  }
0xaa: {  	s31 =	simm.s32 $0xA000;
	[sflag:s15] =	ssyncadd.s32 $0xFFFFC000  }
0xab: {  	[spmem:s3] =	stream.indirect.scatter.add.f32 [tilespmem:s14], [sflag:$0x2], $0x80, s31, s13, $0xb8;
	[tilespmem:$0x1F040] =	vst v63  }
0xac: {  	_ =	swait.ge [sflag:s11], $0x4000  }
0xad: {  	s19 =	simm.s32 $0x400;
	s18 =	simm.s32 $0x80;
	[sflag:s11] =	ssyncset.done $0x0  }
.LBB2_6:
0xae: {  	s20 =	sadd.s32 $0x5000, s18  }
0xaf: {  	[sflag:s11] =	ssyncadd.s32 $0xFFFFC000;
	s21 =	smov.u32 s19;
	s22 =	sadd.s32 $0x200, s19  }
0xb0: {  	[tilespmem:s14], [sflag:$0x1] =	stream.indirect.gather [hbm4b:s2+s13], $0x80, s20, s13, $0xb8;
	[tilespmem:$0x1F040] =	vst v63  }
0xb1: {  	p0 =	sne.s32 s19, $0x13A00;
	_ =	swait.ge [sflag:s15], $0x4000  }
.Ltmp3:
0xb2: {  	[sflag:s15] =	ssyncset.done $0x0;
	(pc) =	sbr.rel @p0 .LBB2_6-.Ltmp3, $4  }
0xb3: {  	s18 =	sadd.s32 $0xA000, s18;
	[sflag:s15] =	ssyncadd.s32 $0xFFFFC000  }
0xb4: {  	[spmem:s3] =	stream.indirect.scatter.add.f32 [tilespmem:s14], [sflag:$0x2], $0x80, s18, s13, $0xb8;
	[tilespmem:$0x1F040] =	vst v63  }
0xb5: {  	_ =	swait.ge [sflag:s11], $0x4000  }
0xb6: {  	s19 =	smov.u32 s22;
	s18 =	sshra.s32 s21, $0x2;
	[sflag:s11] =	ssyncset.done $0x0  }
0xb7: {  	s19 =	sadd.s32 $0x5000, s18;
	[sflag:s11] =	ssyncadd.s32 $0xFFFFC000  }
0xb8: {  	[tilespmem:s14], [sflag:$0x1] =	stream.indirect.gather [hbm4b:s2+s13], $0x80, s19, s13, $0xb8;
	[tilespmem:$0x1F040] =	vst v63  }
0xb9: {  	_ =	swait.ge [sflag:s15], $0x4000  }
0xba: {  	[sflag:s15] =	ssyncset.done $0x0  }
0xbb: {  	s30 =	sadd.s32 $0xA000, s18;
	[sflag:s15] =	ssyncadd.s32 $0xFFFFC000  }
0xbc: {  	[spmem:s3] =	stream.indirect.scatter.add.f32 [tilespmem:s14], [sflag:$0x2], $0x80, s30, s13, $0xb8;
	[tilespmem:$0x1F040] =	vst v63  }
0xbd: {  	_ =	swait.ge [sflag:s11], $0x4000  }
0xbe: {  	p0 =	sne.s32 s8, $0x1;
	[sflag:s11] =	ssyncset.done $0x0  }
.Ltmp4:
0xbf: {  	[sflag:s11] =	ssyncadd.s32 $0xFFFFC000;
	(pc) =	sbr.rel @!p0 .LBB2_9-.Ltmp4, $4  }
0xc0: {  	s31 =	sshrl.u32 s7, $0x3;
	[bflag:$0x0] =	sbarrier.arrive $0xFFFF  }
0xc1: {  	[hbm:s10], [sflag:s16] =	dma.local [spmem:s31], $0x80  }
0xc2: {  	s18 =	sadd.s32 $0xFFFFFFFF, s8;
	_ =	swait.ge [sflag:s11], $0x80  }
0xc3: {  	s20 =	smov.u32 s10;
	s19 =	sadd.s32 $0x400, s7;
	[sflag:s11] =	ssyncset.done $0x0  }
.LBB2_8:
0xc4: {  	s21 =	sshrl.u32 s19, $0x3  }
0xc5: {  	[sflag:s11] =	ssyncadd.s32 $0xFFFFFF80;
	s20 =	sadd.s32 $0x80, s20;
	p0 =	sne.s32 s18, $0x1  }
0xc6: {  	[hbm:s20], [sflag:s16] =	dma.local [spmem:s21], $0x80  }
.Ltmp5:
0xc7: {  	_ = 	snop;
	(pc) =	sbr.rel @p0 .LBB2_8-.Ltmp5, $4  }
0xc8: {  	_ = 	snop  }
0xc9: {  	s18 =	sadd.s32 $0xFFFFFFFF, s18  }
0xca: {  	_ =	swait.ge [sflag:s11], $0x80  }
0xcb: {  	s19 =	sadd.s32 $0x400, s19;
	[sflag:s11] =	ssyncset.done $0x0  }
.LBB2_9:
0xcc: {  	s17 =	sadd.s32 $0x1, s17  }
0xcd: {  	p0 =	sne.s32 s17, s9  }
.Ltmp6:
0xce: {  	_ = 	snop;
	(pc) =	sbr.rel @p0 .LBB2_1-.Ltmp6, $2  }
0xcf: {  	_ =	sdelay $0x2  }
0xd0: {  	[sflag:s11] =	ssyncadd.s32 $0xFFFFFF80  }
0xd1: {  	_ =	sfence.sel $0x180000  }
0xd2: {  	[bflag:$0x0] =	sbarrier.arrive $0xFFFF  }
0xd3: {  	p0 =	sne.s32 s1, $0x0;
	_ =	strace $0x9000004A  }
0xd4: {  	s0 =	sadd.s32 @!p0 $0x100000, s0;
	[bflag:$0x2] =	sbarrier.arrive $0xFFFF  }
0xd5: {  	[sflag:s0] =	ssyncadd.tile.s32 @!p0 $0x1;
	_ =	shalt  }
.Lfunc_end2:
_tile_overlayer_lowered:
.L_overlay_start_2:
0xd6: {  	(tag) =	ssettag $0x2  }
0xd7: {  	s0 =	rddreg [dreg:$0x0];
	s2 =	stileid.u32  }
0xd8: {  	s1 =	rddreg [dreg:$0x1];
	p0 =	sne.s32 s2, $0x0  }
0xd9: {  	s3 =	rddreg [dreg:$0x2];
	[bflag:$0x3] =	sbarrier.arrive $0xFFFF;
	s2 =	simm.s32 @!p0 $0x1C02  }
0xda: {  	[timem:s3], [sflag:s2] =	dma.local @!p0 [hbm:s0], s1  }
0xdb: {  	s0 =	simm.s32 @!p0 $0x2  }
0xdc: {  	_ =	swait.ge @!p0 [sflag:s0], s1  }
0xdd: {  	s1 =	ssub.s32 @!p0 $0x0, s1;
	[sflag:s0] =	ssyncset.done @!p0 $0x0  }
0xde: {  	[sflag:s0] =	ssyncadd.s32 @!p0 s1  }
0xdf: {  	[bflag:$0x3] =	sbarrier.arrive $0xFFFF  }
0xe0: {  	_ =	shalt  }

// kernel: kernel.18.cloned.1.call-start
scs
__scs_entry_jumppad:
0x0: {  	(pc) =	sbr.rel $0x88, $3  }
0x1: {  	(tag) =	ssettag $0x0;
	lr =	simm.s32 $0x1  }
0x2: {  	[smem:$0x3F93] =	sst lr;
	_ =	strace $0xD0000000  }
0x3: {  	_ = 	snop  }
0x4: {  	_ = 	snop  }
0x5: {  	_ = 	snop  }
0x6: {  	_ = 	snop  }
0x7: {  	_ = 	snop  }
__scs_overlays_trampoline_lowered:
0x8: {  	[smem:$0x3FA2] =	sst s0  }
0x9: {  	[smem:$0x3FA3] =	sst s1  }
0xa: {  	[smem:$0x3FA4] =	sst s2  }
0xb: {  	[smem:$0x3FA5] =	sst s3  }
0xc: {  	[smem:$0x3FA6] =	sst s4  }
0xd: {  	[smem:$0x3FA7] =	sst s5  }
0xe: {  	[smem:$0x3FA8] =	sst s6  }
0xf: {  	[smem:$0x3FA9] =	sst s7  }
0x10: {  	[smem:$0x3FAA] =	sst s8  }
0x11: {  	[smem:$0x3FAB] =	sst s9;
	s0 =	simm.s32 @!p0 $0x0  }
0x12: {  	s1 =	sld [smem:$0x3F91];
	s0 =	simm.s32 @p0 $0x1  }
0x13: {  	[smem:$0x3FAC] =	sst s0;
	s0 =	simm.s32 @!p1 $0x0  }
0x14: {  	s2 =	sld [smem:$0x3F90];
	s0 =	simm.s32 @p1 $0x1  }
0x15: {  	[smem:$0x3FAD] =	sst s0;
	s0 =	simm.s32 @!p2 $0x0  }
0x16: {  	s3 =	sld [smem:$0x3FDB];
	s0 =	simm.s32 @p2 $0x1  }
0x17: {  	s4 =	simm.s32 $0x1BF5;
	[smem:$0x3FAF] =	sst s0  }
0x18: {  	s0 =	sld [smem:$0x3F92];
	_ =	swait.ge [sflag:s4], $0x0  }
0x19: {  	s7 =	sld [smem:$0x3F93]  }
0x1a: {  	s8 =	sadd.s32 $0xFFFFE003, lr  }
0x1b: {  	s9 =	sadd.s32 $0xFFFFFEF7, lr;
	s5 =	simm.s32 $0xFFFFFFFF;
	p2 =	slt.u32 s8, $0xFFFFF086  }
0x1c: {  	p1 =	slt.u32 s9, $0xF7A;
	s5 =	simm.s32 @!p2 $0x0  }
0x1d: {  	s5 =	simm.s32 @p1 $0x1;
	p0 =	seq.s32 s7, s2  }
0x1e: {  	s7 =	smul.u32 @!p0 $0xF7A, s2;
	p2 =	seq.s32 @!p0 s5, $0x0  }
0x1f: {  	s9 =	smul.u32 $0xF7A, s1;
	s8 =	simm.s32 @!p0 $0x1BF5;
	p2 =	por !p2, p0  }
0x20: {  	[sflag:s8] =	ssyncset.s32 @!p0 $0xFFFFF086;
	s6 =	sadd.s32 @!p0 s3, s7;
	s7 =	simm.s32 @!p0 $0x108  }
0x21: {  	s3 =	sadd.s32 s3, s9;
	s6 =	sadd.s32 @!p0 $0x88, s6;
	s7 =	simm.s32 @p2 $0x1082  }
0x22: {  	[simem:s7], [sflag:s8] =	dma.local @!p0 [hbm:s6], $0xF7A  }
0x23: {  	s9 =	sor.u32 $0xD0000000, s2;
	s6 =	simm.s32 $0x108;
	_ =	swait.ge @!p0 [sflag:s8], $0x0  }
0x24: {  	s3 =	sadd.s32 $0x88, s3;
	s6 =	simm.s32 @!p1 $0x1082;
	[sflag:s4] =	ssyncset.s32 $0xFFFFF086  }
0x25: {  	[simem:s6], [sflag:s4] =	dma.local [hbm:s3], $0xF7A  }
0x26: {  	[smem:$0x3F93] =	sst s1;
	(tag) =	ssettag s2;
	_ =	strace s9  }
0x27: {  	s1 =	sld [smem:$0x3FA3]  }
0x28: {  	s2 =	sld [smem:$0x3FA4]  }
0x29: {  	s4 =	sld [smem:$0x3FA6]  }
0x2a: {  	p0 =	seq.s32 s5, $0x0;
	s5 =	sld [smem:$0x3FA7]  }
0x2b: {  	s6 =	sld [smem:$0x3FA8]  }
0x2c: {  	s7 =	sld [smem:$0x3FA9]  }
0x2d: {  	s3 =	simm.s32 $0x108;
	s8 =	sld [smem:$0x3FAA]  }
0x2e: {  	s3 =	simm.s32 @!p0 $0x1082;
	s9 =	sld [smem:$0x3FAB]  }
0x2f: {  	lr =	sadd.s32 s0, s3;
	s0 =	sld [smem:$0x3FA2]  }
0x30: {  	s3 =	sld [smem:$0x3FA5]  }
0x31: {  	[smem:$0x3FAE] =	sst s10  }
0x32: {  	s10 =	sld [smem:$0x3FAC];
	_ =	sdelay $0x3  }
0x33: {  	p0 =	seq.s32 s10, $0x1;
	s10 =	sld [smem:$0x3FAE];
	_ =	sdelay $0x3  }
0x34: {  	[smem:$0x3FAE] =	sst s10  }
0x35: {  	s10 =	sld [smem:$0x3FAD];
	_ =	sdelay $0x3  }
0x36: {  	p1 =	seq.s32 s10, $0x1;
	s10 =	sld [smem:$0x3FAE];
	_ =	sdelay $0x3  }
0x37: {  	[smem:$0x3FAE] =	sst s10  }
0x38: {  	s10 =	sld [smem:$0x3FAF]  }
0x39: {  	_ = 	snop;
	(pc) =	sbr.ind lr, $3  }
0x3a: {  	_ = 	snop  }
0x3b: {  	_ = 	snop  }
0x3c: {  	p2 =	seq.s32 s10, $0x1;
	s10 =	sld [smem:$0x3FAE]  }
0x3d: {  	_ =	shalt  }
0x3e: {  	_ =	shalt  }
0x3f: {  	_ =	shalt  }
0x40: {  	_ =	shalt  }
0x41: {  	_ =	shalt  }
0x42: {  	_ =	shalt  }
0x43: {  	_ =	shalt  }
0x44: {  	_ =	shalt  }
0x45: {  	_ =	shalt  }
0x46: {  	_ =	shalt  }
0x47: {  	_ =	shalt  }
0x48: {  	_ =	shalt  }
0x49: {  	_ =	shalt  }
0x4a: {  	_ =	shalt  }
0x4b: {  	_ =	shalt  }
0x4c: {  	_ =	shalt  }
0x4d: {  	_ =	shalt  }
0x4e: {  	_ =	shalt  }
0x4f: {  	_ =	shalt  }
0x50: {  	_ =	shalt  }
0x51: {  	_ =	shalt  }
0x52: {  	_ =	shalt  }
0x53: {  	_ =	shalt  }
0x54: {  	_ =	shalt  }
0x55: {  	_ =	shalt  }
0x56: {  	_ =	shalt  }
0x57: {  	_ =	shalt  }
0x58: {  	_ =	shalt  }
0x59: {  	_ =	shalt  }
0x5a: {  	_ =	shalt  }
0x5b: {  	_ =	shalt  }
0x5c: {  	_ =	shalt  }
0x5d: {  	_ =	shalt  }
0x5e: {  	_ =	shalt  }
0x5f: {  	_ =	shalt  }
0x60: {  	_ =	shalt  }
0x61: {  	_ =	shalt  }
0x62: {  	_ =	shalt  }
0x63: {  	_ =	shalt  }
0x64: {  	_ =	shalt  }
0x65: {  	_ =	shalt  }
0x66: {  	_ =	shalt  }
0x67: {  	_ =	shalt  }
0x68: {  	_ =	shalt  }
0x69: {  	_ =	shalt  }
0x6a: {  	_ =	shalt  }
0x6b: {  	_ =	shalt  }
0x6c: {  	_ =	shalt  }
0x6d: {  	_ =	shalt  }
0x6e: {  	_ =	shalt  }
0x6f: {  	_ =	shalt  }
0x70: {  	_ =	shalt  }
0x71: {  	_ =	shalt  }
0x72: {  	_ =	shalt  }
0x73: {  	_ =	shalt  }
0x74: {  	_ =	shalt  }
0x75: {  	_ =	shalt  }
0x76: {  	_ =	shalt  }
0x77: {  	_ =	shalt  }
0x78: {  	_ =	shalt  }
0x79: {  	_ =	shalt  }
0x7a: {  	_ =	shalt  }
0x7b: {  	_ =	shalt  }
0x7c: {  	_ =	shalt  }
0x7d: {  	_ =	shalt  }
0x7e: {  	_ =	shalt  }
0x7f: {  	_ =	shalt  }
0x80: {  	_ =	shalt  }
0x81: {  	_ =	shalt  }
0x82: {  	_ =	shalt  }
0x83: {  	_ =	shalt  }
0x84: {  	_ =	shalt  }
0x85: {  	_ =	shalt  }
0x86: {  	_ =	shalt  }
0x87: {  	_ =	shalt  }
.Lfunc_end0:
.L_simem_size_0:
called_computation.2_lowered:
.L_overlay_start_0:
0x88: {  	s2 =	sld [smem:$0x3FD9]  }
0x89: {  	s3 =	sld [smem:$0x3FFE];
	_ =	sdelay $0x1  }
0x8a: {  	s1 =	srdreg.scid  }
0x8b: {  	s0 =	sand.u32 $0x1, s1  }
0x8c: {  	s14 =	sshll.u32 s0, $0xA;
	s2 =	sadd.s32 s3, s2  }
0x8d: {  	s2 =	sadd.s32 s2, s14  }
0x8e: {  	[smem:$0x3FBA] =	sst s2  }
0x8f: {  	_ = 	snop  }
0x90: {  	s2 =	sld [smem:$0x3FD0];
	_ =	sdelay $0x2  }
0x91: {  	s15 =	simm.s32 $0xA;
	s4 =	simm.s32 $0x10  }
0x92: {  	[smem:s4], [sflag:s15] =	dma.local [hbm:s2], $0x1  }
0x93: {  	_ =	swait.eq [sflag:s15], $0x1  }
0x94: {  	[sflag:s15] =	ssyncset.done $0x0  }
0x95: {  	[sflag:s15] =	ssyncadd.s32 $0xFFFFFFFF  }
0x96: {  	s16 =	sld [smem:$0x13];
	(tm) =	ssettm $0x1  }
0x97: {  	s17 =	sld [smem:$0x3FFB];
	_ =	sdelay $0x3  }
0x98: {  	_ =	strace s17  }
0x99: {  	s3 =	sld [smem:$0x3FFC];
	_ =	sdelay $0x3  }
0x9a: {  	_ =	strace s3  }
0x9b: {  	s3 =	sld [smem:$0x3FFD];
	_ =	sdelay $0x3  }
0x9c: {  	_ =	strace s3  }
0x9d: {  	_ =	strace $0x8FFFFFFF  }
0x9e: {  	s18 =	sld [smem:$0x3FDB];
	_ =	sdelay $0x1  }
0x9f: {  	s19 =	simm.s32 $_scs_section_size  }
0xa0: {  	s5 =	simm.s32 $_size__tile_overlayer_lowered;
	s6 =	simm.s32 $_tile_overlayer_lowered  }
0xa1: {  	s22 =	simm.s32 $0x1BFF;
	s21 =	sshll.u32 s6, $0x1;
	s3 =	sadd.s32 s19, s18  }
0xa2: {  	s7 =	simm.s32 $0x0;
	s20 =	sshll.u32 s5, $0x1;
	s5 =	sadd.s32 s21, s3  }
0xa3: {  	[timem:s7], [sflag:s22] =	dma.local [hbm:s5], s20  }
0xa4: {  	_ =	swait.ge [sflag:s22], s20  }
0xa5: {  	s4 =	ssub.s32 $0x0, s20;
	[sflag:s22] =	ssyncset.done $0x0  }
0xa6: {  	[sflag:s22] =	ssyncadd.s32 s4;
	_ =	sdelay $0x1  }
0xa7: {  	s23 =	simm.s32 $0x1B8B  }
0xa8: {  	_ =	swait.ge [sflag:s23], $0x1  }
0xa9: {  	[sflag:s23] =	ssyncset.done $0x0  }
0xaa: {  	s25 =	simm.s32 $0x1B8E;
	s24 =	sld [smem:$0x3FFE];
	[sflag:s23] =	ssyncadd.s32 $0xFFFFFFFF  }
0xab: {  	s26 =	simm.s32 $execute0_lowered;
	[smem:$0x3FD2] =	sst s25  }
0xac: {  	s5 =	sshll.u32 s26, $0x1;
	_ =	strace $0x8000004C;
	[dreg:$0x1] =	wrdreg $0xFFFFFFFF  }
0xad: {  	s28 =	simm.s32 $_size_execute0_lowered;
	s3 =	sadd.s32 s3, s5;
	[dreg:$0x0] =	wrdreg $0x0  }
0xae: {  	s5 =	sshll.u32 s28, $0x1;
	[dreg:$0x2] =	wrdreg s3  }
0xaf: {  	[dreg:$0x3] =	wrdreg s5  }
0xb0: {  	[dreg:$0x4] =	wrdreg $0xC0  }
0xb1: {  	_ =	task [dreg:s7], $0x5FFFF  }
0xb2: {  	[dreg:$0x1] =	wrdreg $0xFFFFFFFF  }
0xb3: {  	[dreg:$0x0] =	wrdreg $0x60  }
0xb4: {  	[dreg:$0x2] =	wrdreg s16  }
0xb5: {  	[dreg:$0x3] =	wrdreg s24  }
0xb6: {  	[dreg:$0x4] =	wrdreg $0x134000  }
0xb7: {  	[dreg:$0x5] =	wrdreg $0x9  }
0xb8: {  	_ =	task.clear_ibuf [dreg:s7], $0x6FFFF;
	_ =	strace $0x9000004C  }
0xb9: {  	s29 =	simm.s32 $0x9;
	_ =	strace $0x8000004E  }
0xba: {  	_ =	swait.ge [sflag:s29], $0x1  }
0xbb: {  	[sflag:s29] =	ssyncadd.s32 $0xFFFFFFFF  }
0xbc: {  	_ =	strace $0x9000004E  }
0xbd: {  	_ =	sfence  }
0xbe: {  	s30 =	sld [smem:$0x0];
	_ =	sdelay $0x2  }
0xbf: {  	s31 =	sshll.u32 s1, $0xD;
	s1 =	sshrl.u32 s1, $0x2  }
0xc0: {  	s3 =	sand.u32 $0x4000, s31;
	s1 =	sadd.s32 s1, s30  }
0xc1: {  	s0 =	sor.u32 s3, s0;
	s1 =	sshll.u32 s1, $0x11  }
0xc2: {  	s0 =	sor.u32 s1, s0  }
0xc3: {  	s0 =	sadd.s32 $0x8F2B, s0  }
0xc4: {  	[sflag:s0] =	ssyncadd.remote.s32 $0x1  }
0xc5: {  	_ =	sfence.sel $0xFFFF  }
0xc6: {  	[dreg:$0x0] =	wrdreg $0xFFFFFFFF;
	(pc) =	sbr.abs _section_cstart, $3  }
0xc7: {  	[dreg:$0x1] =	wrdreg $0xFFFFFFFF  }
0xc8: {  	_ =	task.clear_ibuf [dreg:s7], $0x2FFFF;
	_ =	strace $0x9FFFFFFF  }
0xc9: {  	(tm) =	ssettm $0x7FFFFFFF  }
tec
execute0_lowered:
.L_overlay_start_1:
0x0: {  	(tag) =	ssettag $0x1  }
0x1: {  	s2 =	rddreg [dreg:$0x0]  }
0x2: {  	s5 =	rddreg [dreg:$0x1]  }
0x3: {  	s3 =	rddreg [dreg:$0x2]  }
0x4: {  	s0 =	rddreg [dreg:$0x3]  }
0x5: {  	s1 =	stileid.u32;
	s6 =	srdreg.scid  }
0x6: {  	s4 =	simm.s32 $0x0;
	s12 =	simm.s32 $0x13000;
	s13 =	simm.s32 $0x80  }
0x7: {  	s14 =	simm.s32 $0xF000;
	s17 =	simm.s32 $0x0;
	s7 =	smul.u32 $0xA00, s1  }
0x8: {  	s6 =	sand.u32 $0x1, s6;
	[smem:$0x7FF] =	sst s4;
	s29 =	smul.u32 $0x27000, s1  }
0x9: {  	p0 =	seq.s32 s1, $0xF;
	s31 =	smul.u32 $0x1380, s1;
	s16 =	sshll.u32 s1, $0x6  }
0xa: {  	s8 =	smul.u32 $0x13880, s6;
	s9 =	ssub.s32 $0x2, s6;
	_ =	strace $0x8000004D  }
0xb: {  	s15 =	smul.u32 $0x1388, s6;
	s6 =	simm.s32 $0x29;
	s16 =	sor.u32 $0x1C02, s16  }
0xc: {  	s7 =	sadd.s32 s7, s5;
	s10 =	sshrl.u32 s9, $0x1;
	s30 =	sshrl.u32 s29, $0x2  }
0xd: {  	s6 =	simm.s32 @!p0 $0x27;
	s11 =	sadd.s32 s8, s5;
	s9 =	ssub.s32 s9, s10  }
0xe: {  	s5 =	sadd.s32 $0x6200, s7;
	s7 =	sadd.s32 s30, s3;
	s8 =	simm.s32 $0x28  }
0xf: {  	v0 =	vmov s15;
	s15 =	simm.s32 $0x1;
	s8 =	simm.s32 @!p0 $0x27;
	s10 =	sadd.s32 s31, s11  }
0x10: {  	v1 =	vimm.f32 $0.0e+00;
	s9 =	smax.u32 s9, $0x1;
	s11 =	simm.s32 $0x2;
	s10 =	sadd.s32 $0x5E600, s10  }
.LBB2_1:
0x11: {  	[tilespmem:s4], [sflag:$0x2] =	stream.linear.gather [hbm4b:s5+s4], $0x4F00, $0x38;
	[tilespmem:$0x1F040] =	vst v63  }
0x12: {  	_ =	swait.ge [sflag:s11], $0x4F00  }
0x13: {  	[sflag:s11] =	ssyncset.done $0x0  }
0x14: {  	s18 =	simm.s32 $0x0;
	[sflag:s11] =	ssyncadd.s32 $0xFFFFB100  }
0x15: {  	v6 =	vld [tilespmem:s18+$0x70]  }
0x16: {  	v8 =	vld [tilespmem:s18+$0x0]  }
0x17: {  	v7 =	vld [tilespmem:s18+$0x10]  }
0x18: {  	v2 =	vld [tilespmem:s18+$0x20]  }
0x19: {  	v3 =	vld [tilespmem:s18+$0x30]  }
0x1a: {  	v5 =	vld [tilespmem:s18+$0x50]  }
0x1b: {  	v4 =	vld [tilespmem:s18+$0x40]  }
0x1c: {  	v17 =	vshrl.u32 v6, $0xE;
	v9 =	vand.u32 $0x3FFF, v6  }
0x1d: {  	v10 =	vand.u32 $0x3FFF, v8;
	v11 =	vand.u32 $0x3FF, v6;
	v12 =	vand.u32 $0x3FFF, v7  }
0x1e: {  	v13 =	vand.u32 $0x3FFF, v2;
	v19 =	vand.u32 $0x3FF, v8;
	v20 =	vand.u32 $0x3FF, v7  }
0x1f: {  	v14 =	vand.u32 $0x3FFF, v5;
	v23 =	vand.u32 $0x3FF, v2;
	v24 =	vand.u32 $0x3FF, v3  }
0x20: {  	v25 =	vand.u32 $0x3FF, v4;
	v26 =	vand.u32 $0x3FF, v5;
	v9 =	vsub.s32 v9, v0  }
0x21: {  	v11 =	vadd.s32 $0x1388, v11;
	v10 =	vsub.s32 v10, v0;
	v12 =	vsub.s32 v12, v0  }
0x22: {  	v6 =	vld [tilespmem:s18+$0x60];
	v14 =	vsub.s32 v14, v0;
	v22 =	vadd.s32 $0x1388, v19;
	v21 =	vadd.s32 $0x1388, v20  }
0x23: {  	[tilespmem:s18+$0x5070] =	vst v17;
	v20 =	vadd.s32 $0x1388, v24;
	v19 =	vadd.s32 $0x1388, v25;
	v17 =	vadd.s32 $0x1388, v26  }
0x24: {  	vm0 =	vlt.u32 v9, $0x1388;
	vm5 =	vlt.u32 v10, $0x1388;
	vm6 =	vlt.u32 v12, $0x1388  }
0x25: {  	v18 =	vsel vm0, v9, v11;
	v9 =	vsub.s32 v13, v0;
	v11 =	vand.u32 $0x3FFF, v3  }
0x26: {  	v13 =	vand.u32 $0x3FFF, v4;
	vm0 =	vlt.u32 v14, $0x1388;
	v11 =	vsub.s32 v11, v0  }
0x27: {  	v13 =	vsub.s32 v13, v0;
	vm4 =	vlt.u32 v9, $0x1388;
	v15 =	vand.u32 $0x3FFF, v6  }
0x28: {  	[tilespmem:s18+$0xA070] =	vst v18;
	v18 =	vadd.s32 $0x1388, v23;
	v16 =	vand.u32 $0x3FF, v6;
	v15 =	vsub.s32 v15, v0  }
0x29: {  	s19 =	simm.s32 $0x80;
	s20 =	simm.s32 $0x400;
	vm2 =	vlt.u32 v11, $0x1388;
	vm3 =	vlt.u32 v13, $0x1388;
	vm1 =	vlt.u32 v15, $0x1388  }
.LBB2_2:
0x2a: {  	p0 =	sne.s32 s20, $0x13A00;
	v23 =	vld [tilespmem:s19+$0x70];
	v10 =	vsel vm5, v10, v22;
	v12 =	vsel vm6, v12, v21;
	v16 =	vadd.s32 $0x1388, v16  }
0x2b: {  	v9 =	vsel vm4, v9, v18;
	v21 =	vld [tilespmem:s19+$0x0];
	[tilespmem:s18+$0xA000] =	vst v10;
	v10 =	vsel vm2, v11, v20;
	v11 =	vsel vm3, v13, v19  }
0x2c: {  	v18 =	vshrl.u32 v8, $0xE;
	v8 =	vsel vm0, v14, v17;
	v13 =	vld [tilespmem:s19+$0x10];
	[tilespmem:s18+$0xA010] =	vst v12;
	v12 =	vsel vm1, v15, v16  }
0x2d: {  	v14 =	vshrl.u32 v7, $0xE;
	v15 =	vshrl.u32 v2, $0xE;
	v16 =	vshrl.u32 v3, $0xE;
	v2 =	vld [tilespmem:s19+$0x20];
	[tilespmem:s18+$0xA020] =	vst v9  }
0x2e: {  	v17 =	vshrl.u32 v4, $0xE;
	v19 =	vshrl.u32 v5, $0xE;
	v20 =	vshrl.u32 v6, $0xE;
	v3 =	vld [tilespmem:s19+$0x30];
	[tilespmem:s18+$0xA030] =	vst v10  }
0x2f: {  	v4 =	vld [tilespmem:s19+$0x40];
	v22 =	vshrl.u32 v23, $0xE;
	v6 =	vand.u32 $0x3FFF, v23;
	[tilespmem:s18+$0xA040] =	vst v11  }
0x30: {  	v10 =	vand.u32 $0x3FF, v23;
	v9 =	vand.u32 $0x3FFF, v21;
	v5 =	vld [tilespmem:s19+$0x50];
	v11 =	vsub.s32 v6, v0;
	[tilespmem:s18+$0xA050] =	vst v8;
	v8 =	vmovc v21  }
0x31: {  	v23 =	vadd.s32 $0x1388, v10;
	v21 =	vand.u32 $0x3FFF, v13;
	v6 =	vld [tilespmem:s19+$0x60];
	vm0 =	vlt.u32 v11, $0x1388;
	[tilespmem:s18+$0xA060] =	vst v12;
	v7 =	vmovc v13  }
0x32: {  	v10 =	vsub.s32 v9, v0;
	v9 =	vand.u32 $0x3FFF, v2;
	v11 =	vsel vm0, v11, v23;
	[tilespmem:s18+$0x5000] =	vst v18  }
0x33: {  	v12 =	vsub.s32 v21, v0;
	v9 =	vsub.s32 v9, v0;
	v13 =	vand.u32 $0x3FFF, v3;
	[tilespmem:s19+$0xA070] =	vst v11  }
0x34: {  	v18 =	vand.u32 $0x3FF, v8;
	v11 =	vsub.s32 v13, v0;
	v13 =	vand.u32 $0x3FFF, v4;
	[tilespmem:s18+$0x5010] =	vst v14  }
0x35: {  	v21 =	vand.u32 $0x3FF, v7;
	v13 =	vsub.s32 v13, v0;
	v14 =	vand.u32 $0x3FFF, v5;
	[tilespmem:s18+$0x5020] =	vst v15  }
0x36: {  	v23 =	vand.u32 $0x3FF, v2;
	v14 =	vsub.s32 v14, v0;
	v15 =	vand.u32 $0x3FFF, v6;
	[tilespmem:s18+$0x5030] =	vst v16  }
0x37: {  	v24 =	vand.u32 $0x3FF, v3;
	v25 =	vand.u32 $0x3FF, v4;
	v15 =	vsub.s32 v15, v0;
	[tilespmem:s18+$0x5040] =	vst v17  }
.Ltmp0:
0x38: {  	vm5 =	vlt.u32 v10, $0x1388;
	v16 =	vand.u32 $0x3FF, v6;
	v17 =	vand.u32 $0x3FF, v5;
	[tilespmem:s18+$0x5050] =	vst v19;
	(pc) =	sbr.rel @p0 .LBB2_2-.Ltmp0, $4  }
0x39: {  	vm6 =	vlt.u32 v12, $0x1388;
	vm4 =	vlt.u32 v9, $0x1388;
	vm2 =	vlt.u32 v11, $0x1388;
	[tilespmem:s18+$0x5060] =	vst v20;
	s18 =	smov.u32 s19  }
0x3a: {  	vm3 =	vlt.u32 v13, $0x1388;
	vm0 =	vlt.u32 v14, $0x1388;
	vm1 =	vlt.u32 v15, $0x1388;
	[tilespmem:s18+$0x5070] =	vst v22  }
0x3b: {  	v21 =	vadd.s32 $0x1388, v21;
	v22 =	vadd.s32 $0x1388, v18;
	v18 =	vadd.s32 $0x1388, v23  }
0x3c: {  	v19 =	vadd.s32 $0x1388, v25;
	v17 =	vadd.s32 $0x1388, v17;
	s19 =	sshra.s32 s20, $0x2;
	s20 =	sadd.s32 $0x200, s20;
	v20 =	vadd.s32 $0x1388, v24  }
0x3d: {  	v23 =	vld [tilespmem:s19+$0x70];
	v10 =	vsel vm5, v10, v22  }
0x3e: {  	v31 =	vld [tilespmem:s19+$0x0];
	v32 =	vsel vm6, v12, v21;
	v9 =	vsel vm4, v9, v18;
	[tilespmem:s18+$0xA000] =	vst v10  }
0x3f: {  	v34 =	vsel vm2, v11, v20;
	v36 =	vadd.s32 $0x1388, v16;
	v13 =	vsel vm3, v13, v19;
	v33 =	vld [tilespmem:s19+$0x10];
	[tilespmem:s18+$0xA010] =	vst v32  }
0x40: {  	v8 =	vshrl.u32 v8, $0xE;
	v14 =	vsel vm0, v14, v17;
	v7 =	vshrl.u32 v7, $0xE;
	v10 =	vld [tilespmem:s19+$0x20];
	[tilespmem:s18+$0xA020] =	vst v9  }
0x41: {  	v2 =	vshrl.u32 v2, $0xE;
	v3 =	vshrl.u32 v3, $0xE;
	v4 =	vshrl.u32 v4, $0xE;
	v35 =	vld [tilespmem:s19+$0x30];
	[tilespmem:s18+$0xA030] =	vst v34  }
0x42: {  	v5 =	vshrl.u32 v5, $0xE;
	v6 =	vshrl.u32 v6, $0xE;
	v37 =	vld [tilespmem:s19+$0x40];
	[tilespmem:s18+$0xA040] =	vst v13;
	v38 =	vand.u32 $0x3FFF, v23  }
0x43: {  	v9 =	vsel vm1, v15, v36;
	v40 =	vand.u32 $0x3FF, v23;
	v13 =	vld [tilespmem:s19+$0x50];
	[tilespmem:s18+$0xA050] =	vst v14;
	v39 =	vsub.s32 v38, v0  }
0x44: {  	v42 =	vshrl.u32 v23, $0xE;
	v15 =	vadd.s32 $0x1388, v40;
	v41 =	vld [tilespmem:s19+$0x60];
	vm8 =	vlt.u32 v39, $0x1388;
	[tilespmem:s18+$0xA060] =	vst v9  }
0x45: {  	v43 =	vand.u32 $0x3FFF, v31;
	v49 =	vand.u32 $0x3FF, v31;
	[tilespmem:s18+$0x5000] =	vst v8;
	v14 =	vsel vm8, v39, v15  }
0x46: {  	v45 =	vsub.s32 v43, v0;
	v59 =	vadd.s32 $0x1388, v49;
	v44 =	vand.u32 $0x3FFF, v33;
	[tilespmem:s19+$0xA070] =	vst v14  }
0x47: {  	v52 =	vand.u32 $0x3FF, v33;
	vm9 =	vlt.u32 v45, $0x1388;
	v46 =	vand.u32 $0x3FFF, v10;
	[tilespmem:s18+$0x5010] =	vst v7  }
0x48: {  	v47 =	vsub.s32 v44, v0;
	v54 =	vand.u32 $0x3FF, v10;
	v60 =	vadd.s32 $0x1388, v52;
	[tilespmem:s18+$0x5020] =	vst v2  }
0x49: {  	v9 =	vsub.s32 v46, v0;
	v48 =	vand.u32 $0x3FFF, v35;
	v56 =	vand.u32 $0x3FF, v35;
	[tilespmem:s18+$0x5030] =	vst v3  }
0x4a: {  	vm10 =	vlt.u32 v47, $0x1388;
	v61 =	vadd.s32 $0x1388, v54;
	v50 =	vsub.s32 v48, v0;
	[tilespmem:s18+$0x5040] =	vst v4  }
0x4b: {  	v51 =	vand.u32 $0x3FFF, v37;
	v57 =	vand.u32 $0x3FF, v37;
	[tilespmem:s18+$0x5060] =	vst v6;
	v6 =	vsel vm9, v45, v59  }
0x4c: {  	[tilespmem:s18+$0x5050] =	vst v5;
	vm11 =	vlt.u32 v9, $0x1388;
	v15 =	vsel vm10, v47, v60;
	v62 =	vadd.s32 $0x1388, v56  }
0x4d: {  	v2 =	vsub.s32 v51, v0;
	v53 =	vand.u32 $0x3FFF, v13;
	v58 =	vand.u32 $0x3FF, v13;
	[tilespmem:s19+$0x5070] =	vst v42  }
0x4e: {  	[tilespmem:s19+$0xA000] =	vst v6;
	vm12 =	vlt.u32 v50, $0x1388;
	v8 =	vsel vm11, v9, v61;
	v4 =	vadd.s32 $0x1388, v57  }
0x4f: {  	[tilespmem:s19+$0xA010] =	vst v15;
	v3 =	vsub.s32 v53, v0;
	v55 =	vand.u32 $0x3FFF, v41;
	v24 =	vand.u32 $0x3FF, v41  }
0x50: {  	vm13 =	vlt.u32 v2, $0x1388;
	v6 =	vsel vm12, v50, v62;
	[tilespmem:s19+$0xA020] =	vst v8;
	v5 =	vadd.s32 $0x1388, v58  }
0x51: {  	v14 =	vsub.s32 v55, v0;
	vm14 =	vlt.u32 v3, $0x1388;
	v2 =	vsel vm13, v2, v4;
	[tilespmem:s19+$0xA030] =	vst v6  }
0x52: {  	v63 =	vadd.s32 $0x1388, v24;
	vm15 =	vlt.u32 v14, $0x1388;
	v3 =	vsel vm14, v3, v5;
	[tilespmem:s19+$0xA040] =	vst v2  }
0x53: {  	v2 =	vsel vm15, v14, v63;
	[tilespmem:s19+$0xA050] =	vst v3  }
0x54: {  	v3 =	vshrl.u32 v31, $0xE;
	[tilespmem:s19+$0xA060] =	vst v2  }
0x55: {  	v2 =	vshrl.u32 v33, $0xE;
	[tilespmem:s19+$0x5000] =	vst v3  }
0x56: {  	v3 =	vshrl.u32 v10, $0xE;
	[tilespmem:s19+$0x5010] =	vst v2  }
0x57: {  	v2 =	vshrl.u32 v35, $0xE;
	[tilespmem:s19+$0x5020] =	vst v3  }
0x58: {  	v3 =	vshrl.u32 v37, $0xE;
	[tilespmem:s19+$0x5030] =	vst v2  }
0x59: {  	v2 =	vshrl.u32 v13, $0xE;
	[tilespmem:s19+$0x5040] =	vst v3  }
0x5a: {  	v3 =	vshrl.u32 v41, $0xE;
	[tilespmem:s19+$0x5050] =	vst v2  }
0x5b: {  	[tilespmem:s19+$0x5060] =	vst v3  }
0x5c: {  	[tilespmem:$0x13000] =	vst v1  }
0x5d: {  	[tilespmem:$0x13010] =	vst v1  }
0x5e: {  	[tilespmem:$0x13020] =	vst v1  }
0x5f: {  	[tilespmem:$0x13030] =	vst v1  }
0x60: {  	[tilespmem:$0x13040] =	vst v1  }
0x61: {  	[tilespmem:$0x13050] =	vst v1  }
0x62: {  	[tilespmem:$0x13060] =	vst v1  }
0x63: {  	[tilespmem:$0x13070] =	vst v1  }
0x64: {  	[tilespmem:$0x13080] =	vst v1  }
0x65: {  	[tilespmem:$0x13090] =	vst v1  }
0x66: {  	[tilespmem:$0x130A0] =	vst v1  }
0x67: {  	[tilespmem:$0x130B0] =	vst v1  }
0x68: {  	[tilespmem:$0x130C0] =	vst v1  }
0x69: {  	[tilespmem:$0x130D0] =	vst v1  }
0x6a: {  	[tilespmem:$0x130E0] =	vst v1  }
0x6b: {  	[tilespmem:$0x130F0] =	vst v1  }
0x6c: {  	[tilespmem:$0x13100] =	vst v1  }
0x6d: {  	[tilespmem:$0x13110] =	vst v1  }
0x6e: {  	[tilespmem:$0x13120] =	vst v1  }
0x6f: {  	[tilespmem:$0x13130] =	vst v1  }
0x70: {  	[tilespmem:$0x13140] =	vst v1  }
0x71: {  	[tilespmem:$0x13150] =	vst v1  }
0x72: {  	[tilespmem:$0x13160] =	vst v1  }
0x73: {  	[tilespmem:$0x13170] =	vst v1  }
0x74: {  	[tilespmem:$0x13180] =	vst v1  }
0x75: {  	[tilespmem:$0x13190] =	vst v1  }
0x76: {  	[tilespmem:$0x131A0] =	vst v1  }
0x77: {  	[tilespmem:$0x131B0] =	vst v1  }
0x78: {  	[tilespmem:$0x131C0] =	vst v1  }
0x79: {  	[tilespmem:$0x131D0] =	vst v1  }
0x7a: {  	[tilespmem:$0x131E0] =	vst v1  }
0x7b: {  	[tilespmem:$0x131F0] =	vst v1  }
0x7c: {  	[tilespmem:$0x13200] =	vst v1  }
0x7d: {  	[tilespmem:$0x13210] =	vst v1  }
0x7e: {  	[tilespmem:$0x13220] =	vst v1  }
0x7f: {  	[tilespmem:$0x13230] =	vst v1  }
0x80: {  	[tilespmem:$0x13240] =	vst v1  }
0x81: {  	[tilespmem:$0x13250] =	vst v1  }
0x82: {  	[tilespmem:$0x13260] =	vst v1  }
0x83: {  	[tilespmem:$0x13270] =	vst v1  }
0x84: {  	[tilespmem:$0x13280] =	vst v1  }
0x85: {  	[tilespmem:$0x13290] =	vst v1  }
0x86: {  	[tilespmem:$0x132A0] =	vst v1  }
0x87: {  	[tilespmem:$0x132B0] =	vst v1  }
0x88: {  	[tilespmem:$0x132C0] =	vst v1  }
0x89: {  	[tilespmem:$0x132D0] =	vst v1  }
0x8a: {  	[tilespmem:$0x132E0] =	vst v1  }
0x8b: {  	[tilespmem:$0x132F0] =	vst v1  }
0x8c: {  	[tilespmem:$0x13300] =	vst v1  }
0x8d: {  	[tilespmem:$0x13310] =	vst v1  }
0x8e: {  	[tilespmem:$0x13320] =	vst v1  }
0x8f: {  	[tilespmem:$0x13330] =	vst v1  }
0x90: {  	[tilespmem:$0x13340] =	vst v1  }
0x91: {  	[tilespmem:$0x13350] =	vst v1  }
0x92: {  	[tilespmem:$0x13360] =	vst v1  }
0x93: {  	[tilespmem:$0x13370] =	vst v1  }
0x94: {  	[tilespmem:$0x13380] =	vst v1  }
0x95: {  	[tilespmem:$0x13390] =	vst v1  }
0x96: {  	[tilespmem:$0x133A0] =	vst v1  }
0x97: {  	[tilespmem:$0x133B0] =	vst v1  }
0x98: {  	[tilespmem:$0x133C0] =	vst v1  }
0x99: {  	p0 =	sne.s32 s6, $0x1;
	[tilespmem:$0x133D0] =	vst v1  }
.Ltmp1:
0x9a: {  	[tilespmem:$0x133E0] =	vst v1;
	(pc) =	sbr.rel @!p0 .LBB2_5-.Ltmp1, $4  }
0x9b: {  	[tilespmem:$0x133F0] =	vst v1  }
0x9c: {  	[spmem:s7] =	stream.linear.scatter [tilespmem:s12], [sflag:$0x2], $0x400, $0x38;
	[tilespmem:$0x1F040] =	vst v63  }
0x9d: {  	_ =	swait.ge [sflag:s11], $0x400  }
0x9e: {  	s18 =	sadd.s32 $0xFFFFFFFF, s6;
	s19 =	smov.u32 s7;
	[sflag:s11] =	ssyncset.done $0x0  }
.LBB2_4:
0x9f: {  	p0 =	sne.s32 s18, $0x1;
	[sflag:s11] =	ssyncadd.s32 $0xFFFFFC00;
	s19 =	sadd.s32 $0x400, s19  }
.Ltmp2:
0xa0: {  	s18 =	sadd.s32 $0xFFFFFFFF, s18;
	(pc) =	sbr.rel @p0 .LBB2_4-.Ltmp2, $4  }
0xa1: {  	_ = 	snop  }
0xa2: {  	[spmem:s19] =	stream.linear.scatter [tilespmem:s12], [sflag:$0x2], $0x400, $0x38;
	[tilespmem:$0x1F040] =	vst v63  }
0xa3: {  	_ =	swait.ge [sflag:s11], $0x400  }
0xa4: {  	[sflag:s11] =	ssyncset.done $0x0  }
.LBB2_5:
0xa5: {  	[sflag:s11] =	ssyncadd.s32 $0xFFFFFC00  }
0xa6: {  	s18 =	simm.s32 $0x5000;
	[bflag:$0x0] =	sbarrier.arrive $0xFFFF  }
0xa7: {  	[tilespmem:s14], [sflag:$0x1] =	stream.indirect.gather [hbm4b:s2+s13], $0x80, s18, s13, $0xb8;
	[tilespmem:$0x1F040] =	vst v63  }
0xa8: {  	_ =	swait.ge [sflag:s15], $0x4000  }
0xa9: {  	[sflag:s15] =	ssyncset.done $0x0  }
0xaa: {  	s31 =	simm.s32 $0xA000;
	[sflag:s15] =	ssyncadd.s32 $0xFFFFC000  }
0xab: {  	[spmem:s3] =	stream.indirect.scatter.add.f32 [tilespmem:s14], [sflag:$0x2], $0x80, s31, s13, $0xb8;
	[tilespmem:$0x1F040] =	vst v63  }
0xac: {  	_ =	swait.ge [sflag:s11], $0x4000  }
0xad: {  	s19 =	simm.s32 $0x400;
	s18 =	simm.s32 $0x80;
	[sflag:s11] =	ssyncset.done $0x0  }
.LBB2_6:
0xae: {  	s20 =	sadd.s32 $0x5000, s18  }
0xaf: {  	[sflag:s11] =	ssyncadd.s32 $0xFFFFC000;
	s21 =	smov.u32 s19;
	s22 =	sadd.s32 $0x200, s19  }
0xb0: {  	[tilespmem:s14], [sflag:$0x1] =	stream.indirect.gather [hbm4b:s2+s13], $0x80, s20, s13, $0xb8;
	[tilespmem:$0x1F040] =	vst v63  }
0xb1: {  	p0 =	sne.s32 s19, $0x13A00;
	_ =	swait.ge [sflag:s15], $0x4000  }
.Ltmp3:
0xb2: {  	[sflag:s15] =	ssyncset.done $0x0;
	(pc) =	sbr.rel @p0 .LBB2_6-.Ltmp3, $4  }
0xb3: {  	s18 =	sadd.s32 $0xA000, s18;
	[sflag:s15] =	ssyncadd.s32 $0xFFFFC000  }
0xb4: {  	[spmem:s3] =	stream.indirect.scatter.add.f32 [tilespmem:s14], [sflag:$0x2], $0x80, s18, s13, $0xb8;
	[tilespmem:$0x1F040] =	vst v63  }
0xb5: {  	_ =	swait.ge [sflag:s11], $0x4000  }
0xb6: {  	s19 =	smov.u32 s22;
	s18 =	sshra.s32 s21, $0x2;
	[sflag:s11] =	ssyncset.done $0x0  }
0xb7: {  	s19 =	sadd.s32 $0x5000, s18;
	[sflag:s11] =	ssyncadd.s32 $0xFFFFC000  }
0xb8: {  	[tilespmem:s14], [sflag:$0x1] =	stream.indirect.gather [hbm4b:s2+s13], $0x80, s19, s13, $0xb8;
	[tilespmem:$0x1F040] =	vst v63  }
0xb9: {  	_ =	swait.ge [sflag:s15], $0x4000  }
0xba: {  	[sflag:s15] =	ssyncset.done $0x0  }
0xbb: {  	s30 =	sadd.s32 $0xA000, s18;
	[sflag:s15] =	ssyncadd.s32 $0xFFFFC000  }
0xbc: {  	[spmem:s3] =	stream.indirect.scatter.add.f32 [tilespmem:s14], [sflag:$0x2], $0x80, s30, s13, $0xb8;
	[tilespmem:$0x1F040] =	vst v63  }
0xbd: {  	_ =	swait.ge [sflag:s11], $0x4000  }
0xbe: {  	p0 =	sne.s32 s8, $0x1;
	[sflag:s11] =	ssyncset.done $0x0  }
.Ltmp4:
0xbf: {  	[sflag:s11] =	ssyncadd.s32 $0xFFFFC000;
	(pc) =	sbr.rel @!p0 .LBB2_9-.Ltmp4, $4  }
0xc0: {  	s31 =	sshrl.u32 s7, $0x3;
	[bflag:$0x0] =	sbarrier.arrive $0xFFFF  }
0xc1: {  	[hbm:s10], [sflag:s16] =	dma.local [spmem:s31], $0x80  }
0xc2: {  	s18 =	sadd.s32 $0xFFFFFFFF, s8;
	_ =	swait.ge [sflag:s11], $0x80  }
0xc3: {  	s20 =	smov.u32 s10;
	s19 =	sadd.s32 $0x400, s7;
	[sflag:s11] =	ssyncset.done $0x0  }
.LBB2_8:
0xc4: {  	s21 =	sshrl.u32 s19, $0x3  }
0xc5: {  	[sflag:s11] =	ssyncadd.s32 $0xFFFFFF80;
	s20 =	sadd.s32 $0x80, s20;
	p0 =	sne.s32 s18, $0x1  }
0xc6: {  	[hbm:s20], [sflag:s16] =	dma.local [spmem:s21], $0x80  }
.Ltmp5:
0xc7: {  	_ = 	snop;
	(pc) =	sbr.rel @p0 .LBB2_8-.Ltmp5, $4  }
0xc8: {  	_ = 	snop  }
0xc9: {  	s18 =	sadd.s32 $0xFFFFFFFF, s18  }
0xca: {  	_ =	swait.ge [sflag:s11], $0x80  }
0xcb: {  	s19 =	sadd.s32 $0x400, s19;
	[sflag:s11] =	ssyncset.done $0x0  }
.LBB2_9:
0xcc: {  	s17 =	sadd.s32 $0x1, s17  }
0xcd: {  	p0 =	sne.s32 s17, s9  }
.Ltmp6:
0xce: {  	_ = 	snop;
	(pc) =	sbr.rel @p0 .LBB2_1-.Ltmp6, $2  }
0xcf: {  	_ =	sdelay $0x2  }
0xd0: {  	[sflag:s11] =	ssyncadd.s32 $0xFFFFFF80  }
0xd1: {  	_ =	sfence.sel $0x180000  }
0xd2: {  	[bflag:$0x0] =	sbarrier.arrive $0xFFFF  }
0xd3: {  	p0 =	sne.s32 s1, $0x0;
	_ =	strace $0x9000004D  }
0xd4: {  	s0 =	sadd.s32 @!p0 $0x100000, s0;
	[bflag:$0x2] =	sbarrier.arrive $0xFFFF  }
0xd5: {  	[sflag:s0] =	ssyncadd.tile.s32 @!p0 $0x1;
	_ =	shalt  }
.Lfunc_end2:
_tile_overlayer_lowered:
.L_overlay_start_2:
0xd6: {  	(tag) =	ssettag $0x2  }
0xd7: {  	s0 =	rddreg [dreg:$0x0];
	s2 =	stileid.u32  }
0xd8: {  	s1 =	rddreg [dreg:$0x1];
	p0 =	sne.s32 s2, $0x0  }
0xd9: {  	s3 =	rddreg [dreg:$0x2];
	[bflag:$0x3] =	sbarrier.arrive $0xFFFF;
	s2 =	simm.s32 @!p0 $0x1C02  }
0xda: {  	[timem:s3], [sflag:s2] =	dma.local @!p0 [hbm:s0], s1  }
0xdb: {  	s0 =	simm.s32 @!p0 $0x2  }
0xdc: {  	_ =	swait.ge @!p0 [sflag:s0], s1  }
0xdd: {  	s1 =	ssub.s32 @!p0 $0x0, s1;
	[sflag:s0] =	ssyncset.done @!p0 $0x0  }
0xde: {  	[sflag:s0] =	ssyncadd.s32 @!p0 s1  }
0xdf: {  	[bflag:$0x3] =	sbarrier.arrive $0xFFFF  }
0xe0: {  	_ =	shalt  }

// kernel: kernel.21.cloned.1.call-start
scs
__scs_entry_jumppad:
0x0: {  	(pc) =	sbr.rel $0x88, $3  }
0x1: {  	(tag) =	ssettag $0x0;
	lr =	simm.s32 $0x1  }
0x2: {  	[smem:$0x3F93] =	sst lr;
	_ =	strace $0xD0000000  }
0x3: {  	_ = 	snop  }
0x4: {  	_ = 	snop  }
0x5: {  	_ = 	snop  }
0x6: {  	_ = 	snop  }
0x7: {  	_ = 	snop  }
__scs_overlays_trampoline_lowered:
0x8: {  	[smem:$0x3FA2] =	sst s0  }
0x9: {  	[smem:$0x3FA3] =	sst s1  }
0xa: {  	[smem:$0x3FA4] =	sst s2  }
0xb: {  	[smem:$0x3FA5] =	sst s3  }
0xc: {  	[smem:$0x3FA6] =	sst s4  }
0xd: {  	[smem:$0x3FA7] =	sst s5  }
0xe: {  	[smem:$0x3FA8] =	sst s6  }
0xf: {  	[smem:$0x3FA9] =	sst s7  }
0x10: {  	[smem:$0x3FAA] =	sst s8  }
0x11: {  	[smem:$0x3FAB] =	sst s9;
	s0 =	simm.s32 @!p0 $0x0  }
0x12: {  	s1 =	sld [smem:$0x3F91];
	s0 =	simm.s32 @p0 $0x1  }
0x13: {  	[smem:$0x3FAC] =	sst s0;
	s0 =	simm.s32 @!p1 $0x0  }
0x14: {  	s2 =	sld [smem:$0x3F90];
	s0 =	simm.s32 @p1 $0x1  }
0x15: {  	[smem:$0x3FAD] =	sst s0;
	s0 =	simm.s32 @!p2 $0x0  }
0x16: {  	s3 =	sld [smem:$0x3FDB];
	s0 =	simm.s32 @p2 $0x1  }
0x17: {  	s4 =	simm.s32 $0x1BF5;
	[smem:$0x3FAF] =	sst s0  }
0x18: {  	s0 =	sld [smem:$0x3F92];
	_ =	swait.ge [sflag:s4], $0x0  }
0x19: {  	s7 =	sld [smem:$0x3F93]  }
0x1a: {  	s8 =	sadd.s32 $0xFFFFE003, lr  }
0x1b: {  	s9 =	sadd.s32 $0xFFFFFEF7, lr;
	s5 =	simm.s32 $0xFFFFFFFF;
	p2 =	slt.u32 s8, $0xFFFFF086  }
0x1c: {  	p1 =	slt.u32 s9, $0xF7A;
	s5 =	simm.s32 @!p2 $0x0  }
0x1d: {  	s5 =	simm.s32 @p1 $0x1;
	p0 =	seq.s32 s7, s2  }
0x1e: {  	s7 =	smul.u32 @!p0 $0xF7A, s2;
	p2 =	seq.s32 @!p0 s5, $0x0  }
0x1f: {  	s9 =	smul.u32 $0xF7A, s1;
	s8 =	simm.s32 @!p0 $0x1BF5;
	p2 =	por !p2, p0  }
0x20: {  	[sflag:s8] =	ssyncset.s32 @!p0 $0xFFFFF086;
	s6 =	sadd.s32 @!p0 s3, s7;
	s7 =	simm.s32 @!p0 $0x108  }
0x21: {  	s3 =	sadd.s32 s3, s9;
	s6 =	sadd.s32 @!p0 $0x88, s6;
	s7 =	simm.s32 @p2 $0x1082  }
0x22: {  	[simem:s7], [sflag:s8] =	dma.local @!p0 [hbm:s6], $0xF7A  }
0x23: {  	s9 =	sor.u32 $0xD0000000, s2;
	s6 =	simm.s32 $0x108;
	_ =	swait.ge @!p0 [sflag:s8], $0x0  }
0x24: {  	s3 =	sadd.s32 $0x88, s3;
	s6 =	simm.s32 @!p1 $0x1082;
	[sflag:s4] =	ssyncset.s32 $0xFFFFF086  }
0x25: {  	[simem:s6], [sflag:s4] =	dma.local [hbm:s3], $0xF7A  }
0x26: {  	[smem:$0x3F93] =	sst s1;
	(tag) =	ssettag s2;
	_ =	strace s9  }
0x27: {  	s1 =	sld [smem:$0x3FA3]  }
0x28: {  	s2 =	sld [smem:$0x3FA4]  }
0x29: {  	s4 =	sld [smem:$0x3FA6]  }
0x2a: {  	p0 =	seq.s32 s5, $0x0;
	s5 =	sld [smem:$0x3FA7]  }
0x2b: {  	s6 =	sld [smem:$0x3FA8]  }
0x2c: {  	s7 =	sld [smem:$0x3FA9]  }
0x2d: {  	s3 =	simm.s32 $0x108;
	s8 =	sld [smem:$0x3FAA]  }
0x2e: {  	s3 =	simm.s32 @!p0 $0x1082;
	s9 =	sld [smem:$0x3FAB]  }
0x2f: {  	lr =	sadd.s32 s0, s3;
	s0 =	sld [smem:$0x3FA2]  }
0x30: {  	s3 =	sld [smem:$0x3FA5]  }
0x31: {  	[smem:$0x3FAE] =	sst s10  }
0x32: {  	s10 =	sld [smem:$0x3FAC];
	_ =	sdelay $0x3  }
0x33: {  	p0 =	seq.s32 s10, $0x1;
	s10 =	sld [smem:$0x3FAE];
	_ =	sdelay $0x3  }
0x34: {  	[smem:$0x3FAE] =	sst s10  }
0x35: {  	s10 =	sld [smem:$0x3FAD];
	_ =	sdelay $0x3  }
0x36: {  	p1 =	seq.s32 s10, $0x1;
	s10 =	sld [smem:$0x3FAE];
	_ =	sdelay $0x3  }
0x37: {  	[smem:$0x3FAE] =	sst s10  }
0x38: {  	s10 =	sld [smem:$0x3FAF]  }
0x39: {  	_ = 	snop;
	(pc) =	sbr.ind lr, $3  }
0x3a: {  	_ = 	snop  }
0x3b: {  	_ = 	snop  }
0x3c: {  	p2 =	seq.s32 s10, $0x1;
	s10 =	sld [smem:$0x3FAE]  }
0x3d: {  	_ =	shalt  }
0x3e: {  	_ =	shalt  }
0x3f: {  	_ =	shalt  }
0x40: {  	_ =	shalt  }
0x41: {  	_ =	shalt  }
0x42: {  	_ =	shalt  }
0x43: {  	_ =	shalt  }
0x44: {  	_ =	shalt  }
0x45: {  	_ =	shalt  }
0x46: {  	_ =	shalt  }
0x47: {  	_ =	shalt  }
0x48: {  	_ =	shalt  }
0x49: {  	_ =	shalt  }
0x4a: {  	_ =	shalt  }
0x4b: {  	_ =	shalt  }
0x4c: {  	_ =	shalt  }
0x4d: {  	_ =	shalt  }
0x4e: {  	_ =	shalt  }
0x4f: {  	_ =	shalt  }
0x50: {  	_ =	shalt  }
0x51: {  	_ =	shalt  }
0x52: {  	_ =	shalt  }
0x53: {  	_ =	shalt  }
0x54: {  	_ =	shalt  }
0x55: {  	_ =	shalt  }
0x56: {  	_ =	shalt  }
0x57: {  	_ =	shalt  }
0x58: {  	_ =	shalt  }
0x59: {  	_ =	shalt  }
0x5a: {  	_ =	shalt  }
0x5b: {  	_ =	shalt  }
0x5c: {  	_ =	shalt  }
0x5d: {  	_ =	shalt  }
0x5e: {  	_ =	shalt  }
0x5f: {  	_ =	shalt  }
0x60: {  	_ =	shalt  }
0x61: {  	_ =	shalt  }
0x62: {  	_ =	shalt  }
0x63: {  	_ =	shalt  }
0x64: {  	_ =	shalt  }
0x65: {  	_ =	shalt  }
0x66: {  	_ =	shalt  }
0x67: {  	_ =	shalt  }
0x68: {  	_ =	shalt  }
0x69: {  	_ =	shalt  }
0x6a: {  	_ =	shalt  }
0x6b: {  	_ =	shalt  }
0x6c: {  	_ =	shalt  }
0x6d: {  	_ =	shalt  }
0x6e: {  	_ =	shalt  }
0x6f: {  	_ =	shalt  }
0x70: {  	_ =	shalt  }
0x71: {  	_ =	shalt  }
0x72: {  	_ =	shalt  }
0x73: {  	_ =	shalt  }
0x74: {  	_ =	shalt  }
0x75: {  	_ =	shalt  }
0x76: {  	_ =	shalt  }
0x77: {  	_ =	shalt  }
0x78: {  	_ =	shalt  }
0x79: {  	_ =	shalt  }
0x7a: {  	_ =	shalt  }
0x7b: {  	_ =	shalt  }
0x7c: {  	_ =	shalt  }
0x7d: {  	_ =	shalt  }
0x7e: {  	_ =	shalt  }
0x7f: {  	_ =	shalt  }
0x80: {  	_ =	shalt  }
0x81: {  	_ =	shalt  }
0x82: {  	_ =	shalt  }
0x83: {  	_ =	shalt  }
0x84: {  	_ =	shalt  }
0x85: {  	_ =	shalt  }
0x86: {  	_ =	shalt  }
0x87: {  	_ =	shalt  }
.Lfunc_end0:
.L_simem_size_0:
called_computation.3_lowered:
.L_overlay_start_0:
0x88: {  	s2 =	sld [smem:$0x3FD9]  }
0x89: {  	s3 =	sld [smem:$0x3FFE];
	_ =	sdelay $0x1  }
0x8a: {  	s1 =	srdreg.scid  }
0x8b: {  	s0 =	sand.u32 $0x1, s1  }
0x8c: {  	s16 =	sshll.u32 s0, $0xA;
	s2 =	sadd.s32 s3, s2  }
0x8d: {  	s2 =	sadd.s32 s2, s16  }
0x8e: {  	[smem:$0x3FBA] =	sst s2  }
0x8f: {  	_ = 	snop  }
0x90: {  	(tm) =	ssettm $0x1  }
0x91: {  	s17 =	sld [smem:$0x3FFB];
	_ =	sdelay $0x3  }
0x92: {  	_ =	strace s17  }
0x93: {  	s2 =	sld [smem:$0x3FFC];
	_ =	sdelay $0x3  }
0x94: {  	_ =	strace s2  }
0x95: {  	s2 =	sld [smem:$0x3FFD];
	_ =	sdelay $0x3  }
0x96: {  	_ =	strace s2  }
0x97: {  	_ =	strace $0x8FFFFFFF  }
0x98: {  	s18 =	sld [smem:$0x3FDB];
	_ =	sdelay $0x1  }
0x99: {  	s19 =	simm.s32 $_scs_section_size  }
0x9a: {  	s4 =	simm.s32 $_size__tile_overlayer_lowered;
	s5 =	simm.s32 $_tile_overlayer_lowered  }
0x9b: {  	s22 =	simm.s32 $0x1BFF;
	s21 =	sshll.u32 s5, $0x1;
	s2 =	sadd.s32 s19, s18  }
0x9c: {  	s6 =	simm.s32 $0x0;
	s20 =	sshll.u32 s4, $0x1;
	s4 =	sadd.s32 s21, s2  }
0x9d: {  	[timem:s6], [sflag:s22] =	dma.local [hbm:s4], s20  }
0x9e: {  	_ =	swait.ge [sflag:s22], s20  }
0x9f: {  	s3 =	ssub.s32 $0x0, s20;
	[sflag:s22] =	ssyncset.done $0x0  }
0xa0: {  	[sflag:s22] =	ssyncadd.s32 s3;
	_ =	sdelay $0x1  }
0xa1: {  	s23 =	simm.s32 $0x1B8B  }
0xa2: {  	_ =	swait.ge [sflag:s23], $0x1  }
0xa3: {  	[sflag:s23] =	ssyncset.done $0x0  }
0xa4: {  	s25 =	simm.s32 $0x1B8E;
	s24 =	sld [smem:$0x3FFE];
	[sflag:s23] =	ssyncadd.s32 $0xFFFFFFFF  }
0xa5: {  	s26 =	simm.s32 $execute0_lowered;
	[smem:$0x3FD2] =	sst s25  }
0xa6: {  	s4 =	sshll.u32 s26, $0x1;
	_ =	strace $0x8000004F;
	[dreg:$0x1] =	wrdreg $0xFFFFFFFF  }
0xa7: {  	s28 =	simm.s32 $_size_execute0_lowered;
	s2 =	sadd.s32 s2, s4;
	[dreg:$0x0] =	wrdreg $0x0  }
0xa8: {  	s4 =	sshll.u32 s28, $0x1;
	[dreg:$0x2] =	wrdreg s2  }
0xa9: {  	[dreg:$0x3] =	wrdreg s4  }
0xaa: {  	[dreg:$0x4] =	wrdreg $0xC0  }
0xab: {  	_ =	task [dreg:s6], $0x5FFFF  }
0xac: {  	[dreg:$0x1] =	wrdreg $0xFFFFFFFF  }
0xad: {  	[dreg:$0x0] =	wrdreg $0x60  }
0xae: {  	[dreg:$0x2] =	wrdreg s24  }
0xaf: {  	[dreg:$0x3] =	wrdreg $0x134000  }
0xb0: {  	[dreg:$0x4] =	wrdreg $0x9  }
0xb1: {  	_ =	task.clear_ibuf [dreg:s6], $0x5FFFF;
	_ =	strace $0x9000004F  }
0xb2: {  	s29 =	simm.s32 $0x9;
	_ =	strace $0x80000051  }
0xb3: {  	_ =	swait.ge [sflag:s29], $0x1  }
0xb4: {  	[sflag:s29] =	ssyncadd.s32 $0xFFFFFFFF  }
0xb5: {  	_ =	strace $0x90000051  }
0xb6: {  	_ =	sfence  }
0xb7: {  	s30 =	sld [smem:$0x0];
	_ =	sdelay $0x2  }
0xb8: {  	s31 =	sshll.u32 s1, $0xD;
	s1 =	sshrl.u32 s1, $0x2  }
0xb9: {  	s3 =	sand.u32 $0x4000, s31;
	s1 =	sadd.s32 s1, s30  }
0xba: {  	s0 =	sor.u32 s3, s0;
	s1 =	sshll.u32 s1, $0x11  }
0xbb: {  	s0 =	sor.u32 s1, s0  }
0xbc: {  	s0 =	sadd.s32 $0x8F2B, s0  }
0xbd: {  	[sflag:s0] =	ssyncadd.remote.s32 $0x1  }
0xbe: {  	_ =	sfence.sel $0xFFFF  }
0xbf: {  	[dreg:$0x0] =	wrdreg $0xFFFFFFFF;
	(pc) =	sbr.abs _section_cstart, $3  }
0xc0: {  	[dreg:$0x1] =	wrdreg $0xFFFFFFFF  }
0xc1: {  	_ =	task.clear_ibuf [dreg:s6], $0x2FFFF;
	_ =	strace $0x9FFFFFFF  }
0xc2: {  	(tm) =	ssettm $0x7FFFFFFF  }
0xc3: {  	_ =	shalt  }
tec
execute0_lowered:
.L_overlay_start_1:
0x0: {  	(tag) =	ssettag $0x1  }
0x1: {  	s5 =	rddreg [dreg:$0x0]  }
0x2: {  	s2 =	rddreg [dreg:$0x1]  }
0x3: {  	s0 =	rddreg [dreg:$0x2]  }
0x4: {  	s3 =	simm.s32 $0x0;
	s1 =	stileid.u32;
	s4 =	srdreg.scid  }
0x5: {  	s12 =	simm.s32 $0x13000;
	s13 =	simm.s32 $0x80;
	s14 =	simm.s32 $0xF000  }
0x6: {  	s17 =	simm.s32 $0x0;
	[smem:$0x7FF] =	sst s3;
	s6 =	smul.u32 $0xA00, s1  }
0x7: {  	s7 =	sand.u32 $0x1, s4;
	s4 =	sadd.s32 $0x37400, s5;
	s29 =	smul.u32 $0x27000, s1  }
0x8: {  	p0 =	seq.s32 s1, $0xF;
	s31 =	smul.u32 $0x1380, s1;
	s16 =	sshll.u32 s1, $0x6  }
0x9: {  	_ =	strace $0x80000050;
	s8 =	smul.u32 $0x13880, s7;
	s9 =	ssub.s32 $0x2, s7  }
0xa: {  	s15 =	smul.u32 $0x1388, s7;
	s16 =	sor.u32 $0x1C02, s16;
	s6 =	sadd.s32 s6, s5  }
0xb: {  	s10 =	sshrl.u32 s9, $0x1;
	s30 =	sshrl.u32 s29, $0x2;
	s11 =	sadd.s32 s8, s5  }
0xc: {  	s9 =	ssub.s32 s9, s10;
	s5 =	sadd.s32 $0x6200, s6;
	s6 =	simm.s32 $0x29  }
0xd: {  	s7 =	sadd.s32 s30, s2;
	s8 =	simm.s32 $0x28;
	v0 =	vmov s15;
	s15 =	simm.s32 $0x1  }
0xe: {  	s6 =	simm.s32 @!p0 $0x27;
	s8 =	simm.s32 @!p0 $0x27;
	s10 =	sadd.s32 s31, s11  }
0xf: {  	v1 =	vimm.f32 $0.0e+00;
	s9 =	smax.u32 s9, $0x1;
	s11 =	simm.s32 $0x2;
	s10 =	sadd.s32 $0x5E600, s10  }
.LBB2_1:
0x10: {  	[tilespmem:s3], [sflag:$0x2] =	stream.linear.gather [hbm4b:s5+s3], $0x4F00, $0x38;
	[tilespmem:$0x1F040] =	vst v63  }
0x11: {  	_ =	swait.ge [sflag:s11], $0x4F00  }
0x12: {  	[sflag:s11] =	ssyncset.done $0x0  }
0x13: {  	s18 =	simm.s32 $0x0;
	[sflag:s11] =	ssyncadd.s32 $0xFFFFB100  }
0x14: {  	v6 =	vld [tilespmem:s18+$0x70]  }
0x15: {  	v8 =	vld [tilespmem:s18+$0x0]  }
0x16: {  	v7 =	vld [tilespmem:s18+$0x10]  }
0x17: {  	v2 =	vld [tilespmem:s18+$0x20]  }
0x18: {  	v3 =	vld [tilespmem:s18+$0x30]  }
0x19: {  	v5 =	vld [tilespmem:s18+$0x50]  }
0x1a: {  	v4 =	vld [tilespmem:s18+$0x40]  }
0x1b: {  	v17 =	vshrl.u32 v6, $0xE;
	v9 =	vand.u32 $0x3FFF, v6  }
0x1c: {  	v10 =	vand.u32 $0x3FFF, v8;
	v11 =	vand.u32 $0x3FF, v6;
	v12 =	vand.u32 $0x3FFF, v7  }
0x1d: {  	v13 =	vand.u32 $0x3FFF, v2;
	v19 =	vand.u32 $0x3FF, v8;
	v20 =	vand.u32 $0x3FF, v7  }
0x1e: {  	v14 =	vand.u32 $0x3FFF, v5;
	v23 =	vand.u32 $0x3FF, v2;
	v24 =	vand.u32 $0x3FF, v3  }
0x1f: {  	v25 =	vand.u32 $0x3FF, v4;
	v26 =	vand.u32 $0x3FF, v5;
	v9 =	vsub.s32 v9, v0  }
0x20: {  	v11 =	vadd.s32 $0x1388, v11;
	v10 =	vsub.s32 v10, v0;
	v12 =	vsub.s32 v12, v0  }
0x21: {  	v6 =	vld [tilespmem:s18+$0x60];
	v14 =	vsub.s32 v14, v0;
	v22 =	vadd.s32 $0x1388, v19;
	v21 =	vadd.s32 $0x1388, v20  }
0x22: {  	[tilespmem:s18+$0x5070] =	vst v17;
	v20 =	vadd.s32 $0x1388, v24;
	v19 =	vadd.s32 $0x1388, v25;
	v17 =	vadd.s32 $0x1388, v26  }
0x23: {  	vm0 =	vlt.u32 v9, $0x1388;
	vm5 =	vlt.u32 v10, $0x1388;
	vm6 =	vlt.u32 v12, $0x1388  }
0x24: {  	v18 =	vsel vm0, v9, v11;
	v9 =	vsub.s32 v13, v0;
	v11 =	vand.u32 $0x3FFF, v3  }
0x25: {  	v13 =	vand.u32 $0x3FFF, v4;
	vm0 =	vlt.u32 v14, $0x1388;
	v11 =	vsub.s32 v11, v0  }
0x26: {  	v13 =	vsub.s32 v13, v0;
	vm4 =	vlt.u32 v9, $0x1388;
	v15 =	vand.u32 $0x3FFF, v6  }
0x27: {  	[tilespmem:s18+$0xA070] =	vst v18;
	v18 =	vadd.s32 $0x1388, v23;
	v16 =	vand.u32 $0x3FF, v6;
	v15 =	vsub.s32 v15, v0  }
0x28: {  	s19 =	simm.s32 $0x80;
	s20 =	simm.s32 $0x400;
	vm2 =	vlt.u32 v11, $0x1388;
	vm3 =	vlt.u32 v13, $0x1388;
	vm1 =	vlt.u32 v15, $0x1388  }
.LBB2_2:
0x29: {  	p0 =	sne.s32 s20, $0x13A00;
	v23 =	vld [tilespmem:s19+$0x70];
	v10 =	vsel vm5, v10, v22;
	v12 =	vsel vm6, v12, v21;
	v16 =	vadd.s32 $0x1388, v16  }
0x2a: {  	v9 =	vsel vm4, v9, v18;
	v21 =	vld [tilespmem:s19+$0x0];
	[tilespmem:s18+$0xA000] =	vst v10;
	v10 =	vsel vm2, v11, v20;
	v11 =	vsel vm3, v13, v19  }
0x2b: {  	v18 =	vshrl.u32 v8, $0xE;
	v8 =	vsel vm0, v14, v17;
	v13 =	vld [tilespmem:s19+$0x10];
	[tilespmem:s18+$0xA010] =	vst v12;
	v12 =	vsel vm1, v15, v16  }
0x2c: {  	v14 =	vshrl.u32 v7, $0xE;
	v15 =	vshrl.u32 v2, $0xE;
	v16 =	vshrl.u32 v3, $0xE;
	v2 =	vld [tilespmem:s19+$0x20];
	[tilespmem:s18+$0xA020] =	vst v9  }
0x2d: {  	v17 =	vshrl.u32 v4, $0xE;
	v19 =	vshrl.u32 v5, $0xE;
	v20 =	vshrl.u32 v6, $0xE;
	v3 =	vld [tilespmem:s19+$0x30];
	[tilespmem:s18+$0xA030] =	vst v10  }
0x2e: {  	v4 =	vld [tilespmem:s19+$0x40];
	v22 =	vshrl.u32 v23, $0xE;
	v6 =	vand.u32 $0x3FFF, v23;
	[tilespmem:s18+$0xA040] =	vst v11  }
0x2f: {  	v10 =	vand.u32 $0x3FF, v23;
	v9 =	vand.u32 $0x3FFF, v21;
	v5 =	vld [tilespmem:s19+$0x50];
	v11 =	vsub.s32 v6, v0;
	[tilespmem:s18+$0xA050] =	vst v8;
	v8 =	vmovc v21  }
0x30: {  	v23 =	vadd.s32 $0x1388, v10;
	v21 =	vand.u32 $0x3FFF, v13;
	v6 =	vld [tilespmem:s19+$0x60];
	vm0 =	vlt.u32 v11, $0x1388;
	[tilespmem:s18+$0xA060] =	vst v12;
	v7 =	vmovc v13  }
0x31: {  	v10 =	vsub.s32 v9, v0;
	v9 =	vand.u32 $0x3FFF, v2;
	v11 =	vsel vm0, v11, v23;
	[tilespmem:s18+$0x5000] =	vst v18  }
0x32: {  	v12 =	vsub.s32 v21, v0;
	v9 =	vsub.s32 v9, v0;
	v13 =	vand.u32 $0x3FFF, v3;
	[tilespmem:s19+$0xA070] =	vst v11  }
0x33: {  	v18 =	vand.u32 $0x3FF, v8;
	v11 =	vsub.s32 v13, v0;
	v13 =	vand.u32 $0x3FFF, v4;
	[tilespmem:s18+$0x5010] =	vst v14  }
0x34: {  	v21 =	vand.u32 $0x3FF, v7;
	v13 =	vsub.s32 v13, v0;
	v14 =	vand.u32 $0x3FFF, v5;
	[tilespmem:s18+$0x5020] =	vst v15  }
0x35: {  	v23 =	vand.u32 $0x3FF, v2;
	v14 =	vsub.s32 v14, v0;
	v15 =	vand.u32 $0x3FFF, v6;
	[tilespmem:s18+$0x5030] =	vst v16  }
0x36: {  	v24 =	vand.u32 $0x3FF, v3;
	v25 =	vand.u32 $0x3FF, v4;
	v15 =	vsub.s32 v15, v0;
	[tilespmem:s18+$0x5040] =	vst v17  }
.Ltmp0:
0x37: {  	vm5 =	vlt.u32 v10, $0x1388;
	v16 =	vand.u32 $0x3FF, v6;
	v17 =	vand.u32 $0x3FF, v5;
	[tilespmem:s18+$0x5050] =	vst v19;
	(pc) =	sbr.rel @p0 .LBB2_2-.Ltmp0, $4  }
0x38: {  	vm6 =	vlt.u32 v12, $0x1388;
	vm4 =	vlt.u32 v9, $0x1388;
	vm2 =	vlt.u32 v11, $0x1388;
	[tilespmem:s18+$0x5060] =	vst v20;
	s18 =	smov.u32 s19  }
0x39: {  	vm3 =	vlt.u32 v13, $0x1388;
	vm0 =	vlt.u32 v14, $0x1388;
	vm1 =	vlt.u32 v15, $0x1388;
	[tilespmem:s18+$0x5070] =	vst v22  }
0x3a: {  	v21 =	vadd.s32 $0x1388, v21;
	v22 =	vadd.s32 $0x1388, v18;
	v18 =	vadd.s32 $0x1388, v23  }
0x3b: {  	v19 =	vadd.s32 $0x1388, v25;
	v17 =	vadd.s32 $0x1388, v17;
	s19 =	sshra.s32 s20, $0x2;
	s20 =	sadd.s32 $0x200, s20;
	v20 =	vadd.s32 $0x1388, v24  }
0x3c: {  	v23 =	vld [tilespmem:s19+$0x70];
	v10 =	vsel vm5, v10, v22  }
0x3d: {  	v31 =	vld [tilespmem:s19+$0x0];
	v32 =	vsel vm6, v12, v21;
	v9 =	vsel vm4, v9, v18;
	[tilespmem:s18+$0xA000] =	vst v10  }
0x3e: {  	v34 =	vsel vm2, v11, v20;
	v36 =	vadd.s32 $0x1388, v16;
	v13 =	vsel vm3, v13, v19;
	v33 =	vld [tilespmem:s19+$0x10];
	[tilespmem:s18+$0xA010] =	vst v32  }
0x3f: {  	v8 =	vshrl.u32 v8, $0xE;
	v14 =	vsel vm0, v14, v17;
	v7 =	vshrl.u32 v7, $0xE;
	v10 =	vld [tilespmem:s19+$0x20];
	[tilespmem:s18+$0xA020] =	vst v9  }
0x40: {  	v2 =	vshrl.u32 v2, $0xE;
	v3 =	vshrl.u32 v3, $0xE;
	v4 =	vshrl.u32 v4, $0xE;
	v35 =	vld [tilespmem:s19+$0x30];
	[tilespmem:s18+$0xA030] =	vst v34  }
0x41: {  	v5 =	vshrl.u32 v5, $0xE;
	v6 =	vshrl.u32 v6, $0xE;
	v37 =	vld [tilespmem:s19+$0x40];
	[tilespmem:s18+$0xA040] =	vst v13;
	v38 =	vand.u32 $0x3FFF, v23  }
0x42: {  	v9 =	vsel vm1, v15, v36;
	v40 =	vand.u32 $0x3FF, v23;
	v13 =	vld [tilespmem:s19+$0x50];
	[tilespmem:s18+$0xA050] =	vst v14;
	v39 =	vsub.s32 v38, v0  }
0x43: {  	v42 =	vshrl.u32 v23, $0xE;
	v15 =	vadd.s32 $0x1388, v40;
	v41 =	vld [tilespmem:s19+$0x60];
	vm8 =	vlt.u32 v39, $0x1388;
	[tilespmem:s18+$0xA060] =	vst v9  }
0x44: {  	v43 =	vand.u32 $0x3FFF, v31;
	v49 =	vand.u32 $0x3FF, v31;
	[tilespmem:s18+$0x5000] =	vst v8;
	v14 =	vsel vm8, v39, v15  }
0x45: {  	v45 =	vsub.s32 v43, v0;
	v59 =	vadd.s32 $0x1388, v49;
	v44 =	vand.u32 $0x3FFF, v33;
	[tilespmem:s19+$0xA070] =	vst v14  }
0x46: {  	v52 =	vand.u32 $0x3FF, v33;
	vm9 =	vlt.u32 v45, $0x1388;
	v46 =	vand.u32 $0x3FFF, v10;
	[tilespmem:s18+$0x5010] =	vst v7  }
0x47: {  	v47 =	vsub.s32 v44, v0;
	v54 =	vand.u32 $0x3FF, v10;
	v60 =	vadd.s32 $0x1388, v52;
	[tilespmem:s18+$0x5020] =	vst v2  }
0x48: {  	v9 =	vsub.s32 v46, v0;
	v48 =	vand.u32 $0x3FFF, v35;
	v56 =	vand.u32 $0x3FF, v35;
	[tilespmem:s18+$0x5030] =	vst v3  }
0x49: {  	vm10 =	vlt.u32 v47, $0x1388;
	v61 =	vadd.s32 $0x1388, v54;
	v50 =	vsub.s32 v48, v0;
	[tilespmem:s18+$0x5040] =	vst v4  }
0x4a: {  	v51 =	vand.u32 $0x3FFF, v37;
	v57 =	vand.u32 $0x3FF, v37;
	[tilespmem:s18+$0x5060] =	vst v6;
	v6 =	vsel vm9, v45, v59  }
0x4b: {  	[tilespmem:s18+$0x5050] =	vst v5;
	vm11 =	vlt.u32 v9, $0x1388;
	v15 =	vsel vm10, v47, v60;
	v62 =	vadd.s32 $0x1388, v56  }
0x4c: {  	v2 =	vsub.s32 v51, v0;
	v53 =	vand.u32 $0x3FFF, v13;
	v58 =	vand.u32 $0x3FF, v13;
	[tilespmem:s19+$0x5070] =	vst v42  }
0x4d: {  	[tilespmem:s19+$0xA000] =	vst v6;
	vm12 =	vlt.u32 v50, $0x1388;
	v8 =	vsel vm11, v9, v61;
	v4 =	vadd.s32 $0x1388, v57  }
0x4e: {  	[tilespmem:s19+$0xA010] =	vst v15;
	v3 =	vsub.s32 v53, v0;
	v55 =	vand.u32 $0x3FFF, v41;
	v24 =	vand.u32 $0x3FF, v41  }
0x4f: {  	vm13 =	vlt.u32 v2, $0x1388;
	v6 =	vsel vm12, v50, v62;
	[tilespmem:s19+$0xA020] =	vst v8;
	v5 =	vadd.s32 $0x1388, v58  }
0x50: {  	v14 =	vsub.s32 v55, v0;
	vm14 =	vlt.u32 v3, $0x1388;
	v2 =	vsel vm13, v2, v4;
	[tilespmem:s19+$0xA030] =	vst v6  }
0x51: {  	v63 =	vadd.s32 $0x1388, v24;
	vm15 =	vlt.u32 v14, $0x1388;
	v3 =	vsel vm14, v3, v5;
	[tilespmem:s19+$0xA040] =	vst v2  }
0x52: {  	v2 =	vsel vm15, v14, v63;
	[tilespmem:s19+$0xA050] =	vst v3  }
0x53: {  	v3 =	vshrl.u32 v31, $0xE;
	[tilespmem:s19+$0xA060] =	vst v2  }
0x54: {  	v2 =	vshrl.u32 v33, $0xE;
	[tilespmem:s19+$0x5000] =	vst v3  }
0x55: {  	v3 =	vshrl.u32 v10, $0xE;
	[tilespmem:s19+$0x5010] =	vst v2  }
0x56: {  	v2 =	vshrl.u32 v35, $0xE;
	[tilespmem:s19+$0x5020] =	vst v3  }
0x57: {  	v3 =	vshrl.u32 v37, $0xE;
	[tilespmem:s19+$0x5030] =	vst v2  }
0x58: {  	v2 =	vshrl.u32 v13, $0xE;
	[tilespmem:s19+$0x5040] =	vst v3  }
0x59: {  	v3 =	vshrl.u32 v41, $0xE;
	[tilespmem:s19+$0x5050] =	vst v2  }
0x5a: {  	[tilespmem:s19+$0x5060] =	vst v3  }
0x5b: {  	[tilespmem:$0x13000] =	vst v1  }
0x5c: {  	[tilespmem:$0x13010] =	vst v1  }
0x5d: {  	[tilespmem:$0x13020] =	vst v1  }
0x5e: {  	[tilespmem:$0x13030] =	vst v1  }
0x5f: {  	[tilespmem:$0x13040] =	vst v1  }
0x60: {  	[tilespmem:$0x13050] =	vst v1  }
0x61: {  	[tilespmem:$0x13060] =	vst v1  }
0x62: {  	[tilespmem:$0x13070] =	vst v1  }
0x63: {  	[tilespmem:$0x13080] =	vst v1  }
0x64: {  	[tilespmem:$0x13090] =	vst v1  }
0x65: {  	[tilespmem:$0x130A0] =	vst v1  }
0x66: {  	[tilespmem:$0x130B0] =	vst v1  }
0x67: {  	[tilespmem:$0x130C0] =	vst v1  }
0x68: {  	[tilespmem:$0x130D0] =	vst v1  }
0x69: {  	[tilespmem:$0x130E0] =	vst v1  }
0x6a: {  	[tilespmem:$0x130F0] =	vst v1  }
0x6b: {  	[tilespmem:$0x13100] =	vst v1  }
0x6c: {  	[tilespmem:$0x13110] =	vst v1  }
0x6d: {  	[tilespmem:$0x13120] =	vst v1  }
0x6e: {  	[tilespmem:$0x13130] =	vst v1  }
0x6f: {  	[tilespmem:$0x13140] =	vst v1  }
0x70: {  	[tilespmem:$0x13150] =	vst v1  }
0x71: {  	[tilespmem:$0x13160] =	vst v1  }
0x72: {  	[tilespmem:$0x13170] =	vst v1  }
0x73: {  	[tilespmem:$0x13180] =	vst v1  }
0x74: {  	[tilespmem:$0x13190] =	vst v1  }
0x75: {  	[tilespmem:$0x131A0] =	vst v1  }
0x76: {  	[tilespmem:$0x131B0] =	vst v1  }
0x77: {  	[tilespmem:$0x131C0] =	vst v1  }
0x78: {  	[tilespmem:$0x131D0] =	vst v1  }
0x79: {  	[tilespmem:$0x131E0] =	vst v1  }
0x7a: {  	[tilespmem:$0x131F0] =	vst v1  }
0x7b: {  	[tilespmem:$0x13200] =	vst v1  }
0x7c: {  	[tilespmem:$0x13210] =	vst v1  }
0x7d: {  	[tilespmem:$0x13220] =	vst v1  }
0x7e: {  	[tilespmem:$0x13230] =	vst v1  }
0x7f: {  	[tilespmem:$0x13240] =	vst v1  }
0x80: {  	[tilespmem:$0x13250] =	vst v1  }
0x81: {  	[tilespmem:$0x13260] =	vst v1  }
0x82: {  	[tilespmem:$0x13270] =	vst v1  }
0x83: {  	[tilespmem:$0x13280] =	vst v1  }
0x84: {  	[tilespmem:$0x13290] =	vst v1  }
0x85: {  	[tilespmem:$0x132A0] =	vst v1  }
0x86: {  	[tilespmem:$0x132B0] =	vst v1  }
0x87: {  	[tilespmem:$0x132C0] =	vst v1  }
0x88: {  	[tilespmem:$0x132D0] =	vst v1  }
0x89: {  	[tilespmem:$0x132E0] =	vst v1  }
0x8a: {  	[tilespmem:$0x132F0] =	vst v1  }
0x8b: {  	[tilespmem:$0x13300] =	vst v1  }
0x8c: {  	[tilespmem:$0x13310] =	vst v1  }
0x8d: {  	[tilespmem:$0x13320] =	vst v1  }
0x8e: {  	[tilespmem:$0x13330] =	vst v1  }
0x8f: {  	[tilespmem:$0x13340] =	vst v1  }
0x90: {  	[tilespmem:$0x13350] =	vst v1  }
0x91: {  	[tilespmem:$0x13360] =	vst v1  }
0x92: {  	[tilespmem:$0x13370] =	vst v1  }
0x93: {  	[tilespmem:$0x13380] =	vst v1  }
0x94: {  	[tilespmem:$0x13390] =	vst v1  }
0x95: {  	[tilespmem:$0x133A0] =	vst v1  }
0x96: {  	[tilespmem:$0x133B0] =	vst v1  }
0x97: {  	[tilespmem:$0x133C0] =	vst v1  }
0x98: {  	p0 =	sne.s32 s6, $0x1;
	[tilespmem:$0x133D0] =	vst v1  }
.Ltmp1:
0x99: {  	[tilespmem:$0x133E0] =	vst v1;
	(pc) =	sbr.rel @!p0 .LBB2_5-.Ltmp1, $4  }
0x9a: {  	[tilespmem:$0x133F0] =	vst v1  }
0x9b: {  	[spmem:s7] =	stream.linear.scatter [tilespmem:s12], [sflag:$0x2], $0x400, $0x38;
	[tilespmem:$0x1F040] =	vst v63  }
0x9c: {  	_ =	swait.ge [sflag:s11], $0x400  }
0x9d: {  	s18 =	sadd.s32 $0xFFFFFFFF, s6;
	s19 =	smov.u32 s7;
	[sflag:s11] =	ssyncset.done $0x0  }
.LBB2_4:
0x9e: {  	p0 =	sne.s32 s18, $0x1;
	[sflag:s11] =	ssyncadd.s32 $0xFFFFFC00;
	s19 =	sadd.s32 $0x400, s19  }
.Ltmp2:
0x9f: {  	s18 =	sadd.s32 $0xFFFFFFFF, s18;
	(pc) =	sbr.rel @p0 .LBB2_4-.Ltmp2, $4  }
0xa0: {  	_ = 	snop  }
0xa1: {  	[spmem:s19] =	stream.linear.scatter [tilespmem:s12], [sflag:$0x2], $0x400, $0x38;
	[tilespmem:$0x1F040] =	vst v63  }
0xa2: {  	_ =	swait.ge [sflag:s11], $0x400  }
0xa3: {  	[sflag:s11] =	ssyncset.done $0x0  }
.LBB2_5:
0xa4: {  	[sflag:s11] =	ssyncadd.s32 $0xFFFFFC00  }
0xa5: {  	s18 =	simm.s32 $0x5000;
	[bflag:$0x0] =	sbarrier.arrive $0xFFFF  }
0xa6: {  	[tilespmem:s14], [sflag:$0x1] =	stream.indirect.gather [hbm4b:s4+s13], $0x80, s18, s13, $0xb8;
	[tilespmem:$0x1F040] =	vst v63  }
0xa7: {  	_ =	swait.ge [sflag:s15], $0x4000  }
0xa8: {  	[sflag:s15] =	ssyncset.done $0x0  }
0xa9: {  	s31 =	simm.s32 $0xA000;
	[sflag:s15] =	ssyncadd.s32 $0xFFFFC000  }
0xaa: {  	[spmem:s2] =	stream.indirect.scatter.add.f32 [tilespmem:s14], [sflag:$0x2], $0x80, s31, s13, $0xb8;
	[tilespmem:$0x1F040] =	vst v63  }
0xab: {  	_ =	swait.ge [sflag:s11], $0x4000  }
0xac: {  	s19 =	simm.s32 $0x400;
	s18 =	simm.s32 $0x80;
	[sflag:s11] =	ssyncset.done $0x0  }
.LBB2_6:
0xad: {  	s20 =	sadd.s32 $0x5000, s18  }
0xae: {  	[sflag:s11] =	ssyncadd.s32 $0xFFFFC000;
	s21 =	smov.u32 s19;
	s22 =	sadd.s32 $0x200, s19  }
0xaf: {  	[tilespmem:s14], [sflag:$0x1] =	stream.indirect.gather [hbm4b:s4+s13], $0x80, s20, s13, $0xb8;
	[tilespmem:$0x1F040] =	vst v63  }
0xb0: {  	p0 =	sne.s32 s19, $0x13A00;
	_ =	swait.ge [sflag:s15], $0x4000  }
.Ltmp3:
0xb1: {  	[sflag:s15] =	ssyncset.done $0x0;
	(pc) =	sbr.rel @p0 .LBB2_6-.Ltmp3, $4  }
0xb2: {  	s18 =	sadd.s32 $0xA000, s18;
	[sflag:s15] =	ssyncadd.s32 $0xFFFFC000  }
0xb3: {  	[spmem:s2] =	stream.indirect.scatter.add.f32 [tilespmem:s14], [sflag:$0x2], $0x80, s18, s13, $0xb8;
	[tilespmem:$0x1F040] =	vst v63  }
0xb4: {  	_ =	swait.ge [sflag:s11], $0x4000  }
0xb5: {  	s19 =	smov.u32 s22;
	s18 =	sshra.s32 s21, $0x2;
	[sflag:s11] =	ssyncset.done $0x0  }
0xb6: {  	s19 =	sadd.s32 $0x5000, s18;
	[sflag:s11] =	ssyncadd.s32 $0xFFFFC000  }
0xb7: {  	[tilespmem:s14], [sflag:$0x1] =	stream.indirect.gather [hbm4b:s4+s13], $0x80, s19, s13, $0xb8;
	[tilespmem:$0x1F040] =	vst v63  }
0xb8: {  	_ =	swait.ge [sflag:s15], $0x4000  }
0xb9: {  	[sflag:s15] =	ssyncset.done $0x0  }
0xba: {  	s30 =	sadd.s32 $0xA000, s18;
	[sflag:s15] =	ssyncadd.s32 $0xFFFFC000  }
0xbb: {  	[spmem:s2] =	stream.indirect.scatter.add.f32 [tilespmem:s14], [sflag:$0x2], $0x80, s30, s13, $0xb8;
	[tilespmem:$0x1F040] =	vst v63  }
0xbc: {  	_ =	swait.ge [sflag:s11], $0x4000  }
0xbd: {  	p0 =	sne.s32 s8, $0x1;
	[sflag:s11] =	ssyncset.done $0x0  }
.Ltmp4:
0xbe: {  	[sflag:s11] =	ssyncadd.s32 $0xFFFFC000;
	(pc) =	sbr.rel @!p0 .LBB2_9-.Ltmp4, $4  }
0xbf: {  	s31 =	sshrl.u32 s7, $0x3;
	[bflag:$0x0] =	sbarrier.arrive $0xFFFF  }
0xc0: {  	[hbm:s10], [sflag:s16] =	dma.local [spmem:s31], $0x80  }
0xc1: {  	s18 =	sadd.s32 $0xFFFFFFFF, s8;
	_ =	swait.ge [sflag:s11], $0x80  }
0xc2: {  	s20 =	smov.u32 s10;
	s19 =	sadd.s32 $0x400, s7;
	[sflag:s11] =	ssyncset.done $0x0  }
.LBB2_8:
0xc3: {  	s21 =	sshrl.u32 s19, $0x3  }
0xc4: {  	[sflag:s11] =	ssyncadd.s32 $0xFFFFFF80;
	s20 =	sadd.s32 $0x80, s20;
	p0 =	sne.s32 s18, $0x1  }
0xc5: {  	[hbm:s20], [sflag:s16] =	dma.local [spmem:s21], $0x80  }
.Ltmp5:
0xc6: {  	_ = 	snop;
	(pc) =	sbr.rel @p0 .LBB2_8-.Ltmp5, $4  }
0xc7: {  	_ = 	snop  }
0xc8: {  	s18 =	sadd.s32 $0xFFFFFFFF, s18  }
0xc9: {  	_ =	swait.ge [sflag:s11], $0x80  }
0xca: {  	s19 =	sadd.s32 $0x400, s19;
	[sflag:s11] =	ssyncset.done $0x0  }
.LBB2_9:
0xcb: {  	s17 =	sadd.s32 $0x1, s17  }
0xcc: {  	p0 =	sne.s32 s17, s9  }
.Ltmp6:
0xcd: {  	_ = 	snop;
	(pc) =	sbr.rel @p0 .LBB2_1-.Ltmp6, $2  }
0xce: {  	_ =	sdelay $0x2  }
0xcf: {  	[sflag:s11] =	ssyncadd.s32 $0xFFFFFF80  }
0xd0: {  	_ =	sfence.sel $0x180000  }
0xd1: {  	[bflag:$0x0] =	sbarrier.arrive $0xFFFF  }
0xd2: {  	p0 =	sne.s32 s1, $0x0;
	_ =	strace $0x90000050  }
0xd3: {  	s0 =	sadd.s32 @!p0 $0x100000, s0;
	[bflag:$0x2] =	sbarrier.arrive $0xFFFF  }
0xd4: {  	[sflag:s0] =	ssyncadd.tile.s32 @!p0 $0x1;
	_ =	shalt  }
.Lfunc_end2:
_tile_overlayer_lowered:
.L_overlay_start_2:
0xd5: {  	(tag) =	ssettag $0x2  }
0xd6: {  	s0 =	rddreg [dreg:$0x0];
	s2 =	stileid.u32  }
0xd7: {  	s1 =	rddreg [dreg:$0x1];
	p0 =	sne.s32 s2, $0x0  }
0xd8: {  	s3 =	rddreg [dreg:$0x2];
	[bflag:$0x3] =	sbarrier.arrive $0xFFFF;
	s2 =	simm.s32 @!p0 $0x1C02  }
0xd9: {  	[timem:s3], [sflag:s2] =	dma.local @!p0 [hbm:s0], s1  }
0xda: {  	s0 =	simm.s32 @!p0 $0x2  }
0xdb: {  	_ =	swait.ge @!p0 [sflag:s0], s1  }
0xdc: {  	s1 =	ssub.s32 @!p0 $0x0, s1;
	[sflag:s0] =	ssyncset.done @!p0 $0x0  }
0xdd: {  	[sflag:s0] =	ssyncadd.s32 @!p0 s1  }
0xde: {  	[bflag:$0x3] =	sbarrier.arrive $0xFFFF  }
0xdf: {  	_ =	shalt  }

// kernel: kernel.24.cloned.1.call-start
scs
__scs_entry_jumppad:
0x0: {  	(pc) =	sbr.rel $0x88, $3  }
0x1: {  	(tag) =	ssettag $0x0;
	lr =	simm.s32 $0x1  }
0x2: {  	[smem:$0x3F93] =	sst lr;
	_ =	strace $0xD0000000  }
0x3: {  	_ = 	snop  }
0x4: {  	_ = 	snop  }
0x5: {  	_ = 	snop  }
0x6: {  	_ = 	snop  }
0x7: {  	_ = 	snop  }
__scs_overlays_trampoline_lowered:
0x8: {  	[smem:$0x3FA2] =	sst s0  }
0x9: {  	[smem:$0x3FA3] =	sst s1  }
0xa: {  	[smem:$0x3FA4] =	sst s2  }
0xb: {  	[smem:$0x3FA5] =	sst s3  }
0xc: {  	[smem:$0x3FA6] =	sst s4  }
0xd: {  	[smem:$0x3FA7] =	sst s5  }
0xe: {  	[smem:$0x3FA8] =	sst s6  }
0xf: {  	[smem:$0x3FA9] =	sst s7  }
0x10: {  	[smem:$0x3FAA] =	sst s8  }
0x11: {  	[smem:$0x3FAB] =	sst s9;
	s0 =	simm.s32 @!p0 $0x0  }
0x12: {  	s1 =	sld [smem:$0x3F91];
	s0 =	simm.s32 @p0 $0x1  }
0x13: {  	[smem:$0x3FAC] =	sst s0;
	s0 =	simm.s32 @!p1 $0x0  }
0x14: {  	s2 =	sld [smem:$0x3F90];
	s0 =	simm.s32 @p1 $0x1  }
0x15: {  	[smem:$0x3FAD] =	sst s0;
	s0 =	simm.s32 @!p2 $0x0  }
0x16: {  	s3 =	sld [smem:$0x3FDB];
	s0 =	simm.s32 @p2 $0x1  }
0x17: {  	s4 =	simm.s32 $0x1BF5;
	[smem:$0x3FAF] =	sst s0  }
0x18: {  	s0 =	sld [smem:$0x3F92];
	_ =	swait.ge [sflag:s4], $0x0  }
0x19: {  	s7 =	sld [smem:$0x3F93]  }
0x1a: {  	s8 =	sadd.s32 $0xFFFFE003, lr  }
0x1b: {  	s9 =	sadd.s32 $0xFFFFFEF7, lr;
	s5 =	simm.s32 $0xFFFFFFFF;
	p2 =	slt.u32 s8, $0xFFFFF086  }
0x1c: {  	p1 =	slt.u32 s9, $0xF7A;
	s5 =	simm.s32 @!p2 $0x0  }
0x1d: {  	s5 =	simm.s32 @p1 $0x1;
	p0 =	seq.s32 s7, s2  }
0x1e: {  	s7 =	smul.u32 @!p0 $0xF7A, s2;
	p2 =	seq.s32 @!p0 s5, $0x0  }
0x1f: {  	s9 =	smul.u32 $0xF7A, s1;
	s8 =	simm.s32 @!p0 $0x1BF5;
	p2 =	por !p2, p0  }
0x20: {  	[sflag:s8] =	ssyncset.s32 @!p0 $0xFFFFF086;
	s6 =	sadd.s32 @!p0 s3, s7;
	s7 =	simm.s32 @!p0 $0x108  }
0x21: {  	s3 =	sadd.s32 s3, s9;
	s6 =	sadd.s32 @!p0 $0x88, s6;
	s7 =	simm.s32 @p2 $0x1082  }
0x22: {  	[simem:s7], [sflag:s8] =	dma.local @!p0 [hbm:s6], $0xF7A  }
0x23: {  	s9 =	sor.u32 $0xD0000000, s2;
	s6 =	simm.s32 $0x108;
	_ =	swait.ge @!p0 [sflag:s8], $0x0  }
0x24: {  	s3 =	sadd.s32 $0x88, s3;
	s6 =	simm.s32 @!p1 $0x1082;
	[sflag:s4] =	ssyncset.s32 $0xFFFFF086  }
0x25: {  	[simem:s6], [sflag:s4] =	dma.local [hbm:s3], $0xF7A  }
0x26: {  	[smem:$0x3F93] =	sst s1;
	(tag) =	ssettag s2;
	_ =	strace s9  }
0x27: {  	s1 =	sld [smem:$0x3FA3]  }
0x28: {  	s2 =	sld [smem:$0x3FA4]  }
0x29: {  	s4 =	sld [smem:$0x3FA6]  }
0x2a: {  	p0 =	seq.s32 s5, $0x0;
	s5 =	sld [smem:$0x3FA7]  }
0x2b: {  	s6 =	sld [smem:$0x3FA8]  }
0x2c: {  	s7 =	sld [smem:$0x3FA9]  }
0x2d: {  	s3 =	simm.s32 $0x108;
	s8 =	sld [smem:$0x3FAA]  }
0x2e: {  	s3 =	simm.s32 @!p0 $0x1082;
	s9 =	sld [smem:$0x3FAB]  }
0x2f: {  	lr =	sadd.s32 s0, s3;
	s0 =	sld [smem:$0x3FA2]  }
0x30: {  	s3 =	sld [smem:$0x3FA5]  }
0x31: {  	[smem:$0x3FAE] =	sst s10  }
0x32: {  	s10 =	sld [smem:$0x3FAC];
	_ =	sdelay $0x3  }
0x33: {  	p0 =	seq.s32 s10, $0x1;
	s10 =	sld [smem:$0x3FAE];
	_ =	sdelay $0x3  }
0x34: {  	[smem:$0x3FAE] =	sst s10  }
0x35: {  	s10 =	sld [smem:$0x3FAD];
	_ =	sdelay $0x3  }
0x36: {  	p1 =	seq.s32 s10, $0x1;
	s10 =	sld [smem:$0x3FAE];
	_ =	sdelay $0x3  }
0x37: {  	[smem:$0x3FAE] =	sst s10  }
0x38: {  	s10 =	sld [smem:$0x3FAF]  }
0x39: {  	_ = 	snop;
	(pc) =	sbr.ind lr, $3  }
0x3a: {  	_ = 	snop  }
0x3b: {  	_ = 	snop  }
0x3c: {  	p2 =	seq.s32 s10, $0x1;
	s10 =	sld [smem:$0x3FAE]  }
0x3d: {  	_ =	shalt  }
0x3e: {  	_ =	shalt  }
0x3f: {  	_ =	shalt  }
0x40: {  	_ =	shalt  }
0x41: {  	_ =	shalt  }
0x42: {  	_ =	shalt  }
0x43: {  	_ =	shalt  }
0x44: {  	_ =	shalt  }
0x45: {  	_ =	shalt  }
0x46: {  	_ =	shalt  }
0x47: {  	_ =	shalt  }
0x48: {  	_ =	shalt  }
0x49: {  	_ =	shalt  }
0x4a: {  	_ =	shalt  }
0x4b: {  	_ =	shalt  }
0x4c: {  	_ =	shalt  }
0x4d: {  	_ =	shalt  }
0x4e: {  	_ =	shalt  }
0x4f: {  	_ =	shalt  }
0x50: {  	_ =	shalt  }
0x51: {  	_ =	shalt  }
0x52: {  	_ =	shalt  }
0x53: {  	_ =	shalt  }
0x54: {  	_ =	shalt  }
0x55: {  	_ =	shalt  }
0x56: {  	_ =	shalt  }
0x57: {  	_ =	shalt  }
0x58: {  	_ =	shalt  }
0x59: {  	_ =	shalt  }
0x5a: {  	_ =	shalt  }
0x5b: {  	_ =	shalt  }
0x5c: {  	_ =	shalt  }
0x5d: {  	_ =	shalt  }
0x5e: {  	_ =	shalt  }
0x5f: {  	_ =	shalt  }
0x60: {  	_ =	shalt  }
0x61: {  	_ =	shalt  }
0x62: {  	_ =	shalt  }
0x63: {  	_ =	shalt  }
0x64: {  	_ =	shalt  }
0x65: {  	_ =	shalt  }
0x66: {  	_ =	shalt  }
0x67: {  	_ =	shalt  }
0x68: {  	_ =	shalt  }
0x69: {  	_ =	shalt  }
0x6a: {  	_ =	shalt  }
0x6b: {  	_ =	shalt  }
0x6c: {  	_ =	shalt  }
0x6d: {  	_ =	shalt  }
0x6e: {  	_ =	shalt  }
0x6f: {  	_ =	shalt  }
0x70: {  	_ =	shalt  }
0x71: {  	_ =	shalt  }
0x72: {  	_ =	shalt  }
0x73: {  	_ =	shalt  }
0x74: {  	_ =	shalt  }
0x75: {  	_ =	shalt  }
0x76: {  	_ =	shalt  }
0x77: {  	_ =	shalt  }
0x78: {  	_ =	shalt  }
0x79: {  	_ =	shalt  }
0x7a: {  	_ =	shalt  }
0x7b: {  	_ =	shalt  }
0x7c: {  	_ =	shalt  }
0x7d: {  	_ =	shalt  }
0x7e: {  	_ =	shalt  }
0x7f: {  	_ =	shalt  }
0x80: {  	_ =	shalt  }
0x81: {  	_ =	shalt  }
0x82: {  	_ =	shalt  }
0x83: {  	_ =	shalt  }
0x84: {  	_ =	shalt  }
0x85: {  	_ =	shalt  }
0x86: {  	_ =	shalt  }
0x87: {  	_ =	shalt  }
.Lfunc_end0:
.L_simem_size_0:
called_computation.4_lowered:
.L_overlay_start_0:
0x88: {  	s2 =	sld [smem:$0x3FD9]  }
0x89: {  	s3 =	sld [smem:$0x3FFE];
	_ =	sdelay $0x1  }
0x8a: {  	s1 =	srdreg.scid  }
0x8b: {  	s0 =	sand.u32 $0x1, s1  }
0x8c: {  	s16 =	sshll.u32 s0, $0xA;
	s2 =	sadd.s32 s3, s2  }
0x8d: {  	s2 =	sadd.s32 s2, s16  }
0x8e: {  	[smem:$0x3FBA] =	sst s2  }
0x8f: {  	_ = 	snop  }
0x90: {  	(tm) =	ssettm $0x1  }
0x91: {  	s17 =	sld [smem:$0x3FFB];
	_ =	sdelay $0x3  }
0x92: {  	_ =	strace s17  }
0x93: {  	s2 =	sld [smem:$0x3FFC];
	_ =	sdelay $0x3  }
0x94: {  	_ =	strace s2  }
0x95: {  	s2 =	sld [smem:$0x3FFD];
	_ =	sdelay $0x3  }
0x96: {  	_ =	strace s2  }
0x97: {  	_ =	strace $0x8FFFFFFF  }
0x98: {  	s18 =	sld [smem:$0x3FDB];
	_ =	sdelay $0x1  }
0x99: {  	s19 =	simm.s32 $_scs_section_size  }
0x9a: {  	s4 =	simm.s32 $_size__tile_overlayer_lowered;
	s5 =	simm.s32 $_tile_overlayer_lowered  }
0x9b: {  	s22 =	simm.s32 $0x1BFF;
	s21 =	sshll.u32 s5, $0x1;
	s2 =	sadd.s32 s19, s18  }
0x9c: {  	s6 =	simm.s32 $0x0;
	s20 =	sshll.u32 s4, $0x1;
	s4 =	sadd.s32 s21, s2  }
0x9d: {  	[timem:s6], [sflag:s22] =	dma.local [hbm:s4], s20  }
0x9e: {  	_ =	swait.ge [sflag:s22], s20  }
0x9f: {  	s3 =	ssub.s32 $0x0, s20;
	[sflag:s22] =	ssyncset.done $0x0  }
0xa0: {  	[sflag:s22] =	ssyncadd.s32 s3;
	_ =	sdelay $0x1  }
0xa1: {  	s23 =	simm.s32 $0x1B8B  }
0xa2: {  	_ =	swait.ge [sflag:s23], $0x1  }
0xa3: {  	[sflag:s23] =	ssyncset.done $0x0  }
0xa4: {  	s25 =	simm.s32 $0x1B8E;
	s24 =	sld [smem:$0x3FFE];
	[sflag:s23] =	ssyncadd.s32 $0xFFFFFFFF  }
0xa5: {  	s26 =	simm.s32 $execute0_lowered;
	[smem:$0x3FD2] =	sst s25  }
0xa6: {  	s4 =	sshll.u32 s26, $0x1;
	_ =	strace $0x80000052;
	[dreg:$0x1] =	wrdreg $0xFFFFFFFF  }
0xa7: {  	s28 =	simm.s32 $_size_execute0_lowered;
	s2 =	sadd.s32 s2, s4;
	[dreg:$0x0] =	wrdreg $0x0  }
0xa8: {  	s4 =	sshll.u32 s28, $0x1;
	[dreg:$0x2] =	wrdreg s2  }
0xa9: {  	[dreg:$0x3] =	wrdreg s4  }
0xaa: {  	[dreg:$0x4] =	wrdreg $0xC0  }
0xab: {  	_ =	task [dreg:s6], $0x5FFFF  }
0xac: {  	[dreg:$0x1] =	wrdreg $0xFFFFFFFF  }
0xad: {  	[dreg:$0x0] =	wrdreg $0x60  }
0xae: {  	[dreg:$0x2] =	wrdreg s24  }
0xaf: {  	[dreg:$0x3] =	wrdreg $0x134000  }
0xb0: {  	[dreg:$0x4] =	wrdreg $0x9  }
0xb1: {  	_ =	task.clear_ibuf [dreg:s6], $0x5FFFF;
	_ =	strace $0x90000052  }
0xb2: {  	s29 =	simm.s32 $0x9;
	_ =	strace $0x80000054  }
0xb3: {  	_ =	swait.ge [sflag:s29], $0x1  }
0xb4: {  	[sflag:s29] =	ssyncadd.s32 $0xFFFFFFFF  }
0xb5: {  	_ =	strace $0x90000054  }
0xb6: {  	_ =	sfence  }
0xb7: {  	s30 =	sld [smem:$0x0];
	_ =	sdelay $0x2  }
0xb8: {  	s31 =	sshll.u32 s1, $0xD;
	s1 =	sshrl.u32 s1, $0x2  }
0xb9: {  	s3 =	sand.u32 $0x4000, s31;
	s1 =	sadd.s32 s1, s30  }
0xba: {  	s0 =	sor.u32 s3, s0;
	s1 =	sshll.u32 s1, $0x11  }
0xbb: {  	s0 =	sor.u32 s1, s0  }
0xbc: {  	s0 =	sadd.s32 $0x8F2B, s0  }
0xbd: {  	[sflag:s0] =	ssyncadd.remote.s32 $0x1  }
0xbe: {  	_ =	sfence.sel $0xFFFF  }
0xbf: {  	[dreg:$0x0] =	wrdreg $0xFFFFFFFF;
	(pc) =	sbr.abs _section_cstart, $3  }
0xc0: {  	[dreg:$0x1] =	wrdreg $0xFFFFFFFF  }
0xc1: {  	_ =	task.clear_ibuf [dreg:s6], $0x2FFFF;
	_ =	strace $0x9FFFFFFF  }
0xc2: {  	(tm) =	ssettm $0x7FFFFFFF  }
0xc3: {  	_ =	shalt  }
tec
execute0_lowered:
.L_overlay_start_1:
0x0: {  	(tag) =	ssettag $0x1  }
0x1: {  	s5 =	rddreg [dreg:$0x0]  }
0x2: {  	s2 =	rddreg [dreg:$0x1]  }
0x3: {  	s0 =	rddreg [dreg:$0x2]  }
0x4: {  	s3 =	simm.s32 $0x0;
	s1 =	stileid.u32;
	s4 =	srdreg.scid  }
0x5: {  	s12 =	simm.s32 $0x13000;
	s13 =	simm.s32 $0x80;
	s14 =	simm.s32 $0xF000  }
0x6: {  	s17 =	simm.s32 $0x0;
	[smem:$0x7FF] =	sst s3;
	s6 =	smul.u32 $0xA00, s1  }
0x7: {  	s7 =	sand.u32 $0x1, s4;
	s4 =	sadd.s32 $0x10200, s5;
	s29 =	smul.u32 $0x27000, s1  }
0x8: {  	p0 =	seq.s32 s1, $0xF;
	s31 =	smul.u32 $0x1380, s1;
	s16 =	sshll.u32 s1, $0x6  }
0x9: {  	_ =	strace $0x80000053;
	s8 =	smul.u32 $0x13880, s7;
	s9 =	ssub.s32 $0x2, s7  }
0xa: {  	s15 =	smul.u32 $0x1388, s7;
	s16 =	sor.u32 $0x1C02, s16;
	s6 =	sadd.s32 s6, s5  }
0xb: {  	s10 =	sshrl.u32 s9, $0x1;
	s30 =	sshrl.u32 s29, $0x2;
	s11 =	sadd.s32 s8, s5  }
0xc: {  	s9 =	ssub.s32 s9, s10;
	s5 =	sadd.s32 $0x6200, s6;
	s6 =	simm.s32 $0x29  }
0xd: {  	s7 =	sadd.s32 s30, s2;
	s8 =	simm.s32 $0x28;
	v0 =	vmov s15;
	s15 =	simm.s32 $0x1  }
0xe: {  	s6 =	simm.s32 @!p0 $0x27;
	s8 =	simm.s32 @!p0 $0x27;
	s10 =	sadd.s32 s31, s11  }
0xf: {  	v1 =	vimm.f32 $0.0e+00;
	s9 =	smax.u32 s9, $0x1;
	s11 =	simm.s32 $0x2;
	s10 =	sadd.s32 $0x37400, s10  }
.LBB2_1:
0x10: {  	[tilespmem:s3], [sflag:$0x2] =	stream.linear.gather [hbm4b:s5+s3], $0x4F00, $0x38;
	[tilespmem:$0x1F040] =	vst v63  }
0x11: {  	_ =	swait.ge [sflag:s11], $0x4F00  }
0x12: {  	[sflag:s11] =	ssyncset.done $0x0  }
0x13: {  	s18 =	simm.s32 $0x0;
	[sflag:s11] =	ssyncadd.s32 $0xFFFFB100  }
0x14: {  	v6 =	vld [tilespmem:s18+$0x70]  }
0x15: {  	v8 =	vld [tilespmem:s18+$0x0]  }
0x16: {  	v7 =	vld [tilespmem:s18+$0x10]  }
0x17: {  	v2 =	vld [tilespmem:s18+$0x20]  }
0x18: {  	v3 =	vld [tilespmem:s18+$0x30]  }
0x19: {  	v5 =	vld [tilespmem:s18+$0x50]  }
0x1a: {  	v4 =	vld [tilespmem:s18+$0x40]  }
0x1b: {  	v17 =	vshrl.u32 v6, $0xE;
	v9 =	vand.u32 $0x3FFF, v6  }
0x1c: {  	v10 =	vand.u32 $0x3FFF, v8;
	v11 =	vand.u32 $0x3FF, v6;
	v12 =	vand.u32 $0x3FFF, v7  }
0x1d: {  	v13 =	vand.u32 $0x3FFF, v2;
	v19 =	vand.u32 $0x3FF, v8;
	v20 =	vand.u32 $0x3FF, v7  }
0x1e: {  	v14 =	vand.u32 $0x3FFF, v5;
	v23 =	vand.u32 $0x3FF, v2;
	v24 =	vand.u32 $0x3FF, v3  }
0x1f: {  	v25 =	vand.u32 $0x3FF, v4;
	v26 =	vand.u32 $0x3FF, v5;
	v9 =	vsub.s32 v9, v0  }
0x20: {  	v11 =	vadd.s32 $0x1388, v11;
	v10 =	vsub.s32 v10, v0;
	v12 =	vsub.s32 v12, v0  }
0x21: {  	v6 =	vld [tilespmem:s18+$0x60];
	v14 =	vsub.s32 v14, v0;
	v22 =	vadd.s32 $0x1388, v19;
	v21 =	vadd.s32 $0x1388, v20  }
0x22: {  	[tilespmem:s18+$0x5070] =	vst v17;
	v20 =	vadd.s32 $0x1388, v24;
	v19 =	vadd.s32 $0x1388, v25;
	v17 =	vadd.s32 $0x1388, v26  }
0x23: {  	vm0 =	vlt.u32 v9, $0x1388;
	vm5 =	vlt.u32 v10, $0x1388;
	vm6 =	vlt.u32 v12, $0x1388  }
0x24: {  	v18 =	vsel vm0, v9, v11;
	v9 =	vsub.s32 v13, v0;
	v11 =	vand.u32 $0x3FFF, v3  }
0x25: {  	v13 =	vand.u32 $0x3FFF, v4;
	vm0 =	vlt.u32 v14, $0x1388;
	v11 =	vsub.s32 v11, v0  }
0x26: {  	v13 =	vsub.s32 v13, v0;
	vm4 =	vlt.u32 v9, $0x1388;
	v15 =	vand.u32 $0x3FFF, v6  }
0x27: {  	[tilespmem:s18+$0xA070] =	vst v18;
	v18 =	vadd.s32 $0x1388, v23;
	v16 =	vand.u32 $0x3FF, v6;
	v15 =	vsub.s32 v15, v0  }
0x28: {  	s19 =	simm.s32 $0x80;
	s20 =	simm.s32 $0x400;
	vm2 =	vlt.u32 v11, $0x1388;
	vm3 =	vlt.u32 v13, $0x1388;
	vm1 =	vlt.u32 v15, $0x1388  }
.LBB2_2:
0x29: {  	p0 =	sne.s32 s20, $0x13A00;
	v23 =	vld [tilespmem:s19+$0x70];
	v10 =	vsel vm5, v10, v22;
	v12 =	vsel vm6, v12, v21;
	v16 =	vadd.s32 $0x1388, v16  }
0x2a: {  	v9 =	vsel vm4, v9, v18;
	v21 =	vld [tilespmem:s19+$0x0];
	[tilespmem:s18+$0xA000] =	vst v10;
	v10 =	vsel vm2, v11, v20;
	v11 =	vsel vm3, v13, v19  }
0x2b: {  	v18 =	vshrl.u32 v8, $0xE;
	v8 =	vsel vm0, v14, v17;
	v13 =	vld [tilespmem:s19+$0x10];
	[tilespmem:s18+$0xA010] =	vst v12;
	v12 =	vsel vm1, v15, v16  }
0x2c: {  	v14 =	vshrl.u32 v7, $0xE;
	v15 =	vshrl.u32 v2, $0xE;
	v16 =	vshrl.u32 v3, $0xE;
	v2 =	vld [tilespmem:s19+$0x20];
	[tilespmem:s18+$0xA020] =	vst v9  }
0x2d: {  	v17 =	vshrl.u32 v4, $0xE;
	v19 =	vshrl.u32 v5, $0xE;
	v20 =	vshrl.u32 v6, $0xE;
	v3 =	vld [tilespmem:s19+$0x30];
	[tilespmem:s18+$0xA030] =	vst v10  }
0x2e: {  	v4 =	vld [tilespmem:s19+$0x40];
	v22 =	vshrl.u32 v23, $0xE;
	v6 =	vand.u32 $0x3FFF, v23;
	[tilespmem:s18+$0xA040] =	vst v11  }
0x2f: {  	v10 =	vand.u32 $0x3FF, v23;
	v9 =	vand.u32 $0x3FFF, v21;
	v5 =	vld [tilespmem:s19+$0x50];
	v11 =	vsub.s32 v6, v0;
	[tilespmem:s18+$0xA050] =	vst v8;
	v8 =	vmovc v21  }
0x30: {  	v23 =	vadd.s32 $0x1388, v10;
	v21 =	vand.u32 $0x3FFF, v13;
	v6 =	vld [tilespmem:s19+$0x60];
	vm0 =	vlt.u32 v11, $0x1388;
	[tilespmem:s18+$0xA060] =	vst v12;
	v7 =	vmovc v13  }
0x31: {  	v10 =	vsub.s32 v9, v0;
	v9 =	vand.u32 $0x3FFF, v2;
	v11 =	vsel vm0, v11, v23;
	[tilespmem:s18+$0x5000] =	vst v18  }
0x32: {  	v12 =	vsub.s32 v21, v0;
	v9 =	vsub.s32 v9, v0;
	v13 =	vand.u32 $0x3FFF, v3;
	[tilespmem:s19+$0xA070] =	vst v11  }
0x33: {  	v18 =	vand.u32 $0x3FF, v8;
	v11 =	vsub.s32 v13, v0;
	v13 =	vand.u32 $0x3FFF, v4;
	[tilespmem:s18+$0x5010] =	vst v14  }
0x34: {  	v21 =	vand.u32 $0x3FF, v7;
	v13 =	vsub.s32 v13, v0;
	v14 =	vand.u32 $0x3FFF, v5;
	[tilespmem:s18+$0x5020] =	vst v15  }
0x35: {  	v23 =	vand.u32 $0x3FF, v2;
	v14 =	vsub.s32 v14, v0;
	v15 =	vand.u32 $0x3FFF, v6;
	[tilespmem:s18+$0x5030] =	vst v16  }
0x36: {  	v24 =	vand.u32 $0x3FF, v3;
	v25 =	vand.u32 $0x3FF, v4;
	v15 =	vsub.s32 v15, v0;
	[tilespmem:s18+$0x5040] =	vst v17  }
.Ltmp0:
0x37: {  	vm5 =	vlt.u32 v10, $0x1388;
	v16 =	vand.u32 $0x3FF, v6;
	v17 =	vand.u32 $0x3FF, v5;
	[tilespmem:s18+$0x5050] =	vst v19;
	(pc) =	sbr.rel @p0 .LBB2_2-.Ltmp0, $4  }
0x38: {  	vm6 =	vlt.u32 v12, $0x1388;
	vm4 =	vlt.u32 v9, $0x1388;
	vm2 =	vlt.u32 v11, $0x1388;
	[tilespmem:s18+$0x5060] =	vst v20;
	s18 =	smov.u32 s19  }
0x39: {  	vm3 =	vlt.u32 v13, $0x1388;
	vm0 =	vlt.u32 v14, $0x1388;
	vm1 =	vlt.u32 v15, $0x1388;
	[tilespmem:s18+$0x5070] =	vst v22  }
0x3a: {  	v21 =	vadd.s32 $0x1388, v21;
	v22 =	vadd.s32 $0x1388, v18;
	v18 =	vadd.s32 $0x1388, v23  }
0x3b: {  	v19 =	vadd.s32 $0x1388, v25;
	v17 =	vadd.s32 $0x1388, v17;
	s19 =	sshra.s32 s20, $0x2;
	s20 =	sadd.s32 $0x200, s20;
	v20 =	vadd.s32 $0x1388, v24  }
0x3c: {  	v23 =	vld [tilespmem:s19+$0x70];
	v10 =	vsel vm5, v10, v22  }
0x3d: {  	v31 =	vld [tilespmem:s19+$0x0];
	v32 =	vsel vm6, v12, v21;
	v9 =	vsel vm4, v9, v18;
	[tilespmem:s18+$0xA000] =	vst v10  }
0x3e: {  	v34 =	vsel vm2, v11, v20;
	v36 =	vadd.s32 $0x1388, v16;
	v13 =	vsel vm3, v13, v19;
	v33 =	vld [tilespmem:s19+$0x10];
	[tilespmem:s18+$0xA010] =	vst v32  }
0x3f: {  	v8 =	vshrl.u32 v8, $0xE;
	v14 =	vsel vm0, v14, v17;
	v7 =	vshrl.u32 v7, $0xE;
	v10 =	vld [tilespmem:s19+$0x20];
	[tilespmem:s18+$0xA020] =	vst v9  }
0x40: {  	v2 =	vshrl.u32 v2, $0xE;
	v3 =	vshrl.u32 v3, $0xE;
	v4 =	vshrl.u32 v4, $0xE;
	v35 =	vld [tilespmem:s19+$0x30];
	[tilespmem:s18+$0xA030] =	vst v34  }
0x41: {  	v5 =	vshrl.u32 v5, $0xE;
	v6 =	vshrl.u32 v6, $0xE;
	v37 =	vld [tilespmem:s19+$0x40];
	[tilespmem:s18+$0xA040] =	vst v13;
	v38 =	vand.u32 $0x3FFF, v23  }
0x42: {  	v9 =	vsel vm1, v15, v36;
	v40 =	vand.u32 $0x3FF, v23;
	v13 =	vld [tilespmem:s19+$0x50];
	[tilespmem:s18+$0xA050] =	vst v14;
	v39 =	vsub.s32 v38, v0  }
0x43: {  	v42 =	vshrl.u32 v23, $0xE;
	v15 =	vadd.s32 $0x1388, v40;
	v41 =	vld [tilespmem:s19+$0x60];
	vm8 =	vlt.u32 v39, $0x1388;
	[tilespmem:s18+$0xA060] =	vst v9  }
0x44: {  	v43 =	vand.u32 $0x3FFF, v31;
	v49 =	vand.u32 $0x3FF, v31;
	[tilespmem:s18+$0x5000] =	vst v8;
	v14 =	vsel vm8, v39, v15  }
0x45: {  	v45 =	vsub.s32 v43, v0;
	v59 =	vadd.s32 $0x1388, v49;
	v44 =	vand.u32 $0x3FFF, v33;
	[tilespmem:s19+$0xA070] =	vst v14  }
0x46: {  	v52 =	vand.u32 $0x3FF, v33;
	vm9 =	vlt.u32 v45, $0x1388;
	v46 =	vand.u32 $0x3FFF, v10;
	[tilespmem:s18+$0x5010] =	vst v7  }
0x47: {  	v47 =	vsub.s32 v44, v0;
	v54 =	vand.u32 $0x3FF, v10;
	v60 =	vadd.s32 $0x1388, v52;
	[tilespmem:s18+$0x5020] =	vst v2  }
0x48: {  	v9 =	vsub.s32 v46, v0;
	v48 =	vand.u32 $0x3FFF, v35;
	v56 =	vand.u32 $0x3FF, v35;
	[tilespmem:s18+$0x5030] =	vst v3  }
0x49: {  	vm10 =	vlt.u32 v47, $0x1388;
	v61 =	vadd.s32 $0x1388, v54;
	v50 =	vsub.s32 v48, v0;
	[tilespmem:s18+$0x5040] =	vst v4  }
0x4a: {  	v51 =	vand.u32 $0x3FFF, v37;
	v57 =	vand.u32 $0x3FF, v37;
	[tilespmem:s18+$0x5060] =	vst v6;
	v6 =	vsel vm9, v45, v59  }
0x4b: {  	[tilespmem:s18+$0x5050] =	vst v5;
	vm11 =	vlt.u32 v9, $0x1388;
	v15 =	vsel vm10, v47, v60;
	v62 =	vadd.s32 $0x1388, v56  }
0x4c: {  	v2 =	vsub.s32 v51, v0;
	v53 =	vand.u32 $0x3FFF, v13;
	v58 =	vand.u32 $0x3FF, v13;
	[tilespmem:s19+$0x5070] =	vst v42  }
0x4d: {  	[tilespmem:s19+$0xA000] =	vst v6;
	vm12 =	vlt.u32 v50, $0x1388;
	v8 =	vsel vm11, v9, v61;
	v4 =	vadd.s32 $0x1388, v57  }
0x4e: {  	[tilespmem:s19+$0xA010] =	vst v15;
	v3 =	vsub.s32 v53, v0;
	v55 =	vand.u32 $0x3FFF, v41;
	v24 =	vand.u32 $0x3FF, v41  }
0x4f: {  	vm13 =	vlt.u32 v2, $0x1388;
	v6 =	vsel vm12, v50, v62;
	[tilespmem:s19+$0xA020] =	vst v8;
	v5 =	vadd.s32 $0x1388, v58  }
0x50: {  	v14 =	vsub.s32 v55, v0;
	vm14 =	vlt.u32 v3, $0x1388;
	v2 =	vsel vm13, v2, v4;
	[tilespmem:s19+$0xA030] =	vst v6  }
0x51: {  	v63 =	vadd.s32 $0x1388, v24;
	vm15 =	vlt.u32 v14, $0x1388;
	v3 =	vsel vm14, v3, v5;
	[tilespmem:s19+$0xA040] =	vst v2  }
0x52: {  	v2 =	vsel vm15, v14, v63;
	[tilespmem:s19+$0xA050] =	vst v3  }
0x53: {  	v3 =	vshrl.u32 v31, $0xE;
	[tilespmem:s19+$0xA060] =	vst v2  }
0x54: {  	v2 =	vshrl.u32 v33, $0xE;
	[tilespmem:s19+$0x5000] =	vst v3  }
0x55: {  	v3 =	vshrl.u32 v10, $0xE;
	[tilespmem:s19+$0x5010] =	vst v2  }
0x56: {  	v2 =	vshrl.u32 v35, $0xE;
	[tilespmem:s19+$0x5020] =	vst v3  }
0x57: {  	v3 =	vshrl.u32 v37, $0xE;
	[tilespmem:s19+$0x5030] =	vst v2  }
0x58: {  	v2 =	vshrl.u32 v13, $0xE;
	[tilespmem:s19+$0x5040] =	vst v3  }
0x59: {  	v3 =	vshrl.u32 v41, $0xE;
	[tilespmem:s19+$0x5050] =	vst v2  }
0x5a: {  	[tilespmem:s19+$0x5060] =	vst v3  }
0x5b: {  	[tilespmem:$0x13000] =	vst v1  }
0x5c: {  	[tilespmem:$0x13010] =	vst v1  }
0x5d: {  	[tilespmem:$0x13020] =	vst v1  }
0x5e: {  	[tilespmem:$0x13030] =	vst v1  }
0x5f: {  	[tilespmem:$0x13040] =	vst v1  }
0x60: {  	[tilespmem:$0x13050] =	vst v1  }
0x61: {  	[tilespmem:$0x13060] =	vst v1  }
0x62: {  	[tilespmem:$0x13070] =	vst v1  }
0x63: {  	[tilespmem:$0x13080] =	vst v1  }
0x64: {  	[tilespmem:$0x13090] =	vst v1  }
0x65: {  	[tilespmem:$0x130A0] =	vst v1  }
0x66: {  	[tilespmem:$0x130B0] =	vst v1  }
0x67: {  	[tilespmem:$0x130C0] =	vst v1  }
0x68: {  	[tilespmem:$0x130D0] =	vst v1  }
0x69: {  	[tilespmem:$0x130E0] =	vst v1  }
0x6a: {  	[tilespmem:$0x130F0] =	vst v1  }
0x6b: {  	[tilespmem:$0x13100] =	vst v1  }
0x6c: {  	[tilespmem:$0x13110] =	vst v1  }
0x6d: {  	[tilespmem:$0x13120] =	vst v1  }
0x6e: {  	[tilespmem:$0x13130] =	vst v1  }
0x6f: {  	[tilespmem:$0x13140] =	vst v1  }
0x70: {  	[tilespmem:$0x13150] =	vst v1  }
0x71: {  	[tilespmem:$0x13160] =	vst v1  }
0x72: {  	[tilespmem:$0x13170] =	vst v1  }
0x73: {  	[tilespmem:$0x13180] =	vst v1  }
0x74: {  	[tilespmem:$0x13190] =	vst v1  }
0x75: {  	[tilespmem:$0x131A0] =	vst v1  }
0x76: {  	[tilespmem:$0x131B0] =	vst v1  }
0x77: {  	[tilespmem:$0x131C0] =	vst v1  }
0x78: {  	[tilespmem:$0x131D0] =	vst v1  }
0x79: {  	[tilespmem:$0x131E0] =	vst v1  }
0x7a: {  	[tilespmem:$0x131F0] =	vst v1  }
0x7b: {  	[tilespmem:$0x13200] =	vst v1  }
0x7c: {  	[tilespmem:$0x13210] =	vst v1  }
0x7d: {  	[tilespmem:$0x13220] =	vst v1  }
0x7e: {  	[tilespmem:$0x13230] =	vst v1  }
0x7f: {  	[tilespmem:$0x13240] =	vst v1  }
0x80: {  	[tilespmem:$0x13250] =	vst v1  }
0x81: {  	[tilespmem:$0x13260] =	vst v1  }
0x82: {  	[tilespmem:$0x13270] =	vst v1  }
0x83: {  	[tilespmem:$0x13280] =	vst v1  }
0x84: {  	[tilespmem:$0x13290] =	vst v1  }
0x85: {  	[tilespmem:$0x132A0] =	vst v1  }
0x86: {  	[tilespmem:$0x132B0] =	vst v1  }
0x87: {  	[tilespmem:$0x132C0] =	vst v1  }
0x88: {  	[tilespmem:$0x132D0] =	vst v1  }
0x89: {  	[tilespmem:$0x132E0] =	vst v1  }
0x8a: {  	[tilespmem:$0x132F0] =	vst v1  }
0x8b: {  	[tilespmem:$0x13300] =	vst v1  }
0x8c: {  	[tilespmem:$0x13310] =	vst v1  }
0x8d: {  	[tilespmem:$0x13320] =	vst v1  }
0x8e: {  	[tilespmem:$0x13330] =	vst v1  }
0x8f: {  	[tilespmem:$0x13340] =	vst v1  }
0x90: {  	[tilespmem:$0x13350] =	vst v1  }
0x91: {  	[tilespmem:$0x13360] =	vst v1  }
0x92: {  	[tilespmem:$0x13370] =	vst v1  }
0x93: {  	[tilespmem:$0x13380] =	vst v1  }
0x94: {  	[tilespmem:$0x13390] =	vst v1  }
0x95: {  	[tilespmem:$0x133A0] =	vst v1  }
0x96: {  	[tilespmem:$0x133B0] =	vst v1  }
0x97: {  	[tilespmem:$0x133C0] =	vst v1  }
0x98: {  	p0 =	sne.s32 s6, $0x1;
	[tilespmem:$0x133D0] =	vst v1  }
.Ltmp1:
0x99: {  	[tilespmem:$0x133E0] =	vst v1;
	(pc) =	sbr.rel @!p0 .LBB2_5-.Ltmp1, $4  }
0x9a: {  	[tilespmem:$0x133F0] =	vst v1  }
0x9b: {  	[spmem:s7] =	stream.linear.scatter [tilespmem:s12], [sflag:$0x2], $0x400, $0x38;
	[tilespmem:$0x1F040] =	vst v63  }
0x9c: {  	_ =	swait.ge [sflag:s11], $0x400  }
0x9d: {  	s18 =	sadd.s32 $0xFFFFFFFF, s6;
	s19 =	smov.u32 s7;
	[sflag:s11] =	ssyncset.done $0x0  }
.LBB2_4:
0x9e: {  	p0 =	sne.s32 s18, $0x1;
	[sflag:s11] =	ssyncadd.s32 $0xFFFFFC00;
	s19 =	sadd.s32 $0x400, s19  }
.Ltmp2:
0x9f: {  	s18 =	sadd.s32 $0xFFFFFFFF, s18;
	(pc) =	sbr.rel @p0 .LBB2_4-.Ltmp2, $4  }
0xa0: {  	_ = 	snop  }
0xa1: {  	[spmem:s19] =	stream.linear.scatter [tilespmem:s12], [sflag:$0x2], $0x400, $0x38;
	[tilespmem:$0x1F040] =	vst v63  }
0xa2: {  	_ =	swait.ge [sflag:s11], $0x400  }
0xa3: {  	[sflag:s11] =	ssyncset.done $0x0  }
.LBB2_5:
0xa4: {  	[sflag:s11] =	ssyncadd.s32 $0xFFFFFC00  }
0xa5: {  	s18 =	simm.s32 $0x5000;
	[bflag:$0x0] =	sbarrier.arrive $0xFFFF  }
0xa6: {  	[tilespmem:s14], [sflag:$0x1] =	stream.indirect.gather [hbm4b:s4+s13], $0x80, s18, s13, $0xb8;
	[tilespmem:$0x1F040] =	vst v63  }
0xa7: {  	_ =	swait.ge [sflag:s15], $0x4000  }
0xa8: {  	[sflag:s15] =	ssyncset.done $0x0  }
0xa9: {  	s31 =	simm.s32 $0xA000;
	[sflag:s15] =	ssyncadd.s32 $0xFFFFC000  }
0xaa: {  	[spmem:s2] =	stream.indirect.scatter.add.f32 [tilespmem:s14], [sflag:$0x2], $0x80, s31, s13, $0xb8;
	[tilespmem:$0x1F040] =	vst v63  }
0xab: {  	_ =	swait.ge [sflag:s11], $0x4000  }
0xac: {  	s19 =	simm.s32 $0x400;
	s18 =	simm.s32 $0x80;
	[sflag:s11] =	ssyncset.done $0x0  }
.LBB2_6:
0xad: {  	s20 =	sadd.s32 $0x5000, s18  }
0xae: {  	[sflag:s11] =	ssyncadd.s32 $0xFFFFC000;
	s21 =	smov.u32 s19;
	s22 =	sadd.s32 $0x200, s19  }
0xaf: {  	[tilespmem:s14], [sflag:$0x1] =	stream.indirect.gather [hbm4b:s4+s13], $0x80, s20, s13, $0xb8;
	[tilespmem:$0x1F040] =	vst v63  }
0xb0: {  	p0 =	sne.s32 s19, $0x13A00;
	_ =	swait.ge [sflag:s15], $0x4000  }
.Ltmp3:
0xb1: {  	[sflag:s15] =	ssyncset.done $0x0;
	(pc) =	sbr.rel @p0 .LBB2_6-.Ltmp3, $4  }
0xb2: {  	s18 =	sadd.s32 $0xA000, s18;
	[sflag:s15] =	ssyncadd.s32 $0xFFFFC000  }
0xb3: {  	[spmem:s2] =	stream.indirect.scatter.add.f32 [tilespmem:s14], [sflag:$0x2], $0x80, s18, s13, $0xb8;
	[tilespmem:$0x1F040] =	vst v63  }
0xb4: {  	_ =	swait.ge [sflag:s11], $0x4000  }
0xb5: {  	s19 =	smov.u32 s22;
	s18 =	sshra.s32 s21, $0x2;
	[sflag:s11] =	ssyncset.done $0x0  }
0xb6: {  	s19 =	sadd.s32 $0x5000, s18;
	[sflag:s11] =	ssyncadd.s32 $0xFFFFC000  }
0xb7: {  	[tilespmem:s14], [sflag:$0x1] =	stream.indirect.gather [hbm4b:s4+s13], $0x80, s19, s13, $0xb8;
	[tilespmem:$0x1F040] =	vst v63  }
0xb8: {  	_ =	swait.ge [sflag:s15], $0x4000  }
0xb9: {  	[sflag:s15] =	ssyncset.done $0x0  }
0xba: {  	s30 =	sadd.s32 $0xA000, s18;
	[sflag:s15] =	ssyncadd.s32 $0xFFFFC000  }
0xbb: {  	[spmem:s2] =	stream.indirect.scatter.add.f32 [tilespmem:s14], [sflag:$0x2], $0x80, s30, s13, $0xb8;
	[tilespmem:$0x1F040] =	vst v63  }
0xbc: {  	_ =	swait.ge [sflag:s11], $0x4000  }
0xbd: {  	p0 =	sne.s32 s8, $0x1;
	[sflag:s11] =	ssyncset.done $0x0  }
.Ltmp4:
0xbe: {  	[sflag:s11] =	ssyncadd.s32 $0xFFFFC000;
	(pc) =	sbr.rel @!p0 .LBB2_9-.Ltmp4, $4  }
0xbf: {  	s31 =	sshrl.u32 s7, $0x3;
	[bflag:$0x0] =	sbarrier.arrive $0xFFFF  }
0xc0: {  	[hbm:s10], [sflag:s16] =	dma.local [spmem:s31], $0x80  }
0xc1: {  	s18 =	sadd.s32 $0xFFFFFFFF, s8;
	_ =	swait.ge [sflag:s11], $0x80  }
0xc2: {  	s20 =	smov.u32 s10;
	s19 =	sadd.s32 $0x400, s7;
	[sflag:s11] =	ssyncset.done $0x0  }
.LBB2_8:
0xc3: {  	s21 =	sshrl.u32 s19, $0x3  }
0xc4: {  	[sflag:s11] =	ssyncadd.s32 $0xFFFFFF80;
	s20 =	sadd.s32 $0x80, s20;
	p0 =	sne.s32 s18, $0x1  }
0xc5: {  	[hbm:s20], [sflag:s16] =	dma.local [spmem:s21], $0x80  }
.Ltmp5:
0xc6: {  	_ = 	snop;
	(pc) =	sbr.rel @p0 .LBB2_8-.Ltmp5, $4  }
0xc7: {  	_ = 	snop  }
0xc8: {  	s18 =	sadd.s32 $0xFFFFFFFF, s18  }
0xc9: {  	_ =	swait.ge [sflag:s11], $0x80  }
0xca: {  	s19 =	sadd.s32 $0x400, s19;
	[sflag:s11] =	ssyncset.done $0x0  }
.LBB2_9:
0xcb: {  	s17 =	sadd.s32 $0x1, s17  }
0xcc: {  	p0 =	sne.s32 s17, s9  }
.Ltmp6:
0xcd: {  	_ = 	snop;
	(pc) =	sbr.rel @p0 .LBB2_1-.Ltmp6, $2  }
0xce: {  	_ =	sdelay $0x2  }
0xcf: {  	[sflag:s11] =	ssyncadd.s32 $0xFFFFFF80  }
0xd0: {  	_ =	sfence.sel $0x180000  }
0xd1: {  	[bflag:$0x0] =	sbarrier.arrive $0xFFFF  }
0xd2: {  	p0 =	sne.s32 s1, $0x0;
	_ =	strace $0x90000053  }
0xd3: {  	s0 =	sadd.s32 @!p0 $0x100000, s0;
	[bflag:$0x2] =	sbarrier.arrive $0xFFFF  }
0xd4: {  	[sflag:s0] =	ssyncadd.tile.s32 @!p0 $0x1;
	_ =	shalt  }
.Lfunc_end2:
_tile_overlayer_lowered:
.L_overlay_start_2:
0xd5: {  	(tag) =	ssettag $0x2  }
0xd6: {  	s0 =	rddreg [dreg:$0x0];
	s2 =	stileid.u32  }
0xd7: {  	s1 =	rddreg [dreg:$0x1];
	p0 =	sne.s32 s2, $0x0  }
0xd8: {  	s3 =	rddreg [dreg:$0x2];
	[bflag:$0x3] =	sbarrier.arrive $0xFFFF;
	s2 =	simm.s32 @!p0 $0x1C02  }
0xd9: {  	[timem:s3], [sflag:s2] =	dma.local @!p0 [hbm:s0], s1  }
0xda: {  	s0 =	simm.s32 @!p0 $0x2  }
0xdb: {  	_ =	swait.ge @!p0 [sflag:s0], s1  }
0xdc: {  	s1 =	ssub.s32 @!p0 $0x0, s1;
	[sflag:s0] =	ssyncset.done @!p0 $0x0  }
0xdd: {  	[sflag:s0] =	ssyncadd.s32 @!p0 s1  }
0xde: {  	[bflag:$0x3] =	sbarrier.arrive $0xFFFF  }
0xdf: {  	_ =	shalt  }

</sc_bundles>
